<compile_context>
chip_gen: v7x
topology: tpu7x:2x2x1
jax: 0.10.2.dev20260603
libtpu: 0.0.44.dev20260713+nightly
codegen_flags: <defaults>
</compile_context>

<pallas_src>
import functools

import jax
import jax.numpy as jnp
import numpy as np
from jax import lax
from jax.experimental import pallas as pl
from jax.experimental.pallas import tpu as pltpu
from jax.experimental.pallas import tpu_sc as plsc

MAX_STEPS_ = 1000
N_ROWS = 8192
ROW_LEN = 2048
ROWS_PER_BLOCK = 256
CHUNK_R = 8
N_TEC = 32
ROWS_PER_TEC = N_ROWS // N_TEC
SC_CHUNK = 32
SC_NCHUNK = ROWS_PER_TEC // SC_CHUNK

_U32 = jnp.uint32
_KS1 = 42
_KS2 = 0x1BD11BDA ^ 42

_G = [1.2543749809265137, -0.023982059210538864, 0.45813021063804626,
      -0.28965041041374207, 0.33574575185775757, -0.1841685026884079,
      0.04992347210645676, -0.006709587294608355, 0.0003595015441533178]

_UNIF_LO = np.nextafter(np.float32(-1.0), np.float32(0.0))
_UNIF_SPAN = np.float32(np.float32(1.0) - _UNIF_LO)
_UNIF_OFF = np.float32(_UNIF_LO - _UNIF_SPAN)


def _rotl(x, r):
    return jax.lax.shift_left(x, _U32(r)) | jax.lax.shift_right_logical(x, _U32(32 - r))


def _threefry_bits(x1):
    x0 = x1
    x1 = x0 ^ _rotl(x1, 13)
    for r in (15, 26, 6):
        x0 = x0 + x1
        x1 = x0 ^ _rotl(x1, r)
    x0 = x0 + _U32(_KS1)
    x1 = x1 + _U32(_KS2 + 1)
    for g, rots in ((1, (17, 29, 16, 24)), (2, (13, 15, 26, 6)),
                    (3, (17, 29, 16, 24)), (4, (13, 15, 26, 6))):
        for r in rots:
            x0 = x0 + x1
            x1 = x0 ^ _rotl(x1, r)
        ks = (0, _KS1, _KS2)
        x0 = x0 + _U32(ks[(g + 1) % 3])
        x1 = x1 + _U32((ks[(g + 2) % 3] + g + 1) % (1 << 32))
    return x0 ^ x1


def _bits_to_normal(bits):
    f = jax.lax.bitcast_convert_type(
        jax.lax.shift_right_logical(bits, _U32(9)) | _U32(0x3F800000), jnp.float32)
    u = f * _UNIF_SPAN + _UNIF_OFF
    u = jnp.clip(u, _UNIF_LO, -_UNIF_LO)
    s = 1.0 - u * u
    sq = jnp.sqrt(-jnp.log(s))
    p = jnp.float32(_G[-1])
    for c in _G[-2::-1]:
        p = jnp.float32(c) + p * sq
    return p * u


def _tc_body(nact_ref, x_ref, ids_ref, c_ref, o_ref):
    i = pl.program_id(0)
    rows, cols = x_ref.shape
    nchunks = rows // CHUNK_R
    iota = jax.lax.broadcasted_iota(_U32, (CHUNK_R, cols), 1)

    def body(k, carry):
        r = k * CHUNK_R
        base = ids_ref[pl.ds(r, CHUNK_R), :].astype(_U32)
        noise = _bits_to_normal(_threefry_bits(iota + base))
        x = x_ref[pl.ds(r, CHUNK_R), :]
        coef = c_ref[pl.ds(r, CHUNK_R), :]
        o_ref[pl.ds(r, CHUNK_R), :] = x + coef * (noise - x)
        return carry

    @pl.when(i < nact_ref[0])
    def _():
        jax.lax.fori_loop(0, nchunks, body, 0)


def _tc_compute(xc, ids2, coefc, nact):
    grid = N_ROWS // ROWS_PER_BLOCK

    def imap(i, nref):
        return (jnp.minimum(i, nref[1] - 1), 0)

    return pl.pallas_call(
        _tc_body,
        grid_spec=pltpu.PrefetchScalarGridSpec(
            num_scalar_prefetch=1,
            grid=(grid,),
            in_specs=[
                pl.BlockSpec((ROWS_PER_BLOCK, ROW_LEN), imap),
                pl.BlockSpec((ROWS_PER_BLOCK, 1), imap),
                pl.BlockSpec((ROWS_PER_BLOCK, 1), imap),
            ],
            out_specs=pl.BlockSpec((ROWS_PER_BLOCK, ROW_LEN), imap),
        ),
        out_shape=jax.ShapeDtypeStruct((N_ROWS, ROW_LEN), jnp.float32),
    )(nact, xc, ids2, coefc)


def _sc_gather(x2, ord32):
    mesh = plsc.VectorSubcoreMesh(core_axis_name="c", subcore_axis_name="s",
                                  num_cores=2, num_subcores=16)

    @functools.partial(
        pl.kernel, mesh=mesh,
        out_type=jax.ShapeDtypeStruct((N_ROWS, ROW_LEN), jnp.float32),
        scratch_types=[
            pltpu.VMEM((SC_CHUNK,), jnp.int32),
            pltpu.VMEM((SC_CHUNK, ROW_LEN), jnp.float32),
            pltpu.SemaphoreType.DMA,
        ],
    )
    def k(x_hbm, ord_hbm, xc_hbm, idx_v, rows_v, sem):
        w = lax.axis_index("s") * 2 + lax.axis_index("c")
        for j in range(SC_NCHUNK):
            pltpu.sync_copy(ord_hbm.at[w * SC_NCHUNK + j], idx_v)
            pltpu.async_copy(x_hbm.at[idx_v], rows_v, sem).wait()
            pltpu.sync_copy(
                rows_v,
                xc_hbm.at[pl.ds(w * ROWS_PER_TEC + j * SC_CHUNK, SC_CHUNK)])

    return k(x2, ord32)


def _sc_assemble(x2, um, parr, tarr):
    mesh = plsc.VectorSubcoreMesh(core_axis_name="c", subcore_axis_name="s",
                                  num_cores=2, num_subcores=16)

    @functools.partial(
        pl.kernel, mesh=mesh,
        out_type=jax.ShapeDtypeStruct((N_ROWS, ROW_LEN), jnp.float32),
        scratch_types=[
            pltpu.VMEM((SC_CHUNK,), jnp.int32),
            pltpu.VMEM((SC_CHUNK,), jnp.int32),
            pltpu.VMEM((SC_CHUNK, ROW_LEN), jnp.float32),
            pltpu.SemaphoreType.DMA,
        ],
    )
    def k(x_hbm, um_hbm, p_hbm, t_hbm, out_hbm,
          pidx_v, tidx_v, rows_v, sem):
        w = lax.axis_index("s") * 2 + lax.axis_index("c")
        pltpu.sync_copy(x_hbm.at[pl.ds(w * ROWS_PER_TEC, ROWS_PER_TEC)],
                        out_hbm.at[pl.ds(w * ROWS_PER_TEC, ROWS_PER_TEC)])
        for j in range(SC_NCHUNK):
            pltpu.sync_copy(p_hbm.at[w * SC_NCHUNK + j], pidx_v)
            pltpu.sync_copy(t_hbm.at[w * SC_NCHUNK + j], tidx_v)
            pltpu.async_copy(um_hbm.at[pidx_v], rows_v, sem).wait()
            pltpu.async_copy(rows_v, out_hbm.at[tidx_v], sem).wait()

    return k(x2, um, parr, tarr)


def kernel(X, steps, mask):
    b, s, d = X.shape
    x2 = X.reshape(N_ROWS, ROW_LEN)
    maskf = mask.reshape(N_ROWS)
    ni = 1.0 - jnp.cos(jnp.pi * (1.0 - steps.astype(X.dtype) / MAX_STEPS_) / 2.0)
    omni = (1.0 - ni).astype(jnp.float32)

    m_i32 = maskf.astype(jnp.int32)
    m_count = jnp.sum(m_i32)
    order = jnp.argsort(~maskf, stable=True).astype(jnp.int32)
    pos = jnp.arange(N_ROWS, dtype=jnp.int32)
    wids = jnp.arange(N_TEC, dtype=jnp.int32)
    in_dump = (pos >= m_count) & (pos < m_count + N_TEC)
    g_src = jnp.where(in_dump, (pos - m_count) * ROWS_PER_TEC, order)
    ord32 = g_src.reshape(N_TEC * SC_NCHUNK, SC_CHUNK)
    nact = jnp.minimum((m_count + N_TEC + ROWS_PER_BLOCK - 1) // ROWS_PER_BLOCK,
                       N_ROWS // ROWS_PER_BLOCK)
    nact_c = jnp.maximum(nact, 1)
    prefix = jnp.concatenate(
        [jnp.zeros((1,), jnp.int32), jnp.cumsum(m_i32, dtype=jnp.int32)])
    lo = prefix[wids * ROWS_PER_TEC]
    hi = prefix[(wids + 1) * ROWS_PER_TEC]
    iota32 = jnp.arange(SC_CHUNK, dtype=jnp.int32)
    jof = jnp.arange(SC_NCHUNK, dtype=jnp.int32) * SC_CHUNK
    pmat = lo[:, None, None] + jof[None, :, None] + iota32[None, None, :]
    pmat = jnp.clip(pmat, lo[:, None, None],
                    jnp.maximum(hi - 1, lo)[:, None, None])
    tmat = order[pmat]
    empty = (hi == lo)[:, None, None]
    pmat = jnp.where(empty, (m_count + wids)[:, None, None], pmat)
    tmat = jnp.where(empty, (wids * ROWS_PER_TEC)[:, None, None], tmat)
    parr = pmat.reshape(N_TEC * SC_NCHUNK, SC_CHUNK)
    tarr = tmat.reshape(N_TEC * SC_NCHUNK, SC_CHUNK)

    ids2 = (g_src * ROW_LEN + _KS1).reshape(N_ROWS, 1)
    coefc = jnp.where(pos < m_count,
                      omni[jnp.minimum(order // s, b - 1)],
                      0.0).reshape(N_ROWS, 1)
    nact_sc = jnp.stack([nact, nact_c]).astype(jnp.int32)

    xc = _sc_gather(x2, ord32)
    um = _tc_compute(xc, ids2, coefc, nact_sc)
    out = _sc_assemble(x2, um, parr, tarr)
    return out.reshape(b, s, d)

# --- scband reference (transcript-rebuilt; emitter-appended) ---
"""Pipeline reference for scband-masked-forward-diffusion-49503793054361 (READ-ONLY COPY).

The authoritative reference and input builder live on the scoring server;
editing this copy changes nothing except your own understanding.
"""

import jax, jax.numpy as jnp
import numpy as np

MAX_STEPS = 1000


def setup_inputs(seed: int = 0) -> dict:
    key = jax.random.key(seed)
    k1, k2, k3 = jax.random.split(key, 3)
    X = jax.random.normal(k1, (4, 2048, 2048), dtype=jnp.float32)
    steps = jax.random.randint(k2, (4,), 0, MAX_STEPS, dtype=jnp.int32)
    mask = jax.random.randint(k3, (4, 2048), 0, 2, dtype=jnp.int32).astype(bool)
    return {"X": X, "steps": steps, "mask": mask}


def reference(X, steps, mask):
    # torch.randn_like -> deterministic noise with a fixed key for reproducibility
    noise = jax.random.normal(jax.random.key(42), X.shape, dtype=X.dtype)
    # noise_intense = 1 - cos(pi * (1 - steps/max_steps) / 2), shape (B, 1)
    ni = 1.0 - (steps.astype(X.dtype) / MAX_STEPS)
    ni = 1.0 - jnp.cos(jnp.pi * ni / 2.0)
    ni = ni[:, None, None]  # (B, 1, 1)
    # Original does masked in-place scatter:
    #   X[mask] *= noise_intense;  X[mask] += noise[mask] * (1 - noise_intense)
    # Functionally: at masked positions X <- X*ni + noise*(1-ni); else unchanged.
    updated = X * ni + noise * (1.0 - ni)
    return jnp.where(mask[:, :, None], updated, X)

if __name__ == "__main__":
    import jax
    _d = setup_inputs()
    print(jax.jit(kernel)(*tuple(_d.values())))

</pallas_src>

<mosaic_0001>
#map = affine_map<(d0, d1) -> (0, 0)>
module attributes {stable_mosaic.version = 14 : i64} {
  func.func @k(%arg0: i32, %arg1: i32, %arg2: memref<8192x2048xf32, #tpu.memory_space<hbm>>, %arg3: memref<256x32xi32, #tpu.memory_space<hbm>>, %arg4: memref<8192x2048xf32, #tpu.memory_space<hbm>>, %arg5: memref<32xi32, #tpu.memory_space<vmem>>, %arg6: memref<32x2048xf32, #tpu.memory_space<vmem>>, %arg7: memref<!tpu.dma_semaphore, #tpu.memory_space<semaphore_mem>>) attributes {dimension_semantics = [#tpu.dimension_semantics<core_parallel>, #tpu.dimension_semantics<subcore_parallel>], iteration_bounds = array<i64: 2, 16>, scalar_prefetch = 0 : i64, scratch_operands = 3 : i64, tpu.core_type = #tpu.core_type<sc_vector_subcore>, window_params = [{transform_indices = #map}, {transform_indices = #map}, {transform_indices = #map}]} {
    %mul3A = arith.constant 2 : i32
    %mul3A_0 = arith.muli %arg1, %mul3A : i32
    %add3A = arith.addi %mul3A_0, %arg0 : i32
    %mul3A_1 = arith.constant 8 : i32
    %mul3A_2 = arith.muli %add3A, %mul3A_1 : i32
    %add3A_3 = arith.constant 0 : i32
    %add3A_4 = arith.addi %mul3A_2, %add3A_3 : i32
    "tpu.region"() ({
      %run_scoped3A = tpu.sem_alloc : memref<!tpu.dma_semaphore, #tpu.memory_space<semaphore_mem>>
      %dma_start3A_111 = arith.constant 0 : i32
      %dma_start3A_112 = tpu.memref_slice %arg3[%add3A_4, %dma_start3A_111] : memref<256x32xi32, #tpu.memory_space<hbm>> -> memref<1x32xi32, #tpu.memory_space<hbm>>
      %dma_start3A_113 = tpu.memref_squeeze %dma_start3A_112 : memref<1x32xi32, #tpu.memory_space<hbm>> -> memref<32xi32, #tpu.memory_space<hbm>>
      %dma_start3A_114 = arith.constant 0 : i32
      %dma_start3A_115 = tpu.memref_slice %arg3[%add3A_4, %dma_start3A_114] : memref<256x32xi32, #tpu.memory_space<hbm>> -> memref<1x32xi32, #tpu.memory_space<hbm>>
      %dma_start3A_116 = tpu.memref_squeeze %dma_start3A_115 : memref<1x32xi32, #tpu.memory_space<hbm>> -> memref<32xi32, #tpu.memory_space<hbm>>
      tpu.enqueue_dma source(%dma_start3A_116 : memref<32xi32, #tpu.memory_space<hbm>>) target(%arg5 : memref<32xi32, #tpu.memory_space<vmem>>) target_semaphore(%run_scoped3A : memref<!tpu.dma_semaphore, #tpu.memory_space<semaphore_mem>>)
      %dma_wait3A_117 = arith.constant 0 : i32
      %dma_wait3A_118 = tpu.memref_slice %arg3[%add3A_4, %dma_wait3A_117] : memref<256x32xi32, #tpu.memory_space<hbm>> -> memref<1x32xi32, #tpu.memory_space<hbm>>
      %dma_wait3A_119 = tpu.memref_squeeze %dma_wait3A_118 : memref<1x32xi32, #tpu.memory_space<hbm>> -> memref<32xi32, #tpu.memory_space<hbm>>
      %dma_wait3A_120 = arith.constant 0 : i32
      %dma_wait3A_121 = tpu.memref_slice %arg3[%add3A_4, %dma_wait3A_120] : memref<256x32xi32, #tpu.memory_space<hbm>> -> memref<1x32xi32, #tpu.memory_space<hbm>>
      %dma_wait3A_122 = tpu.memref_squeeze %dma_wait3A_121 : memref<1x32xi32, #tpu.memory_space<hbm>> -> memref<32xi32, #tpu.memory_space<hbm>>
      tpu.wait_dma2 semaphore(%run_scoped3A : memref<!tpu.dma_semaphore, #tpu.memory_space<semaphore_mem>>) src(%dma_wait3A_122 : memref<32xi32, #tpu.memory_space<hbm>>) dst(%arg5 : memref<32xi32, #tpu.memory_space<vmem>>)
      tpu.yield
    }) : () -> ()
    %dma_start3A = arith.constant 0 : i32
    %dma_start3A_5 = arith.constant 0 : i32
    %dma_start3A_6 = tpu.memref_slice %arg2[%dma_start3A, %dma_start3A_5] : memref<8192x2048xf32, #tpu.memory_space<hbm>> -> memref<8192x2048xf32, #tpu.memory_space<hbm>>
    tpu.enqueue_indirect_dma source(%dma_start3A_6 : memref<8192x2048xf32, #tpu.memory_space<hbm>>) target(%arg6 : memref<32x2048xf32, #tpu.memory_space<vmem>>) offsets(%arg5 : memref<32xi32, #tpu.memory_space<vmem>>) semaphore(%arg7 : memref<!tpu.dma_semaphore, #tpu.memory_space<semaphore_mem>>)
    %dma_wait3A = arith.constant 0 : i32
    %dma_wait3A_7 = arith.constant 0 : i32
    %dma_wait3A_8 = tpu.memref_slice %arg2[%dma_wait3A, %dma_wait3A_7] : memref<8192x2048xf32, #tpu.memory_space<hbm>> -> memref<8192x2048xf32, #tpu.memory_space<hbm>>
    tpu.wait_indirect_dma semaphore(%arg7 : memref<!tpu.dma_semaphore, #tpu.memory_space<semaphore_mem>>) src(%dma_wait3A_8 : memref<8192x2048xf32, #tpu.memory_space<hbm>>) dst(%arg6 : memref<32x2048xf32, #tpu.memory_space<vmem>>)
    %mul3A_9 = arith.constant 256 : i32
    %mul3A_10 = arith.muli %add3A, %mul3A_9 : i32
    %add3A_11 = arith.constant 0 : i32
    %add3A_12 = arith.addi %mul3A_10, %add3A_11 : i32
    "tpu.region"() ({
      %run_scoped3A = tpu.sem_alloc : memref<!tpu.dma_semaphore, #tpu.memory_space<semaphore_mem>>
      %dma_start3A_111 = arith.constant 0 : i32
      %dma_start3A_112 = tpu.memref_slice %arg4[%add3A_12, %dma_start3A_111] : memref<8192x2048xf32, #tpu.memory_space<hbm>> -> memref<32x2048xf32, #tpu.memory_space<hbm>>
      %dma_start3A_113 = arith.constant 0 : i32
      %dma_start3A_114 = tpu.memref_slice %arg4[%add3A_12, %dma_start3A_113] : memref<8192x2048xf32, #tpu.memory_space<hbm>> -> memref<32x2048xf32, #tpu.memory_space<hbm>>
      tpu.enqueue_dma source(%arg6 : memref<32x2048xf32, #tpu.memory_space<vmem>>) target(%dma_start3A_114 : memref<32x2048xf32, #tpu.memory_space<hbm>>) target_semaphore(%run_scoped3A : memref<!tpu.dma_semaphore, #tpu.memory_space<semaphore_mem>>)
      %dma_wait3A_115 = arith.constant 0 : i32
      %dma_wait3A_116 = tpu.memref_slice %arg4[%add3A_12, %dma_wait3A_115] : memref<8192x2048xf32, #tpu.memory_space<hbm>> -> memref<32x2048xf32, #tpu.memory_space<hbm>>
      %dma_wait3A_117 = arith.constant 0 : i32
      %dma_wait3A_118 = tpu.memref_slice %arg4[%add3A_12, %dma_wait3A_117] : memref<8192x2048xf32, #tpu.memory_space<hbm>> -> memref<32x2048xf32, #tpu.memory_space<hbm>>
      tpu.wait_dma2 semaphore(%run_scoped3A : memref<!tpu.dma_semaphore, #tpu.memory_space<semaphore_mem>>) src(%arg6 : memref<32x2048xf32, #tpu.memory_space<vmem>>) dst(%dma_wait3A_118 : memref<32x2048xf32, #tpu.memory_space<hbm>>)
      tpu.yield
    }) : () -> ()
    %mul3A_13 = arith.constant 8 : i32
    %mul3A_14 = arith.muli %add3A, %mul3A_13 : i32
    %add3A_15 = arith.constant 1 : i32
    %add3A_16 = arith.addi %mul3A_14, %add3A_15 : i32
    "tpu.region"() ({
      %run_scoped3A = tpu.sem_alloc : memref<!tpu.dma_semaphore, #tpu.memory_space<semaphore_mem>>
      %dma_start3A_111 = arith.constant 0 : i32
      %dma_start3A_112 = tpu.memref_slice %arg3[%add3A_16, %dma_start3A_111] : memref<256x32xi32, #tpu.memory_space<hbm>> -> memref<1x32xi32, #tpu.memory_space<hbm>>
      %dma_start3A_113 = tpu.memref_squeeze %dma_start3A_112 : memref<1x32xi32, #tpu.memory_space<hbm>> -> memref<32xi32, #tpu.memory_space<hbm>>
      %dma_start3A_114 = arith.constant 0 : i32
      %dma_start3A_115 = tpu.memref_slice %arg3[%add3A_16, %dma_start3A_114] : memref<256x32xi32, #tpu.memory_space<hbm>> -> memref<1x32xi32, #tpu.memory_space<hbm>>
      %dma_start3A_116 = tpu.memref_squeeze %dma_start3A_115 : memref<1x32xi32, #tpu.memory_space<hbm>> -> memref<32xi32, #tpu.memory_space<hbm>>
      tpu.enqueue_dma source(%dma_start3A_116 : memref<32xi32, #tpu.memory_space<hbm>>) target(%arg5 : memref<32xi32, #tpu.memory_space<vmem>>) target_semaphore(%run_scoped3A : memref<!tpu.dma_semaphore, #tpu.memory_space<semaphore_mem>>)
      %dma_wait3A_117 = arith.constant 0 : i32
      %dma_wait3A_118 = tpu.memref_slice %arg3[%add3A_16, %dma_wait3A_117] : memref<256x32xi32, #tpu.memory_space<hbm>> -> memref<1x32xi32, #tpu.memory_space<hbm>>
      %dma_wait3A_119 = tpu.memref_squeeze %dma_wait3A_118 : memref<1x32xi32, #tpu.memory_space<hbm>> -> memref<32xi32, #tpu.memory_space<hbm>>
      %dma_wait3A_120 = arith.constant 0 : i32
      %dma_wait3A_121 = tpu.memref_slice %arg3[%add3A_16, %dma_wait3A_120] : memref<256x32xi32, #tpu.memory_space<hbm>> -> memref<1x32xi32, #tpu.memory_space<hbm>>
      %dma_wait3A_122 = tpu.memref_squeeze %dma_wait3A_121 : memref<1x32xi32, #tpu.memory_space<hbm>> -> memref<32xi32, #tpu.memory_space<hbm>>
      tpu.wait_dma2 semaphore(%run_scoped3A : memref<!tpu.dma_semaphore, #tpu.memory_space<semaphore_mem>>) src(%dma_wait3A_122 : memref<32xi32, #tpu.memory_space<hbm>>) dst(%arg5 : memref<32xi32, #tpu.memory_space<vmem>>)
      tpu.yield
    }) : () -> ()
    %dma_start3A_17 = arith.constant 0 : i32
    %dma_start3A_18 = arith.constant 0 : i32
    %dma_start3A_19 = tpu.memref_slice %arg2[%dma_start3A_17, %dma_start3A_18] : memref<8192x2048xf32, #tpu.memory_space<hbm>> -> memref<8192x2048xf32, #tpu.memory_space<hbm>>
    tpu.enqueue_indirect_dma source(%dma_start3A_19 : memref<8192x2048xf32, #tpu.memory_space<hbm>>) target(%arg6 : memref<32x2048xf32, #tpu.memory_space<vmem>>) offsets(%arg5 : memref<32xi32, #tpu.memory_space<vmem>>) semaphore(%arg7 : memref<!tpu.dma_semaphore, #tpu.memory_space<semaphore_mem>>)
    %dma_wait3A_20 = arith.constant 0 : i32
    %dma_wait3A_21 = arith.constant 0 : i32
    %dma_wait3A_22 = tpu.memref_slice %arg2[%dma_wait3A_20, %dma_wait3A_21] : memref<8192x2048xf32, #tpu.memory_space<hbm>> -> memref<8192x2048xf32, #tpu.memory_space<hbm>>
    tpu.wait_indirect_dma semaphore(%arg7 : memref<!tpu.dma_semaphore, #tpu.memory_space<semaphore_mem>>) src(%dma_wait3A_22 : memref<8192x2048xf32, #tpu.memory_space<hbm>>) dst(%arg6 : memref<32x2048xf32, #tpu.memory_space<vmem>>)
    %mul3A_23 = arith.constant 256 : i32
    %mul3A_24 = arith.muli %add3A, %mul3A_23 : i32
    %add3A_25 = arith.constant 32 : i32
    %add3A_26 = arith.addi %mul3A_24, %add3A_25 : i32
    "tpu.region"() ({
      %run_scoped3A = tpu.sem_alloc : memref<!tpu.dma_semaphore, #tpu.memory_space<semaphore_mem>>
      %dma_start3A_111 = arith.constant 0 : i32
      %dma_start3A_112 = tpu.memref_slice %arg4[%add3A_26, %dma_start3A_111] : memref<8192x2048xf32, #tpu.memory_space<hbm>> -> memref<32x2048xf32, #tpu.memory_space<hbm>>
      %dma_start3A_113 = arith.constant 0 : i32
      %dma_start3A_114 = tpu.memref_slice %arg4[%add3A_26, %dma_start3A_113] : memref<8192x2048xf32, #tpu.memory_space<hbm>> -> memref<32x2048xf32, #tpu.memory_space<hbm>>
      tpu.enqueue_dma source(%arg6 : memref<32x2048xf32, #tpu.memory_space<vmem>>) target(%dma_start3A_114 : memref<32x2048xf32, #tpu.memory_space<hbm>>) target_semaphore(%run_scoped3A : memref<!tpu.dma_semaphore, #tpu.memory_space<semaphore_mem>>)
      %dma_wait3A_115 = arith.constant 0 : i32
      %dma_wait3A_116 = tpu.memref_slice %arg4[%add3A_26, %dma_wait3A_115] : memref<8192x2048xf32, #tpu.memory_space<hbm>> -> memref<32x2048xf32, #tpu.memory_space<hbm>>
      %dma_wait3A_117 = arith.constant 0 : i32
      %dma_wait3A_118 = tpu.memref_slice %arg4[%add3A_26, %dma_wait3A_117] : memref<8192x2048xf32, #tpu.memory_space<hbm>> -> memref<32x2048xf32, #tpu.memory_space<hbm>>
      tpu.wait_dma2 semaphore(%run_scoped3A : memref<!tpu.dma_semaphore, #tpu.memory_space<semaphore_mem>>) src(%arg6 : memref<32x2048xf32, #tpu.memory_space<vmem>>) dst(%dma_wait3A_118 : memref<32x2048xf32, #tpu.memory_space<hbm>>)
      tpu.yield
    }) : () -> ()
    %mul3A_27 = arith.constant 8 : i32
    %mul3A_28 = arith.muli %add3A, %mul3A_27 : i32
    %add3A_29 = arith.constant 2 : i32
    %add3A_30 = arith.addi %mul3A_28, %add3A_29 : i32
    "tpu.region"() ({
      %run_scoped3A = tpu.sem_alloc : memref<!tpu.dma_semaphore, #tpu.memory_space<semaphore_mem>>
      %dma_start3A_111 = arith.constant 0 : i32
      %dma_start3A_112 = tpu.memref_slice %arg3[%add3A_30, %dma_start3A_111] : memref<256x32xi32, #tpu.memory_space<hbm>> -> memref<1x32xi32, #tpu.memory_space<hbm>>
      %dma_start3A_113 = tpu.memref_squeeze %dma_start3A_112 : memref<1x32xi32, #tpu.memory_space<hbm>> -> memref<32xi32, #tpu.memory_space<hbm>>
      %dma_start3A_114 = arith.constant 0 : i32
      %dma_start3A_115 = tpu.memref_slice %arg3[%add3A_30, %dma_start3A_114] : memref<256x32xi32, #tpu.memory_space<hbm>> -> memref<1x32xi32, #tpu.memory_space<hbm>>
      %dma_start3A_116 = tpu.memref_squeeze %dma_start3A_115 : memref<1x32xi32, #tpu.memory_space<hbm>> -> memref<32xi32, #tpu.memory_space<hbm>>
      tpu.enqueue_dma source(%dma_start3A_116 : memref<32xi32, #tpu.memory_space<hbm>>) target(%arg5 : memref<32xi32, #tpu.memory_space<vmem>>) target_semaphore(%run_scoped3A : memref<!tpu.dma_semaphore, #tpu.memory_space<semaphore_mem>>)
      %dma_wait3A_117 = arith.constant 0 : i32
      %dma_wait3A_118 = tpu.memref_slice %arg3[%add3A_30, %dma_wait3A_117] : memref<256x32xi32, #tpu.memory_space<hbm>> -> memref<1x32xi32, #tpu.memory_space<hbm>>
      %dma_wait3A_119 = tpu.memref_squeeze %dma_wait3A_118 : memref<1x32xi32, #tpu.memory_space<hbm>> -> memref<32xi32, #tpu.memory_space<hbm>>
      %dma_wait3A_120 = arith.constant 0 : i32
      %dma_wait3A_121 = tpu.memref_slice %arg3[%add3A_30, %dma_wait3A_120] : memref<256x32xi32, #tpu.memory_space<hbm>> -> memref<1x32xi32, #tpu.memory_space<hbm>>
      %dma_wait3A_122 = tpu.memref_squeeze %dma_wait3A_121 : memref<1x32xi32, #tpu.memory_space<hbm>> -> memref<32xi32, #tpu.memory_space<hbm>>
      tpu.wait_dma2 semaphore(%run_scoped3A : memref<!tpu.dma_semaphore, #tpu.memory_space<semaphore_mem>>) src(%dma_wait3A_122 : memref<32xi32, #tpu.memory_space<hbm>>) dst(%arg5 : memref<32xi32, #tpu.memory_space<vmem>>)
      tpu.yield
    }) : () -> ()
    %dma_start3A_31 = arith.constant 0 : i32
    %dma_start3A_32 = arith.constant 0 : i32
    %dma_start3A_33 = tpu.memref_slice %arg2[%dma_start3A_31, %dma_start3A_32] : memref<8192x2048xf32, #tpu.memory_space<hbm>> -> memref<8192x2048xf32, #tpu.memory_space<hbm>>
    tpu.enqueue_indirect_dma source(%dma_start3A_33 : memref<8192x2048xf32, #tpu.memory_space<hbm>>) target(%arg6 : memref<32x2048xf32, #tpu.memory_space<vmem>>) offsets(%arg5 : memref<32xi32, #tpu.memory_space<vmem>>) semaphore(%arg7 : memref<!tpu.dma_semaphore, #tpu.memory_space<semaphore_mem>>)
    %dma_wait3A_34 = arith.constant 0 : i32
    %dma_wait3A_35 = arith.constant 0 : i32
    %dma_wait3A_36 = tpu.memref_slice %arg2[%dma_wait3A_34, %dma_wait3A_35] : memref<8192x2048xf32, #tpu.memory_space<hbm>> -> memref<8192x2048xf32, #tpu.memory_space<hbm>>
    tpu.wait_indirect_dma semaphore(%arg7 : memref<!tpu.dma_semaphore, #tpu.memory_space<semaphore_mem>>) src(%dma_wait3A_36 : memref<8192x2048xf32, #tpu.memory_space<hbm>>) dst(%arg6 : memref<32x2048xf32, #tpu.memory_space<vmem>>)
    %mul3A_37 = arith.constant 256 : i32
    %mul3A_38 = arith.muli %add3A, %mul3A_37 : i32
    %add3A_39 = arith.constant 64 : i32
    %add3A_40 = arith.addi %mul3A_38, %add3A_39 : i32
    "tpu.region"() ({
      %run_scoped3A = tpu.sem_alloc : memref<!tpu.dma_semaphore, #tpu.memory_space<semaphore_mem>>
      %dma_start3A_111 = arith.constant 0 : i32
      %dma_start3A_112 = tpu.memref_slice %arg4[%add3A_40, %dma_start3A_111] : memref<8192x2048xf32, #tpu.memory_space<hbm>> -> memref<32x2048xf32, #tpu.memory_space<hbm>>
      %dma_start3A_113 = arith.constant 0 : i32
      %dma_start3A_114 = tpu.memref_slice %arg4[%add3A_40, %dma_start3A_113] : memref<8192x2048xf32, #tpu.memory_space<hbm>> -> memref<32x2048xf32, #tpu.memory_space<hbm>>
      tpu.enqueue_dma source(%arg6 : memref<32x2048xf32, #tpu.memory_space<vmem>>) target(%dma_start3A_114 : memref<32x2048xf32, #tpu.memory_space<hbm>>) target_semaphore(%run_scoped3A : memref<!tpu.dma_semaphore, #tpu.memory_space<semaphore_mem>>)
      %dma_wait3A_115 = arith.constant 0 : i32
      %dma_wait3A_116 = tpu.memref_slice %arg4[%add3A_40, %dma_wait3A_115] : memref<8192x2048xf32, #tpu.memory_space<hbm>> -> memref<32x2048xf32, #tpu.memory_space<hbm>>
      %dma_wait3A_117 = arith.constant 0 : i32
      %dma_wait3A_118 = tpu.memref_slice %arg4[%add3A_40, %dma_wait3A_117] : memref<8192x2048xf32, #tpu.memory_space<hbm>> -> memref<32x2048xf32, #tpu.memory_space<hbm>>
      tpu.wait_dma2 semaphore(%run_scoped3A : memref<!tpu.dma_semaphore, #tpu.memory_space<semaphore_mem>>) src(%arg6 : memref<32x2048xf32, #tpu.memory_space<vmem>>) dst(%dma_wait3A_118 : memref<32x2048xf32, #tpu.memory_space<hbm>>)
      tpu.yield
    }) : () -> ()
    %mul3A_41 = arith.constant 8 : i32
    %mul3A_42 = arith.muli %add3A, %mul3A_41 : i32
    %add3A_43 = arith.constant 3 : i32
    %add3A_44 = arith.addi %mul3A_42, %add3A_43 : i32
    "tpu.region"() ({
      %run_scoped3A = tpu.sem_alloc : memref<!tpu.dma_semaphore, #tpu.memory_space<semaphore_mem>>
      %dma_start3A_111 = arith.constant 0 : i32
      %dma_start3A_112 = tpu.memref_slice %arg3[%add3A_44, %dma_start3A_111] : memref<256x32xi32, #tpu.memory_space<hbm>> -> memref<1x32xi32, #tpu.memory_space<hbm>>
      %dma_start3A_113 = tpu.memref_squeeze %dma_start3A_112 : memref<1x32xi32, #tpu.memory_space<hbm>> -> memref<32xi32, #tpu.memory_space<hbm>>
      %dma_start3A_114 = arith.constant 0 : i32
      %dma_start3A_115 = tpu.memref_slice %arg3[%add3A_44, %dma_start3A_114] : memref<256x32xi32, #tpu.memory_space<hbm>> -> memref<1x32xi32, #tpu.memory_space<hbm>>
      %dma_start3A_116 = tpu.memref_squeeze %dma_start3A_115 : memref<1x32xi32, #tpu.memory_space<hbm>> -> memref<32xi32, #tpu.memory_space<hbm>>
      tpu.enqueue_dma source(%dma_start3A_116 : memref<32xi32, #tpu.memory_space<hbm>>) target(%arg5 : memref<32xi32, #tpu.memory_space<vmem>>) target_semaphore(%run_scoped3A : memref<!tpu.dma_semaphore, #tpu.memory_space<semaphore_mem>>)
      %dma_wait3A_117 = arith.constant 0 : i32
      %dma_wait3A_118 = tpu.memref_slice %arg3[%add3A_44, %dma_wait3A_117] : memref<256x32xi32, #tpu.memory_space<hbm>> -> memref<1x32xi32, #tpu.memory_space<hbm>>
      %dma_wait3A_119 = tpu.memref_squeeze %dma_wait3A_118 : memref<1x32xi32, #tpu.memory_space<hbm>> -> memref<32xi32, #tpu.memory_space<hbm>>
      %dma_wait3A_120 = arith.constant 0 : i32
      %dma_wait3A_121 = tpu.memref_slice %arg3[%add3A_44, %dma_wait3A_120] : memref<256x32xi32, #tpu.memory_space<hbm>> -> memref<1x32xi32, #tpu.memory_space<hbm>>
      %dma_wait3A_122 = tpu.memref_squeeze %dma_wait3A_121 : memref<1x32xi32, #tpu.memory_space<hbm>> -> memref<32xi32, #tpu.memory_space<hbm>>
      tpu.wait_dma2 semaphore(%run_scoped3A : memref<!tpu.dma_semaphore, #tpu.memory_space<semaphore_mem>>) src(%dma_wait3A_122 : memref<32xi32, #tpu.memory_space<hbm>>) dst(%arg5 : memref<32xi32, #tpu.memory_space<vmem>>)
      tpu.yield
    }) : () -> ()
    %dma_start3A_45 = arith.constant 0 : i32
    %dma_start3A_46 = arith.constant 0 : i32
    %dma_start3A_47 = tpu.memref_slice %arg2[%dma_start3A_45, %dma_start3A_46] : memref<8192x2048xf32, #tpu.memory_space<hbm>> -> memref<8192x2048xf32, #tpu.memory_space<hbm>>
    tpu.enqueue_indirect_dma source(%dma_start3A_47 : memref<8192x2048xf32, #tpu.memory_space<hbm>>) target(%arg6 : memref<32x2048xf32, #tpu.memory_space<vmem>>) offsets(%arg5 : memref<32xi32, #tpu.memory_space<vmem>>) semaphore(%arg7 : memref<!tpu.dma_semaphore, #tpu.memory_space<semaphore_mem>>)
    %dma_wait3A_48 = arith.constant 0 : i32
    %dma_wait3A_49 = arith.constant 0 : i32
    %dma_wait3A_50 = tpu.memref_slice %arg2[%dma_wait3A_48, %dma_wait3A_49] : memref<8192x2048xf32, #tpu.memory_space<hbm>> -> memref<8192x2048xf32, #tpu.memory_space<hbm>>
    tpu.wait_indirect_dma semaphore(%arg7 : memref<!tpu.dma_semaphore, #tpu.memory_space<semaphore_mem>>) src(%dma_wait3A_50 : memref<8192x2048xf32, #tpu.memory_space<hbm>>) dst(%arg6 : memref<32x2048xf32, #tpu.memory_space<vmem>>)
    %mul3A_51 = arith.constant 256 : i32
    %mul3A_52 = arith.muli %add3A, %mul3A_51 : i32
    %add3A_53 = arith.constant 96 : i32
    %add3A_54 = arith.addi %mul3A_52, %add3A_53 : i32
    "tpu.region"() ({
      %run_scoped3A = tpu.sem_alloc : memref<!tpu.dma_semaphore, #tpu.memory_space<semaphore_mem>>
      %dma_start3A_111 = arith.constant 0 : i32
      %dma_start3A_112 = tpu.memref_slice %arg4[%add3A_54, %dma_start3A_111] : memref<8192x2048xf32, #tpu.memory_space<hbm>> -> memref<32x2048xf32, #tpu.memory_space<hbm>>
      %dma_start3A_113 = arith.constant 0 : i32
      %dma_start3A_114 = tpu.memref_slice %arg4[%add3A_54, %dma_start3A_113] : memref<8192x2048xf32, #tpu.memory_space<hbm>> -> memref<32x2048xf32, #tpu.memory_space<hbm>>
      tpu.enqueue_dma source(%arg6 : memref<32x2048xf32, #tpu.memory_space<vmem>>) target(%dma_start3A_114 : memref<32x2048xf32, #tpu.memory_space<hbm>>) target_semaphore(%run_scoped3A : memref<!tpu.dma_semaphore, #tpu.memory_space<semaphore_mem>>)
      %dma_wait3A_115 = arith.constant 0 : i32
      %dma_wait3A_116 = tpu.memref_slice %arg4[%add3A_54, %dma_wait3A_115] : memref<8192x2048xf32, #tpu.memory_space<hbm>> -> memref<32x2048xf32, #tpu.memory_space<hbm>>
      %dma_wait3A_117 = arith.constant 0 : i32
      %dma_wait3A_118 = tpu.memref_slice %arg4[%add3A_54, %dma_wait3A_117] : memref<8192x2048xf32, #tpu.memory_space<hbm>> -> memref<32x2048xf32, #tpu.memory_space<hbm>>
      tpu.wait_dma2 semaphore(%run_scoped3A : memref<!tpu.dma_semaphore, #tpu.memory_space<semaphore_mem>>) src(%arg6 : memref<32x2048xf32, #tpu.memory_space<vmem>>) dst(%dma_wait3A_118 : memref<32x2048xf32, #tpu.memory_space<hbm>>)
      tpu.yield
    }) : () -> ()
    %mul3A_55 = arith.constant 8 : i32
    %mul3A_56 = arith.muli %add3A, %mul3A_55 : i32
    %add3A_57 = arith.constant 4 : i32
    %add3A_58 = arith.addi %mul3A_56, %add3A_57 : i32
    "tpu.region"() ({
      %run_scoped3A = tpu.sem_alloc : memref<!tpu.dma_semaphore, #tpu.memory_space<semaphore_mem>>
      %dma_start3A_111 = arith.constant 0 : i32
      %dma_start3A_112 = tpu.memref_slice %arg3[%add3A_58, %dma_start3A_111] : memref<256x32xi32, #tpu.memory_space<hbm>> -> memref<1x32xi32, #tpu.memory_space<hbm>>
      %dma_start3A_113 = tpu.memref_squeeze %dma_start3A_112 : memref<1x32xi32, #tpu.memory_space<hbm>> -> memref<32xi32, #tpu.memory_space<hbm>>
      %dma_start3A_114 = arith.constant 0 : i32
      %dma_start3A_115 = tpu.memref_slice %arg3[%add3A_58, %dma_start3A_114] : memref<256x32xi32, #tpu.memory_space<hbm>> -> memref<1x32xi32, #tpu.memory_space<hbm>>
      %dma_start3A_116 = tpu.memref_squeeze %dma_start3A_115 : memref<1x32xi32, #tpu.memory_space<hbm>> -> memref<32xi32, #tpu.memory_space<hbm>>
      tpu.enqueue_dma source(%dma_start3A_116 : memref<32xi32, #tpu.memory_space<hbm>>) target(%arg5 : memref<32xi32, #tpu.memory_space<vmem>>) target_semaphore(%run_scoped3A : memref<!tpu.dma_semaphore, #tpu.memory_space<semaphore_mem>>)
      %dma_wait3A_117 = arith.constant 0 : i32
      %dma_wait3A_118 = tpu.memref_slice %arg3[%add3A_58, %dma_wait3A_117] : memref<256x32xi32, #tpu.memory_space<hbm>> -> memref<1x32xi32, #tpu.memory_space<hbm>>
      %dma_wait3A_119 = tpu.memref_squeeze %dma_wait3A_118 : memref<1x32xi32, #tpu.memory_space<hbm>> -> memref<32xi32, #tpu.memory_space<hbm>>
      %dma_wait3A_120 = arith.constant 0 : i32
      %dma_wait3A_121 = tpu.memref_slice %arg3[%add3A_58, %dma_wait3A_120] : memref<256x32xi32, #tpu.memory_space<hbm>> -> memref<1x32xi32, #tpu.memory_space<hbm>>
      %dma_wait3A_122 = tpu.memref_squeeze %dma_wait3A_121 : memref<1x32xi32, #tpu.memory_space<hbm>> -> memref<32xi32, #tpu.memory_space<hbm>>
      tpu.wait_dma2 semaphore(%run_scoped3A : memref<!tpu.dma_semaphore, #tpu.memory_space<semaphore_mem>>) src(%dma_wait3A_122 : memref<32xi32, #tpu.memory_space<hbm>>) dst(%arg5 : memref<32xi32, #tpu.memory_space<vmem>>)
      tpu.yield
    }) : () -> ()
    %dma_start3A_59 = arith.constant 0 : i32
    %dma_start3A_60 = arith.constant 0 : i32
    %dma_start3A_61 = tpu.memref_slice %arg2[%dma_start3A_59, %dma_start3A_60] : memref<8192x2048xf32, #tpu.memory_space<hbm>> -> memref<8192x2048xf32, #tpu.memory_space<hbm>>
    tpu.enqueue_indirect_dma source(%dma_start3A_61 : memref<8192x2048xf32, #tpu.memory_space<hbm>>) target(%arg6 : memref<32x2048xf32, #tpu.memory_space<vmem>>) offsets(%arg5 : memref<32xi32, #tpu.memory_space<vmem>>) semaphore(%arg7 : memref<!tpu.dma_semaphore, #tpu.memory_space<semaphore_mem>>)
    %dma_wait3A_62 = arith.constant 0 : i32
    %dma_wait3A_63 = arith.constant 0 : i32
    %dma_wait3A_64 = tpu.memref_slice %arg2[%dma_wait3A_62, %dma_wait3A_63] : memref<8192x2048xf32, #tpu.memory_space<hbm>> -> memref<8192x2048xf32, #tpu.memory_space<hbm>>
    tpu.wait_indirect_dma semaphore(%arg7 : memref<!tpu.dma_semaphore, #tpu.memory_space<semaphore_mem>>) src(%dma_wait3A_64 : memref<8192x2048xf32, #tpu.memory_space<hbm>>) dst(%arg6 : memref<32x2048xf32, #tpu.memory_space<vmem>>)
    %mul3A_65 = arith.constant 256 : i32
    %mul3A_66 = arith.muli %add3A, %mul3A_65 : i32
    %add3A_67 = arith.constant 128 : i32
    %add3A_68 = arith.addi %mul3A_66, %add3A_67 : i32
    "tpu.region"() ({
      %run_scoped3A = tpu.sem_alloc : memref<!tpu.dma_semaphore, #tpu.memory_space<semaphore_mem>>
      %dma_start3A_111 = arith.constant 0 : i32
      %dma_start3A_112 = tpu.memref_slice %arg4[%add3A_68, %dma_start3A_111] : memref<8192x2048xf32, #tpu.memory_space<hbm>> -> memref<32x2048xf32, #tpu.memory_space<hbm>>
      %dma_start3A_113 = arith.constant 0 : i32
      %dma_start3A_114 = tpu.memref_slice %arg4[%add3A_68, %dma_start3A_113] : memref<8192x2048xf32, #tpu.memory_space<hbm>> -> memref<32x2048xf32, #tpu.memory_space<hbm>>
      tpu.enqueue_dma source(%arg6 : memref<32x2048xf32, #tpu.memory_space<vmem>>) target(%dma_start3A_114 : memref<32x2048xf32, #tpu.memory_space<hbm>>) target_semaphore(%run_scoped3A : memref<!tpu.dma_semaphore, #tpu.memory_space<semaphore_mem>>)
      %dma_wait3A_115 = arith.constant 0 : i32
      %dma_wait3A_116 = tpu.memref_slice %arg4[%add3A_68, %dma_wait3A_115] : memref<8192x2048xf32, #tpu.memory_space<hbm>> -> memref<32x2048xf32, #tpu.memory_space<hbm>>
      %dma_wait3A_117 = arith.constant 0 : i32
      %dma_wait3A_118 = tpu.memref_slice %arg4[%add3A_68, %dma_wait3A_117] : memref<8192x2048xf32, #tpu.memory_space<hbm>> -> memref<32x2048xf32, #tpu.memory_space<hbm>>
      tpu.wait_dma2 semaphore(%run_scoped3A : memref<!tpu.dma_semaphore, #tpu.memory_space<semaphore_mem>>) src(%arg6 : memref<32x2048xf32, #tpu.memory_space<vmem>>) dst(%dma_wait3A_118 : memref<32x2048xf32, #tpu.memory_space<hbm>>)
      tpu.yield
    }) : () -> ()
    %mul3A_69 = arith.constant 8 : i32
    %mul3A_70 = arith.muli %add3A, %mul3A_69 : i32
    %add3A_71 = arith.constant 5 : i32
    %add3A_72 = arith.addi %mul3A_70, %add3A_71 : i32
    "tpu.region"() ({
      %run_scoped3A = tpu.sem_alloc : memref<!tpu.dma_semaphore, #tpu.memory_space<semaphore_mem>>
      %dma_start3A_111 = arith.constant 0 : i32
      %dma_start3A_112 = tpu.memref_slice %arg3[%add3A_72, %dma_start3A_111] : memref<256x32xi32, #tpu.memory_space<hbm>> -> memref<1x32xi32, #tpu.memory_space<hbm>>
      %dma_start3A_113 = tpu.memref_squeeze %dma_start3A_112 : memref<1x32xi32, #tpu.memory_space<hbm>> -> memref<32xi32, #tpu.memory_space<hbm>>
      %dma_start3A_114 = arith.constant 0 : i32
      %dma_start3A_115 = tpu.memref_slice %arg3[%add3A_72, %dma_start3A_114] : memref<256x32xi32, #tpu.memory_space<hbm>> -> memref<1x32xi32, #tpu.memory_space<hbm>>
      %dma_start3A_116 = tpu.memref_squeeze %dma_start3A_115 : memref<1x32xi32, #tpu.memory_space<hbm>> -> memref<32xi32, #tpu.memory_space<hbm>>
      tpu.enqueue_dma source(%dma_start3A_116 : memref<32xi32, #tpu.memory_space<hbm>>) target(%arg5 : memref<32xi32, #tpu.memory_space<vmem>>) target_semaphore(%run_scoped3A : memref<!tpu.dma_semaphore, #tpu.memory_space<semaphore_mem>>)
      %dma_wait3A_117 = arith.constant 0 : i32
      %dma_wait3A_118 = tpu.memref_slice %arg3[%add3A_72, %dma_wait3A_117] : memref<256x32xi32, #tpu.memory_space<hbm>> -> memref<1x32xi32, #tpu.memory_space<hbm>>
      %dma_wait3A_119 = tpu.memref_squeeze %dma_wait3A_118 : memref<1x32xi32, #tpu.memory_space<hbm>> -> memref<32xi32, #tpu.memory_space<hbm>>
      %dma_wait3A_120 = arith.constant 0 : i32
      %dma_wait3A_121 = tpu.memref_slice %arg3[%add3A_72, %dma_wait3A_120] : memref<256x32xi32, #tpu.memory_space<hbm>> -> memref<1x32xi32, #tpu.memory_space<hbm>>
      %dma_wait3A_122 = tpu.memref_squeeze %dma_wait3A_121 : memref<1x32xi32, #tpu.memory_space<hbm>> -> memref<32xi32, #tpu.memory_space<hbm>>
      tpu.wait_dma2 semaphore(%run_scoped3A : memref<!tpu.dma_semaphore, #tpu.memory_space<semaphore_mem>>) src(%dma_wait3A_122 : memref<32xi32, #tpu.memory_space<hbm>>) dst(%arg5 : memref<32xi32, #tpu.memory_space<vmem>>)
      tpu.yield
    }) : () -> ()
    %dma_start3A_73 = arith.constant 0 : i32
    %dma_start3A_74 = arith.constant 0 : i32
    %dma_start3A_75 = tpu.memref_slice %arg2[%dma_start3A_73, %dma_start3A_74] : memref<8192x2048xf32, #tpu.memory_space<hbm>> -> memref<8192x2048xf32, #tpu.memory_space<hbm>>
    tpu.enqueue_indirect_dma source(%dma_start3A_75 : memref<8192x2048xf32, #tpu.memory_space<hbm>>) target(%arg6 : memref<32x2048xf32, #tpu.memory_space<vmem>>) offsets(%arg5 : memref<32xi32, #tpu.memory_space<vmem>>) semaphore(%arg7 : memref<!tpu.dma_semaphore, #tpu.memory_space<semaphore_mem>>)
    %dma_wait3A_76 = arith.constant 0 : i32
    %dma_wait3A_77 = arith.constant 0 : i32
    %dma_wait3A_78 = tpu.memref_slice %arg2[%dma_wait3A_76, %dma_wait3A_77] : memref<8192x2048xf32, #tpu.memory_space<hbm>> -> memref<8192x2048xf32, #tpu.memory_space<hbm>>
    tpu.wait_indirect_dma semaphore(%arg7 : memref<!tpu.dma_semaphore, #tpu.memory_space<semaphore_mem>>) src(%dma_wait3A_78 : memref<8192x2048xf32, #tpu.memory_space<hbm>>) dst(%arg6 : memref<32x2048xf32, #tpu.memory_space<vmem>>)
    %mul3A_79 = arith.constant 256 : i32
    %mul3A_80 = arith.muli %add3A, %mul3A_79 : i32
    %add3A_81 = arith.constant 160 : i32
    %add3A_82 = arith.addi %mul3A_80, %add3A_81 : i32
    "tpu.region"() ({
      %run_scoped3A = tpu.sem_alloc : memref<!tpu.dma_semaphore, #tpu.memory_space<semaphore_mem>>
      %dma_start3A_111 = arith.constant 0 : i32
      %dma_start3A_112 = tpu.memref_slice %arg4[%add3A_82, %dma_start3A_111] : memref<8192x2048xf32, #tpu.memory_space<hbm>> -> memref<32x2048xf32, #tpu.memory_space<hbm>>
      %dma_start3A_113 = arith.constant 0 : i32
      %dma_start3A_114 = tpu.memref_slice %arg4[%add3A_82, %dma_start3A_113] : memref<8192x2048xf32, #tpu.memory_space<hbm>> -> memref<32x2048xf32, #tpu.memory_space<hbm>>
      tpu.enqueue_dma source(%arg6 : memref<32x2048xf32, #tpu.memory_space<vmem>>) target(%dma_start3A_114 : memref<32x2048xf32, #tpu.memory_space<hbm>>) target_semaphore(%run_scoped3A : memref<!tpu.dma_semaphore, #tpu.memory_space<semaphore_mem>>)
      %dma_wait3A_115 = arith.constant 0 : i32
      %dma_wait3A_116 = tpu.memref_slice %arg4[%add3A_82, %dma_wait3A_115] : memref<8192x2048xf32, #tpu.memory_space<hbm>> -> memref<32x2048xf32, #tpu.memory_space<hbm>>
      %dma_wait3A_117 = arith.constant 0 : i32
      %dma_wait3A_118 = tpu.memref_slice %arg4[%add3A_82, %dma_wait3A_117] : memref<8192x2048xf32, #tpu.memory_space<hbm>> -> memref<32x2048xf32, #tpu.memory_space<hbm>>
      tpu.wait_dma2 semaphore(%run_scoped3A : memref<!tpu.dma_semaphore, #tpu.memory_space<semaphore_mem>>) src(%arg6 : memref<32x2048xf32, #tpu.memory_space<vmem>>) dst(%dma_wait3A_118 : memref<32x2048xf32, #tpu.memory_space<hbm>>)
      tpu.yield
    }) : () -> ()
    %mul3A_83 = arith.constant 8 : i32
    %mul3A_84 = arith.muli %add3A, %mul3A_83 : i32
    %add3A_85 = arith.constant 6 : i32
    %add3A_86 = arith.addi %mul3A_84, %add3A_85 : i32
    "tpu.region"() ({
      %run_scoped3A = tpu.sem_alloc : memref<!tpu.dma_semaphore, #tpu.memory_space<semaphore_mem>>
      %dma_start3A_111 = arith.constant 0 : i32
      %dma_start3A_112 = tpu.memref_slice %arg3[%add3A_86, %dma_start3A_111] : memref<256x32xi32, #tpu.memory_space<hbm>> -> memref<1x32xi32, #tpu.memory_space<hbm>>
      %dma_start3A_113 = tpu.memref_squeeze %dma_start3A_112 : memref<1x32xi32, #tpu.memory_space<hbm>> -> memref<32xi32, #tpu.memory_space<hbm>>
      %dma_start3A_114 = arith.constant 0 : i32
      %dma_start3A_115 = tpu.memref_slice %arg3[%add3A_86, %dma_start3A_114] : memref<256x32xi32, #tpu.memory_space<hbm>> -> memref<1x32xi32, #tpu.memory_space<hbm>>
      %dma_start3A_116 = tpu.memref_squeeze %dma_start3A_115 : memref<1x32xi32, #tpu.memory_space<hbm>> -> memref<32xi32, #tpu.memory_space<hbm>>
      tpu.enqueue_dma source(%dma_start3A_116 : memref<32xi32, #tpu.memory_space<hbm>>) target(%arg5 : memref<32xi32, #tpu.memory_space<vmem>>) target_semaphore(%run_scoped3A : memref<!tpu.dma_semaphore, #tpu.memory_space<semaphore_mem>>)
      %dma_wait3A_117 = arith.constant 0 : i32
      %dma_wait3A_118 = tpu.memref_slice %arg3[%add3A_86, %dma_wait3A_117] : memref<256x32xi32, #tpu.memory_space<hbm>> -> memref<1x32xi32, #tpu.memory_space<hbm>>
      %dma_wait3A_119 = tpu.memref_squeeze %dma_wait3A_118 : memref<1x32xi32, #tpu.memory_space<hbm>> -> memref<32xi32, #tpu.memory_space<hbm>>
      %dma_wait3A_120 = arith.constant 0 : i32
      %dma_wait3A_121 = tpu.memref_slice %arg3[%add3A_86, %dma_wait3A_120] : memref<256x32xi32, #tpu.memory_space<hbm>> -> memref<1x32xi32, #tpu.memory_space<hbm>>
      %dma_wait3A_122 = tpu.memref_squeeze %dma_wait3A_121 : memref<1x32xi32, #tpu.memory_space<hbm>> -> memref<32xi32, #tpu.memory_space<hbm>>
      tpu.wait_dma2 semaphore(%run_scoped3A : memref<!tpu.dma_semaphore, #tpu.memory_space<semaphore_mem>>) src(%dma_wait3A_122 : memref<32xi32, #tpu.memory_space<hbm>>) dst(%arg5 : memref<32xi32, #tpu.memory_space<vmem>>)
      tpu.yield
    }) : () -> ()
    %dma_start3A_87 = arith.constant 0 : i32
    %dma_start3A_88 = arith.constant 0 : i32
    %dma_start3A_89 = tpu.memref_slice %arg2[%dma_start3A_87, %dma_start3A_88] : memref<8192x2048xf32, #tpu.memory_space<hbm>> -> memref<8192x2048xf32, #tpu.memory_space<hbm>>
    tpu.enqueue_indirect_dma source(%dma_start3A_89 : memref<8192x2048xf32, #tpu.memory_space<hbm>>) target(%arg6 : memref<32x2048xf32, #tpu.memory_space<vmem>>) offsets(%arg5 : memref<32xi32, #tpu.memory_space<vmem>>) semaphore(%arg7 : memref<!tpu.dma_semaphore, #tpu.memory_space<semaphore_mem>>)
    %dma_wait3A_90 = arith.constant 0 : i32
    %dma_wait3A_91 = arith.constant 0 : i32
    %dma_wait3A_92 = tpu.memref_slice %arg2[%dma_wait3A_90, %dma_wait3A_91] : memref<8192x2048xf32, #tpu.memory_space<hbm>> -> memref<8192x2048xf32, #tpu.memory_space<hbm>>
    tpu.wait_indirect_dma semaphore(%arg7 : memref<!tpu.dma_semaphore, #tpu.memory_space<semaphore_mem>>) src(%dma_wait3A_92 : memref<8192x2048xf32, #tpu.memory_space<hbm>>) dst(%arg6 : memref<32x2048xf32, #tpu.memory_space<vmem>>)
    %mul3A_93 = arith.constant 256 : i32
    %mul3A_94 = arith.muli %add3A, %mul3A_93 : i32
    %add3A_95 = arith.constant 192 : i32
    %add3A_96 = arith.addi %mul3A_94, %add3A_95 : i32
    "tpu.region"() ({
      %run_scoped3A = tpu.sem_alloc : memref<!tpu.dma_semaphore, #tpu.memory_space<semaphore_mem>>
      %dma_start3A_111 = arith.constant 0 : i32
      %dma_start3A_112 = tpu.memref_slice %arg4[%add3A_96, %dma_start3A_111] : memref<8192x2048xf32, #tpu.memory_space<hbm>> -> memref<32x2048xf32, #tpu.memory_space<hbm>>
      %dma_start3A_113 = arith.constant 0 : i32
      %dma_start3A_114 = tpu.memref_slice %arg4[%add3A_96, %dma_start3A_113] : memref<8192x2048xf32, #tpu.memory_space<hbm>> -> memref<32x2048xf32, #tpu.memory_space<hbm>>
      tpu.enqueue_dma source(%arg6 : memref<32x2048xf32, #tpu.memory_space<vmem>>) target(%dma_start3A_114 : memref<32x2048xf32, #tpu.memory_space<hbm>>) target_semaphore(%run_scoped3A : memref<!tpu.dma_semaphore, #tpu.memory_space<semaphore_mem>>)
      %dma_wait3A_115 = arith.constant 0 : i32
      %dma_wait3A_116 = tpu.memref_slice %arg4[%add3A_96, %dma_wait3A_115] : memref<8192x2048xf32, #tpu.memory_space<hbm>> -> memref<32x2048xf32, #tpu.memory_space<hbm>>
      %dma_wait3A_117 = arith.constant 0 : i32
      %dma_wait3A_118 = tpu.memref_slice %arg4[%add3A_96, %dma_wait3A_117] : memref<8192x2048xf32, #tpu.memory_space<hbm>> -> memref<32x2048xf32, #tpu.memory_space<hbm>>
      tpu.wait_dma2 semaphore(%run_scoped3A : memref<!tpu.dma_semaphore, #tpu.memory_space<semaphore_mem>>) src(%arg6 : memref<32x2048xf32, #tpu.memory_space<vmem>>) dst(%dma_wait3A_118 : memref<32x2048xf32, #tpu.memory_space<hbm>>)
      tpu.yield
    }) : () -> ()
    %mul3A_97 = arith.constant 8 : i32
    %mul3A_98 = arith.muli %add3A, %mul3A_97 : i32
    %add3A_99 = arith.constant 7 : i32
    %add3A_100 = arith.addi %mul3A_98, %add3A_99 : i32
    "tpu.region"() ({
      %run_scoped3A = tpu.sem_alloc : memref<!tpu.dma_semaphore, #tpu.memory_space<semaphore_mem>>
      %dma_start3A_111 = arith.constant 0 : i32
      %dma_start3A_112 = tpu.memref_slice %arg3[%add3A_100, %dma_start3A_111] : memref<256x32xi32, #tpu.memory_space<hbm>> -> memref<1x32xi32, #tpu.memory_space<hbm>>
      %dma_start3A_113 = tpu.memref_squeeze %dma_start3A_112 : memref<1x32xi32, #tpu.memory_space<hbm>> -> memref<32xi32, #tpu.memory_space<hbm>>
      %dma_start3A_114 = arith.constant 0 : i32
      %dma_start3A_115 = tpu.memref_slice %arg3[%add3A_100, %dma_start3A_114] : memref<256x32xi32, #tpu.memory_space<hbm>> -> memref<1x32xi32, #tpu.memory_space<hbm>>
      %dma_start3A_116 = tpu.memref_squeeze %dma_start3A_115 : memref<1x32xi32, #tpu.memory_space<hbm>> -> memref<32xi32, #tpu.memory_space<hbm>>
      tpu.enqueue_dma source(%dma_start3A_116 : memref<32xi32, #tpu.memory_space<hbm>>) target(%arg5 : memref<32xi32, #tpu.memory_space<vmem>>) target_semaphore(%run_scoped3A : memref<!tpu.dma_semaphore, #tpu.memory_space<semaphore_mem>>)
      %dma_wait3A_117 = arith.constant 0 : i32
      %dma_wait3A_118 = tpu.memref_slice %arg3[%add3A_100, %dma_wait3A_117] : memref<256x32xi32, #tpu.memory_space<hbm>> -> memref<1x32xi32, #tpu.memory_space<hbm>>
      %dma_wait3A_119 = tpu.memref_squeeze %dma_wait3A_118 : memref<1x32xi32, #tpu.memory_space<hbm>> -> memref<32xi32, #tpu.memory_space<hbm>>
      %dma_wait3A_120 = arith.constant 0 : i32
      %dma_wait3A_121 = tpu.memref_slice %arg3[%add3A_100, %dma_wait3A_120] : memref<256x32xi32, #tpu.memory_space<hbm>> -> memref<1x32xi32, #tpu.memory_space<hbm>>
      %dma_wait3A_122 = tpu.memref_squeeze %dma_wait3A_121 : memref<1x32xi32, #tpu.memory_space<hbm>> -> memref<32xi32, #tpu.memory_space<hbm>>
      tpu.wait_dma2 semaphore(%run_scoped3A : memref<!tpu.dma_semaphore, #tpu.memory_space<semaphore_mem>>) src(%dma_wait3A_122 : memref<32xi32, #tpu.memory_space<hbm>>) dst(%arg5 : memref<32xi32, #tpu.memory_space<vmem>>)
      tpu.yield
    }) : () -> ()
    %dma_start3A_101 = arith.constant 0 : i32
    %dma_start3A_102 = arith.constant 0 : i32
    %dma_start3A_103 = tpu.memref_slice %arg2[%dma_start3A_101, %dma_start3A_102] : memref<8192x2048xf32, #tpu.memory_space<hbm>> -> memref<8192x2048xf32, #tpu.memory_space<hbm>>
    tpu.enqueue_indirect_dma source(%dma_start3A_103 : memref<8192x2048xf32, #tpu.memory_space<hbm>>) target(%arg6 : memref<32x2048xf32, #tpu.memory_space<vmem>>) offsets(%arg5 : memref<32xi32, #tpu.memory_space<vmem>>) semaphore(%arg7 : memref<!tpu.dma_semaphore, #tpu.memory_space<semaphore_mem>>)
    %dma_wait3A_104 = arith.constant 0 : i32
    %dma_wait3A_105 = arith.constant 0 : i32
    %dma_wait3A_106 = tpu.memref_slice %arg2[%dma_wait3A_104, %dma_wait3A_105] : memref<8192x2048xf32, #tpu.memory_space<hbm>> -> memref<8192x2048xf32, #tpu.memory_space<hbm>>
    tpu.wait_indirect_dma semaphore(%arg7 : memref<!tpu.dma_semaphore, #tpu.memory_space<semaphore_mem>>) src(%dma_wait3A_106 : memref<8192x2048xf32, #tpu.memory_space<hbm>>) dst(%arg6 : memref<32x2048xf32, #tpu.memory_space<vmem>>)
    %mul3A_107 = arith.constant 256 : i32
    %mul3A_108 = arith.muli %add3A, %mul3A_107 : i32
    %add3A_109 = arith.constant 224 : i32
    %add3A_110 = arith.addi %mul3A_108, %add3A_109 : i32
    "tpu.region"() ({
      %run_scoped3A = tpu.sem_alloc : memref<!tpu.dma_semaphore, #tpu.memory_space<semaphore_mem>>
      %dma_start3A_111 = arith.constant 0 : i32
      %dma_start3A_112 = tpu.memref_slice %arg4[%add3A_110, %dma_start3A_111] : memref<8192x2048xf32, #tpu.memory_space<hbm>> -> memref<32x2048xf32, #tpu.memory_space<hbm>>
      %dma_start3A_113 = arith.constant 0 : i32
      %dma_start3A_114 = tpu.memref_slice %arg4[%add3A_110, %dma_start3A_113] : memref<8192x2048xf32, #tpu.memory_space<hbm>> -> memref<32x2048xf32, #tpu.memory_space<hbm>>
      tpu.enqueue_dma source(%arg6 : memref<32x2048xf32, #tpu.memory_space<vmem>>) target(%dma_start3A_114 : memref<32x2048xf32, #tpu.memory_space<hbm>>) target_semaphore(%run_scoped3A : memref<!tpu.dma_semaphore, #tpu.memory_space<semaphore_mem>>)
      %dma_wait3A_115 = arith.constant 0 : i32
      %dma_wait3A_116 = tpu.memref_slice %arg4[%add3A_110, %dma_wait3A_115] : memref<8192x2048xf32, #tpu.memory_space<hbm>> -> memref<32x2048xf32, #tpu.memory_space<hbm>>
      %dma_wait3A_117 = arith.constant 0 : i32
      %dma_wait3A_118 = tpu.memref_slice %arg4[%add3A_110, %dma_wait3A_117] : memref<8192x2048xf32, #tpu.memory_space<hbm>> -> memref<32x2048xf32, #tpu.memory_space<hbm>>
      tpu.wait_dma2 semaphore(%run_scoped3A : memref<!tpu.dma_semaphore, #tpu.memory_space<semaphore_mem>>) src(%arg6 : memref<32x2048xf32, #tpu.memory_space<vmem>>) dst(%dma_wait3A_118 : memref<32x2048xf32, #tpu.memory_space<hbm>>)
      tpu.yield
    }) : () -> ()
    return
  }
}

#map = affine_map<(d0, d1) -> (0, 0)>
module attributes {stable_mosaic.version = 14 : i64} {
  func.func @k(%arg0: i32, %arg1: i32, %arg2: memref<8192x2048xf32, #tpu.memory_space<hbm>>, %arg3: memref<8192x2048xf32, #tpu.memory_space<hbm>>, %arg4: memref<256x32xi32, #tpu.memory_space<hbm>>, %arg5: memref<256x32xi32, #tpu.memory_space<hbm>>, %arg6: memref<8192x2048xf32, #tpu.memory_space<hbm>>, %arg7: memref<32xi32, #tpu.memory_space<vmem>>, %arg8: memref<32xi32, #tpu.memory_space<vmem>>, %arg9: memref<32x2048xf32, #tpu.memory_space<vmem>>, %arg10: memref<!tpu.dma_semaphore, #tpu.memory_space<semaphore_mem>>) attributes {dimension_semantics = [#tpu.dimension_semantics<core_parallel>, #tpu.dimension_semantics<subcore_parallel>], iteration_bounds = array<i64: 2, 16>, scalar_prefetch = 0 : i64, scratch_operands = 4 : i64, tpu.core_type = #tpu.core_type<sc_vector_subcore>, window_params = [{transform_indices = #map}, {transform_indices = #map}, {transform_indices = #map}, {transform_indices = #map}, {transform_indices = #map}]} {
    %mul3A = arith.constant 2 : i32
    %mul3A_0 = arith.muli %arg1, %mul3A : i32
    %add3A = arith.addi %mul3A_0, %arg0 : i32
    %mul3A_1 = arith.constant 256 : i32
    %mul3A_2 = arith.muli %add3A, %mul3A_1 : i32
    %mul3A_3 = arith.constant 256 : i32
    %mul3A_4 = arith.muli %add3A, %mul3A_3 : i32
    "tpu.region"() ({
      %run_scoped3A = tpu.sem_alloc : memref<!tpu.dma_semaphore, #tpu.memory_space<semaphore_mem>>
      %dma_start3A_163 = arith.constant 0 : i32
      %dma_start3A_164 = tpu.memref_slice %arg6[%mul3A_4, %dma_start3A_163] : memref<8192x2048xf32, #tpu.memory_space<hbm>> -> memref<256x2048xf32, #tpu.memory_space<hbm>>
      %dma_start3A_165 = arith.constant 0 : i32
      %dma_start3A_166 = tpu.memref_slice %arg2[%mul3A_2, %dma_start3A_165] : memref<8192x2048xf32, #tpu.memory_space<hbm>> -> memref<256x2048xf32, #tpu.memory_space<hbm>>
      tpu.enqueue_dma source(%dma_start3A_166 : memref<256x2048xf32, #tpu.memory_space<hbm>>) target(%dma_start3A_164 : memref<256x2048xf32, #tpu.memory_space<hbm>>) target_semaphore(%run_scoped3A : memref<!tpu.dma_semaphore, #tpu.memory_space<semaphore_mem>>)
      %dma_wait3A_167 = arith.constant 0 : i32
      %dma_wait3A_168 = tpu.memref_slice %arg6[%mul3A_4, %dma_wait3A_167] : memref<8192x2048xf32, #tpu.memory_space<hbm>> -> memref<256x2048xf32, #tpu.memory_space<hbm>>
      %dma_wait3A_169 = arith.constant 0 : i32
      %dma_wait3A_170 = tpu.memref_slice %arg2[%mul3A_2, %dma_wait3A_169] : memref<8192x2048xf32, #tpu.memory_space<hbm>> -> memref<256x2048xf32, #tpu.memory_space<hbm>>
      tpu.wait_dma2 semaphore(%run_scoped3A : memref<!tpu.dma_semaphore, #tpu.memory_space<semaphore_mem>>) src(%dma_wait3A_170 : memref<256x2048xf32, #tpu.memory_space<hbm>>) dst(%dma_wait3A_168 : memref<256x2048xf32, #tpu.memory_space<hbm>>)
      tpu.yield
    }) : () -> ()
    %mul3A_5 = arith.constant 8 : i32
    %mul3A_6 = arith.muli %add3A, %mul3A_5 : i32
    %add3A_7 = arith.constant 0 : i32
    %add3A_8 = arith.addi %mul3A_6, %add3A_7 : i32
    "tpu.region"() ({
      %run_scoped3A = tpu.sem_alloc : memref<!tpu.dma_semaphore, #tpu.memory_space<semaphore_mem>>
      %dma_start3A_163 = arith.constant 0 : i32
      %dma_start3A_164 = tpu.memref_slice %arg4[%add3A_8, %dma_start3A_163] : memref<256x32xi32, #tpu.memory_space<hbm>> -> memref<1x32xi32, #tpu.memory_space<hbm>>
      %dma_start3A_165 = tpu.memref_squeeze %dma_start3A_164 : memref<1x32xi32, #tpu.memory_space<hbm>> -> memref<32xi32, #tpu.memory_space<hbm>>
      %dma_start3A_166 = arith.constant 0 : i32
      %dma_start3A_167 = tpu.memref_slice %arg4[%add3A_8, %dma_start3A_166] : memref<256x32xi32, #tpu.memory_space<hbm>> -> memref<1x32xi32, #tpu.memory_space<hbm>>
      %dma_start3A_168 = tpu.memref_squeeze %dma_start3A_167 : memref<1x32xi32, #tpu.memory_space<hbm>> -> memref<32xi32, #tpu.memory_space<hbm>>
      tpu.enqueue_dma source(%dma_start3A_168 : memref<32xi32, #tpu.memory_space<hbm>>) target(%arg7 : memref<32xi32, #tpu.memory_space<vmem>>) target_semaphore(%run_scoped3A : memref<!tpu.dma_semaphore, #tpu.memory_space<semaphore_mem>>)
      %dma_wait3A_169 = arith.constant 0 : i32
      %dma_wait3A_170 = tpu.memref_slice %arg4[%add3A_8, %dma_wait3A_169] : memref<256x32xi32, #tpu.memory_space<hbm>> -> memref<1x32xi32, #tpu.memory_space<hbm>>
      %dma_wait3A_171 = tpu.memref_squeeze %dma_wait3A_170 : memref<1x32xi32, #tpu.memory_space<hbm>> -> memref<32xi32, #tpu.memory_space<hbm>>
      %dma_wait3A_172 = arith.constant 0 : i32
      %dma_wait3A_173 = tpu.memref_slice %arg4[%add3A_8, %dma_wait3A_172] : memref<256x32xi32, #tpu.memory_space<hbm>> -> memref<1x32xi32, #tpu.memory_space<hbm>>
      %dma_wait3A_174 = tpu.memref_squeeze %dma_wait3A_173 : memref<1x32xi32, #tpu.memory_space<hbm>> -> memref<32xi32, #tpu.memory_space<hbm>>
      tpu.wait_dma2 semaphore(%run_scoped3A : memref<!tpu.dma_semaphore, #tpu.memory_space<semaphore_mem>>) src(%dma_wait3A_174 : memref<32xi32, #tpu.memory_space<hbm>>) dst(%arg7 : memref<32xi32, #tpu.memory_space<vmem>>)
      tpu.yield
    }) : () -> ()
    %mul3A_9 = arith.constant 8 : i32
    %mul3A_10 = arith.muli %add3A, %mul3A_9 : i32
    %add3A_11 = arith.constant 0 : i32
    %add3A_12 = arith.addi %mul3A_10, %add3A_11 : i32
    "tpu.region"() ({
      %run_scoped3A = tpu.sem_alloc : memref<!tpu.dma_semaphore, #tpu.memory_space<semaphore_mem>>
      %dma_start3A_163 = arith.constant 0 : i32
      %dma_start3A_164 = tpu.memref_slice %arg5[%add3A_12, %dma_start3A_163] : memref<256x32xi32, #tpu.memory_space<hbm>> -> memref<1x32xi32, #tpu.memory_space<hbm>>
      %dma_start3A_165 = tpu.memref_squeeze %dma_start3A_164 : memref<1x32xi32, #tpu.memory_space<hbm>> -> memref<32xi32, #tpu.memory_space<hbm>>
      %dma_start3A_166 = arith.constant 0 : i32
      %dma_start3A_167 = tpu.memref_slice %arg5[%add3A_12, %dma_start3A_166] : memref<256x32xi32, #tpu.memory_space<hbm>> -> memref<1x32xi32, #tpu.memory_space<hbm>>
      %dma_start3A_168 = tpu.memref_squeeze %dma_start3A_167 : memref<1x32xi32, #tpu.memory_space<hbm>> -> memref<32xi32, #tpu.memory_space<hbm>>
      tpu.enqueue_dma source(%dma_start3A_168 : memref<32xi32, #tpu.memory_space<hbm>>) target(%arg8 : memref<32xi32, #tpu.memory_space<vmem>>) target_semaphore(%run_scoped3A : memref<!tpu.dma_semaphore, #tpu.memory_space<semaphore_mem>>)
      %dma_wait3A_169 = arith.constant 0 : i32
      %dma_wait3A_170 = tpu.memref_slice %arg5[%add3A_12, %dma_wait3A_169] : memref<256x32xi32, #tpu.memory_space<hbm>> -> memref<1x32xi32, #tpu.memory_space<hbm>>
      %dma_wait3A_171 = tpu.memref_squeeze %dma_wait3A_170 : memref<1x32xi32, #tpu.memory_space<hbm>> -> memref<32xi32, #tpu.memory_space<hbm>>
      %dma_wait3A_172 = arith.constant 0 : i32
      %dma_wait3A_173 = tpu.memref_slice %arg5[%add3A_12, %dma_wait3A_172] : memref<256x32xi32, #tpu.memory_space<hbm>> -> memref<1x32xi32, #tpu.memory_space<hbm>>
      %dma_wait3A_174 = tpu.memref_squeeze %dma_wait3A_173 : memref<1x32xi32, #tpu.memory_space<hbm>> -> memref<32xi32, #tpu.memory_space<hbm>>
      tpu.wait_dma2 semaphore(%run_scoped3A : memref<!tpu.dma_semaphore, #tpu.memory_space<semaphore_mem>>) src(%dma_wait3A_174 : memref<32xi32, #tpu.memory_space<hbm>>) dst(%arg8 : memref<32xi32, #tpu.memory_space<vmem>>)
      tpu.yield
    }) : () -> ()
    %dma_start3A = arith.constant 0 : i32
    %dma_start3A_13 = arith.constant 0 : i32
    %dma_start3A_14 = tpu.memref_slice %arg3[%dma_start3A, %dma_start3A_13] : memref<8192x2048xf32, #tpu.memory_space<hbm>> -> memref<8192x2048xf32, #tpu.memory_space<hbm>>
    tpu.enqueue_indirect_dma source(%dma_start3A_14 : memref<8192x2048xf32, #tpu.memory_space<hbm>>) target(%arg9 : memref<32x2048xf32, #tpu.memory_space<vmem>>) offsets(%arg7 : memref<32xi32, #tpu.memory_space<vmem>>) semaphore(%arg10 : memref<!tpu.dma_semaphore, #tpu.memory_space<semaphore_mem>>)
    %dma_wait3A = arith.constant 0 : i32
    %dma_wait3A_15 = arith.constant 0 : i32
    %dma_wait3A_16 = tpu.memref_slice %arg3[%dma_wait3A, %dma_wait3A_15] : memref<8192x2048xf32, #tpu.memory_space<hbm>> -> memref<8192x2048xf32, #tpu.memory_space<hbm>>
    tpu.wait_indirect_dma semaphore(%arg10 : memref<!tpu.dma_semaphore, #tpu.memory_space<semaphore_mem>>) src(%dma_wait3A_16 : memref<8192x2048xf32, #tpu.memory_space<hbm>>) dst(%arg9 : memref<32x2048xf32, #tpu.memory_space<vmem>>)
    %dma_start3A_17 = arith.constant 0 : i32
    %dma_start3A_18 = arith.constant 0 : i32
    %dma_start3A_19 = tpu.memref_slice %arg6[%dma_start3A_17, %dma_start3A_18] : memref<8192x2048xf32, #tpu.memory_space<hbm>> -> memref<8192x2048xf32, #tpu.memory_space<hbm>>
    tpu.enqueue_indirect_dma source(%arg9 : memref<32x2048xf32, #tpu.memory_space<vmem>>) target(%dma_start3A_19 : memref<8192x2048xf32, #tpu.memory_space<hbm>>) offsets(%arg8 : memref<32xi32, #tpu.memory_space<vmem>>) semaphore(%arg10 : memref<!tpu.dma_semaphore, #tpu.memory_space<semaphore_mem>>)
    %dma_wait3A_20 = arith.constant 0 : i32
    %dma_wait3A_21 = arith.constant 0 : i32
    %dma_wait3A_22 = tpu.memref_slice %arg6[%dma_wait3A_20, %dma_wait3A_21] : memref<8192x2048xf32, #tpu.memory_space<hbm>> -> memref<8192x2048xf32, #tpu.memory_space<hbm>>
    tpu.wait_indirect_dma semaphore(%arg10 : memref<!tpu.dma_semaphore, #tpu.memory_space<semaphore_mem>>) src(%arg9 : memref<32x2048xf32, #tpu.memory_space<vmem>>) dst(%dma_wait3A_22 : memref<8192x2048xf32, #tpu.memory_space<hbm>>)
    %mul3A_23 = arith.constant 8 : i32
    %mul3A_24 = arith.muli %add3A, %mul3A_23 : i32
    %add3A_25 = arith.constant 1 : i32
    %add3A_26 = arith.addi %mul3A_24, %add3A_25 : i32
    "tpu.region"() ({
      %run_scoped3A = tpu.sem_alloc : memref<!tpu.dma_semaphore, #tpu.memory_space<semaphore_mem>>
      %dma_start3A_163 = arith.constant 0 : i32
      %dma_start3A_164 = tpu.memref_slice %arg4[%add3A_26, %dma_start3A_163] : memref<256x32xi32, #tpu.memory_space<hbm>> -> memref<1x32xi32, #tpu.memory_space<hbm>>
      %dma_start3A_165 = tpu.memref_squeeze %dma_start3A_164 : memref<1x32xi32, #tpu.memory_space<hbm>> -> memref<32xi32, #tpu.memory_space<hbm>>
      %dma_start3A_166 = arith.constant 0 : i32
      %dma_start3A_167 = tpu.memref_slice %arg4[%add3A_26, %dma_start3A_166] : memref<256x32xi32, #tpu.memory_space<hbm>> -> memref<1x32xi32, #tpu.memory_space<hbm>>
      %dma_start3A_168 = tpu.memref_squeeze %dma_start3A_167 : memref<1x32xi32, #tpu.memory_space<hbm>> -> memref<32xi32, #tpu.memory_space<hbm>>
      tpu.enqueue_dma source(%dma_start3A_168 : memref<32xi32, #tpu.memory_space<hbm>>) target(%arg7 : memref<32xi32, #tpu.memory_space<vmem>>) target_semaphore(%run_scoped3A : memref<!tpu.dma_semaphore, #tpu.memory_space<semaphore_mem>>)
      %dma_wait3A_169 = arith.constant 0 : i32
      %dma_wait3A_170 = tpu.memref_slice %arg4[%add3A_26, %dma_wait3A_169] : memref<256x32xi32, #tpu.memory_space<hbm>> -> memref<1x32xi32, #tpu.memory_space<hbm>>
      %dma_wait3A_171 = tpu.memref_squeeze %dma_wait3A_170 : memref<1x32xi32, #tpu.memory_space<hbm>> -> memref<32xi32, #tpu.memory_space<hbm>>
      %dma_wait3A_172 = arith.constant 0 : i32
      %dma_wait3A_173 = tpu.memref_slice %arg4[%add3A_26, %dma_wait3A_172] : memref<256x32xi32, #tpu.memory_space<hbm>> -> memref<1x32xi32, #tpu.memory_space<hbm>>
      %dma_wait3A_174 = tpu.memref_squeeze %dma_wait3A_173 : memref<1x32xi32, #tpu.memory_space<hbm>> -> memref<32xi32, #tpu.memory_space<hbm>>
      tpu.wait_dma2 semaphore(%run_scoped3A : memref<!tpu.dma_semaphore, #tpu.memory_space<semaphore_mem>>) src(%dma_wait3A_174 : memref<32xi32, #tpu.memory_space<hbm>>) dst(%arg7 : memref<32xi32, #tpu.memory_space<vmem>>)
      tpu.yield
    }) : () -> ()
    %mul3A_27 = arith.constant 8 : i32
    %mul3A_28 = arith.muli %add3A, %mul3A_27 : i32
    %add3A_29 = arith.constant 1 : i32
    %add3A_30 = arith.addi %mul3A_28, %add3A_29 : i32
    "tpu.region"() ({
      %run_scoped3A = tpu.sem_alloc : memref<!tpu.dma_semaphore, #tpu.memory_space<semaphore_mem>>
      %dma_start3A_163 = arith.constant 0 : i32
      %dma_start3A_164 = tpu.memref_slice %arg5[%add3A_30, %dma_start3A_163] : memref<256x32xi32, #tpu.memory_space<hbm>> -> memref<1x32xi32, #tpu.memory_space<hbm>>
      %dma_start3A_165 = tpu.memref_squeeze %dma_start3A_164 : memref<1x32xi32, #tpu.memory_space<hbm>> -> memref<32xi32, #tpu.memory_space<hbm>>
      %dma_start3A_166 = arith.constant 0 : i32
      %dma_start3A_167 = tpu.memref_slice %arg5[%add3A_30, %dma_start3A_166] : memref<256x32xi32, #tpu.memory_space<hbm>> -> memref<1x32xi32, #tpu.memory_space<hbm>>
      %dma_start3A_168 = tpu.memref_squeeze %dma_start3A_167 : memref<1x32xi32, #tpu.memory_space<hbm>> -> memref<32xi32, #tpu.memory_space<hbm>>
      tpu.enqueue_dma source(%dma_start3A_168 : memref<32xi32, #tpu.memory_space<hbm>>) target(%arg8 : memref<32xi32, #tpu.memory_space<vmem>>) target_semaphore(%run_scoped3A : memref<!tpu.dma_semaphore, #tpu.memory_space<semaphore_mem>>)
      %dma_wait3A_169 = arith.constant 0 : i32
      %dma_wait3A_170 = tpu.memref_slice %arg5[%add3A_30, %dma_wait3A_169] : memref<256x32xi32, #tpu.memory_space<hbm>> -> memref<1x32xi32, #tpu.memory_space<hbm>>
      %dma_wait3A_171 = tpu.memref_squeeze %dma_wait3A_170 : memref<1x32xi32, #tpu.memory_space<hbm>> -> memref<32xi32, #tpu.memory_space<hbm>>
      %dma_wait3A_172 = arith.constant 0 : i32
      %dma_wait3A_173 = tpu.memref_slice %arg5[%add3A_30, %dma_wait3A_172] : memref<256x32xi32, #tpu.memory_space<hbm>> -> memref<1x32xi32, #tpu.memory_space<hbm>>
      %dma_wait3A_174 = tpu.memref_squeeze %dma_wait3A_173 : memref<1x32xi32, #tpu.memory_space<hbm>> -> memref<32xi32, #tpu.memory_space<hbm>>
      tpu.wait_dma2 semaphore(%run_scoped3A : memref<!tpu.dma_semaphore, #tpu.memory_space<semaphore_mem>>) src(%dma_wait3A_174 : memref<32xi32, #tpu.memory_space<hbm>>) dst(%arg8 : memref<32xi32, #tpu.memory_space<vmem>>)
      tpu.yield
    }) : () -> ()
    %dma_start3A_31 = arith.constant 0 : i32
    %dma_start3A_32 = arith.constant 0 : i32
    %dma_start3A_33 = tpu.memref_slice %arg3[%dma_start3A_31, %dma_start3A_32] : memref<8192x2048xf32, #tpu.memory_space<hbm>> -> memref<8192x2048xf32, #tpu.memory_space<hbm>>
    tpu.enqueue_indirect_dma source(%dma_start3A_33 : memref<8192x2048xf32, #tpu.memory_space<hbm>>) target(%arg9 : memref<32x2048xf32, #tpu.memory_space<vmem>>) offsets(%arg7 : memref<32xi32, #tpu.memory_space<vmem>>) semaphore(%arg10 : memref<!tpu.dma_semaphore, #tpu.memory_space<semaphore_mem>>)
    %dma_wait3A_34 = arith.constant 0 : i32
    %dma_wait3A_35 = arith.constant 0 : i32
    %dma_wait3A_36 = tpu.memref_slice %arg3[%dma_wait3A_34, %dma_wait3A_35] : memref<8192x2048xf32, #tpu.memory_space<hbm>> -> memref<8192x2048xf32, #tpu.memory_space<hbm>>
    tpu.wait_indirect_dma semaphore(%arg10 : memref<!tpu.dma_semaphore, #tpu.memory_space<semaphore_mem>>) src(%dma_wait3A_36 : memref<8192x2048xf32, #tpu.memory_space<hbm>>) dst(%arg9 : memref<32x2048xf32, #tpu.memory_space<vmem>>)
    %dma_start3A_37 = arith.constant 0 : i32
    %dma_start3A_38 = arith.constant 0 : i32
    %dma_start3A_39 = tpu.memref_slice %arg6[%dma_start3A_37, %dma_start3A_38] : memref<8192x2048xf32, #tpu.memory_space<hbm>> -> memref<8192x2048xf32, #tpu.memory_space<hbm>>
    tpu.enqueue_indirect_dma source(%arg9 : memref<32x2048xf32, #tpu.memory_space<vmem>>) target(%dma_start3A_39 : memref<8192x2048xf32, #tpu.memory_space<hbm>>) offsets(%arg8 : memref<32xi32, #tpu.memory_space<vmem>>) semaphore(%arg10 : memref<!tpu.dma_semaphore, #tpu.memory_space<semaphore_mem>>)
    %dma_wait3A_40 = arith.constant 0 : i32
    %dma_wait3A_41 = arith.constant 0 : i32
    %dma_wait3A_42 = tpu.memref_slice %arg6[%dma_wait3A_40, %dma_wait3A_41] : memref<8192x2048xf32, #tpu.memory_space<hbm>> -> memref<8192x2048xf32, #tpu.memory_space<hbm>>
    tpu.wait_indirect_dma semaphore(%arg10 : memref<!tpu.dma_semaphore, #tpu.memory_space<semaphore_mem>>) src(%arg9 : memref<32x2048xf32, #tpu.memory_space<vmem>>) dst(%dma_wait3A_42 : memref<8192x2048xf32, #tpu.memory_space<hbm>>)
    %mul3A_43 = arith.constant 8 : i32
    %mul3A_44 = arith.muli %add3A, %mul3A_43 : i32
    %add3A_45 = arith.constant 2 : i32
    %add3A_46 = arith.addi %mul3A_44, %add3A_45 : i32
    "tpu.region"() ({
      %run_scoped3A = tpu.sem_alloc : memref<!tpu.dma_semaphore, #tpu.memory_space<semaphore_mem>>
      %dma_start3A_163 = arith.constant 0 : i32
      %dma_start3A_164 = tpu.memref_slice %arg4[%add3A_46, %dma_start3A_163] : memref<256x32xi32, #tpu.memory_space<hbm>> -> memref<1x32xi32, #tpu.memory_space<hbm>>
      %dma_start3A_165 = tpu.memref_squeeze %dma_start3A_164 : memref<1x32xi32, #tpu.memory_space<hbm>> -> memref<32xi32, #tpu.memory_space<hbm>>
      %dma_start3A_166 = arith.constant 0 : i32
      %dma_start3A_167 = tpu.memref_slice %arg4[%add3A_46, %dma_start3A_166] : memref<256x32xi32, #tpu.memory_space<hbm>> -> memref<1x32xi32, #tpu.memory_space<hbm>>
      %dma_start3A_168 = tpu.memref_squeeze %dma_start3A_167 : memref<1x32xi32, #tpu.memory_space<hbm>> -> memref<32xi32, #tpu.memory_space<hbm>>
      tpu.enqueue_dma source(%dma_start3A_168 : memref<32xi32, #tpu.memory_space<hbm>>) target(%arg7 : memref<32xi32, #tpu.memory_space<vmem>>) target_semaphore(%run_scoped3A : memref<!tpu.dma_semaphore, #tpu.memory_space<semaphore_mem>>)
      %dma_wait3A_169 = arith.constant 0 : i32
      %dma_wait3A_170 = tpu.memref_slice %arg4[%add3A_46, %dma_wait3A_169] : memref<256x32xi32, #tpu.memory_space<hbm>> -> memref<1x32xi32, #tpu.memory_space<hbm>>
      %dma_wait3A_171 = tpu.memref_squeeze %dma_wait3A_170 : memref<1x32xi32, #tpu.memory_space<hbm>> -> memref<32xi32, #tpu.memory_space<hbm>>
      %dma_wait3A_172 = arith.constant 0 : i32
      %dma_wait3A_173 = tpu.memref_slice %arg4[%add3A_46, %dma_wait3A_172] : memref<256x32xi32, #tpu.memory_space<hbm>> -> memref<1x32xi32, #tpu.memory_space<hbm>>
      %dma_wait3A_174 = tpu.memref_squeeze %dma_wait3A_173 : memref<1x32xi32, #tpu.memory_space<hbm>> -> memref<32xi32, #tpu.memory_space<hbm>>
      tpu.wait_dma2 semaphore(%run_scoped3A : memref<!tpu.dma_semaphore, #tpu.memory_space<semaphore_mem>>) src(%dma_wait3A_174 : memref<32xi32, #tpu.memory_space<hbm>>) dst(%arg7 : memref<32xi32, #tpu.memory_space<vmem>>)
      tpu.yield
    }) : () -> ()
    %mul3A_47 = arith.constant 8 : i32
    %mul3A_48 = arith.muli %add3A, %mul3A_47 : i32
    %add3A_49 = arith.constant 2 : i32
    %add3A_50 = arith.addi %mul3A_48, %add3A_49 : i32
    "tpu.region"() ({
      %run_scoped3A = tpu.sem_alloc : memref<!tpu.dma_semaphore, #tpu.memory_space<semaphore_mem>>
      %dma_start3A_163 = arith.constant 0 : i32
      %dma_start3A_164 = tpu.memref_slice %arg5[%add3A_50, %dma_start3A_163] : memref<256x32xi32, #tpu.memory_space<hbm>> -> memref<1x32xi32, #tpu.memory_space<hbm>>
      %dma_start3A_165 = tpu.memref_squeeze %dma_start3A_164 : memref<1x32xi32, #tpu.memory_space<hbm>> -> memref<32xi32, #tpu.memory_space<hbm>>
      %dma_start3A_166 = arith.constant 0 : i32
      %dma_start3A_167 = tpu.memref_slice %arg5[%add3A_50, %dma_start3A_166] : memref<256x32xi32, #tpu.memory_space<hbm>> -> memref<1x32xi32, #tpu.memory_space<hbm>>
      %dma_start3A_168 = tpu.memref_squeeze %dma_start3A_167 : memref<1x32xi32, #tpu.memory_space<hbm>> -> memref<32xi32, #tpu.memory_space<hbm>>
      tpu.enqueue_dma source(%dma_start3A_168 : memref<32xi32, #tpu.memory_space<hbm>>) target(%arg8 : memref<32xi32, #tpu.memory_space<vmem>>) target_semaphore(%run_scoped3A : memref<!tpu.dma_semaphore, #tpu.memory_space<semaphore_mem>>)
      %dma_wait3A_169 = arith.constant 0 : i32
      %dma_wait3A_170 = tpu.memref_slice %arg5[%add3A_50, %dma_wait3A_169] : memref<256x32xi32, #tpu.memory_space<hbm>> -> memref<1x32xi32, #tpu.memory_space<hbm>>
      %dma_wait3A_171 = tpu.memref_squeeze %dma_wait3A_170 : memref<1x32xi32, #tpu.memory_space<hbm>> -> memref<32xi32, #tpu.memory_space<hbm>>
      %dma_wait3A_172 = arith.constant 0 : i32
      %dma_wait3A_173 = tpu.memref_slice %arg5[%add3A_50, %dma_wait3A_172] : memref<256x32xi32, #tpu.memory_space<hbm>> -> memref<1x32xi32, #tpu.memory_space<hbm>>
      %dma_wait3A_174 = tpu.memref_squeeze %dma_wait3A_173 : memref<1x32xi32, #tpu.memory_space<hbm>> -> memref<32xi32, #tpu.memory_space<hbm>>
      tpu.wait_dma2 semaphore(%run_scoped3A : memref<!tpu.dma_semaphore, #tpu.memory_space<semaphore_mem>>) src(%dma_wait3A_174 : memref<32xi32, #tpu.memory_space<hbm>>) dst(%arg8 : memref<32xi32, #tpu.memory_space<vmem>>)
      tpu.yield
    }) : () -> ()
    %dma_start3A_51 = arith.constant 0 : i32
    %dma_start3A_52 = arith.constant 0 : i32
    %dma_start3A_53 = tpu.memref_slice %arg3[%dma_start3A_51, %dma_start3A_52] : memref<8192x2048xf32, #tpu.memory_space<hbm>> -> memref<8192x2048xf32, #tpu.memory_space<hbm>>
    tpu.enqueue_indirect_dma source(%dma_start3A_53 : memref<8192x2048xf32, #tpu.memory_space<hbm>>) target(%arg9 : memref<32x2048xf32, #tpu.memory_space<vmem>>) offsets(%arg7 : memref<32xi32, #tpu.memory_space<vmem>>) semaphore(%arg10 : memref<!tpu.dma_semaphore, #tpu.memory_space<semaphore_mem>>)
    %dma_wait3A_54 = arith.constant 0 : i32
    %dma_wait3A_55 = arith.constant 0 : i32
    %dma_wait3A_56 = tpu.memref_slice %arg3[%dma_wait3A_54, %dma_wait3A_55] : memref<8192x2048xf32, #tpu.memory_space<hbm>> -> memref<8192x2048xf32, #tpu.memory_space<hbm>>
    tpu.wait_indirect_dma semaphore(%arg10 : memref<!tpu.dma_semaphore, #tpu.memory_space<semaphore_mem>>) src(%dma_wait3A_56 : memref<8192x2048xf32, #tpu.memory_space<hbm>>) dst(%arg9 : memref<32x2048xf32, #tpu.memory_space<vmem>>)
    %dma_start3A_57 = arith.constant 0 : i32
    %dma_start3A_58 = arith.constant 0 : i32
    %dma_start3A_59 = tpu.memref_slice %arg6[%dma_start3A_57, %dma_start3A_58] : memref<8192x2048xf32, #tpu.memory_space<hbm>> -> memref<8192x2048xf32, #tpu.memory_space<hbm>>
    tpu.enqueue_indirect_dma source(%arg9 : memref<32x2048xf32, #tpu.memory_space<vmem>>) target(%dma_start3A_59 : memref<8192x2048xf32, #tpu.memory_space<hbm>>) offsets(%arg8 : memref<32xi32, #tpu.memory_space<vmem>>) semaphore(%arg10 : memref<!tpu.dma_semaphore, #tpu.memory_space<semaphore_mem>>)
    %dma_wait3A_60 = arith.constant 0 : i32
    %dma_wait3A_61 = arith.constant 0 : i32
    %dma_wait3A_62 = tpu.memref_slice %arg6[%dma_wait3A_60, %dma_wait3A_61] : memref<8192x2048xf32, #tpu.memory_space<hbm>> -> memref<8192x2048xf32, #tpu.memory_space<hbm>>
    tpu.wait_indirect_dma semaphore(%arg10 : memref<!tpu.dma_semaphore, #tpu.memory_space<semaphore_mem>>) src(%arg9 : memref<32x2048xf32, #tpu.memory_space<vmem>>) dst(%dma_wait3A_62 : memref<8192x2048xf32, #tpu.memory_space<hbm>>)
    %mul3A_63 = arith.constant 8 : i32
    %mul3A_64 = arith.muli %add3A, %mul3A_63 : i32
    %add3A_65 = arith.constant 3 : i32
    %add3A_66 = arith.addi %mul3A_64, %add3A_65 : i32
    "tpu.region"() ({
      %run_scoped3A = tpu.sem_alloc : memref<!tpu.dma_semaphore, #tpu.memory_space<semaphore_mem>>
      %dma_start3A_163 = arith.constant 0 : i32
      %dma_start3A_164 = tpu.memref_slice %arg4[%add3A_66, %dma_start3A_163] : memref<256x32xi32, #tpu.memory_space<hbm>> -> memref<1x32xi32, #tpu.memory_space<hbm>>
      %dma_start3A_165 = tpu.memref_squeeze %dma_start3A_164 : memref<1x32xi32, #tpu.memory_space<hbm>> -> memref<32xi32, #tpu.memory_space<hbm>>
      %dma_start3A_166 = arith.constant 0 : i32
      %dma_start3A_167 = tpu.memref_slice %arg4[%add3A_66, %dma_start3A_166] : memref<256x32xi32, #tpu.memory_space<hbm>> -> memref<1x32xi32, #tpu.memory_space<hbm>>
      %dma_start3A_168 = tpu.memref_squeeze %dma_start3A_167 : memref<1x32xi32, #tpu.memory_space<hbm>> -> memref<32xi32, #tpu.memory_space<hbm>>
      tpu.enqueue_dma source(%dma_start3A_168 : memref<32xi32, #tpu.memory_space<hbm>>) target(%arg7 : memref<32xi32, #tpu.memory_space<vmem>>) target_semaphore(%run_scoped3A : memref<!tpu.dma_semaphore, #tpu.memory_space<semaphore_mem>>)
      %dma_wait3A_169 = arith.constant 0 : i32
      %dma_wait3A_170 = tpu.memref_slice %arg4[%add3A_66, %dma_wait3A_169] : memref<256x32xi32, #tpu.memory_space<hbm>> -> memref<1x32xi32, #tpu.memory_space<hbm>>
      %dma_wait3A_171 = tpu.memref_squeeze %dma_wait3A_170 : memref<1x32xi32, #tpu.memory_space<hbm>> -> memref<32xi32, #tpu.memory_space<hbm>>
      %dma_wait3A_172 = arith.constant 0 : i32
      %dma_wait3A_173 = tpu.memref_slice %arg4[%add3A_66, %dma_wait3A_172] : memref<256x32xi32, #tpu.memory_space<hbm>> -> memref<1x32xi32, #tpu.memory_space<hbm>>
      %dma_wait3A_174 = tpu.memref_squeeze %dma_wait3A_173 : memref<1x32xi32, #tpu.memory_space<hbm>> -> memref<32xi32, #tpu.memory_space<hbm>>
      tpu.wait_dma2 semaphore(%run_scoped3A : memref<!tpu.dma_semaphore, #tpu.memory_space<semaphore_mem>>) src(%dma_wait3A_174 : memref<32xi32, #tpu.memory_space<hbm>>) dst(%arg7 : memref<32xi32, #tpu.memory_space<vmem>>)
      tpu.yield
    }) : () -> ()
    %mul3A_67 = arith.constant 8 : i32
    %mul3A_68 = arith.muli %add3A, %mul3A_67 : i32
    %add3A_69 = arith.constant 3 : i32
    %add3A_70 = arith.addi %mul3A_68, %add3A_69 : i32
    "tpu.region"() ({
      %run_scoped3A = tpu.sem_alloc : memref<!tpu.dma_semaphore, #tpu.memory_space<semaphore_mem>>
      %dma_start3A_163 = arith.constant 0 : i32
      %dma_start3A_164 = tpu.memref_slice %arg5[%add3A_70, %dma_start3A_163] : memref<256x32xi32, #tpu.memory_space<hbm>> -> memref<1x32xi32, #tpu.memory_space<hbm>>
      %dma_start3A_165 = tpu.memref_squeeze %dma_start3A_164 : memref<1x32xi32, #tpu.memory_space<hbm>> -> memref<32xi32, #tpu.memory_space<hbm>>
      %dma_start3A_166 = arith.constant 0 : i32
      %dma_start3A_167 = tpu.memref_slice %arg5[%add3A_70, %dma_start3A_166] : memref<256x32xi32, #tpu.memory_space<hbm>> -> memref<1x32xi32, #tpu.memory_space<hbm>>
      %dma_start3A_168 = tpu.memref_squeeze %dma_start3A_167 : memref<1x32xi32, #tpu.memory_space<hbm>> -> memref<32xi32, #tpu.memory_space<hbm>>
      tpu.enqueue_dma source(%dma_start3A_168 : memref<32xi32, #tpu.memory_space<hbm>>) target(%arg8 : memref<32xi32, #tpu.memory_space<vmem>>) target_semaphore(%run_scoped3A : memref<!tpu.dma_semaphore, #tpu.memory_space<semaphore_mem>>)
      %dma_wait3A_169 = arith.constant 0 : i32
      %dma_wait3A_170 = tpu.memref_slice %arg5[%add3A_70, %dma_wait3A_169] : memref<256x32xi32, #tpu.memory_space<hbm>> -> memref<1x32xi32, #tpu.memory_space<hbm>>
      %dma_wait3A_171 = tpu.memref_squeeze %dma_wait3A_170 : memref<1x32xi32, #tpu.memory_space<hbm>> -> memref<32xi32, #tpu.memory_space<hbm>>
      %dma_wait3A_172 = arith.constant 0 : i32
      %dma_wait3A_173 = tpu.memref_slice %arg5[%add3A_70, %dma_wait3A_172] : memref<256x32xi32, #tpu.memory_space<hbm>> -> memref<1x32xi32, #tpu.memory_space<hbm>>
      %dma_wait3A_174 = tpu.memref_squeeze %dma_wait3A_173 : memref<1x32xi32, #tpu.memory_space<hbm>> -> memref<32xi32, #tpu.memory_space<hbm>>
      tpu.wait_dma2 semaphore(%run_scoped3A : memref<!tpu.dma_semaphore, #tpu.memory_space<semaphore_mem>>) src(%dma_wait3A_174 : memref<32xi32, #tpu.memory_space<hbm>>) dst(%arg8 : memref<32xi32, #tpu.memory_space<vmem>>)
      tpu.yield
    }) : () -> ()
    %dma_start3A_71 = arith.constant 0 : i32
    %dma_start3A_72 = arith.constant 0 : i32
    %dma_start3A_73 = tpu.memref_slice %arg3[%dma_start3A_71, %dma_start3A_72] : memref<8192x2048xf32, #tpu.memory_space<hbm>> -> memref<8192x2048xf32, #tpu.memory_space<hbm>>
    tpu.enqueue_indirect_dma source(%dma_start3A_73 : memref<8192x2048xf32, #tpu.memory_space<hbm>>) target(%arg9 : memref<32x2048xf32, #tpu.memory_space<vmem>>) offsets(%arg7 : memref<32xi32, #tpu.memory_space<vmem>>) semaphore(%arg10 : memref<!tpu.dma_semaphore, #tpu.memory_space<semaphore_mem>>)
    %dma_wait3A_74 = arith.constant 0 : i32
    %dma_wait3A_75 = arith.constant 0 : i32
    %dma_wait3A_76 = tpu.memref_slice %arg3[%dma_wait3A_74, %dma_wait3A_75] : memref<8192x2048xf32, #tpu.memory_space<hbm>> -> memref<8192x2048xf32, #tpu.memory_space<hbm>>
    tpu.wait_indirect_dma semaphore(%arg10 : memref<!tpu.dma_semaphore, #tpu.memory_space<semaphore_mem>>) src(%dma_wait3A_76 : memref<8192x2048xf32, #tpu.memory_space<hbm>>) dst(%arg9 : memref<32x2048xf32, #tpu.memory_space<vmem>>)
    %dma_start3A_77 = arith.constant 0 : i32
    %dma_start3A_78 = arith.constant 0 : i32
    %dma_start3A_79 = tpu.memref_slice %arg6[%dma_start3A_77, %dma_start3A_78] : memref<8192x2048xf32, #tpu.memory_space<hbm>> -> memref<8192x2048xf32, #tpu.memory_space<hbm>>
    tpu.enqueue_indirect_dma source(%arg9 : memref<32x2048xf32, #tpu.memory_space<vmem>>) target(%dma_start3A_79 : memref<8192x2048xf32, #tpu.memory_space<hbm>>) offsets(%arg8 : memref<32xi32, #tpu.memory_space<vmem>>) semaphore(%arg10 : memref<!tpu.dma_semaphore, #tpu.memory_space<semaphore_mem>>)
    %dma_wait3A_80 = arith.constant 0 : i32
    %dma_wait3A_81 = arith.constant 0 : i32
    %dma_wait3A_82 = tpu.memref_slice %arg6[%dma_wait3A_80, %dma_wait3A_81] : memref<8192x2048xf32, #tpu.memory_space<hbm>> -> memref<8192x2048xf32, #tpu.memory_space<hbm>>
    tpu.wait_indirect_dma semaphore(%arg10 : memref<!tpu.dma_semaphore, #tpu.memory_space<semaphore_mem>>) src(%arg9 : memref<32x2048xf32, #tpu.memory_space<vmem>>) dst(%dma_wait3A_82 : memref<8192x2048xf32, #tpu.memory_space<hbm>>)
    %mul3A_83 = arith.constant 8 : i32
    %mul3A_84 = arith.muli %add3A, %mul3A_83 : i32
    %add3A_85 = arith.constant 4 : i32
    %add3A_86 = arith.addi %mul3A_84, %add3A_85 : i32
    "tpu.region"() ({
      %run_scoped3A = tpu.sem_alloc : memref<!tpu.dma_semaphore, #tpu.memory_space<semaphore_mem>>
      %dma_start3A_163 = arith.constant 0 : i32
      %dma_start3A_164 = tpu.memref_slice %arg4[%add3A_86, %dma_start3A_163] : memref<256x32xi32, #tpu.memory_space<hbm>> -> memref<1x32xi32, #tpu.memory_space<hbm>>
      %dma_start3A_165 = tpu.memref_squeeze %dma_start3A_164 : memref<1x32xi32, #tpu.memory_space<hbm>> -> memref<32xi32, #tpu.memory_space<hbm>>
      %dma_start3A_166 = arith.constant 0 : i32
      %dma_start3A_167 = tpu.memref_slice %arg4[%add3A_86, %dma_start3A_166] : memref<256x32xi32, #tpu.memory_space<hbm>> -> memref<1x32xi32, #tpu.memory_space<hbm>>
      %dma_start3A_168 = tpu.memref_squeeze %dma_start3A_167 : memref<1x32xi32, #tpu.memory_space<hbm>> -> memref<32xi32, #tpu.memory_space<hbm>>
      tpu.enqueue_dma source(%dma_start3A_168 : memref<32xi32, #tpu.memory_space<hbm>>) target(%arg7 : memref<32xi32, #tpu.memory_space<vmem>>) target_semaphore(%run_scoped3A : memref<!tpu.dma_semaphore, #tpu.memory_space<semaphore_mem>>)
      %dma_wait3A_169 = arith.constant 0 : i32
      %dma_wait3A_170 = tpu.memref_slice %arg4[%add3A_86, %dma_wait3A_169] : memref<256x32xi32, #tpu.memory_space<hbm>> -> memref<1x32xi32, #tpu.memory_space<hbm>>
      %dma_wait3A_171 = tpu.memref_squeeze %dma_wait3A_170 : memref<1x32xi32, #tpu.memory_space<hbm>> -> memref<32xi32, #tpu.memory_space<hbm>>
      %dma_wait3A_172 = arith.constant 0 : i32
      %dma_wait3A_173 = tpu.memref_slice %arg4[%add3A_86, %dma_wait3A_172] : memref<256x32xi32, #tpu.memory_space<hbm>> -> memref<1x32xi32, #tpu.memory_space<hbm>>
      %dma_wait3A_174 = tpu.memref_squeeze %dma_wait3A_173 : memref<1x32xi32, #tpu.memory_space<hbm>> -> memref<32xi32, #tpu.memory_space<hbm>>
      tpu.wait_dma2 semaphore(%run_scoped3A : memref<!tpu.dma_semaphore, #tpu.memory_space<semaphore_mem>>) src(%dma_wait3A_174 : memref<32xi32, #tpu.memory_space<hbm>>) dst(%arg7 : memref<32xi32, #tpu.memory_space<vmem>>)
      tpu.yield
    }) : () -> ()
    %mul3A_87 = arith.constant 8 : i32
    %mul3A_88 = arith.muli %add3A, %mul3A_87 : i32
    %add3A_89 = arith.constant 4 : i32
    %add3A_90 = arith.addi %mul3A_88, %add3A_89 : i32
    "tpu.region"() ({
      %run_scoped3A = tpu.sem_alloc : memref<!tpu.dma_semaphore, #tpu.memory_space<semaphore_mem>>
      %dma_start3A_163 = arith.constant 0 : i32
      %dma_start3A_164 = tpu.memref_slice %arg5[%add3A_90, %dma_start3A_163] : memref<256x32xi32, #tpu.memory_space<hbm>> -> memref<1x32xi32, #tpu.memory_space<hbm>>
      %dma_start3A_165 = tpu.memref_squeeze %dma_start3A_164 : memref<1x32xi32, #tpu.memory_space<hbm>> -> memref<32xi32, #tpu.memory_space<hbm>>
      %dma_start3A_166 = arith.constant 0 : i32
      %dma_start3A_167 = tpu.memref_slice %arg5[%add3A_90, %dma_start3A_166] : memref<256x32xi32, #tpu.memory_space<hbm>> -> memref<1x32xi32, #tpu.memory_space<hbm>>
      %dma_start3A_168 = tpu.memref_squeeze %dma_start3A_167 : memref<1x32xi32, #tpu.memory_space<hbm>> -> memref<32xi32, #tpu.memory_space<hbm>>
      tpu.enqueue_dma source(%dma_start3A_168 : memref<32xi32, #tpu.memory_space<hbm>>) target(%arg8 : memref<32xi32, #tpu.memory_space<vmem>>) target_semaphore(%run_scoped3A : memref<!tpu.dma_semaphore, #tpu.memory_space<semaphore_mem>>)
      %dma_wait3A_169 = arith.constant 0 : i32
      %dma_wait3A_170 = tpu.memref_slice %arg5[%add3A_90, %dma_wait3A_169] : memref<256x32xi32, #tpu.memory_space<hbm>> -> memref<1x32xi32, #tpu.memory_space<hbm>>
      %dma_wait3A_171 = tpu.memref_squeeze %dma_wait3A_170 : memref<1x32xi32, #tpu.memory_space<hbm>> -> memref<32xi32, #tpu.memory_space<hbm>>
      %dma_wait3A_172 = arith.constant 0 : i32
      %dma_wait3A_173 = tpu.memref_slice %arg5[%add3A_90, %dma_wait3A_172] : memref<256x32xi32, #tpu.memory_space<hbm>> -> memref<1x32xi32, #tpu.memory_space<hbm>>
      %dma_wait3A_174 = tpu.memref_squeeze %dma_wait3A_173 : memref<1x32xi32, #tpu.memory_space<hbm>> -> memref<32xi32, #tpu.memory_space<hbm>>
      tpu.wait_dma2 semaphore(%run_scoped3A : memref<!tpu.dma_semaphore, #tpu.memory_space<semaphore_mem>>) src(%dma_wait3A_174 : memref<32xi32, #tpu.memory_space<hbm>>) dst(%arg8 : memref<32xi32, #tpu.memory_space<vmem>>)
      tpu.yield
    }) : () -> ()
    %dma_start3A_91 = arith.constant 0 : i32
    %dma_start3A_92 = arith.constant 0 : i32
    %dma_start3A_93 = tpu.memref_slice %arg3[%dma_start3A_91, %dma_start3A_92] : memref<8192x2048xf32, #tpu.memory_space<hbm>> -> memref<8192x2048xf32, #tpu.memory_space<hbm>>
    tpu.enqueue_indirect_dma source(%dma_start3A_93 : memref<8192x2048xf32, #tpu.memory_space<hbm>>) target(%arg9 : memref<32x2048xf32, #tpu.memory_space<vmem>>) offsets(%arg7 : memref<32xi32, #tpu.memory_space<vmem>>) semaphore(%arg10 : memref<!tpu.dma_semaphore, #tpu.memory_space<semaphore_mem>>)
    %dma_wait3A_94 = arith.constant 0 : i32
    %dma_wait3A_95 = arith.constant 0 : i32
    %dma_wait3A_96 = tpu.memref_slice %arg3[%dma_wait3A_94, %dma_wait3A_95] : memref<8192x2048xf32, #tpu.memory_space<hbm>> -> memref<8192x2048xf32, #tpu.memory_space<hbm>>
    tpu.wait_indirect_dma semaphore(%arg10 : memref<!tpu.dma_semaphore, #tpu.memory_space<semaphore_mem>>) src(%dma_wait3A_96 : memref<8192x2048xf32, #tpu.memory_space<hbm>>) dst(%arg9 : memref<32x2048xf32, #tpu.memory_space<vmem>>)
    %dma_start3A_97 = arith.constant 0 : i32
    %dma_start3A_98 = arith.constant 0 : i32
    %dma_start3A_99 = tpu.memref_slice %arg6[%dma_start3A_97, %dma_start3A_98] : memref<8192x2048xf32, #tpu.memory_space<hbm>> -> memref<8192x2048xf32, #tpu.memory_space<hbm>>
    tpu.enqueue_indirect_dma source(%arg9 : memref<32x2048xf32, #tpu.memory_space<vmem>>) target(%dma_start3A_99 : memref<8192x2048xf32, #tpu.memory_space<hbm>>) offsets(%arg8 : memref<32xi32, #tpu.memory_space<vmem>>) semaphore(%arg10 : memref<!tpu.dma_semaphore, #tpu.memory_space<semaphore_mem>>)
    %dma_wait3A_100 = arith.constant 0 : i32
    %dma_wait3A_101 = arith.constant 0 : i32
    %dma_wait3A_102 = tpu.memref_slice %arg6[%dma_wait3A_100, %dma_wait3A_101] : memref<8192x2048xf32, #tpu.memory_space<hbm>> -> memref<8192x2048xf32, #tpu.memory_space<hbm>>
    tpu.wait_indirect_dma semaphore(%arg10 : memref<!tpu.dma_semaphore, #tpu.memory_space<semaphore_mem>>) src(%arg9 : memref<32x2048xf32, #tpu.memory_space<vmem>>) dst(%dma_wait3A_102 : memref<8192x2048xf32, #tpu.memory_space<hbm>>)
    %mul3A_103 = arith.constant 8 : i32
    %mul3A_104 = arith.muli %add3A, %mul3A_103 : i32
    %add3A_105 = arith.constant 5 : i32
    %add3A_106 = arith.addi %mul3A_104, %add3A_105 : i32
    "tpu.region"() ({
      %run_scoped3A = tpu.sem_alloc : memref<!tpu.dma_semaphore, #tpu.memory_space<semaphore_mem>>
      %dma_start3A_163 = arith.constant 0 : i32
      %dma_start3A_164 = tpu.memref_slice %arg4[%add3A_106, %dma_start3A_163] : memref<256x32xi32, #tpu.memory_space<hbm>> -> memref<1x32xi32, #tpu.memory_space<hbm>>
      %dma_start3A_165 = tpu.memref_squeeze %dma_start3A_164 : memref<1x32xi32, #tpu.memory_space<hbm>> -> memref<32xi32, #tpu.memory_space<hbm>>
      %dma_start3A_166 = arith.constant 0 : i32
      %dma_start3A_167 = tpu.memref_slice %arg4[%add3A_106, %dma_start3A_166] : memref<256x32xi32, #tpu.memory_space<hbm>> -> memref<1x32xi32, #tpu.memory_space<hbm>>
      %dma_start3A_168 = tpu.memref_squeeze %dma_start3A_167 : memref<1x32xi32, #tpu.memory_space<hbm>> -> memref<32xi32, #tpu.memory_space<hbm>>
      tpu.enqueue_dma source(%dma_start3A_168 : memref<32xi32, #tpu.memory_space<hbm>>) target(%arg7 : memref<32xi32, #tpu.memory_space<vmem>>) target_semaphore(%run_scoped3A : memref<!tpu.dma_semaphore, #tpu.memory_space<semaphore_mem>>)
      %dma_wait3A_169 = arith.constant 0 : i32
      %dma_wait3A_170 = tpu.memref_slice %arg4[%add3A_106, %dma_wait3A_169] : memref<256x32xi32, #tpu.memory_space<hbm>> -> memref<1x32xi32, #tpu.memory_space<hbm>>
      %dma_wait3A_171 = tpu.memref_squeeze %dma_wait3A_170 : memref<1x32xi32, #tpu.memory_space<hbm>> -> memref<32xi32, #tpu.memory_space<hbm>>
      %dma_wait3A_172 = arith.constant 0 : i32
      %dma_wait3A_173 = tpu.memref_slice %arg4[%add3A_106, %dma_wait3A_172] : memref<256x32xi32, #tpu.memory_space<hbm>> -> memref<1x32xi32, #tpu.memory_space<hbm>>
      %dma_wait3A_174 = tpu.memref_squeeze %dma_wait3A_173 : memref<1x32xi32, #tpu.memory_space<hbm>> -> memref<32xi32, #tpu.memory_space<hbm>>
      tpu.wait_dma2 semaphore(%run_scoped3A : memref<!tpu.dma_semaphore, #tpu.memory_space<semaphore_mem>>) src(%dma_wait3A_174 : memref<32xi32, #tpu.memory_space<hbm>>) dst(%arg7 : memref<32xi32, #tpu.memory_space<vmem>>)
      tpu.yield
    }) : () -> ()
    %mul3A_107 = arith.constant 8 : i32
    %mul3A_108 = arith.muli %add3A, %mul3A_107 : i32
    %add3A_109 = arith.constant 5 : i32
    %add3A_110 = arith.addi %mul3A_108, %add3A_109 : i32
    "tpu.region"() ({
      %run_scoped3A = tpu.sem_alloc : memref<!tpu.dma_semaphore, #tpu.memory_space<semaphore_mem>>
      %dma_start3A_163 = arith.constant 0 : i32
      %dma_start3A_164 = tpu.memref_slice %arg5[%add3A_110, %dma_start3A_163] : memref<256x32xi32, #tpu.memory_space<hbm>> -> memref<1x32xi32, #tpu.memory_space<hbm>>
      %dma_start3A_165 = tpu.memref_squeeze %dma_start3A_164 : memref<1x32xi32, #tpu.memory_space<hbm>> -> memref<32xi32, #tpu.memory_space<hbm>>
      %dma_start3A_166 = arith.constant 0 : i32
      %dma_start3A_167 = tpu.memref_slice %arg5[%add3A_110, %dma_start3A_166] : memref<256x32xi32, #tpu.memory_space<hbm>> -> memref<1x32xi32, #tpu.memory_space<hbm>>
      %dma_start3A_168 = tpu.memref_squeeze %dma_start3A_167 : memref<1x32xi32, #tpu.memory_space<hbm>> -> memref<32xi32, #tpu.memory_space<hbm>>
      tpu.enqueue_dma source(%dma_start3A_168 : memref<32xi32, #tpu.memory_space<hbm>>) target(%arg8 : memref<32xi32, #tpu.memory_space<vmem>>) target_semaphore(%run_scoped3A : memref<!tpu.dma_semaphore, #tpu.memory_space<semaphore_mem>>)
      %dma_wait3A_169 = arith.constant 0 : i32
      %dma_wait3A_170 = tpu.memref_slice %arg5[%add3A_110, %dma_wait3A_169] : memref<256x32xi32, #tpu.memory_space<hbm>> -> memref<1x32xi32, #tpu.memory_space<hbm>>
      %dma_wait3A_171 = tpu.memref_squeeze %dma_wait3A_170 : memref<1x32xi32, #tpu.memory_space<hbm>> -> memref<32xi32, #tpu.memory_space<hbm>>
      %dma_wait3A_172 = arith.constant 0 : i32
      %dma_wait3A_173 = tpu.memref_slice %arg5[%add3A_110, %dma_wait3A_172] : memref<256x32xi32, #tpu.memory_space<hbm>> -> memref<1x32xi32, #tpu.memory_space<hbm>>
      %dma_wait3A_174 = tpu.memref_squeeze %dma_wait3A_173 : memref<1x32xi32, #tpu.memory_space<hbm>> -> memref<32xi32, #tpu.memory_space<hbm>>
      tpu.wait_dma2 semaphore(%run_scoped3A : memref<!tpu.dma_semaphore, #tpu.memory_space<semaphore_mem>>) src(%dma_wait3A_174 : memref<32xi32, #tpu.memory_space<hbm>>) dst(%arg8 : memref<32xi32, #tpu.memory_space<vmem>>)
      tpu.yield
    }) : () -> ()
    %dma_start3A_111 = arith.constant 0 : i32
    %dma_start3A_112 = arith.constant 0 : i32
    %dma_start3A_113 = tpu.memref_slice %arg3[%dma_start3A_111, %dma_start3A_112] : memref<8192x2048xf32, #tpu.memory_space<hbm>> -> memref<8192x2048xf32, #tpu.memory_space<hbm>>
    tpu.enqueue_indirect_dma source(%dma_start3A_113 : memref<8192x2048xf32, #tpu.memory_space<hbm>>) target(%arg9 : memref<32x2048xf32, #tpu.memory_space<vmem>>) offsets(%arg7 : memref<32xi32, #tpu.memory_space<vmem>>) semaphore(%arg10 : memref<!tpu.dma_semaphore, #tpu.memory_space<semaphore_mem>>)
    %dma_wait3A_114 = arith.constant 0 : i32
    %dma_wait3A_115 = arith.constant 0 : i32
    %dma_wait3A_116 = tpu.memref_slice %arg3[%dma_wait3A_114, %dma_wait3A_115] : memref<8192x2048xf32, #tpu.memory_space<hbm>> -> memref<8192x2048xf32, #tpu.memory_space<hbm>>
    tpu.wait_indirect_dma semaphore(%arg10 : memref<!tpu.dma_semaphore, #tpu.memory_space<semaphore_mem>>) src(%dma_wait3A_116 : memref<8192x2048xf32, #tpu.memory_space<hbm>>) dst(%arg9 : memref<32x2048xf32, #tpu.memory_space<vmem>>)
    %dma_start3A_117 = arith.constant 0 : i32
    %dma_start3A_118 = arith.constant 0 : i32
    %dma_start3A_119 = tpu.memref_slice %arg6[%dma_start3A_117, %dma_start3A_118] : memref<8192x2048xf32, #tpu.memory_space<hbm>> -> memref<8192x2048xf32, #tpu.memory_space<hbm>>
    tpu.enqueue_indirect_dma source(%arg9 : memref<32x2048xf32, #tpu.memory_space<vmem>>) target(%dma_start3A_119 : memref<8192x2048xf32, #tpu.memory_space<hbm>>) offsets(%arg8 : memref<32xi32, #tpu.memory_space<vmem>>) semaphore(%arg10 : memref<!tpu.dma_semaphore, #tpu.memory_space<semaphore_mem>>)
    %dma_wait3A_120 = arith.constant 0 : i32
    %dma_wait3A_121 = arith.constant 0 : i32
    %dma_wait3A_122 = tpu.memref_slice %arg6[%dma_wait3A_120, %dma_wait3A_121] : memref<8192x2048xf32, #tpu.memory_space<hbm>> -> memref<8192x2048xf32, #tpu.memory_space<hbm>>
    tpu.wait_indirect_dma semaphore(%arg10 : memref<!tpu.dma_semaphore, #tpu.memory_space<semaphore_mem>>) src(%arg9 : memref<32x2048xf32, #tpu.memory_space<vmem>>) dst(%dma_wait3A_122 : memref<8192x2048xf32, #tpu.memory_space<hbm>>)
    %mul3A_123 = arith.constant 8 : i32
    %mul3A_124 = arith.muli %add3A, %mul3A_123 : i32
    %add3A_125 = arith.constant 6 : i32
    %add3A_126 = arith.addi %mul3A_124, %add3A_125 : i32
    "tpu.region"() ({
      %run_scoped3A = tpu.sem_alloc : memref<!tpu.dma_semaphore, #tpu.memory_space<semaphore_mem>>
      %dma_start3A_163 = arith.constant 0 : i32
      %dma_start3A_164 = tpu.memref_slice %arg4[%add3A_126, %dma_start3A_163] : memref<256x32xi32, #tpu.memory_space<hbm>> -> memref<1x32xi32, #tpu.memory_space<hbm>>
      %dma_start3A_165 = tpu.memref_squeeze %dma_start3A_164 : memref<1x32xi32, #tpu.memory_space<hbm>> -> memref<32xi32, #tpu.memory_space<hbm>>
      %dma_start3A_166 = arith.constant 0 : i32
      %dma_start3A_167 = tpu.memref_slice %arg4[%add3A_126, %dma_start3A_166] : memref<256x32xi32, #tpu.memory_space<hbm>> -> memref<1x32xi32, #tpu.memory_space<hbm>>
      %dma_start3A_168 = tpu.memref_squeeze %dma_start3A_167 : memref<1x32xi32, #tpu.memory_space<hbm>> -> memref<32xi32, #tpu.memory_space<hbm>>
      tpu.enqueue_dma source(%dma_start3A_168 : memref<32xi32, #tpu.memory_space<hbm>>) target(%arg7 : memref<32xi32, #tpu.memory_space<vmem>>) target_semaphore(%run_scoped3A : memref<!tpu.dma_semaphore, #tpu.memory_space<semaphore_mem>>)
      %dma_wait3A_169 = arith.constant 0 : i32
      %dma_wait3A_170 = tpu.memref_slice %arg4[%add3A_126, %dma_wait3A_169] : memref<256x32xi32, #tpu.memory_space<hbm>> -> memref<1x32xi32, #tpu.memory_space<hbm>>
      %dma_wait3A_171 = tpu.memref_squeeze %dma_wait3A_170 : memref<1x32xi32, #tpu.memory_space<hbm>> -> memref<32xi32, #tpu.memory_space<hbm>>
      %dma_wait3A_172 = arith.constant 0 : i32
      %dma_wait3A_173 = tpu.memref_slice %arg4[%add3A_126, %dma_wait3A_172] : memref<256x32xi32, #tpu.memory_space<hbm>> -> memref<1x32xi32, #tpu.memory_space<hbm>>
      %dma_wait3A_174 = tpu.memref_squeeze %dma_wait3A_173 : memref<1x32xi32, #tpu.memory_space<hbm>> -> memref<32xi32, #tpu.memory_space<hbm>>
      tpu.wait_dma2 semaphore(%run_scoped3A : memref<!tpu.dma_semaphore, #tpu.memory_space<semaphore_mem>>) src(%dma_wait3A_174 : memref<32xi32, #tpu.memory_space<hbm>>) dst(%arg7 : memref<32xi32, #tpu.memory_space<vmem>>)
      tpu.yield
    }) : () -> ()
    %mul3A_127 = arith.constant 8 : i32
    %mul3A_128 = arith.muli %add3A, %mul3A_127 : i32
    %add3A_129 = arith.constant 6 : i32
    %add3A_130 = arith.addi %mul3A_128, %add3A_129 : i32
    "tpu.region"() ({
      %run_scoped3A = tpu.sem_alloc : memref<!tpu.dma_semaphore, #tpu.memory_space<semaphore_mem>>
      %dma_start3A_163 = arith.constant 0 : i32
      %dma_start3A_164 = tpu.memref_slice %arg5[%add3A_130, %dma_start3A_163] : memref<256x32xi32, #tpu.memory_space<hbm>> -> memref<1x32xi32, #tpu.memory_space<hbm>>
      %dma_start3A_165 = tpu.memref_squeeze %dma_start3A_164 : memref<1x32xi32, #tpu.memory_space<hbm>> -> memref<32xi32, #tpu.memory_space<hbm>>
      %dma_start3A_166 = arith.constant 0 : i32
      %dma_start3A_167 = tpu.memref_slice %arg5[%add3A_130, %dma_start3A_166] : memref<256x32xi32, #tpu.memory_space<hbm>> -> memref<1x32xi32, #tpu.memory_space<hbm>>
      %dma_start3A_168 = tpu.memref_squeeze %dma_start3A_167 : memref<1x32xi32, #tpu.memory_space<hbm>> -> memref<32xi32, #tpu.memory_space<hbm>>
      tpu.enqueue_dma source(%dma_start3A_168 : memref<32xi32, #tpu.memory_space<hbm>>) target(%arg8 : memref<32xi32, #tpu.memory_space<vmem>>) target_semaphore(%run_scoped3A : memref<!tpu.dma_semaphore, #tpu.memory_space<semaphore_mem>>)
      %dma_wait3A_169 = arith.constant 0 : i32
      %dma_wait3A_170 = tpu.memref_slice %arg5[%add3A_130, %dma_wait3A_169] : memref<256x32xi32, #tpu.memory_space<hbm>> -> memref<1x32xi32, #tpu.memory_space<hbm>>
      %dma_wait3A_171 = tpu.memref_squeeze %dma_wait3A_170 : memref<1x32xi32, #tpu.memory_space<hbm>> -> memref<32xi32, #tpu.memory_space<hbm>>
      %dma_wait3A_172 = arith.constant 0 : i32
      %dma_wait3A_173 = tpu.memref_slice %arg5[%add3A_130, %dma_wait3A_172] : memref<256x32xi32, #tpu.memory_space<hbm>> -> memref<1x32xi32, #tpu.memory_space<hbm>>
      %dma_wait3A_174 = tpu.memref_squeeze %dma_wait3A_173 : memref<1x32xi32, #tpu.memory_space<hbm>> -> memref<32xi32, #tpu.memory_space<hbm>>
      tpu.wait_dma2 semaphore(%run_scoped3A : memref<!tpu.dma_semaphore, #tpu.memory_space<semaphore_mem>>) src(%dma_wait3A_174 : memref<32xi32, #tpu.memory_space<hbm>>) dst(%arg8 : memref<32xi32, #tpu.memory_space<vmem>>)
      tpu.yield
    }) : () -> ()
    %dma_start3A_131 = arith.constant 0 : i32
    %dma_start3A_132 = arith.constant 0 : i32
    %dma_start3A_133 = tpu.memref_slice %arg3[%dma_start3A_131, %dma_start3A_132] : memref<8192x2048xf32, #tpu.memory_space<hbm>> -> memref<8192x2048xf32, #tpu.memory_space<hbm>>
    tpu.enqueue_indirect_dma source(%dma_start3A_133 : memref<8192x2048xf32, #tpu.memory_space<hbm>>) target(%arg9 : memref<32x2048xf32, #tpu.memory_space<vmem>>) offsets(%arg7 : memref<32xi32, #tpu.memory_space<vmem>>) semaphore(%arg10 : memref<!tpu.dma_semaphore, #tpu.memory_space<semaphore_mem>>)
    %dma_wait3A_134 = arith.constant 0 : i32
    %dma_wait3A_135 = arith.constant 0 : i32
    %dma_wait3A_136 = tpu.memref_slice %arg3[%dma_wait3A_134, %dma_wait3A_135] : memref<8192x2048xf32, #tpu.memory_space<hbm>> -> memref<8192x2048xf32, #tpu.memory_space<hbm>>
    tpu.wait_indirect_dma semaphore(%arg10 : memref<!tpu.dma_semaphore, #tpu.memory_space<semaphore_mem>>) src(%dma_wait3A_136 : memref<8192x2048xf32, #tpu.memory_space<hbm>>) dst(%arg9 : memref<32x2048xf32, #tpu.memory_space<vmem>>)
    %dma_start3A_137 = arith.constant 0 : i32
    %dma_start3A_138 = arith.constant 0 : i32
    %dma_start3A_139 = tpu.memref_slice %arg6[%dma_start3A_137, %dma_start3A_138] : memref<8192x2048xf32, #tpu.memory_space<hbm>> -> memref<8192x2048xf32, #tpu.memory_space<hbm>>
    tpu.enqueue_indirect_dma source(%arg9 : memref<32x2048xf32, #tpu.memory_space<vmem>>) target(%dma_start3A_139 : memref<8192x2048xf32, #tpu.memory_space<hbm>>) offsets(%arg8 : memref<32xi32, #tpu.memory_space<vmem>>) semaphore(%arg10 : memref<!tpu.dma_semaphore, #tpu.memory_space<semaphore_mem>>)
    %dma_wait3A_140 = arith.constant 0 : i32
    %dma_wait3A_141 = arith.constant 0 : i32
    %dma_wait3A_142 = tpu.memref_slice %arg6[%dma_wait3A_140, %dma_wait3A_141] : memref<8192x2048xf32, #tpu.memory_space<hbm>> -> memref<8192x2048xf32, #tpu.memory_space<hbm>>
    tpu.wait_indirect_dma semaphore(%arg10 : memref<!tpu.dma_semaphore, #tpu.memory_space<semaphore_mem>>) src(%arg9 : memref<32x2048xf32, #tpu.memory_space<vmem>>) dst(%dma_wait3A_142 : memref<8192x2048xf32, #tpu.memory_space<hbm>>)
    %mul3A_143 = arith.constant 8 : i32
    %mul3A_144 = arith.muli %add3A, %mul3A_143 : i32
    %add3A_145 = arith.constant 7 : i32
    %add3A_146 = arith.addi %mul3A_144, %add3A_145 : i32
    "tpu.region"() ({
      %run_scoped3A = tpu.sem_alloc : memref<!tpu.dma_semaphore, #tpu.memory_space<semaphore_mem>>
      %dma_start3A_163 = arith.constant 0 : i32
      %dma_start3A_164 = tpu.memref_slice %arg4[%add3A_146, %dma_start3A_163] : memref<256x32xi32, #tpu.memory_space<hbm>> -> memref<1x32xi32, #tpu.memory_space<hbm>>
      %dma_start3A_165 = tpu.memref_squeeze %dma_start3A_164 : memref<1x32xi32, #tpu.memory_space<hbm>> -> memref<32xi32, #tpu.memory_space<hbm>>
      %dma_start3A_166 = arith.constant 0 : i32
      %dma_start3A_167 = tpu.memref_slice %arg4[%add3A_146, %dma_start3A_166] : memref<256x32xi32, #tpu.memory_space<hbm>> -> memref<1x32xi32, #tpu.memory_space<hbm>>
      %dma_start3A_168 = tpu.memref_squeeze %dma_start3A_167 : memref<1x32xi32, #tpu.memory_space<hbm>> -> memref<32xi32, #tpu.memory_space<hbm>>
      tpu.enqueue_dma source(%dma_start3A_168 : memref<32xi32, #tpu.memory_space<hbm>>) target(%arg7 : memref<32xi32, #tpu.memory_space<vmem>>) target_semaphore(%run_scoped3A : memref<!tpu.dma_semaphore, #tpu.memory_space<semaphore_mem>>)
      %dma_wait3A_169 = arith.constant 0 : i32
      %dma_wait3A_170 = tpu.memref_slice %arg4[%add3A_146, %dma_wait3A_169] : memref<256x32xi32, #tpu.memory_space<hbm>> -> memref<1x32xi32, #tpu.memory_space<hbm>>
      %dma_wait3A_171 = tpu.memref_squeeze %dma_wait3A_170 : memref<1x32xi32, #tpu.memory_space<hbm>> -> memref<32xi32, #tpu.memory_space<hbm>>
      %dma_wait3A_172 = arith.constant 0 : i32
      %dma_wait3A_173 = tpu.memref_slice %arg4[%add3A_146, %dma_wait3A_172] : memref<256x32xi32, #tpu.memory_space<hbm>> -> memref<1x32xi32, #tpu.memory_space<hbm>>
      %dma_wait3A_174 = tpu.memref_squeeze %dma_wait3A_173 : memref<1x32xi32, #tpu.memory_space<hbm>> -> memref<32xi32, #tpu.memory_space<hbm>>
      tpu.wait_dma2 semaphore(%run_scoped3A : memref<!tpu.dma_semaphore, #tpu.memory_space<semaphore_mem>>) src(%dma_wait3A_174 : memref<32xi32, #tpu.memory_space<hbm>>) dst(%arg7 : memref<32xi32, #tpu.memory_space<vmem>>)
      tpu.yield
    }) : () -> ()
    %mul3A_147 = arith.constant 8 : i32
    %mul3A_148 = arith.muli %add3A, %mul3A_147 : i32
    %add3A_149 = arith.constant 7 : i32
    %add3A_150 = arith.addi %mul3A_148, %add3A_149 : i32
    "tpu.region"() ({
      %run_scoped3A = tpu.sem_alloc : memref<!tpu.dma_semaphore, #tpu.memory_space<semaphore_mem>>
      %dma_start3A_163 = arith.constant 0 : i32
      %dma_start3A_164 = tpu.memref_slice %arg5[%add3A_150, %dma_start3A_163] : memref<256x32xi32, #tpu.memory_space<hbm>> -> memref<1x32xi32, #tpu.memory_space<hbm>>
      %dma_start3A_165 = tpu.memref_squeeze %dma_start3A_164 : memref<1x32xi32, #tpu.memory_space<hbm>> -> memref<32xi32, #tpu.memory_space<hbm>>
      %dma_start3A_166 = arith.constant 0 : i32
      %dma_start3A_167 = tpu.memref_slice %arg5[%add3A_150, %dma_start3A_166] : memref<256x32xi32, #tpu.memory_space<hbm>> -> memref<1x32xi32, #tpu.memory_space<hbm>>
      %dma_start3A_168 = tpu.memref_squeeze %dma_start3A_167 : memref<1x32xi32, #tpu.memory_space<hbm>> -> memref<32xi32, #tpu.memory_space<hbm>>
      tpu.enqueue_dma source(%dma_start3A_168 : memref<32xi32, #tpu.memory_space<hbm>>) target(%arg8 : memref<32xi32, #tpu.memory_space<vmem>>) target_semaphore(%run_scoped3A : memref<!tpu.dma_semaphore, #tpu.memory_space<semaphore_mem>>)
      %dma_wait3A_169 = arith.constant 0 : i32
      %dma_wait3A_170 = tpu.memref_slice %arg5[%add3A_150, %dma_wait3A_169] : memref<256x32xi32, #tpu.memory_space<hbm>> -> memref<1x32xi32, #tpu.memory_space<hbm>>
      %dma_wait3A_171 = tpu.memref_squeeze %dma_wait3A_170 : memref<1x32xi32, #tpu.memory_space<hbm>> -> memref<32xi32, #tpu.memory_space<hbm>>
      %dma_wait3A_172 = arith.constant 0 : i32
      %dma_wait3A_173 = tpu.memref_slice %arg5[%add3A_150, %dma_wait3A_172] : memref<256x32xi32, #tpu.memory_space<hbm>> -> memref<1x32xi32, #tpu.memory_space<hbm>>
      %dma_wait3A_174 = tpu.memref_squeeze %dma_wait3A_173 : memref<1x32xi32, #tpu.memory_space<hbm>> -> memref<32xi32, #tpu.memory_space<hbm>>
      tpu.wait_dma2 semaphore(%run_scoped3A : memref<!tpu.dma_semaphore, #tpu.memory_space<semaphore_mem>>) src(%dma_wait3A_174 : memref<32xi32, #tpu.memory_space<hbm>>) dst(%arg8 : memref<32xi32, #tpu.memory_space<vmem>>)
      tpu.yield
    }) : () -> ()
    %dma_start3A_151 = arith.constant 0 : i32
    %dma_start3A_152 = arith.constant 0 : i32
    %dma_start3A_153 = tpu.memref_slice %arg3[%dma_start3A_151, %dma_start3A_152] : memref<8192x2048xf32, #tpu.memory_space<hbm>> -> memref<8192x2048xf32, #tpu.memory_space<hbm>>
    tpu.enqueue_indirect_dma source(%dma_start3A_153 : memref<8192x2048xf32, #tpu.memory_space<hbm>>) target(%arg9 : memref<32x2048xf32, #tpu.memory_space<vmem>>) offsets(%arg7 : memref<32xi32, #tpu.memory_space<vmem>>) semaphore(%arg10 : memref<!tpu.dma_semaphore, #tpu.memory_space<semaphore_mem>>)
    %dma_wait3A_154 = arith.constant 0 : i32
    %dma_wait3A_155 = arith.constant 0 : i32
    %dma_wait3A_156 = tpu.memref_slice %arg3[%dma_wait3A_154, %dma_wait3A_155] : memref<8192x2048xf32, #tpu.memory_space<hbm>> -> memref<8192x2048xf32, #tpu.memory_space<hbm>>
    tpu.wait_indirect_dma semaphore(%arg10 : memref<!tpu.dma_semaphore, #tpu.memory_space<semaphore_mem>>) src(%dma_wait3A_156 : memref<8192x2048xf32, #tpu.memory_space<hbm>>) dst(%arg9 : memref<32x2048xf32, #tpu.memory_space<vmem>>)
    %dma_start3A_157 = arith.constant 0 : i32
    %dma_start3A_158 = arith.constant 0 : i32
    %dma_start3A_159 = tpu.memref_slice %arg6[%dma_start3A_157, %dma_start3A_158] : memref<8192x2048xf32, #tpu.memory_space<hbm>> -> memref<8192x2048xf32, #tpu.memory_space<hbm>>
    tpu.enqueue_indirect_dma source(%arg9 : memref<32x2048xf32, #tpu.memory_space<vmem>>) target(%dma_start3A_159 : memref<8192x2048xf32, #tpu.memory_space<hbm>>) offsets(%arg8 : memref<32xi32, #tpu.memory_space<vmem>>) semaphore(%arg10 : memref<!tpu.dma_semaphore, #tpu.memory_space<semaphore_mem>>)
    %dma_wait3A_160 = arith.constant 0 : i32
    %dma_wait3A_161 = arith.constant 0 : i32
    %dma_wait3A_162 = tpu.memref_slice %arg6[%dma_wait3A_160, %dma_wait3A_161] : memref<8192x2048xf32, #tpu.memory_space<hbm>> -> memref<8192x2048xf32, #tpu.memory_space<hbm>>
    tpu.wait_indirect_dma semaphore(%arg10 : memref<!tpu.dma_semaphore, #tpu.memory_space<semaphore_mem>>) src(%arg9 : memref<32x2048xf32, #tpu.memory_space<vmem>>) dst(%dma_wait3A_162 : memref<8192x2048xf32, #tpu.memory_space<hbm>>)
    return
  }
}

module attributes {stable_mosaic.version = 14 : i64} {
  func.func @_tc_body(%arg0: i32, %arg1: memref<2xi32, #tpu.memory_space<smem>>, %arg2: memref<256x2048xf32, #tpu.memory_space<vmem>>, %arg3: memref<256x1xi32, #tpu.memory_space<vmem>>, %arg4: memref<256x1xf32, #tpu.memory_space<vmem>>, %arg5: memref<256x2048xf32, #tpu.memory_space<vmem>>) attributes {dimension_semantics = [#tpu.dimension_semantics<arbitrary>], iteration_bounds = array<i64: 32>, scalar_prefetch = 1 : i64, scratch_operands = 0 : i64, tpu.core_type = #tpu.core_type<tc>, window_params = [{transform_indices = @transform_0, window_bounds = array<i64: 256, 2048>}, {transform_indices = @transform_1, window_bounds = array<i64: 256, 1>}, {transform_indices = @transform_2, window_bounds = array<i64: 256, 1>}, {transform_indices = @transform_3, window_bounds = array<i64: 256, 2048>}]} {
    %iota3A = tpu.iota {dimensions = array<i32: 1>} : vector<8x2048xi32>
    %get3A = arith.constant 0 : index
    %get3A_0 = memref.load %arg1[%get3A] : memref<2xi32, #tpu.memory_space<smem>>
    %lt3A = arith.cmpi slt, %arg0, %get3A_0 : i32
    %convert_element_type3A = arith.extui %lt3A : i1 to i32
    %cond3A = arith.constant 0 : i32
    %cond3A_1 = arith.cmpi ne, %convert_element_type3A, %cond3A : i32
    scf.if %cond3A_1 {
      %scan3A = arith.constant 0 : i32
      %scan3A_2 = arith.constant 32 : i32
      %scan3A_3 = arith.addi %scan3A, %scan3A_2 : i32
      %scan3A_4 = arith.constant 1 : i32
      scf.for %scan3A_6 = %scan3A to %scan3A_3 step %scan3A_4  : i32 {
        %mul3A = arith.constant 8 : i32
        %mul3A_7 = arith.muli %scan3A_6, %mul3A : i32
        %get3A_8 = arith.index_cast %mul3A_7 : i32 to index
        %get3A_9 = arith.constant 0 : index
        %get3A_10 = vector.load %arg3[%get3A_8, %get3A_9] : memref<256x1xi32, #tpu.memory_space<vmem>>, vector<8x1xi32>
        %add3A = vector.broadcast %get3A_10 : vector<8x1xi32> to vector<8x2048xi32>
        %add3A_11 = arith.addi %iota3A, %add3A : vector<8x2048xi32>
        %shift_left3A = arith.constant 13 : i32
        %shift_left3A_12 = vector.broadcast %shift_left3A : i32 to vector<8x2048xi32>
        %shift_left3A_13 = arith.shli %add3A_11, %shift_left3A_12 : vector<8x2048xi32>
        %shift_right_logical3A = arith.constant 19 : i32
        %shift_right_logical3A_14 = vector.broadcast %shift_right_logical3A : i32 to vector<8x2048xi32>
        %shift_right_logical3A_15 = arith.shrui %add3A_11, %shift_right_logical3A_14 : vector<8x2048xi32>
        %or3A = arith.ori %shift_left3A_13, %shift_right_logical3A_15 : vector<8x2048xi32>
        %xor3A = arith.xori %add3A_11, %or3A : vector<8x2048xi32>
        %add3A_16 = arith.addi %add3A_11, %xor3A : vector<8x2048xi32>
        %shift_left3A_17 = arith.constant 15 : i32
        %shift_left3A_18 = vector.broadcast %shift_left3A_17 : i32 to vector<8x2048xi32>
        %shift_left3A_19 = arith.shli %xor3A, %shift_left3A_18 : vector<8x2048xi32>
        %shift_right_logical3A_20 = arith.constant 17 : i32
        %shift_right_logical3A_21 = vector.broadcast %shift_right_logical3A_20 : i32 to vector<8x2048xi32>
        %shift_right_logical3A_22 = arith.shrui %xor3A, %shift_right_logical3A_21 : vector<8x2048xi32>
        %or3A_23 = arith.ori %shift_left3A_19, %shift_right_logical3A_22 : vector<8x2048xi32>
        %xor3A_24 = arith.xori %add3A_16, %or3A_23 : vector<8x2048xi32>
        %add3A_25 = arith.addi %add3A_16, %xor3A_24 : vector<8x2048xi32>
        %shift_left3A_26 = arith.constant 26 : i32
        %shift_left3A_27 = vector.broadcast %shift_left3A_26 : i32 to vector<8x2048xi32>
        %shift_left3A_28 = arith.shli %xor3A_24, %shift_left3A_27 : vector<8x2048xi32>
        %shift_right_logical3A_29 = arith.constant 6 : i32
        %shift_right_logical3A_30 = vector.broadcast %shift_right_logical3A_29 : i32 to vector<8x2048xi32>
        %shift_right_logical3A_31 = arith.shrui %xor3A_24, %shift_right_logical3A_30 : vector<8x2048xi32>
        %or3A_32 = arith.ori %shift_left3A_28, %shift_right_logical3A_31 : vector<8x2048xi32>
        %xor3A_33 = arith.xori %add3A_25, %or3A_32 : vector<8x2048xi32>
        %add3A_34 = arith.addi %add3A_25, %xor3A_33 : vector<8x2048xi32>
        %shift_left3A_35 = arith.constant 6 : i32
        %shift_left3A_36 = vector.broadcast %shift_left3A_35 : i32 to vector<8x2048xi32>
        %shift_left3A_37 = arith.shli %xor3A_33, %shift_left3A_36 : vector<8x2048xi32>
        %shift_right_logical3A_38 = arith.constant 26 : i32
        %shift_right_logical3A_39 = vector.broadcast %shift_right_logical3A_38 : i32 to vector<8x2048xi32>
        %shift_right_logical3A_40 = arith.shrui %xor3A_33, %shift_right_logical3A_39 : vector<8x2048xi32>
        %or3A_41 = arith.ori %shift_left3A_37, %shift_right_logical3A_40 : vector<8x2048xi32>
        %xor3A_42 = arith.xori %add3A_34, %or3A_41 : vector<8x2048xi32>
        %add3A_43 = arith.constant 42 : i32
        %add3A_44 = vector.broadcast %add3A_43 : i32 to vector<8x2048xi32>
        %add3A_45 = arith.addi %add3A_34, %add3A_44 : vector<8x2048xi32>
        %add3A_46 = arith.constant 466689009 : i32
        %add3A_47 = vector.broadcast %add3A_46 : i32 to vector<8x2048xi32>
        %add3A_48 = arith.addi %xor3A_42, %add3A_47 : vector<8x2048xi32>
        %add3A_49 = arith.addi %add3A_45, %add3A_48 : vector<8x2048xi32>
        %shift_left3A_50 = arith.constant 17 : i32
        %shift_left3A_51 = vector.broadcast %shift_left3A_50 : i32 to vector<8x2048xi32>
        %shift_left3A_52 = arith.shli %add3A_48, %shift_left3A_51 : vector<8x2048xi32>
        %shift_right_logical3A_53 = arith.constant 15 : i32
        %shift_right_logical3A_54 = vector.broadcast %shift_right_logical3A_53 : i32 to vector<8x2048xi32>
        %shift_right_logical3A_55 = arith.shrui %add3A_48, %shift_right_logical3A_54 : vector<8x2048xi32>
        %or3A_56 = arith.ori %shift_left3A_52, %shift_right_logical3A_55 : vector<8x2048xi32>
        %xor3A_57 = arith.xori %add3A_49, %or3A_56 : vector<8x2048xi32>
        %add3A_58 = arith.addi %add3A_49, %xor3A_57 : vector<8x2048xi32>
        %shift_left3A_59 = arith.constant 29 : i32
        %shift_left3A_60 = vector.broadcast %shift_left3A_59 : i32 to vector<8x2048xi32>
        %shift_left3A_61 = arith.shli %xor3A_57, %shift_left3A_60 : vector<8x2048xi32>
        %shift_right_logical3A_62 = arith.constant 3 : i32
        %shift_right_logical3A_63 = vector.broadcast %shift_right_logical3A_62 : i32 to vector<8x2048xi32>
        %shift_right_logical3A_64 = arith.shrui %xor3A_57, %shift_right_logical3A_63 : vector<8x2048xi32>
        %or3A_65 = arith.ori %shift_left3A_61, %shift_right_logical3A_64 : vector<8x2048xi32>
        %xor3A_66 = arith.xori %add3A_58, %or3A_65 : vector<8x2048xi32>
        %add3A_67 = arith.addi %add3A_58, %xor3A_66 : vector<8x2048xi32>
        %shift_left3A_68 = arith.constant 16 : i32
        %shift_left3A_69 = vector.broadcast %shift_left3A_68 : i32 to vector<8x2048xi32>
        %shift_left3A_70 = arith.shli %xor3A_66, %shift_left3A_69 : vector<8x2048xi32>
        %shift_right_logical3A_71 = arith.constant 16 : i32
        %shift_right_logical3A_72 = vector.broadcast %shift_right_logical3A_71 : i32 to vector<8x2048xi32>
        %shift_right_logical3A_73 = arith.shrui %xor3A_66, %shift_right_logical3A_72 : vector<8x2048xi32>
        %or3A_74 = arith.ori %shift_left3A_70, %shift_right_logical3A_73 : vector<8x2048xi32>
        %xor3A_75 = arith.xori %add3A_67, %or3A_74 : vector<8x2048xi32>
        %add3A_76 = arith.addi %add3A_67, %xor3A_75 : vector<8x2048xi32>
        %shift_left3A_77 = arith.constant 24 : i32
        %shift_left3A_78 = vector.broadcast %shift_left3A_77 : i32 to vector<8x2048xi32>
        %shift_left3A_79 = arith.shli %xor3A_75, %shift_left3A_78 : vector<8x2048xi32>
        %shift_right_logical3A_80 = arith.constant 8 : i32
        %shift_right_logical3A_81 = vector.broadcast %shift_right_logical3A_80 : i32 to vector<8x2048xi32>
        %shift_right_logical3A_82 = arith.shrui %xor3A_75, %shift_right_logical3A_81 : vector<8x2048xi32>
        %or3A_83 = arith.ori %shift_left3A_79, %shift_right_logical3A_82 : vector<8x2048xi32>
        %xor3A_84 = arith.xori %add3A_76, %or3A_83 : vector<8x2048xi32>
        %add3A_85 = arith.constant 466689008 : i32
        %add3A_86 = vector.broadcast %add3A_85 : i32 to vector<8x2048xi32>
        %add3A_87 = arith.addi %add3A_76, %add3A_86 : vector<8x2048xi32>
        %add3A_88 = arith.constant 2 : i32
        %add3A_89 = vector.broadcast %add3A_88 : i32 to vector<8x2048xi32>
        %add3A_90 = arith.addi %xor3A_84, %add3A_89 : vector<8x2048xi32>
        %add3A_91 = arith.addi %add3A_87, %add3A_90 : vector<8x2048xi32>
        %shift_left3A_92 = arith.constant 13 : i32
        %shift_left3A_93 = vector.broadcast %shift_left3A_92 : i32 to vector<8x2048xi32>
        %shift_left3A_94 = arith.shli %add3A_90, %shift_left3A_93 : vector<8x2048xi32>
        %shift_right_logical3A_95 = arith.constant 19 : i32
        %shift_right_logical3A_96 = vector.broadcast %shift_right_logical3A_95 : i32 to vector<8x2048xi32>
        %shift_right_logical3A_97 = arith.shrui %add3A_90, %shift_right_logical3A_96 : vector<8x2048xi32>
        %or3A_98 = arith.ori %shift_left3A_94, %shift_right_logical3A_97 : vector<8x2048xi32>
        %xor3A_99 = arith.xori %add3A_91, %or3A_98 : vector<8x2048xi32>
        %add3A_100 = arith.addi %add3A_91, %xor3A_99 : vector<8x2048xi32>
        %shift_left3A_101 = arith.constant 15 : i32
        %shift_left3A_102 = vector.broadcast %shift_left3A_101 : i32 to vector<8x2048xi32>
        %shift_left3A_103 = arith.shli %xor3A_99, %shift_left3A_102 : vector<8x2048xi32>
        %shift_right_logical3A_104 = arith.constant 17 : i32
        %shift_right_logical3A_105 = vector.broadcast %shift_right_logical3A_104 : i32 to vector<8x2048xi32>
        %shift_right_logical3A_106 = arith.shrui %xor3A_99, %shift_right_logical3A_105 : vector<8x2048xi32>
        %or3A_107 = arith.ori %shift_left3A_103, %shift_right_logical3A_106 : vector<8x2048xi32>
        %xor3A_108 = arith.xori %add3A_100, %or3A_107 : vector<8x2048xi32>
        %add3A_109 = arith.addi %add3A_100, %xor3A_108 : vector<8x2048xi32>
        %shift_left3A_110 = arith.constant 26 : i32
        %shift_left3A_111 = vector.broadcast %shift_left3A_110 : i32 to vector<8x2048xi32>
        %shift_left3A_112 = arith.shli %xor3A_108, %shift_left3A_111 : vector<8x2048xi32>
        %shift_right_logical3A_113 = arith.constant 6 : i32
        %shift_right_logical3A_114 = vector.broadcast %shift_right_logical3A_113 : i32 to vector<8x2048xi32>
        %shift_right_logical3A_115 = arith.shrui %xor3A_108, %shift_right_logical3A_114 : vector<8x2048xi32>
        %or3A_116 = arith.ori %shift_left3A_112, %shift_right_logical3A_115 : vector<8x2048xi32>
        %xor3A_117 = arith.xori %add3A_109, %or3A_116 : vector<8x2048xi32>
        %add3A_118 = arith.addi %add3A_109, %xor3A_117 : vector<8x2048xi32>
        %shift_left3A_119 = arith.constant 6 : i32
        %shift_left3A_120 = vector.broadcast %shift_left3A_119 : i32 to vector<8x2048xi32>
        %shift_left3A_121 = arith.shli %xor3A_117, %shift_left3A_120 : vector<8x2048xi32>
        %shift_right_logical3A_122 = arith.constant 26 : i32
        %shift_right_logical3A_123 = vector.broadcast %shift_right_logical3A_122 : i32 to vector<8x2048xi32>
        %shift_right_logical3A_124 = arith.shrui %xor3A_117, %shift_right_logical3A_123 : vector<8x2048xi32>
        %or3A_125 = arith.ori %shift_left3A_121, %shift_right_logical3A_124 : vector<8x2048xi32>
        %xor3A_126 = arith.xori %add3A_118, %or3A_125 : vector<8x2048xi32>
        %add3A_127 = arith.constant 0 : i32
        %add3A_128 = vector.broadcast %add3A_127 : i32 to vector<8x2048xi32>
        %add3A_129 = arith.addi %add3A_118, %add3A_128 : vector<8x2048xi32>
        %add3A_130 = arith.constant 45 : i32
        %add3A_131 = vector.broadcast %add3A_130 : i32 to vector<8x2048xi32>
        %add3A_132 = arith.addi %xor3A_126, %add3A_131 : vector<8x2048xi32>
        %add3A_133 = arith.addi %add3A_129, %add3A_132 : vector<8x2048xi32>
        %shift_left3A_134 = arith.constant 17 : i32
        %shift_left3A_135 = vector.broadcast %shift_left3A_134 : i32 to vector<8x2048xi32>
        %shift_left3A_136 = arith.shli %add3A_132, %shift_left3A_135 : vector<8x2048xi32>
        %shift_right_logical3A_137 = arith.constant 15 : i32
        %shift_right_logical3A_138 = vector.broadcast %shift_right_logical3A_137 : i32 to vector<8x2048xi32>
        %shift_right_logical3A_139 = arith.shrui %add3A_132, %shift_right_logical3A_138 : vector<8x2048xi32>
        %or3A_140 = arith.ori %shift_left3A_136, %shift_right_logical3A_139 : vector<8x2048xi32>
        %xor3A_141 = arith.xori %add3A_133, %or3A_140 : vector<8x2048xi32>
        %add3A_142 = arith.addi %add3A_133, %xor3A_141 : vector<8x2048xi32>
        %shift_left3A_143 = arith.constant 29 : i32
        %shift_left3A_144 = vector.broadcast %shift_left3A_143 : i32 to vector<8x2048xi32>
        %shift_left3A_145 = arith.shli %xor3A_141, %shift_left3A_144 : vector<8x2048xi32>
        %shift_right_logical3A_146 = arith.constant 3 : i32
        %shift_right_logical3A_147 = vector.broadcast %shift_right_logical3A_146 : i32 to vector<8x2048xi32>
        %shift_right_logical3A_148 = arith.shrui %xor3A_141, %shift_right_logical3A_147 : vector<8x2048xi32>
        %or3A_149 = arith.ori %shift_left3A_145, %shift_right_logical3A_148 : vector<8x2048xi32>
        %xor3A_150 = arith.xori %add3A_142, %or3A_149 : vector<8x2048xi32>
        %add3A_151 = arith.addi %add3A_142, %xor3A_150 : vector<8x2048xi32>
        %shift_left3A_152 = arith.constant 16 : i32
        %shift_left3A_153 = vector.broadcast %shift_left3A_152 : i32 to vector<8x2048xi32>
        %shift_left3A_154 = arith.shli %xor3A_150, %shift_left3A_153 : vector<8x2048xi32>
        %shift_right_logical3A_155 = arith.constant 16 : i32
        %shift_right_logical3A_156 = vector.broadcast %shift_right_logical3A_155 : i32 to vector<8x2048xi32>
        %shift_right_logical3A_157 = arith.shrui %xor3A_150, %shift_right_logical3A_156 : vector<8x2048xi32>
        %or3A_158 = arith.ori %shift_left3A_154, %shift_right_logical3A_157 : vector<8x2048xi32>
        %xor3A_159 = arith.xori %add3A_151, %or3A_158 : vector<8x2048xi32>
        %add3A_160 = arith.addi %add3A_151, %xor3A_159 : vector<8x2048xi32>
        %shift_left3A_161 = arith.constant 24 : i32
        %shift_left3A_162 = vector.broadcast %shift_left3A_161 : i32 to vector<8x2048xi32>
        %shift_left3A_163 = arith.shli %xor3A_159, %shift_left3A_162 : vector<8x2048xi32>
        %shift_right_logical3A_164 = arith.constant 8 : i32
        %shift_right_logical3A_165 = vector.broadcast %shift_right_logical3A_164 : i32 to vector<8x2048xi32>
        %shift_right_logical3A_166 = arith.shrui %xor3A_159, %shift_right_logical3A_165 : vector<8x2048xi32>
        %or3A_167 = arith.ori %shift_left3A_163, %shift_right_logical3A_166 : vector<8x2048xi32>
        %xor3A_168 = arith.xori %add3A_160, %or3A_167 : vector<8x2048xi32>
        %add3A_169 = arith.constant 42 : i32
        %add3A_170 = vector.broadcast %add3A_169 : i32 to vector<8x2048xi32>
        %add3A_171 = arith.addi %add3A_160, %add3A_170 : vector<8x2048xi32>
        %add3A_172 = arith.constant 466689012 : i32
        %add3A_173 = vector.broadcast %add3A_172 : i32 to vector<8x2048xi32>
        %add3A_174 = arith.addi %xor3A_168, %add3A_173 : vector<8x2048xi32>
        %add3A_175 = arith.addi %add3A_171, %add3A_174 : vector<8x2048xi32>
        %shift_left3A_176 = arith.constant 13 : i32
        %shift_left3A_177 = vector.broadcast %shift_left3A_176 : i32 to vector<8x2048xi32>
        %shift_left3A_178 = arith.shli %add3A_174, %shift_left3A_177 : vector<8x2048xi32>
        %shift_right_logical3A_179 = arith.constant 19 : i32
        %shift_right_logical3A_180 = vector.broadcast %shift_right_logical3A_179 : i32 to vector<8x2048xi32>
        %shift_right_logical3A_181 = arith.shrui %add3A_174, %shift_right_logical3A_180 : vector<8x2048xi32>
        %or3A_182 = arith.ori %shift_left3A_178, %shift_right_logical3A_181 : vector<8x2048xi32>
        %xor3A_183 = arith.xori %add3A_175, %or3A_182 : vector<8x2048xi32>
        %add3A_184 = arith.addi %add3A_175, %xor3A_183 : vector<8x2048xi32>
        %shift_left3A_185 = arith.constant 15 : i32
        %shift_left3A_186 = vector.broadcast %shift_left3A_185 : i32 to vector<8x2048xi32>
        %shift_left3A_187 = arith.shli %xor3A_183, %shift_left3A_186 : vector<8x2048xi32>
        %shift_right_logical3A_188 = arith.constant 17 : i32
        %shift_right_logical3A_189 = vector.broadcast %shift_right_logical3A_188 : i32 to vector<8x2048xi32>
        %shift_right_logical3A_190 = arith.shrui %xor3A_183, %shift_right_logical3A_189 : vector<8x2048xi32>
        %or3A_191 = arith.ori %shift_left3A_187, %shift_right_logical3A_190 : vector<8x2048xi32>
        %xor3A_192 = arith.xori %add3A_184, %or3A_191 : vector<8x2048xi32>
        %add3A_193 = arith.addi %add3A_184, %xor3A_192 : vector<8x2048xi32>
        %shift_left3A_194 = arith.constant 26 : i32
        %shift_left3A_195 = vector.broadcast %shift_left3A_194 : i32 to vector<8x2048xi32>
        %shift_left3A_196 = arith.shli %xor3A_192, %shift_left3A_195 : vector<8x2048xi32>
        %shift_right_logical3A_197 = arith.constant 6 : i32
        %shift_right_logical3A_198 = vector.broadcast %shift_right_logical3A_197 : i32 to vector<8x2048xi32>
        %shift_right_logical3A_199 = arith.shrui %xor3A_192, %shift_right_logical3A_198 : vector<8x2048xi32>
        %or3A_200 = arith.ori %shift_left3A_196, %shift_right_logical3A_199 : vector<8x2048xi32>
        %xor3A_201 = arith.xori %add3A_193, %or3A_200 : vector<8x2048xi32>
        %add3A_202 = arith.addi %add3A_193, %xor3A_201 : vector<8x2048xi32>
        %shift_left3A_203 = arith.constant 6 : i32
        %shift_left3A_204 = vector.broadcast %shift_left3A_203 : i32 to vector<8x2048xi32>
        %shift_left3A_205 = arith.shli %xor3A_201, %shift_left3A_204 : vector<8x2048xi32>
        %shift_right_logical3A_206 = arith.constant 26 : i32
        %shift_right_logical3A_207 = vector.broadcast %shift_right_logical3A_206 : i32 to vector<8x2048xi32>
        %shift_right_logical3A_208 = arith.shrui %xor3A_201, %shift_right_logical3A_207 : vector<8x2048xi32>
        %or3A_209 = arith.ori %shift_left3A_205, %shift_right_logical3A_208 : vector<8x2048xi32>
        %xor3A_210 = arith.xori %add3A_202, %or3A_209 : vector<8x2048xi32>
        %add3A_211 = arith.constant 466689008 : i32
        %add3A_212 = vector.broadcast %add3A_211 : i32 to vector<8x2048xi32>
        %add3A_213 = arith.addi %add3A_202, %add3A_212 : vector<8x2048xi32>
        %add3A_214 = arith.constant 5 : i32
        %add3A_215 = vector.broadcast %add3A_214 : i32 to vector<8x2048xi32>
        %add3A_216 = arith.addi %xor3A_210, %add3A_215 : vector<8x2048xi32>
        %xor3A_217 = arith.xori %add3A_213, %add3A_216 : vector<8x2048xi32>
        %shift_right_logical3A_218 = arith.constant 9 : i32
        %shift_right_logical3A_219 = vector.broadcast %shift_right_logical3A_218 : i32 to vector<8x2048xi32>
        %shift_right_logical3A_220 = arith.shrui %xor3A_217, %shift_right_logical3A_219 : vector<8x2048xi32>
        %or3A_221 = arith.constant 1065353216 : i32
        %or3A_222 = vector.broadcast %or3A_221 : i32 to vector<8x2048xi32>
        %or3A_223 = arith.ori %shift_right_logical3A_220, %or3A_222 : vector<8x2048xi32>
        %bitcast_convert_type3A = tpu.bitcast %or3A_223 : vector<8x2048xi32> -> vector<8x2048xf32>
        %mul3A_224 = arith.constant 2.000000e+00 : f32
        %mul3A_225 = vector.broadcast %mul3A_224 : f32 to vector<8x2048xf32>
        %mul3A_226 = arith.mulf %bitcast_convert_type3A, %mul3A_225 : vector<8x2048xf32>
        %add3A_227 = arith.constant -3.000000e+00 : f32
        %add3A_228 = vector.broadcast %add3A_227 : f32 to vector<8x2048xf32>
        %add3A_229 = arith.addf %mul3A_226, %add3A_228 : vector<8x2048xf32>
        %jit3A = arith.constant -0.99999994 : f32
        %jit3A_230 = arith.constant 0.99999994 : f32
        %max3A = vector.broadcast %jit3A : f32 to vector<8x2048xf32>
        %max3A_231 = arith.maximumf %max3A, %add3A_229 : vector<8x2048xf32>
        %min3A = vector.broadcast %jit3A_230 : f32 to vector<8x2048xf32>
        %min3A_232 = arith.minimumf %min3A, %max3A_231 : vector<8x2048xf32>
        %mul3A_233 = arith.mulf %min3A_232, %min3A_232 : vector<8x2048xf32>
        %sub3A = arith.constant 1.000000e+00 : f32
        %sub3A_234 = vector.broadcast %sub3A : f32 to vector<8x2048xf32>
        %sub3A_235 = arith.subf %sub3A_234, %mul3A_233 : vector<8x2048xf32>
        %log3A = math.log %sub3A_235 : vector<8x2048xf32>
        %neg3A = arith.constant 0.000000e+00 : f32
        %neg3A_236 = vector.broadcast %neg3A : f32 to vector<8x2048xf32>
        %neg3A_237 = arith.subf %neg3A_236, %log3A : vector<8x2048xf32>
        %sqrt3A = math.sqrt %neg3A_237 : vector<8x2048xf32>
        %mul3A_238 = arith.constant 3.59501544E-4 : f32
        %mul3A_239 = vector.broadcast %mul3A_238 : f32 to vector<8x2048xf32>
        %mul3A_240 = arith.mulf %mul3A_239, %sqrt3A : vector<8x2048xf32>
        %add3A_241 = arith.constant -0.00670958729 : f32
        %add3A_242 = vector.broadcast %add3A_241 : f32 to vector<8x2048xf32>
        %add3A_243 = arith.addf %add3A_242, %mul3A_240 : vector<8x2048xf32>
        %mul3A_244 = arith.mulf %add3A_243, %sqrt3A : vector<8x2048xf32>
        %add3A_245 = arith.constant 0.0499234721 : f32
        %add3A_246 = vector.broadcast %add3A_245 : f32 to vector<8x2048xf32>
        %add3A_247 = arith.addf %add3A_246, %mul3A_244 : vector<8x2048xf32>
        %mul3A_248 = arith.mulf %add3A_247, %sqrt3A : vector<8x2048xf32>
        %add3A_249 = arith.constant -0.184168503 : f32
        %add3A_250 = vector.broadcast %add3A_249 : f32 to vector<8x2048xf32>
        %add3A_251 = arith.addf %add3A_250, %mul3A_248 : vector<8x2048xf32>
        %mul3A_252 = arith.mulf %add3A_251, %sqrt3A : vector<8x2048xf32>
        %add3A_253 = arith.constant 0.335745752 : f32
        %add3A_254 = vector.broadcast %add3A_253 : f32 to vector<8x2048xf32>
        %add3A_255 = arith.addf %add3A_254, %mul3A_252 : vector<8x2048xf32>
        %mul3A_256 = arith.mulf %add3A_255, %sqrt3A : vector<8x2048xf32>
        %add3A_257 = arith.constant -0.28965041 : f32
        %add3A_258 = vector.broadcast %add3A_257 : f32 to vector<8x2048xf32>
        %add3A_259 = arith.addf %add3A_258, %mul3A_256 : vector<8x2048xf32>
        %mul3A_260 = arith.mulf %add3A_259, %sqrt3A : vector<8x2048xf32>
        %add3A_261 = arith.constant 0.458130211 : f32
        %add3A_262 = vector.broadcast %add3A_261 : f32 to vector<8x2048xf32>
        %add3A_263 = arith.addf %add3A_262, %mul3A_260 : vector<8x2048xf32>
        %mul3A_264 = arith.mulf %add3A_263, %sqrt3A : vector<8x2048xf32>
        %add3A_265 = arith.constant -0.0239820592 : f32
        %add3A_266 = vector.broadcast %add3A_265 : f32 to vector<8x2048xf32>
        %add3A_267 = arith.addf %add3A_266, %mul3A_264 : vector<8x2048xf32>
        %mul3A_268 = arith.mulf %add3A_267, %sqrt3A : vector<8x2048xf32>
        %add3A_269 = arith.constant 1.25437498 : f32
        %add3A_270 = vector.broadcast %add3A_269 : f32 to vector<8x2048xf32>
        %add3A_271 = arith.addf %add3A_270, %mul3A_268 : vector<8x2048xf32>
        %mul3A_272 = arith.mulf %add3A_271, %min3A_232 : vector<8x2048xf32>
        %get3A_273 = arith.index_cast %mul3A_7 : i32 to index
        %get3A_274 = arith.constant 0 : index
        %get3A_275 = vector.load %arg2[%get3A_273, %get3A_274] : memref<256x2048xf32, #tpu.memory_space<vmem>>, vector<8x2048xf32>
        %get3A_276 = arith.index_cast %mul3A_7 : i32 to index
        %get3A_277 = arith.constant 0 : index
        %get3A_278 = vector.load %arg4[%get3A_276, %get3A_277] : memref<256x1xf32, #tpu.memory_space<vmem>>, vector<8x1xf32>
        %sub3A_279 = arith.subf %mul3A_272, %get3A_275 : vector<8x2048xf32>
        %mul3A_280 = vector.broadcast %get3A_278 : vector<8x1xf32> to vector<8x2048xf32>
        %mul3A_281 = arith.mulf %mul3A_280, %sub3A_279 : vector<8x2048xf32>
        %add3A_282 = arith.addf %get3A_275, %mul3A_281 : vector<8x2048xf32>
        %swap3A = arith.index_cast %mul3A_7 : i32 to index
        %swap3A_283 = arith.constant 0 : index
        %swap3A_284 = vector.load %arg5[%swap3A, %swap3A_283] : memref<256x2048xf32, #tpu.memory_space<vmem>>, vector<8x2048xf32>
        tpu.vector_store %arg5[%swap3A, %swap3A_283], %add3A_282 {strides = array<i32>} : memref<256x2048xf32, #tpu.memory_space<vmem>>, vector<8x2048xf32>,
      }
      %scan3A_5 = arith.constant 32 : i32
    } else {
    }
    return
  }
  func.func @transform_0(%arg0: i32, %arg1: memref<2xi32, #tpu.memory_space<smem>>) -> (i32, i32) {
    %get3A = arith.constant 1 : index
    %get3A_0 = memref.load %arg1[%get3A] : memref<2xi32, #tpu.memory_space<smem>>
    %sub3A = arith.constant 1 : i32
    %sub3A_1 = arith.subi %get3A_0, %sub3A : i32
    %min3A = arith.minsi %arg0, %sub3A_1 : i32
    %c0_i32 = arith.constant 0 : i32
    %c0_i32_2 = arith.constant 0 : i32
    return %min3A, %c0_i32 : i32, i32
  }
  func.func @transform_1(%arg0: i32, %arg1: memref<2xi32, #tpu.memory_space<smem>>) -> (i32, i32) {
    %get3A = arith.constant 1 : index
    %get3A_0 = memref.load %arg1[%get3A] : memref<2xi32, #tpu.memory_space<smem>>
    %sub3A = arith.constant 1 : i32
    %sub3A_1 = arith.subi %get3A_0, %sub3A : i32
    %min3A = arith.minsi %arg0, %sub3A_1 : i32
    %c0_i32 = arith.constant 0 : i32
    %c0_i32_2 = arith.constant 0 : i32
    return %min3A, %c0_i32 : i32, i32
  }
  func.func @transform_2(%arg0: i32, %arg1: memref<2xi32, #tpu.memory_space<smem>>) -> (i32, i32) {
    %get3A = arith.constant 1 : index
    %get3A_0 = memref.load %arg1[%get3A] : memref<2xi32, #tpu.memory_space<smem>>
    %sub3A = arith.constant 1 : i32
    %sub3A_1 = arith.subi %get3A_0, %sub3A : i32
    %min3A = arith.minsi %arg0, %sub3A_1 : i32
    %c0_i32 = arith.constant 0 : i32
    %c0_i32_2 = arith.constant 0 : i32
    return %min3A, %c0_i32 : i32, i32
  }
  func.func @transform_3(%arg0: i32, %arg1: memref<2xi32, #tpu.memory_space<smem>>) -> (i32, i32) {
    %get3A = arith.constant 1 : index
    %get3A_0 = memref.load %arg1[%get3A] : memref<2xi32, #tpu.memory_space<smem>>
    %sub3A = arith.constant 1 : i32
    %sub3A_1 = arith.subi %get3A_0, %sub3A : i32
    %min3A = arith.minsi %arg0, %sub3A_1 : i32
    %c0_i32 = arith.constant 0 : i32
    %c0_i32_2 = arith.constant 0 : i32
    return %min3A, %c0_i32 : i32, i32
  }
}

</mosaic_0001>

<sc_bundles>
// kernel: gather_offload_async_start
scs
__scs_entry_jumppad:
0x0: {  	(pc) =	sbr.rel $0x88, $3  }
0x1: {  	(tag) =	ssettag $0x0;
	lr =	simm.s32 $0x1  }
0x2: {  	[smem:$0x3F9E] =	sst lr;
	_ =	strace $0xD0000000  }
0x3: {  	_ = 	snop  }
0x4: {  	_ = 	snop  }
0x5: {  	_ = 	snop  }
0x6: {  	_ = 	snop  }
0x7: {  	_ = 	snop  }
__scs_overlays_trampoline_lowered:
0x8: {  	[smem:$0x3FAD] =	sst s0  }
0x9: {  	[smem:$0x3FAE] =	sst s1  }
0xa: {  	[smem:$0x3FAF] =	sst s2  }
0xb: {  	[smem:$0x3FB0] =	sst s3  }
0xc: {  	[smem:$0x3FB1] =	sst s4  }
0xd: {  	[smem:$0x3FB2] =	sst s5  }
0xe: {  	[smem:$0x3FB3] =	sst s6  }
0xf: {  	[smem:$0x3FB4] =	sst s7  }
0x10: {  	[smem:$0x3FB5] =	sst s8  }
0x11: {  	[smem:$0x3FB6] =	sst s9;
	s0 =	simm.s32 @!p0 $0x0  }
0x12: {  	s1 =	sld [smem:$0x3F9C];
	s0 =	simm.s32 @p0 $0x1  }
0x13: {  	[smem:$0x3FB7] =	sst s0;
	s0 =	simm.s32 @!p1 $0x0  }
0x14: {  	s2 =	sld [smem:$0x3F9B];
	s0 =	simm.s32 @p1 $0x1  }
0x15: {  	[smem:$0x3FB8] =	sst s0;
	s0 =	simm.s32 @!p2 $0x0  }
0x16: {  	s3 =	sld [smem:$0x3FDB];
	s0 =	simm.s32 @p2 $0x1  }
0x17: {  	s4 =	simm.s32 $0x1BF5;
	[smem:$0x3FBA] =	sst s0  }
0x18: {  	s0 =	sld [smem:$0x3F9D];
	_ =	swait.ge [sflag:s4], $0x0  }
0x19: {  	s7 =	sld [smem:$0x3F9E]  }
0x1a: {  	s8 =	sadd.s32 $0xFFFFE003, lr  }
0x1b: {  	s9 =	sadd.s32 $0xFFFFFEF7, lr;
	s5 =	simm.s32 $0xFFFFFFFF;
	p2 =	slt.u32 s8, $0xFFFFF086  }
0x1c: {  	p1 =	slt.u32 s9, $0xF7A;
	s5 =	simm.s32 @!p2 $0x0  }
0x1d: {  	s5 =	simm.s32 @p1 $0x1;
	p0 =	seq.s32 s7, s2  }
0x1e: {  	s7 =	smul.u32 @!p0 $0xF7A, s2;
	p2 =	seq.s32 @!p0 s5, $0x0  }
0x1f: {  	s9 =	smul.u32 $0xF7A, s1;
	s8 =	simm.s32 @!p0 $0x1BF5;
	p2 =	por !p2, p0  }
0x20: {  	[sflag:s8] =	ssyncset.s32 @!p0 $0xFFFFF086;
	s6 =	sadd.s32 @!p0 s3, s7;
	s7 =	simm.s32 @!p0 $0x108  }
0x21: {  	s3 =	sadd.s32 s3, s9;
	s6 =	sadd.s32 @!p0 $0x88, s6;
	s7 =	simm.s32 @p2 $0x1082  }
0x22: {  	[simem:s7], [sflag:s8] =	dma.local @!p0 [hbm:s6], $0xF7A  }
0x23: {  	s9 =	sor.u32 $0xD0000000, s2;
	s6 =	simm.s32 $0x108;
	_ =	swait.ge @!p0 [sflag:s8], $0x0  }
0x24: {  	s3 =	sadd.s32 $0x88, s3;
	s6 =	simm.s32 @!p1 $0x1082;
	[sflag:s4] =	ssyncset.s32 $0xFFFFF086  }
0x25: {  	[simem:s6], [sflag:s4] =	dma.local [hbm:s3], $0xF7A  }
0x26: {  	[smem:$0x3F9E] =	sst s1;
	(tag) =	ssettag s2;
	_ =	strace s9  }
0x27: {  	s1 =	sld [smem:$0x3FAE]  }
0x28: {  	s2 =	sld [smem:$0x3FAF]  }
0x29: {  	s4 =	sld [smem:$0x3FB1]  }
0x2a: {  	p0 =	seq.s32 s5, $0x0;
	s5 =	sld [smem:$0x3FB2]  }
0x2b: {  	s6 =	sld [smem:$0x3FB3]  }
0x2c: {  	s7 =	sld [smem:$0x3FB4]  }
0x2d: {  	s3 =	simm.s32 $0x108;
	s8 =	sld [smem:$0x3FB5]  }
0x2e: {  	s3 =	simm.s32 @!p0 $0x1082;
	s9 =	sld [smem:$0x3FB6]  }
0x2f: {  	lr =	sadd.s32 s0, s3;
	s0 =	sld [smem:$0x3FAD]  }
0x30: {  	s3 =	sld [smem:$0x3FB0]  }
0x31: {  	[smem:$0x3FB9] =	sst s10  }
0x32: {  	s10 =	sld [smem:$0x3FB7];
	_ =	sdelay $0x3  }
0x33: {  	p0 =	seq.s32 s10, $0x1;
	s10 =	sld [smem:$0x3FB9];
	_ =	sdelay $0x3  }
0x34: {  	[smem:$0x3FB9] =	sst s10  }
0x35: {  	s10 =	sld [smem:$0x3FB8];
	_ =	sdelay $0x3  }
0x36: {  	p1 =	seq.s32 s10, $0x1;
	s10 =	sld [smem:$0x3FB9];
	_ =	sdelay $0x3  }
0x37: {  	[smem:$0x3FB9] =	sst s10  }
0x38: {  	s10 =	sld [smem:$0x3FBA]  }
0x39: {  	_ = 	snop;
	(pc) =	sbr.ind lr, $3  }
0x3a: {  	_ = 	snop  }
0x3b: {  	_ = 	snop  }
0x3c: {  	p2 =	seq.s32 s10, $0x1;
	s10 =	sld [smem:$0x3FB9]  }
0x3d: {  	_ =	shalt  }
0x3e: {  	_ =	shalt  }
0x3f: {  	_ =	shalt  }
0x40: {  	_ =	shalt  }
0x41: {  	_ =	shalt  }
0x42: {  	_ =	shalt  }
0x43: {  	_ =	shalt  }
0x44: {  	_ =	shalt  }
0x45: {  	_ =	shalt  }
0x46: {  	_ =	shalt  }
0x47: {  	_ =	shalt  }
0x48: {  	_ =	shalt  }
0x49: {  	_ =	shalt  }
0x4a: {  	_ =	shalt  }
0x4b: {  	_ =	shalt  }
0x4c: {  	_ =	shalt  }
0x4d: {  	_ =	shalt  }
0x4e: {  	_ =	shalt  }
0x4f: {  	_ =	shalt  }
0x50: {  	_ =	shalt  }
0x51: {  	_ =	shalt  }
0x52: {  	_ =	shalt  }
0x53: {  	_ =	shalt  }
0x54: {  	_ =	shalt  }
0x55: {  	_ =	shalt  }
0x56: {  	_ =	shalt  }
0x57: {  	_ =	shalt  }
0x58: {  	_ =	shalt  }
0x59: {  	_ =	shalt  }
0x5a: {  	_ =	shalt  }
0x5b: {  	_ =	shalt  }
0x5c: {  	_ =	shalt  }
0x5d: {  	_ =	shalt  }
0x5e: {  	_ =	shalt  }
0x5f: {  	_ =	shalt  }
0x60: {  	_ =	shalt  }
0x61: {  	_ =	shalt  }
0x62: {  	_ =	shalt  }
0x63: {  	_ =	shalt  }
0x64: {  	_ =	shalt  }
0x65: {  	_ =	shalt  }
0x66: {  	_ =	shalt  }
0x67: {  	_ =	shalt  }
0x68: {  	_ =	shalt  }
0x69: {  	_ =	shalt  }
0x6a: {  	_ =	shalt  }
0x6b: {  	_ =	shalt  }
0x6c: {  	_ =	shalt  }
0x6d: {  	_ =	shalt  }
0x6e: {  	_ =	shalt  }
0x6f: {  	_ =	shalt  }
0x70: {  	_ =	shalt  }
0x71: {  	_ =	shalt  }
0x72: {  	_ =	shalt  }
0x73: {  	_ =	shalt  }
0x74: {  	_ =	shalt  }
0x75: {  	_ =	shalt  }
0x76: {  	_ =	shalt  }
0x77: {  	_ =	shalt  }
0x78: {  	_ =	shalt  }
0x79: {  	_ =	shalt  }
0x7a: {  	_ =	shalt  }
0x7b: {  	_ =	shalt  }
0x7c: {  	_ =	shalt  }
0x7d: {  	_ =	shalt  }
0x7e: {  	_ =	shalt  }
0x7f: {  	_ =	shalt  }
0x80: {  	_ =	shalt  }
0x81: {  	_ =	shalt  }
0x82: {  	_ =	shalt  }
0x83: {  	_ =	shalt  }
0x84: {  	_ =	shalt  }
0x85: {  	_ =	shalt  }
0x86: {  	_ =	shalt  }
0x87: {  	_ =	shalt  }
.Lfunc_end0:
.L_simem_size_0:
called_computation_lowered:
.L_overlay_start_0:
0x88: {  	s2 =	sld [smem:$0x3FD9]  }
0x89: {  	s3 =	sld [smem:$0x3FFE];
	_ =	sdelay $0x1  }
0x8a: {  	s1 =	srdreg.scid  }
0x8b: {  	s0 =	sand.u32 $0x1, s1  }
0x8c: {  	s16 =	sshll.u32 s0, $0xA;
	s2 =	sadd.s32 s3, s2  }
0x8d: {  	s2 =	sadd.s32 s2, s16  }
0x8e: {  	[smem:$0x3FC5] =	sst s2  }
0x8f: {  	_ = 	snop  }
0x90: {  	(tm) =	ssettm $0x1  }
0x91: {  	s17 =	sld [smem:$0x3FFB];
	_ =	sdelay $0x3  }
0x92: {  	_ =	strace s17  }
0x93: {  	s2 =	sld [smem:$0x3FFC];
	_ =	sdelay $0x3  }
0x94: {  	_ =	strace s2  }
0x95: {  	s2 =	sld [smem:$0x3FFD];
	_ =	sdelay $0x3  }
0x96: {  	_ =	strace s2  }
0x97: {  	_ =	strace $0x8FFFFFFF  }
0x98: {  	s18 =	sld [smem:$0x3FDB];
	_ =	sdelay $0x1  }
0x99: {  	s19 =	simm.s32 $_scs_section_size  }
0x9a: {  	s4 =	simm.s32 $_size__tile_overlayer_lowered;
	s5 =	simm.s32 $_tile_overlayer_lowered  }
0x9b: {  	s22 =	simm.s32 $0x1BFF;
	s21 =	sshll.u32 s5, $0x1;
	s2 =	sadd.s32 s19, s18  }
0x9c: {  	s6 =	simm.s32 $0x0;
	s20 =	sshll.u32 s4, $0x1;
	s4 =	sadd.s32 s21, s2  }
0x9d: {  	[timem:s6], [sflag:s22] =	dma.local [hbm:s4], s20  }
0x9e: {  	_ =	swait.ge [sflag:s22], s20  }
0x9f: {  	s3 =	ssub.s32 $0x0, s20;
	[sflag:s22] =	ssyncset.done $0x0  }
0xa0: {  	[sflag:s22] =	ssyncadd.s32 s3;
	_ =	sdelay $0x1  }
0xa1: {  	s23 =	simm.s32 $0x1B8B  }
0xa2: {  	_ =	swait.ge [sflag:s23], $0x1  }
0xa3: {  	[sflag:s23] =	ssyncset.done $0x0  }
0xa4: {  	s25 =	simm.s32 $0x1B8E;
	s24 =	sld [smem:$0x3FFE];
	[sflag:s23] =	ssyncadd.s32 $0xFFFFFFFF  }
0xa5: {  	s26 =	simm.s32 $execute0_lowered;
	[smem:$0x3FD2] =	sst s25  }
0xa6: {  	s4 =	sshll.u32 s26, $0x1;
	_ =	strace $0x80000046;
	[dreg:$0x1] =	wrdreg $0xFFFFFFFF  }
0xa7: {  	s28 =	simm.s32 $_size_execute0_lowered;
	s2 =	sadd.s32 s2, s4;
	[dreg:$0x0] =	wrdreg $0x0  }
0xa8: {  	s4 =	sshll.u32 s28, $0x1;
	[dreg:$0x2] =	wrdreg s2  }
0xa9: {  	[dreg:$0x3] =	wrdreg s4  }
0xaa: {  	[dreg:$0x4] =	wrdreg $0xC0  }
0xab: {  	_ =	task [dreg:s6], $0x5FFFF  }
0xac: {  	[dreg:$0x1] =	wrdreg $0xFFFFFFFF  }
0xad: {  	[dreg:$0x0] =	wrdreg $0x60  }
0xae: {  	[dreg:$0x2] =	wrdreg s24  }
0xaf: {  	[dreg:$0x3] =	wrdreg $0x9  }
0xb0: {  	_ =	task.clear_ibuf [dreg:s6], $0x4FFFF;
	_ =	strace $0x90000046  }
0xb1: {  	s29 =	simm.s32 $0x9;
	_ =	strace $0x80000048  }
0xb2: {  	_ =	swait.ge [sflag:s29], $0x1  }
0xb3: {  	[sflag:s29] =	ssyncadd.s32 $0xFFFFFFFF  }
0xb4: {  	_ =	strace $0x90000048  }
0xb5: {  	_ =	sfence  }
0xb6: {  	s30 =	sld [smem:$0x0];
	_ =	sdelay $0x2  }
0xb7: {  	s31 =	sshll.u32 s1, $0xD;
	s1 =	sshrl.u32 s1, $0x2  }
0xb8: {  	s3 =	sand.u32 $0x4000, s31;
	s1 =	sadd.s32 s1, s30  }
0xb9: {  	s0 =	sor.u32 s3, s0;
	s1 =	sshll.u32 s1, $0x11  }
0xba: {  	s0 =	sor.u32 s1, s0  }
0xbb: {  	s0 =	sadd.s32 $0x8F2B, s0  }
0xbc: {  	[sflag:s0] =	ssyncadd.remote.s32 $0x1  }
0xbd: {  	_ =	sfence.sel $0xFFFF  }
0xbe: {  	[dreg:$0x0] =	wrdreg $0xFFFFFFFF;
	(pc) =	sbr.abs _section_cstart, $3  }
0xbf: {  	[dreg:$0x1] =	wrdreg $0xFFFFFFFF  }
0xc0: {  	_ =	task.clear_ibuf [dreg:s6], $0x2FFFF;
	_ =	strace $0x9FFFFFFF  }
0xc1: {  	(tm) =	ssettm $0x7FFFFFFF  }
tec
execute0_lowered:
.L_overlay_start_1:
0x0: {  	(tag) =	ssettag $0x1  }
0x1: {  	s0 =	srdreg.scid;
	s5 =	rddreg [dreg:$0x0]  }
0x2: {  	s1 =	stileid.u32;
	s6 =	simm.s32 $0x1;
	s9 =	simm.s32 $0x1  }
0x3: {  	s10 =	simm.s32 $0x3;
	s13 =	simm.s32 $0x0;
	s2 =	sshll.u32 s0, $0x7  }
0x4: {  	s12 =	simm.s32 $0x0;
	s3 =	sshll.u32 s1, $0x8;
	s2 =	sand.u32 $0x80, s2  }
0x5: {  	s0 =	rddreg [dreg:$0x1];
	_ =	strace $0x80000047;
	s2 =	sor.u32 s3, s2  }
0x6: {  	s4 =	sadd.s32 $0x2800, s5;
	[sflag:s6] =	ssyncpa.u1 $0x0;
	s8 =	ssub.s32 $0x2000, s2  }
.Ltmp0:
0x7: {  	s3 =	sadd.s32 $0xA00, s5;
	s7 =	sand.u32 $0xF80, s8;
	(pc) =	sbr.rel .LBB2_1-.Ltmp0, $4  }
0x8: {  	s5 =	sadd.s32 $0x2C00, s5;
	s11 =	smov.u32 s2;
	p0 =	sne.s32 s7, $0x0  }
0x9: {  	s8 =	sshrl.u32 s8, $0xC;
	s7 =	simm.s32 $0x2;
	s9 =	simm.s32 @!p0 $0x0  }
0xa: {  	[sflag:s7] =	ssyncpa.u1 $0x0;
	p0 =	por $0x0, $0x0;
	s8 =	sadd.s32 s9, s8  }
0xb: {  	vm0 =	vmmov $0xffff;
	[sflag:s10] =	ssyncpa.u1 $0x0;
	s10 =	simm.s32 $0x0;
	s9 =	sadd.s32 $0x1, s8  }
.LBB2_4:
0xc: {  	v2 =	vnsel vm1, $0x0, v2  }
0xd: {  	vm1 =	vgt.s32 v0, $0x0;
	v2 =	vmin.u32 v2, $0x1FFF  }
0xe: {  	v0 =	vnsel vm1, $0x0, v0  }
0xf: {  	v0 =	vmin.u32 v0, $0x1FFF  }
0x10: {  	[tilespmem:s15], [sflag:$0x1] =	stream.indirect_vreg.gather [hbm4b:s3+s10], $0x1, v1, vm0, $0x4038;
	[tilespmem:$0x200] =	vst v63  }
0x11: {  	(ifvalue) =	ssetifvalue $0x7FFFFFFF  }
0x12: {  	[tilespmem:s16], [sflag:$0x1] =	stream.indirect_vreg.gather [hbm4b:s3+s10], $0x1, v2, vm0, $0x4038;
	[tilespmem:$0x200] =	vst v63  }
0x13: {  	s29 =	sadd.s32 $0x10, s16;
	(ifvalue) =	ssetifvalue $0x7FFFFFFF  }
0x14: {  	[tilespmem:s29], [sflag:$0x1] =	stream.indirect_vreg.gather [hbm4b:s3+s10], $0x1, v0, vm0, $0x4038;
	[tilespmem:$0x200] =	vst v63  }
0x15: {  	_ =	swait.ge [sflag:s6], $0x80  }
0x16: {  	s30 =	sshrl.u32 s13, $0x3;
	[sflag:s6] =	ssyncset.done $0x0  }
0x17: {  	s31 =	sand.u32 $0x7, s13;
	s15 =	sadd.s32 s5, s30;
	[sflag:s6] =	ssyncadd.s32 $0xFFFFFF80  }
0x18: {  	[hbm4b:s15+s31] =	stream.linear.scatter [tilespmem:s14], [sflag:$0x3], $0x80, $0x38;
	[tilespmem:$0x200] =	vst v63  }
.LBB2_5:
0x19: {  	s15 =	sadd.s32 $0x1000, s11  }
0x1a: {  	p2 =	sgt.s32 s15, $0x1FFF  }
0x1b: {  	s15 =	smov.u32 @p2 s2;
	p2 =	sne.s32 s12, s9  }
.Ltmp1:
0x1c: {  	p1 =	slt.u32 s12, $0x2;
	(pc) =	sbr.rel @!p2 .LBB2_6-.Ltmp1, $4  }
0x1d: {  	s14 =	simm.s32 @!p1 $0x3  }
0x1e: {  	s16 =	sadd.s32 $0x1, s12;
	_ =	swait.ge @!p1 [sflag:s14], $0x80  }
0x1f: {  	s13 =	smov.u32 s11;
	p0 =	por !p0, !p0;
	[sflag:s14] =	ssyncset.done @!p1 $0x0  }
0x20: {  	s12 =	smov.u32 s16;
	s11 =	smov.u32 s15;
	[sflag:s14] =	ssyncadd.s32 @!p1 $0xFFFFFF80  }
.LBB2_1:
0x21: {  	p1 =	sge.u32 s12, s8  }
0x22: {  	s14 =	sxor.u32 @!p1 $0xFFFFFFFF, s12  }
0x23: {  	s31 =	sadd.s32 $0xFFFFFFFF, s12;
	s15 =	sshrl.u32 @!p1 s11, $0x3;
	s14 =	sshll.u32 @!p1 s14, $0x7  }
0x24: {  	s16 =	sand.u32 @!p1 $0x7, s11;
	s15 =	sadd.s32 @!p1 s4, s15;
	s14 =	sand.u32 @!p1 $0x80, s14  }
0x25: {  	[tilespmem:s14], [sflag:$0x2] =	stream.linear.gather @!p1 [hbm4b:s15+s16], $0x80, $0x38;
	[tilespmem:$0x200] =	vst v63  }
0x26: {  	p1 =	sge.u32 s31, s8  }
.Ltmp2:
0x27: {  	_ = 	snop;
	(pc) =	sbr.rel @p1 .LBB2_5-.Ltmp2, $1  }
0x28: {  	_ =	sdelay $0x3  }
0x29: {  	s14 =	simm.s32 $0x1  }
0x2a: {  	_ =	swait.ge [sflag:s7], $0x80;
	s14 =	simm.s32 @!p0 $0x0  }
0x2b: {  	[sflag:s7] =	ssyncset.done $0x0;
	s14 =	sshll.u32 s14, $0x7  }
0x2c: {  	[sflag:s7] =	ssyncadd.s32 $0xFFFFFF80;
	(ifvalue) =	ssetifvalue $0x7FFFFFFF;
	v0 =	vld.msk [tilespmem:s14+$0x0 ss:$0x1], $0xffff;
	_ =	sdelay $0x4  }
0x2d: {  	s15 =	sadd.s32 $0x10, s14;
	vm1 =	vgt.s32 v0, $0x0  }
0x2e: {  	v2 =	vld.msk [tilespmem:s15+$0x0 ss:$0x1], $0xffff;
	v1 =	vnsel vm1, $0x0, v0  }
0x2f: {  	v1 =	vmin.u32 v1, $0x1FFF;
	_ =	sdelay $0x1  }
0x30: {  	s16 =	sshll.u32 s12, $0x7;
	s18 =	simm.s32 $0x20  }
0x31: {  	s16 =	sand.u32 $0x80, s16;
	s17 =	sadd.s32 $0x10, s15;
	s15 =	sor.u32 $0x100, s14  }
0x32: {  	s14 =	sor.u32 $0x100, s16;
	s16 =	sadd.s32 $0x10, s15;
	v0 =	vld.msk [tilespmem:s17+$0x0 ss:$0x1], $0xffff;
	vm1 =	vgt.s32 v2, $0x0;
	(ifvalue) =	ssetifvalue $0x7FFFFFFF  }
.LBB2_3:
0x33: {  	[tilespmem:s15], [sflag:$0x1] =	stream.indirect_vreg.gather [hbm4b:s3+s10], $0x1, v1, vm0, $0x4038;
	[tilespmem:$0x200] =	vst v63  }
0x34: {  	s18 =	sadd.s32 $0x10, s18  }
0x35: {  	v2 =	vnsel vm1, $0x0, v2;
	p1 =	slt.u32 s18, $0x70  }
.Ltmp3:
0x36: {  	s15 =	smov.u32 s16;
	v1 =	vmin.u32 v2, $0x1FFF;
	(pc) =	sbr.rel @p1 .LBB2_3-.Ltmp3, $3  }
0x37: {  	_ =	sdelay $0x1  }
0x38: {  	s17 =	sadd.s32 $0x10, s17  }
0x39: {  	vm1 =	vgt.s32 v0, $0x0;
	s16 =	sadd.s32 $0x10, s16;
	v2 =	vmov v0;
	(ifvalue) =	ssetifvalue $0x7FFFFFFF;
	v0 =	vld.msk [tilespmem:s17+$0x0 ss:$0x1], $0xffff  }
.Ltmp4:
0x3a: {  	_ = 	snop;
	(pc) =	sbr.rel .LBB2_4-.Ltmp4, $1  }
0x3b: {  	_ =	sdelay $0x3  }
.LBB2_6:
0x3c: {  	_ =	sfence.sel $0x180000  }
0x3d: {  	s2 =	simm.s32 $0x2;
	[bflag:$0x0] =	sbarrier.arrive $0xFFFF  }
0x3e: {  	s30 =	simm.s32 $0x3;
	[sflag:s2] =	ssyncpa.u1 $0x1  }
0x3f: {  	s31 =	simm.s32 $0x1;
	[sflag:s30] =	ssyncpa.u1 $0x1  }
0x40: {  	[sflag:s31] =	ssyncpa.u1 $0x1  }
0x41: {  	p0 =	sne.s32 s1, $0x0;
	_ =	strace $0x90000047  }
0x42: {  	s0 =	sadd.s32 @!p0 $0x100000, s0;
	[bflag:$0x2] =	sbarrier.arrive $0xFFFF  }
0x43: {  	[sflag:s0] =	ssyncadd.tile.s32 @!p0 $0x1;
	_ =	shalt  }
.Lfunc_end2:
_tile_overlayer_lowered:
.L_overlay_start_2:
0x44: {  	(tag) =	ssettag $0x2  }
0x45: {  	s0 =	rddreg [dreg:$0x0];
	s2 =	stileid.u32  }
0x46: {  	s1 =	rddreg [dreg:$0x1];
	p0 =	sne.s32 s2, $0x0  }
0x47: {  	s3 =	rddreg [dreg:$0x2];
	[bflag:$0x3] =	sbarrier.arrive $0xFFFF;
	s2 =	simm.s32 @!p0 $0x1C01  }
0x48: {  	[timem:s3], [sflag:s2] =	dma.local @!p0 [hbm:s0], s1  }
0x49: {  	s0 =	simm.s32 @!p0 $0x1  }
0x4a: {  	_ =	swait.ge @!p0 [sflag:s0], s1  }
0x4b: {  	s1 =	ssub.s32 @!p0 $0x0, s1;
	[sflag:s0] =	ssyncset.done @!p0 $0x0  }
0x4c: {  	[sflag:s0] =	ssyncadd.s32 @!p0 s1  }
0x4d: {  	[bflag:$0x3] =	sbarrier.arrive $0xFFFF  }
0x4e: {  	_ =	shalt  }

// kernel: kernel.5.cloned.1.call-start
scs
__scs_entry_jumppad:
0x0: {  	(pc) =	sbr.rel $0x88, $3  }
0x1: {  	(tag) =	ssettag $0x0;
	lr =	simm.s32 $0x1  }
0x2: {  	[smem:$0x3F9E] =	sst lr;
	_ =	strace $0xD0000000  }
0x3: {  	_ = 	snop  }
0x4: {  	_ = 	snop  }
0x5: {  	_ = 	snop  }
0x6: {  	_ = 	snop  }
0x7: {  	_ = 	snop  }
__scs_overlays_trampoline_lowered:
0x8: {  	[smem:$0x3FAD] =	sst s0  }
0x9: {  	[smem:$0x3FAE] =	sst s1  }
0xa: {  	[smem:$0x3FAF] =	sst s2  }
0xb: {  	[smem:$0x3FB0] =	sst s3  }
0xc: {  	[smem:$0x3FB1] =	sst s4  }
0xd: {  	[smem:$0x3FB2] =	sst s5  }
0xe: {  	[smem:$0x3FB3] =	sst s6  }
0xf: {  	[smem:$0x3FB4] =	sst s7  }
0x10: {  	[smem:$0x3FB5] =	sst s8  }
0x11: {  	[smem:$0x3FB6] =	sst s9;
	s0 =	simm.s32 @!p0 $0x0  }
0x12: {  	s1 =	sld [smem:$0x3F9C];
	s0 =	simm.s32 @p0 $0x1  }
0x13: {  	[smem:$0x3FB7] =	sst s0;
	s0 =	simm.s32 @!p1 $0x0  }
0x14: {  	s2 =	sld [smem:$0x3F9B];
	s0 =	simm.s32 @p1 $0x1  }
0x15: {  	[smem:$0x3FB8] =	sst s0;
	s0 =	simm.s32 @!p2 $0x0  }
0x16: {  	s3 =	sld [smem:$0x3FDB];
	s0 =	simm.s32 @p2 $0x1  }
0x17: {  	s4 =	simm.s32 $0x1BF5;
	[smem:$0x3FBA] =	sst s0  }
0x18: {  	s0 =	sld [smem:$0x3F9D];
	_ =	swait.ge [sflag:s4], $0x0  }
0x19: {  	s7 =	sld [smem:$0x3F9E]  }
0x1a: {  	s8 =	sadd.s32 $0xFFFFE003, lr  }
0x1b: {  	s9 =	sadd.s32 $0xFFFFFEF7, lr;
	s5 =	simm.s32 $0xFFFFFFFF;
	p2 =	slt.u32 s8, $0xFFFFF086  }
0x1c: {  	p1 =	slt.u32 s9, $0xF7A;
	s5 =	simm.s32 @!p2 $0x0  }
0x1d: {  	s5 =	simm.s32 @p1 $0x1;
	p0 =	seq.s32 s7, s2  }
0x1e: {  	s7 =	smul.u32 @!p0 $0xF7A, s2;
	p2 =	seq.s32 @!p0 s5, $0x0  }
0x1f: {  	s9 =	smul.u32 $0xF7A, s1;
	s8 =	simm.s32 @!p0 $0x1BF5;
	p2 =	por !p2, p0  }
0x20: {  	[sflag:s8] =	ssyncset.s32 @!p0 $0xFFFFF086;
	s6 =	sadd.s32 @!p0 s3, s7;
	s7 =	simm.s32 @!p0 $0x108  }
0x21: {  	s3 =	sadd.s32 s3, s9;
	s6 =	sadd.s32 @!p0 $0x88, s6;
	s7 =	simm.s32 @p2 $0x1082  }
0x22: {  	[simem:s7], [sflag:s8] =	dma.local @!p0 [hbm:s6], $0xF7A  }
0x23: {  	s9 =	sor.u32 $0xD0000000, s2;
	s6 =	simm.s32 $0x108;
	_ =	swait.ge @!p0 [sflag:s8], $0x0  }
0x24: {  	s3 =	sadd.s32 $0x88, s3;
	s6 =	simm.s32 @!p1 $0x1082;
	[sflag:s4] =	ssyncset.s32 $0xFFFFF086  }
0x25: {  	[simem:s6], [sflag:s4] =	dma.local [hbm:s3], $0xF7A  }
0x26: {  	[smem:$0x3F9E] =	sst s1;
	(tag) =	ssettag s2;
	_ =	strace s9  }
0x27: {  	s1 =	sld [smem:$0x3FAE]  }
0x28: {  	s2 =	sld [smem:$0x3FAF]  }
0x29: {  	s4 =	sld [smem:$0x3FB1]  }
0x2a: {  	p0 =	seq.s32 s5, $0x0;
	s5 =	sld [smem:$0x3FB2]  }
0x2b: {  	s6 =	sld [smem:$0x3FB3]  }
0x2c: {  	s7 =	sld [smem:$0x3FB4]  }
0x2d: {  	s3 =	simm.s32 $0x108;
	s8 =	sld [smem:$0x3FB5]  }
0x2e: {  	s3 =	simm.s32 @!p0 $0x1082;
	s9 =	sld [smem:$0x3FB6]  }
0x2f: {  	lr =	sadd.s32 s0, s3;
	s0 =	sld [smem:$0x3FAD]  }
0x30: {  	s3 =	sld [smem:$0x3FB0]  }
0x31: {  	[smem:$0x3FB9] =	sst s10  }
0x32: {  	s10 =	sld [smem:$0x3FB7];
	_ =	sdelay $0x3  }
0x33: {  	p0 =	seq.s32 s10, $0x1;
	s10 =	sld [smem:$0x3FB9];
	_ =	sdelay $0x3  }
0x34: {  	[smem:$0x3FB9] =	sst s10  }
0x35: {  	s10 =	sld [smem:$0x3FB8];
	_ =	sdelay $0x3  }
0x36: {  	p1 =	seq.s32 s10, $0x1;
	s10 =	sld [smem:$0x3FB9];
	_ =	sdelay $0x3  }
0x37: {  	[smem:$0x3FB9] =	sst s10  }
0x38: {  	s10 =	sld [smem:$0x3FBA]  }
0x39: {  	_ = 	snop;
	(pc) =	sbr.ind lr, $3  }
0x3a: {  	_ = 	snop  }
0x3b: {  	_ = 	snop  }
0x3c: {  	p2 =	seq.s32 s10, $0x1;
	s10 =	sld [smem:$0x3FB9]  }
0x3d: {  	_ =	shalt  }
0x3e: {  	_ =	shalt  }
0x3f: {  	_ =	shalt  }
0x40: {  	_ =	shalt  }
0x41: {  	_ =	shalt  }
0x42: {  	_ =	shalt  }
0x43: {  	_ =	shalt  }
0x44: {  	_ =	shalt  }
0x45: {  	_ =	shalt  }
0x46: {  	_ =	shalt  }
0x47: {  	_ =	shalt  }
0x48: {  	_ =	shalt  }
0x49: {  	_ =	shalt  }
0x4a: {  	_ =	shalt  }
0x4b: {  	_ =	shalt  }
0x4c: {  	_ =	shalt  }
0x4d: {  	_ =	shalt  }
0x4e: {  	_ =	shalt  }
0x4f: {  	_ =	shalt  }
0x50: {  	_ =	shalt  }
0x51: {  	_ =	shalt  }
0x52: {  	_ =	shalt  }
0x53: {  	_ =	shalt  }
0x54: {  	_ =	shalt  }
0x55: {  	_ =	shalt  }
0x56: {  	_ =	shalt  }
0x57: {  	_ =	shalt  }
0x58: {  	_ =	shalt  }
0x59: {  	_ =	shalt  }
0x5a: {  	_ =	shalt  }
0x5b: {  	_ =	shalt  }
0x5c: {  	_ =	shalt  }
0x5d: {  	_ =	shalt  }
0x5e: {  	_ =	shalt  }
0x5f: {  	_ =	shalt  }
0x60: {  	_ =	shalt  }
0x61: {  	_ =	shalt  }
0x62: {  	_ =	shalt  }
0x63: {  	_ =	shalt  }
0x64: {  	_ =	shalt  }
0x65: {  	_ =	shalt  }
0x66: {  	_ =	shalt  }
0x67: {  	_ =	shalt  }
0x68: {  	_ =	shalt  }
0x69: {  	_ =	shalt  }
0x6a: {  	_ =	shalt  }
0x6b: {  	_ =	shalt  }
0x6c: {  	_ =	shalt  }
0x6d: {  	_ =	shalt  }
0x6e: {  	_ =	shalt  }
0x6f: {  	_ =	shalt  }
0x70: {  	_ =	shalt  }
0x71: {  	_ =	shalt  }
0x72: {  	_ =	shalt  }
0x73: {  	_ =	shalt  }
0x74: {  	_ =	shalt  }
0x75: {  	_ =	shalt  }
0x76: {  	_ =	shalt  }
0x77: {  	_ =	shalt  }
0x78: {  	_ =	shalt  }
0x79: {  	_ =	shalt  }
0x7a: {  	_ =	shalt  }
0x7b: {  	_ =	shalt  }
0x7c: {  	_ =	shalt  }
0x7d: {  	_ =	shalt  }
0x7e: {  	_ =	shalt  }
0x7f: {  	_ =	shalt  }
0x80: {  	_ =	shalt  }
0x81: {  	_ =	shalt  }
0x82: {  	_ =	shalt  }
0x83: {  	_ =	shalt  }
0x84: {  	_ =	shalt  }
0x85: {  	_ =	shalt  }
0x86: {  	_ =	shalt  }
0x87: {  	_ =	shalt  }
.Lfunc_end0:
.L_simem_size_0:
called_computation.1_lowered:
.L_overlay_start_0:
0x88: {  	s2 =	sld [smem:$0x3FD9]  }
0x89: {  	s3 =	sld [smem:$0x3FFE];
	_ =	sdelay $0x1  }
0x8a: {  	s1 =	srdreg.scid  }
0x8b: {  	s0 =	sand.u32 $0x1, s1  }
0x8c: {  	s17 =	sshll.u32 s0, $0xA;
	s2 =	sadd.s32 s3, s2  }
0x8d: {  	s2 =	sadd.s32 s2, s17  }
0x8e: {  	[smem:$0x3FC5] =	sst s2  }
0x8f: {  	_ = 	snop  }
0x90: {  	s4 =	sld [smem:$0x3FC9]  }
0x91: {  	s18 =	sld [smem:$0x3FD0];
	(tm) =	ssettm $0x1  }
0x92: {  	s19 =	sld [smem:$0x3FFB];
	_ =	sdelay $0x3  }
0x93: {  	_ =	strace s19  }
0x94: {  	s2 =	sld [smem:$0x3FFC];
	_ =	sdelay $0x3  }
0x95: {  	_ =	strace s2  }
0x96: {  	s2 =	sld [smem:$0x3FFD];
	_ =	sdelay $0x3  }
0x97: {  	_ =	strace s2  }
0x98: {  	_ =	strace $0x8FFFFFFF  }
0x99: {  	s20 =	sld [smem:$0x3FDB];
	_ =	sdelay $0x1  }
0x9a: {  	s5 =	simm.s32 $_scs_section_size  }
0x9b: {  	s6 =	simm.s32 $_size__tile_overlayer_lowered;
	s7 =	simm.s32 $_tile_overlayer_lowered  }
0x9c: {  	s8 =	simm.s32 $0x1BFF;
	s21 =	sshll.u32 s7, $0x1;
	s5 =	sadd.s32 s5, s20  }
0x9d: {  	s22 =	simm.s32 $0x0;
	s6 =	sshll.u32 s6, $0x1;
	s7 =	sadd.s32 s21, s5  }
0x9e: {  	[timem:s22], [sflag:s8] =	dma.local [hbm:s7], s6  }
0x9f: {  	_ =	swait.ge [sflag:s8], s6  }
0xa0: {  	s6 =	ssub.s32 $0x0, s6;
	[sflag:s8] =	ssyncset.done $0x0  }
0xa1: {  	[sflag:s8] =	ssyncadd.s32 s6;
	_ =	sdelay $0x1  }
0xa2: {  	s23 =	simm.s32 $0x1B8B  }
0xa3: {  	_ =	swait.ge [sflag:s23], $0x1  }
0xa4: {  	[sflag:s23] =	ssyncset.done $0x0  }
0xa5: {  	[sflag:s23] =	ssyncadd.s32 $0xFFFFFFFF  }
0xa6: {  	s6 =	sld [smem:$0x0]  }
0xa7: {  	s7 =	sand.u32 $0xFFFFFFFE, s1  }
0xa8: {  	p0 =	sne.s32 s1, s7  }
0xa9: {  	s7 =	sshll.u32 @p0 s7, $0xE  }
0xaa: {  	s7 =	sadd.s32 @p0 $0x11B8D, s7;
	s8 =	sshll.u32 @p0 s6, $0x11  }
0xab: {  	s7 =	sor.u32 @p0 s8, s7  }
0xac: {  	[sflag:s7] =	ssyncadd.remote.s32 @p0 $0x1;
	_ =	sdelay $0x1  }
0xad: {  	s7 =	simm.s32 @p0 $0x1B8D  }
0xae: {  	_ =	swait.eq @p0 [sflag:s7], $0x1  }
0xaf: {  	[sflag:s7] =	ssyncadd.s32 @p0 $0xFFFFFFFF  }
0xb0: {  	s8 =	sshll.u32 @!p0 s1, $0xE  }
0xb1: {  	s8 =	sor.u32 @!p0 $0x4000, s8;
	s7 =	simm.s32 @!p0 $0x1B8D  }
0xb2: {  	s6 =	sshll.u32 @!p0 s6, $0x11;
	s8 =	sadd.s32 @!p0 $0x11B8D, s8;
	_ =	swait.eq @!p0 [sflag:s7], $0x1  }
0xb3: {  	s6 =	sor.u32 @!p0 s6, s8;
	[sflag:s7] =	ssyncadd.s32 @!p0 $0xFFFFFFFF  }
0xb4: {  	s25 =	simm.s32 $0x1B8E;
	s24 =	sld [smem:$0x3FFE];
	[sflag:s6] =	ssyncadd.remote.s32 @!p0 $0x1  }
0xb5: {  	s26 =	simm.s32 $execute0_lowered;
	[smem:$0x3FD2] =	sst s25  }
0xb6: {  	s7 =	sshll.u32 s26, $0x1;
	_ =	strace $0x80000049;
	[dreg:$0x1] =	wrdreg $0xFFFFFFFF  }
0xb7: {  	s28 =	simm.s32 $_size_execute0_lowered;
	s5 =	sadd.s32 s5, s7;
	[dreg:$0x0] =	wrdreg $0x0  }
0xb8: {  	s7 =	sshll.u32 s28, $0x1;
	[dreg:$0x2] =	wrdreg s5  }
0xb9: {  	[dreg:$0x3] =	wrdreg s7  }
0xba: {  	[dreg:$0x4] =	wrdreg $0xC0  }
0xbb: {  	_ =	task [dreg:s22], $0x5FFFF  }
0xbc: {  	[dreg:$0x1] =	wrdreg $0xFFFFFFFF  }
0xbd: {  	[dreg:$0x0] =	wrdreg $0x60  }
0xbe: {  	[dreg:$0x2] =	wrdreg s4  }
0xbf: {  	[dreg:$0x3] =	wrdreg s24  }
0xc0: {  	[dreg:$0x4] =	wrdreg s18  }
0xc1: {  	[dreg:$0x5] =	wrdreg $0xA  }
0xc2: {  	_ =	task.clear_ibuf [dreg:s22], $0x6FFFF;
	_ =	strace $0x90000049  }
0xc3: {  	s29 =	simm.s32 $0xA;
	_ =	strace $0x8000004B  }
0xc4: {  	_ =	swait.ge [sflag:s29], $0x1  }
0xc5: {  	[sflag:s29] =	ssyncadd.s32 $0xFFFFFFFF  }
0xc6: {  	_ =	strace $0x9000004B  }
0xc7: {  	_ =	sfence  }
0xc8: {  	s30 =	sld [smem:$0x0];
	_ =	sdelay $0x2  }
0xc9: {  	s31 =	sshll.u32 s1, $0xD;
	s1 =	sshrl.u32 s1, $0x2  }
0xca: {  	s4 =	sand.u32 $0x4000, s31;
	s1 =	sadd.s32 s1, s30  }
0xcb: {  	s0 =	sor.u32 s4, s0;
	s1 =	sshll.u32 s1, $0x11  }
0xcc: {  	s0 =	sor.u32 s1, s0  }
0xcd: {  	s0 =	sadd.s32 $0x8F2B, s0  }
0xce: {  	[sflag:s0] =	ssyncadd.remote.s32 $0x1  }
0xcf: {  	_ =	sfence.sel $0xFFFF  }
0xd0: {  	[dreg:$0x0] =	wrdreg $0xFFFFFFFF;
	(pc) =	sbr.abs _section_cstart, $3  }
0xd1: {  	[dreg:$0x1] =	wrdreg $0xFFFFFFFF  }
0xd2: {  	_ =	task.clear_ibuf [dreg:s22], $0x2FFFF;
	_ =	strace $0x9FFFFFFF  }
0xd3: {  	(tm) =	ssettm $0x7FFFFFFF  }
tec
execute0_lowered:
.L_overlay_start_1:
0x0: {  	(tag) =	ssettag $0x1  }
0x1: {  	s1 =	rddreg [dreg:$0x0]  }
0x2: {  	s0 =	srdreg.scid;
	s3 =	stileid.u32  }
0x3: {  	s2 =	rddreg [dreg:$0x1];
	s0 =	sand.u32 $0x1, s0;
	s3 =	sshll.u32 s3, $0x1  }
0x4: {  	s4 =	rddreg [dreg:$0x2];
	s5 =	sor.u32 s0, s3  }
0x5: {  	s3 =	simm.s32 $0x0;
	s6 =	sshll.u32 s5, $0x7;
	s5 =	sshll.u32 s5, $0x10  }
0x6: {  	[smem:$0x7FF] =	sst s3;
	s2 =	sadd.s32 s6, s2;
	s12 =	sadd.s32 s4, s5  }
0x7: {  	_ =	strace $0x8000004A;
	s6 =	sadd.s32 $0x1200, s2;
	[dreg:$0x13] =	wrdreg s12  }
0x8: {  	s16 =	sadd.s32 $0x1210, s2;
	[dreg:$0x4] =	wrdreg s6  }
0x9: {  	s17 =	sadd.s32 $0x2000, s12;
	[dreg:$0x5] =	wrdreg s16  }
0xa: {  	s13 =	simm.s32 $0x2;
	s18 =	sadd.s32 $0x1220, s2;
	[dreg:$0x6] =	wrdreg s17  }
0xb: {  	s14 =	simm.s32 $0x80;
	s19 =	sadd.s32 $0x4000, s12;
	[dreg:$0x7] =	wrdreg s18  }
0xc: {  	s28 =	simm.s32 $0x1;
	s20 =	sadd.s32 $0x1230, s2;
	[dreg:$0x8] =	wrdreg s19  }
0xd: {  	s7 =	sadd.s32 $0x300, s1;
	s22 =	sadd.s32 $0x6000, s12;
	[dreg:$0x9] =	wrdreg s20  }
0xe: {  	s8 =	sadd.s32 $0x400, s1;
	s23 =	sadd.s32 $0x1240, s2;
	[dreg:$0xa] =	wrdreg s22  }
0xf: {  	s9 =	sadd.s32 $0x500, s1;
	s24 =	sadd.s32 $0x8000, s12;
	[dreg:$0xb] =	wrdreg s23  }
0x10: {  	s10 =	sadd.s32 $0x600, s1;
	s25 =	sadd.s32 $0x1250, s2;
	[dreg:$0xc] =	wrdreg s24  }
0x11: {  	s11 =	sadd.s32 $0x700, s1;
	s26 =	sadd.s32 $0xA000, s12;
	[dreg:$0xd] =	wrdreg s25  }
0x12: {  	s0 =	ssub.s32 $0x2, s0;
	s29 =	sadd.s32 $0x1260, s2;
	[dreg:$0xe] =	wrdreg s26  }
0x13: {  	s21 =	sshrl.u32 s0, $0x1;
	s30 =	sadd.s32 $0xC000, s12;
	[dreg:$0xf] =	wrdreg s29  }
0x14: {  	v2 =	vlaneseq.u32;
	s0 =	ssub.s32 s0, s21;
	s2 =	sadd.s32 $0x1270, s2;
	[dreg:$0x10] =	wrdreg s30  }
0x15: {  	vm0 =	vmmov $0xffff;
	v1 =	vshrl.u32 v2, $0x3;
	s5 =	sadd.s32 $0x100, s1;
	s31 =	sadd.s32 $0xE000, s12;
	[dreg:$0x11] =	wrdreg s2  }
0x16: {  	v0 =	vand.u32 $0x7, v2;
	v2 =	vor.u32 $0x8, v2;
	v1 =	vmul.u32 $0x8, v1;
	s6 =	sadd.s32 $0x200, s1;
	[dreg:$0x12] =	wrdreg s31;
	s19 =	smax.u32 s0, $0x1  }
.LBB2_1:
0x17: {  	s29 =	rddreg [dreg:$0x4]  }
0x18: {  	[tilespmem:s3], [sflag:$0x2] =	stream.linear.gather [hbm4b:s29+s3], $0x80, $0x38;
	[tilespmem:$0x10080] =	vst v63  }
0x19: {  	_ =	swait.ge [sflag:s13], $0x80  }
0x1a: {  	[sflag:s13] =	ssyncset.done $0x0  }
0x1b: {  	[sflag:s13] =	ssyncadd.s32 $0xFFFFFF80  }
0x1c: {  	v3 =	vld [tilespmem:$0x0];
	_ =	sdelay $0x4  }
0x1d: {  	v4 =	vshll.u32 v3, $0x4  }
0x1e: {  	v3 =	vand.u32 $0x7, v3;
	v4 =	vand.u32 $0xFFFFFF80, v4  }
0x1f: {  	v3 =	vor.u32 v3, v4  }
0x20: {  	v4 =	vperm.xlane v3, v0;
	_ =	sdelay $0x1  }
0x21: {  	v4 =	vadd.s32 v1, v4;
	_ =	sdelay $0x4  }
0x22: {  	[tilespmem:s14], [sflag:$0x1] =	stream.indirect_vreg.gather [hbm4b:s1+s3], $0x80, v4, vm0, $0xb8;
	[tilespmem:$0x10080] =	vst v63  }
0x23: {  	s0 =	simm.s32 $0x880  }
0x24: {  	[tilespmem:s0], [sflag:$0x1] =	stream.indirect_vreg.gather [hbm4b:s5+s3], $0x80, v4, vm0, $0xb8;
	[tilespmem:$0x10080] =	vst v63  }
0x25: {  	s20 =	simm.s32 $0x1080  }
0x26: {  	[tilespmem:s20], [sflag:$0x1] =	stream.indirect_vreg.gather [hbm4b:s6+s3], $0x80, v4, vm0, $0xb8;
	[tilespmem:$0x10080] =	vst v63  }
0x27: {  	s21 =	simm.s32 $0x1880  }
0x28: {  	[tilespmem:s21], [sflag:$0x1] =	stream.indirect_vreg.gather [hbm4b:s7+s3], $0x80, v4, vm0, $0xb8;
	[tilespmem:$0x10080] =	vst v63  }
0x29: {  	s22 =	simm.s32 $0x2080  }
0x2a: {  	[tilespmem:s22], [sflag:$0x1] =	stream.indirect_vreg.gather [hbm4b:s8+s3], $0x80, v4, vm0, $0xb8;
	[tilespmem:$0x10080] =	vst v63  }
0x2b: {  	s23 =	simm.s32 $0x2880;
	v3 =	vperm.xlane v3, v2  }
0x2c: {  	[tilespmem:s23], [sflag:$0x1] =	stream.indirect_vreg.gather [hbm4b:s9+s3], $0x80, v4, vm0, $0xb8;
	[tilespmem:$0x10080] =	vst v63  }
0x2d: {  	s24 =	simm.s32 $0x3080;
	v3 =	vadd.s32 v1, v3  }
0x2e: {  	[tilespmem:s24], [sflag:$0x1] =	stream.indirect_vreg.gather [hbm4b:s10+s3], $0x80, v4, vm0, $0xb8;
	[tilespmem:$0x10080] =	vst v63  }
0x2f: {  	s25 =	simm.s32 $0x3880  }
0x30: {  	[tilespmem:s25], [sflag:$0x1] =	stream.indirect_vreg.gather [hbm4b:s11+s3], $0x80, v4, vm0, $0xb8;
	[tilespmem:$0x10080] =	vst v63  }
0x31: {  	s26 =	simm.s32 $0x4080  }
0x32: {  	[tilespmem:s26], [sflag:$0x1] =	stream.indirect_vreg.gather [hbm4b:s1+s3], $0x80, v3, vm0, $0xb8;
	[tilespmem:$0x10080] =	vst v63  }
0x33: {  	s29 =	simm.s32 $0x4880  }
0x34: {  	[tilespmem:s29], [sflag:$0x1] =	stream.indirect_vreg.gather [hbm4b:s5+s3], $0x80, v3, vm0, $0xb8;
	[tilespmem:$0x10080] =	vst v63  }
0x35: {  	s30 =	simm.s32 $0x5080  }
0x36: {  	[tilespmem:s30], [sflag:$0x1] =	stream.indirect_vreg.gather [hbm4b:s6+s3], $0x80, v3, vm0, $0xb8;
	[tilespmem:$0x10080] =	vst v63  }
0x37: {  	s31 =	simm.s32 $0x5880  }
0x38: {  	[tilespmem:s31], [sflag:$0x1] =	stream.indirect_vreg.gather [hbm4b:s7+s3], $0x80, v3, vm0, $0xb8;
	[tilespmem:$0x10080] =	vst v63  }
0x39: {  	s16 =	simm.s32 $0x6080  }
0x3a: {  	[tilespmem:s16], [sflag:$0x1] =	stream.indirect_vreg.gather [hbm4b:s8+s3], $0x80, v3, vm0, $0xb8;
	[tilespmem:$0x10080] =	vst v63  }
0x3b: {  	s17 =	simm.s32 $0x6880  }
0x3c: {  	[tilespmem:s17], [sflag:$0x1] =	stream.indirect_vreg.gather [hbm4b:s9+s3], $0x80, v3, vm0, $0xb8;
	[tilespmem:$0x10080] =	vst v63  }
0x3d: {  	s18 =	simm.s32 $0x7080  }
0x3e: {  	[tilespmem:s18], [sflag:$0x1] =	stream.indirect_vreg.gather [hbm4b:s10+s3], $0x80, v3, vm0, $0xb8;
	[tilespmem:$0x10080] =	vst v63  }
0x3f: {  	s20 =	simm.s32 $0x7880  }
0x40: {  	[tilespmem:s20], [sflag:$0x1] =	stream.indirect_vreg.gather [hbm4b:s11+s3], $0x80, v3, vm0, $0xb8;
	[tilespmem:$0x10080] =	vst v63  }
0x41: {  	v3 =	vld [tilespmem:$0x10];
	_ =	sdelay $0x4  }
0x42: {  	v49 =	vshll.u32 v3, $0x4  }
0x43: {  	v3 =	vand.u32 $0x7, v3;
	v4 =	vand.u32 $0xFFFFFF80, v49  }
0x44: {  	v3 =	vor.u32 v3, v4  }
0x45: {  	v4 =	vperm.xlane v3, v0;
	_ =	sdelay $0x1  }
0x46: {  	v4 =	vadd.s32 v1, v4;
	_ =	sdelay $0x3  }
0x47: {  	s21 =	simm.s32 $0x8080  }
0x48: {  	[tilespmem:s21], [sflag:$0x1] =	stream.indirect_vreg.gather [hbm4b:s1+s3], $0x80, v4, vm0, $0xb8;
	[tilespmem:$0x10080] =	vst v63  }
0x49: {  	s22 =	simm.s32 $0x8880  }
0x4a: {  	[tilespmem:s22], [sflag:$0x1] =	stream.indirect_vreg.gather [hbm4b:s5+s3], $0x80, v4, vm0, $0xb8;
	[tilespmem:$0x10080] =	vst v63  }
0x4b: {  	s23 =	simm.s32 $0x9080  }
0x4c: {  	[tilespmem:s23], [sflag:$0x1] =	stream.indirect_vreg.gather [hbm4b:s6+s3], $0x80, v4, vm0, $0xb8;
	[tilespmem:$0x10080] =	vst v63  }
0x4d: {  	s24 =	simm.s32 $0x9880  }
0x4e: {  	[tilespmem:s24], [sflag:$0x1] =	stream.indirect_vreg.gather [hbm4b:s7+s3], $0x80, v4, vm0, $0xb8;
	[tilespmem:$0x10080] =	vst v63  }
0x4f: {  	s25 =	simm.s32 $0xA080  }
0x50: {  	[tilespmem:s25], [sflag:$0x1] =	stream.indirect_vreg.gather [hbm4b:s8+s3], $0x80, v4, vm0, $0xb8;
	[tilespmem:$0x10080] =	vst v63  }
0x51: {  	s26 =	simm.s32 $0xA880;
	v3 =	vperm.xlane v3, v2  }
0x52: {  	[tilespmem:s26], [sflag:$0x1] =	stream.indirect_vreg.gather [hbm4b:s9+s3], $0x80, v4, vm0, $0xb8;
	[tilespmem:$0x10080] =	vst v63  }
0x53: {  	s30 =	simm.s32 $0xB080;
	v3 =	vadd.s32 v1, v3  }
0x54: {  	[tilespmem:s30], [sflag:$0x1] =	stream.indirect_vreg.gather [hbm4b:s10+s3], $0x80, v4, vm0, $0xb8;
	[tilespmem:$0x10080] =	vst v63  }
0x55: {  	s31 =	simm.s32 $0xB880  }
0x56: {  	[tilespmem:s31], [sflag:$0x1] =	stream.indirect_vreg.gather [hbm4b:s11+s3], $0x80, v4, vm0, $0xb8;
	[tilespmem:$0x10080] =	vst v63  }
0x57: {  	s0 =	simm.s32 $0xC080  }
0x58: {  	[tilespmem:s0], [sflag:$0x1] =	stream.indirect_vreg.gather [hbm4b:s1+s3], $0x80, v3, vm0, $0xb8;
	[tilespmem:$0x10080] =	vst v63  }
0x59: {  	s16 =	simm.s32 $0xC880  }
0x5a: {  	[tilespmem:s16], [sflag:$0x1] =	stream.indirect_vreg.gather [hbm4b:s5+s3], $0x80, v3, vm0, $0xb8;
	[tilespmem:$0x10080] =	vst v63  }
0x5b: {  	s17 =	simm.s32 $0xD080  }
0x5c: {  	[tilespmem:s17], [sflag:$0x1] =	stream.indirect_vreg.gather [hbm4b:s6+s3], $0x80, v3, vm0, $0xb8;
	[tilespmem:$0x10080] =	vst v63  }
0x5d: {  	s22 =	simm.s32 $0xD880  }
0x5e: {  	[tilespmem:s22], [sflag:$0x1] =	stream.indirect_vreg.gather [hbm4b:s7+s3], $0x80, v3, vm0, $0xb8;
	[tilespmem:$0x10080] =	vst v63  }
0x5f: {  	s26 =	simm.s32 $0xE080  }
0x60: {  	[tilespmem:s26], [sflag:$0x1] =	stream.indirect_vreg.gather [hbm4b:s8+s3], $0x80, v3, vm0, $0xb8;
	[tilespmem:$0x10080] =	vst v63  }
0x61: {  	s30 =	simm.s32 $0xE880  }
0x62: {  	[tilespmem:s30], [sflag:$0x1] =	stream.indirect_vreg.gather [hbm4b:s9+s3], $0x80, v3, vm0, $0xb8;
	[tilespmem:$0x10080] =	vst v63  }
0x63: {  	s31 =	simm.s32 $0xF080  }
0x64: {  	[tilespmem:s31], [sflag:$0x1] =	stream.indirect_vreg.gather [hbm4b:s10+s3], $0x80, v3, vm0, $0xb8;
	[tilespmem:$0x10080] =	vst v63  }
0x65: {  	s0 =	simm.s32 $0xF880  }
0x66: {  	[tilespmem:s0], [sflag:$0x1] =	stream.indirect_vreg.gather [hbm4b:s11+s3], $0x80, v3, vm0, $0xb8;
	[tilespmem:$0x10080] =	vst v63  }
0x67: {  	_ =	swait.ge [sflag:s28], $0x10000  }
0x68: {  	[sflag:s28] =	ssyncset.done $0x0  }
0x69: {  	s16 =	rddreg [dreg:$0x13];
	[sflag:s28] =	ssyncadd.s32 $0xFFFF0000  }
0x6a: {  	[hbm4b:s16+s3] =	stream.linear.scatter [tilespmem:s14], [sflag:$0x2], $0x10000, $0x38;
	[tilespmem:$0x10080] =	vst v63  }
0x6b: {  	_ =	swait.ge [sflag:s13], $0x10000  }
0x6c: {  	[sflag:s13] =	ssyncset.done $0x0  }
0x6d: {  	s17 =	rddreg [dreg:$0x5];
	[sflag:s13] =	ssyncadd.s32 $0xFFFF0000  }
0x6e: {  	[tilespmem:s3], [sflag:$0x2] =	stream.linear.gather [hbm4b:s17+s3], $0x80, $0x38;
	[tilespmem:$0x10080] =	vst v63  }
0x6f: {  	_ =	swait.ge [sflag:s13], $0x80  }
0x70: {  	[sflag:s13] =	ssyncset.done $0x0  }
0x71: {  	[sflag:s13] =	ssyncadd.s32 $0xFFFFFF80  }
0x72: {  	v3 =	vld [tilespmem:$0x0];
	_ =	sdelay $0x4  }
0x73: {  	v50 =	vshll.u32 v3, $0x4  }
0x74: {  	v3 =	vand.u32 $0x7, v3;
	v4 =	vand.u32 $0xFFFFFF80, v50  }
0x75: {  	v3 =	vor.u32 v3, v4  }
0x76: {  	v4 =	vperm.xlane v3, v0;
	_ =	sdelay $0x1  }
0x77: {  	v4 =	vadd.s32 v1, v4;
	_ =	sdelay $0x4  }
0x78: {  	[tilespmem:s14], [sflag:$0x1] =	stream.indirect_vreg.gather [hbm4b:s1+s3], $0x80, v4, vm0, $0xb8;
	[tilespmem:$0x10080] =	vst v63  }
0x79: {  	s2 =	simm.s32 $0x880  }
0x7a: {  	[tilespmem:s2], [sflag:$0x1] =	stream.indirect_vreg.gather [hbm4b:s5+s3], $0x80, v4, vm0, $0xb8;
	[tilespmem:$0x10080] =	vst v63  }
0x7b: {  	s4 =	simm.s32 $0x1080  }
0x7c: {  	[tilespmem:s4], [sflag:$0x1] =	stream.indirect_vreg.gather [hbm4b:s6+s3], $0x80, v4, vm0, $0xb8;
	[tilespmem:$0x10080] =	vst v63  }
0x7d: {  	s0 =	simm.s32 $0x1880  }
0x7e: {  	[tilespmem:s0], [sflag:$0x1] =	stream.indirect_vreg.gather [hbm4b:s7+s3], $0x80, v4, vm0, $0xb8;
	[tilespmem:$0x10080] =	vst v63  }
0x7f: {  	s12 =	simm.s32 $0x2080  }
0x80: {  	[tilespmem:s12], [sflag:$0x1] =	stream.indirect_vreg.gather [hbm4b:s8+s3], $0x80, v4, vm0, $0xb8;
	[tilespmem:$0x10080] =	vst v63  }
0x81: {  	s15 =	simm.s32 $0x2880;
	v3 =	vperm.xlane v3, v2  }
0x82: {  	[tilespmem:s15], [sflag:$0x1] =	stream.indirect_vreg.gather [hbm4b:s9+s3], $0x80, v4, vm0, $0xb8;
	[tilespmem:$0x10080] =	vst v63  }
0x83: {  	v3 =	vadd.s32 v1, v3;
	s2 =	simm.s32 $0x3080  }
0x84: {  	[tilespmem:s2], [sflag:$0x1] =	stream.indirect_vreg.gather [hbm4b:s10+s3], $0x80, v4, vm0, $0xb8;
	[tilespmem:$0x10080] =	vst v63  }
0x85: {  	s4 =	simm.s32 $0x3880  }
0x86: {  	[tilespmem:s4], [sflag:$0x1] =	stream.indirect_vreg.gather [hbm4b:s11+s3], $0x80, v4, vm0, $0xb8;
	[tilespmem:$0x10080] =	vst v63  }
0x87: {  	s12 =	simm.s32 $0x4080  }
0x88: {  	[tilespmem:s12], [sflag:$0x1] =	stream.indirect_vreg.gather [hbm4b:s1+s3], $0x80, v3, vm0, $0xb8;
	[tilespmem:$0x10080] =	vst v63  }
0x89: {  	s26 =	simm.s32 $0x4880  }
0x8a: {  	[tilespmem:s26], [sflag:$0x1] =	stream.indirect_vreg.gather [hbm4b:s5+s3], $0x80, v3, vm0, $0xb8;
	[tilespmem:$0x10080] =	vst v63  }
0x8b: {  	s30 =	simm.s32 $0x5080  }
0x8c: {  	[tilespmem:s30], [sflag:$0x1] =	stream.indirect_vreg.gather [hbm4b:s6+s3], $0x80, v3, vm0, $0xb8;
	[tilespmem:$0x10080] =	vst v63  }
0x8d: {  	s31 =	simm.s32 $0x5880  }
0x8e: {  	[tilespmem:s31], [sflag:$0x1] =	stream.indirect_vreg.gather [hbm4b:s7+s3], $0x80, v3, vm0, $0xb8;
	[tilespmem:$0x10080] =	vst v63  }
0x8f: {  	s15 =	simm.s32 $0x6080  }
0x90: {  	[tilespmem:s15], [sflag:$0x1] =	stream.indirect_vreg.gather [hbm4b:s8+s3], $0x80, v3, vm0, $0xb8;
	[tilespmem:$0x10080] =	vst v63  }
0x91: {  	s16 =	simm.s32 $0x6880  }
0x92: {  	[tilespmem:s16], [sflag:$0x1] =	stream.indirect_vreg.gather [hbm4b:s9+s3], $0x80, v3, vm0, $0xb8;
	[tilespmem:$0x10080] =	vst v63  }
0x93: {  	s17 =	simm.s32 $0x7080  }
0x94: {  	[tilespmem:s17], [sflag:$0x1] =	stream.indirect_vreg.gather [hbm4b:s10+s3], $0x80, v3, vm0, $0xb8;
	[tilespmem:$0x10080] =	vst v63  }
0x95: {  	s18 =	simm.s32 $0x7880  }
0x96: {  	[tilespmem:s18], [sflag:$0x1] =	stream.indirect_vreg.gather [hbm4b:s11+s3], $0x80, v3, vm0, $0xb8;
	[tilespmem:$0x10080] =	vst v63  }
0x97: {  	v3 =	vld [tilespmem:$0x10];
	_ =	sdelay $0x4  }
0x98: {  	v51 =	vshll.u32 v3, $0x4  }
0x99: {  	v3 =	vand.u32 $0x7, v3;
	v4 =	vand.u32 $0xFFFFFF80, v51  }
0x9a: {  	v3 =	vor.u32 v3, v4  }
0x9b: {  	v4 =	vperm.xlane v3, v0;
	_ =	sdelay $0x1  }
0x9c: {  	v4 =	vadd.s32 v1, v4;
	_ =	sdelay $0x3  }
0x9d: {  	s18 =	simm.s32 $0x8080  }
0x9e: {  	[tilespmem:s18], [sflag:$0x1] =	stream.indirect_vreg.gather [hbm4b:s1+s3], $0x80, v4, vm0, $0xb8;
	[tilespmem:$0x10080] =	vst v63  }
0x9f: {  	s29 =	simm.s32 $0x8880  }
0xa0: {  	[tilespmem:s29], [sflag:$0x1] =	stream.indirect_vreg.gather [hbm4b:s5+s3], $0x80, v4, vm0, $0xb8;
	[tilespmem:$0x10080] =	vst v63  }
0xa1: {  	s23 =	simm.s32 $0x9080  }
0xa2: {  	[tilespmem:s23], [sflag:$0x1] =	stream.indirect_vreg.gather [hbm4b:s6+s3], $0x80, v4, vm0, $0xb8;
	[tilespmem:$0x10080] =	vst v63  }
0xa3: {  	s24 =	simm.s32 $0x9880  }
0xa4: {  	[tilespmem:s24], [sflag:$0x1] =	stream.indirect_vreg.gather [hbm4b:s7+s3], $0x80, v4, vm0, $0xb8;
	[tilespmem:$0x10080] =	vst v63  }
0xa5: {  	s20 =	simm.s32 $0xA080  }
0xa6: {  	[tilespmem:s20], [sflag:$0x1] =	stream.indirect_vreg.gather [hbm4b:s8+s3], $0x80, v4, vm0, $0xb8;
	[tilespmem:$0x10080] =	vst v63  }
0xa7: {  	s21 =	simm.s32 $0xA880;
	v3 =	vperm.xlane v3, v2  }
0xa8: {  	[tilespmem:s21], [sflag:$0x1] =	stream.indirect_vreg.gather [hbm4b:s9+s3], $0x80, v4, vm0, $0xb8;
	[tilespmem:$0x10080] =	vst v63  }
0xa9: {  	s25 =	simm.s32 $0xB080;
	v3 =	vadd.s32 v1, v3  }
0xaa: {  	[tilespmem:s25], [sflag:$0x1] =	stream.indirect_vreg.gather [hbm4b:s10+s3], $0x80, v4, vm0, $0xb8;
	[tilespmem:$0x10080] =	vst v63  }
0xab: {  	s25 =	simm.s32 $0xB880  }
0xac: {  	[tilespmem:s25], [sflag:$0x1] =	stream.indirect_vreg.gather [hbm4b:s11+s3], $0x80, v4, vm0, $0xb8;
	[tilespmem:$0x10080] =	vst v63  }
0xad: {  	s29 =	simm.s32 $0xC080  }
0xae: {  	[tilespmem:s29], [sflag:$0x1] =	stream.indirect_vreg.gather [hbm4b:s1+s3], $0x80, v3, vm0, $0xb8;
	[tilespmem:$0x10080] =	vst v63  }
0xaf: {  	s29 =	simm.s32 $0xC880  }
0xb0: {  	[tilespmem:s29], [sflag:$0x1] =	stream.indirect_vreg.gather [hbm4b:s5+s3], $0x80, v3, vm0, $0xb8;
	[tilespmem:$0x10080] =	vst v63  }
0xb1: {  	s29 =	simm.s32 $0xD080  }
0xb2: {  	[tilespmem:s29], [sflag:$0x1] =	stream.indirect_vreg.gather [hbm4b:s6+s3], $0x80, v3, vm0, $0xb8;
	[tilespmem:$0x10080] =	vst v63  }
0xb3: {  	s29 =	simm.s32 $0xD880  }
0xb4: {  	[tilespmem:s29], [sflag:$0x1] =	stream.indirect_vreg.gather [hbm4b:s7+s3], $0x80, v3, vm0, $0xb8;
	[tilespmem:$0x10080] =	vst v63  }
0xb5: {  	s29 =	simm.s32 $0xE080  }
0xb6: {  	[tilespmem:s29], [sflag:$0x1] =	stream.indirect_vreg.gather [hbm4b:s8+s3], $0x80, v3, vm0, $0xb8;
	[tilespmem:$0x10080] =	vst v63  }
0xb7: {  	s29 =	simm.s32 $0xE880  }
0xb8: {  	[tilespmem:s29], [sflag:$0x1] =	stream.indirect_vreg.gather [hbm4b:s9+s3], $0x80, v3, vm0, $0xb8;
	[tilespmem:$0x10080] =	vst v63  }
0xb9: {  	s29 =	simm.s32 $0xF080  }
0xba: {  	[tilespmem:s29], [sflag:$0x1] =	stream.indirect_vreg.gather [hbm4b:s10+s3], $0x80, v3, vm0, $0xb8;
	[tilespmem:$0x10080] =	vst v63  }
0xbb: {  	s22 =	simm.s32 $0xF880  }
0xbc: {  	[tilespmem:s22], [sflag:$0x1] =	stream.indirect_vreg.gather [hbm4b:s11+s3], $0x80, v3, vm0, $0xb8;
	[tilespmem:$0x10080] =	vst v63  }
0xbd: {  	_ =	swait.ge [sflag:s28], $0x10000  }
0xbe: {  	[sflag:s28] =	ssyncset.done $0x0  }
0xbf: {  	s29 =	rddreg [dreg:$0x6];
	[sflag:s28] =	ssyncadd.s32 $0xFFFF0000  }
0xc0: {  	[hbm4b:s29+s3] =	stream.linear.scatter [tilespmem:s14], [sflag:$0x2], $0x10000, $0x38;
	[tilespmem:$0x10080] =	vst v63  }
0xc1: {  	_ =	swait.ge [sflag:s13], $0x10000  }
0xc2: {  	[sflag:s13] =	ssyncset.done $0x0  }
0xc3: {  	s29 =	rddreg [dreg:$0x7];
	[sflag:s13] =	ssyncadd.s32 $0xFFFF0000  }
0xc4: {  	[tilespmem:s3], [sflag:$0x2] =	stream.linear.gather [hbm4b:s29+s3], $0x80, $0x38;
	[tilespmem:$0x10080] =	vst v63  }
0xc5: {  	_ =	swait.ge [sflag:s13], $0x80  }
0xc6: {  	[sflag:s13] =	ssyncset.done $0x0  }
0xc7: {  	[sflag:s13] =	ssyncadd.s32 $0xFFFFFF80  }
0xc8: {  	v3 =	vld [tilespmem:$0x0];
	_ =	sdelay $0x4  }
0xc9: {  	v52 =	vshll.u32 v3, $0x4  }
0xca: {  	v3 =	vand.u32 $0x7, v3;
	v4 =	vand.u32 $0xFFFFFF80, v52  }
0xcb: {  	v3 =	vor.u32 v3, v4  }
0xcc: {  	v4 =	vperm.xlane v3, v0;
	_ =	sdelay $0x1  }
0xcd: {  	v4 =	vadd.s32 v1, v4;
	_ =	sdelay $0x4  }
0xce: {  	[tilespmem:s14], [sflag:$0x1] =	stream.indirect_vreg.gather [hbm4b:s1+s3], $0x80, v4, vm0, $0xb8;
	[tilespmem:$0x10080] =	vst v63  }
0xcf: {  	s29 =	simm.s32 $0x880  }
0xd0: {  	[tilespmem:s29], [sflag:$0x1] =	stream.indirect_vreg.gather [hbm4b:s5+s3], $0x80, v4, vm0, $0xb8;
	[tilespmem:$0x10080] =	vst v63  }
0xd1: {  	s29 =	simm.s32 $0x1080  }
0xd2: {  	[tilespmem:s29], [sflag:$0x1] =	stream.indirect_vreg.gather [hbm4b:s6+s3], $0x80, v4, vm0, $0xb8;
	[tilespmem:$0x10080] =	vst v63  }
0xd3: {  	_ = 	snop  }
0xd4: {  	[tilespmem:s0], [sflag:$0x1] =	stream.indirect_vreg.gather [hbm4b:s7+s3], $0x80, v4, vm0, $0xb8;
	[tilespmem:$0x10080] =	vst v63  }
0xd5: {  	s29 =	simm.s32 $0x2080  }
0xd6: {  	[tilespmem:s29], [sflag:$0x1] =	stream.indirect_vreg.gather [hbm4b:s8+s3], $0x80, v4, vm0, $0xb8;
	[tilespmem:$0x10080] =	vst v63  }
0xd7: {  	v3 =	vperm.xlane v3, v2;
	s29 =	simm.s32 $0x2880  }
0xd8: {  	[tilespmem:s29], [sflag:$0x1] =	stream.indirect_vreg.gather [hbm4b:s9+s3], $0x80, v4, vm0, $0xb8;
	[tilespmem:$0x10080] =	vst v63  }
0xd9: {  	v3 =	vadd.s32 v1, v3  }
0xda: {  	[tilespmem:s2], [sflag:$0x1] =	stream.indirect_vreg.gather [hbm4b:s10+s3], $0x80, v4, vm0, $0xb8;
	[tilespmem:$0x10080] =	vst v63  }
0xdb: {  	_ = 	snop  }
0xdc: {  	[tilespmem:s4], [sflag:$0x1] =	stream.indirect_vreg.gather [hbm4b:s11+s3], $0x80, v4, vm0, $0xb8;
	[tilespmem:$0x10080] =	vst v63  }
0xdd: {  	_ = 	snop  }
0xde: {  	[tilespmem:s12], [sflag:$0x1] =	stream.indirect_vreg.gather [hbm4b:s1+s3], $0x80, v3, vm0, $0xb8;
	[tilespmem:$0x10080] =	vst v63  }
0xdf: {  	_ = 	snop  }
0xe0: {  	[tilespmem:s26], [sflag:$0x1] =	stream.indirect_vreg.gather [hbm4b:s5+s3], $0x80, v3, vm0, $0xb8;
	[tilespmem:$0x10080] =	vst v63  }
0xe1: {  	_ = 	snop  }
0xe2: {  	[tilespmem:s30], [sflag:$0x1] =	stream.indirect_vreg.gather [hbm4b:s6+s3], $0x80, v3, vm0, $0xb8;
	[tilespmem:$0x10080] =	vst v63  }
0xe3: {  	_ = 	snop  }
0xe4: {  	[tilespmem:s31], [sflag:$0x1] =	stream.indirect_vreg.gather [hbm4b:s7+s3], $0x80, v3, vm0, $0xb8;
	[tilespmem:$0x10080] =	vst v63  }
0xe5: {  	_ = 	snop  }
0xe6: {  	[tilespmem:s15], [sflag:$0x1] =	stream.indirect_vreg.gather [hbm4b:s8+s3], $0x80, v3, vm0, $0xb8;
	[tilespmem:$0x10080] =	vst v63  }
0xe7: {  	_ = 	snop  }
0xe8: {  	[tilespmem:s16], [sflag:$0x1] =	stream.indirect_vreg.gather [hbm4b:s9+s3], $0x80, v3, vm0, $0xb8;
	[tilespmem:$0x10080] =	vst v63  }
0xe9: {  	_ = 	snop  }
0xea: {  	[tilespmem:s17], [sflag:$0x1] =	stream.indirect_vreg.gather [hbm4b:s10+s3], $0x80, v3, vm0, $0xb8;
	[tilespmem:$0x10080] =	vst v63  }
0xeb: {  	s29 =	simm.s32 $0x7880  }
0xec: {  	[tilespmem:s29], [sflag:$0x1] =	stream.indirect_vreg.gather [hbm4b:s11+s3], $0x80, v3, vm0, $0xb8;
	[tilespmem:$0x10080] =	vst v63  }
0xed: {  	v3 =	vld [tilespmem:$0x10];
	_ =	sdelay $0x4  }
0xee: {  	v53 =	vshll.u32 v3, $0x4  }
0xef: {  	v3 =	vand.u32 $0x7, v3;
	v4 =	vand.u32 $0xFFFFFF80, v53  }
0xf0: {  	v3 =	vor.u32 v3, v4  }
0xf1: {  	v4 =	vperm.xlane v3, v0;
	_ =	sdelay $0x1  }
0xf2: {  	v4 =	vadd.s32 v1, v4;
	_ =	sdelay $0x4  }
0xf3: {  	[tilespmem:s18], [sflag:$0x1] =	stream.indirect_vreg.gather [hbm4b:s1+s3], $0x80, v4, vm0, $0xb8;
	[tilespmem:$0x10080] =	vst v63  }
0xf4: {  	s29 =	simm.s32 $0x8880  }
0xf5: {  	[tilespmem:s29], [sflag:$0x1] =	stream.indirect_vreg.gather [hbm4b:s5+s3], $0x80, v4, vm0, $0xb8;
	[tilespmem:$0x10080] =	vst v63  }
0xf6: {  	s23 =	simm.s32 $0x9080  }
0xf7: {  	[tilespmem:s23], [sflag:$0x1] =	stream.indirect_vreg.gather [hbm4b:s6+s3], $0x80, v4, vm0, $0xb8;
	[tilespmem:$0x10080] =	vst v63  }
0xf8: {  	s24 =	simm.s32 $0x9880  }
0xf9: {  	[tilespmem:s24], [sflag:$0x1] =	stream.indirect_vreg.gather [hbm4b:s7+s3], $0x80, v4, vm0, $0xb8;
	[tilespmem:$0x10080] =	vst v63  }
0xfa: {  	s29 =	simm.s32 $0xA080  }
0xfb: {  	[tilespmem:s29], [sflag:$0x1] =	stream.indirect_vreg.gather [hbm4b:s8+s3], $0x80, v4, vm0, $0xb8;
	[tilespmem:$0x10080] =	vst v63  }
0xfc: {  	v3 =	vperm.xlane v3, v2;
	s29 =	simm.s32 $0xA880  }
0xfd: {  	[tilespmem:s29], [sflag:$0x1] =	stream.indirect_vreg.gather [hbm4b:s9+s3], $0x80, v4, vm0, $0xb8;
	[tilespmem:$0x10080] =	vst v63  }
0xfe: {  	s20 =	simm.s32 $0xB080;
	v3 =	vadd.s32 v1, v3  }
0xff: {  	[tilespmem:s20], [sflag:$0x1] =	stream.indirect_vreg.gather [hbm4b:s10+s3], $0x80, v4, vm0, $0xb8;
	[tilespmem:$0x10080] =	vst v63  }
0x100: {  	s21 =	simm.s32 $0xB880  }
0x101: {  	[tilespmem:s21], [sflag:$0x1] =	stream.indirect_vreg.gather [hbm4b:s11+s3], $0x80, v4, vm0, $0xb8;
	[tilespmem:$0x10080] =	vst v63  }
0x102: {  	s25 =	simm.s32 $0xC080  }
0x103: {  	[tilespmem:s25], [sflag:$0x1] =	stream.indirect_vreg.gather [hbm4b:s1+s3], $0x80, v3, vm0, $0xb8;
	[tilespmem:$0x10080] =	vst v63  }
0x104: {  	s29 =	simm.s32 $0xC880  }
0x105: {  	[tilespmem:s29], [sflag:$0x1] =	stream.indirect_vreg.gather [hbm4b:s5+s3], $0x80, v3, vm0, $0xb8;
	[tilespmem:$0x10080] =	vst v63  }
0x106: {  	s29 =	simm.s32 $0xD080  }
0x107: {  	[tilespmem:s29], [sflag:$0x1] =	stream.indirect_vreg.gather [hbm4b:s6+s3], $0x80, v3, vm0, $0xb8;
	[tilespmem:$0x10080] =	vst v63  }
0x108: {  	s29 =	simm.s32 $0xD880  }
0x109: {  	[tilespmem:s29], [sflag:$0x1] =	stream.indirect_vreg.gather [hbm4b:s7+s3], $0x80, v3, vm0, $0xb8;
	[tilespmem:$0x10080] =	vst v63  }
0x10a: {  	s29 =	simm.s32 $0xE080  }
0x10b: {  	[tilespmem:s29], [sflag:$0x1] =	stream.indirect_vreg.gather [hbm4b:s8+s3], $0x80, v3, vm0, $0xb8;
	[tilespmem:$0x10080] =	vst v63  }
0x10c: {  	s29 =	simm.s32 $0xE880  }
0x10d: {  	[tilespmem:s29], [sflag:$0x1] =	stream.indirect_vreg.gather [hbm4b:s9+s3], $0x80, v3, vm0, $0xb8;
	[tilespmem:$0x10080] =	vst v63  }
0x10e: {  	s29 =	simm.s32 $0xF080  }
0x10f: {  	[tilespmem:s29], [sflag:$0x1] =	stream.indirect_vreg.gather [hbm4b:s10+s3], $0x80, v3, vm0, $0xb8;
	[tilespmem:$0x10080] =	vst v63  }
0x110: {  	s22 =	simm.s32 $0xF880  }
0x111: {  	[tilespmem:s22], [sflag:$0x1] =	stream.indirect_vreg.gather [hbm4b:s11+s3], $0x80, v3, vm0, $0xb8;
	[tilespmem:$0x10080] =	vst v63  }
0x112: {  	_ =	swait.ge [sflag:s28], $0x10000  }
0x113: {  	[sflag:s28] =	ssyncset.done $0x0  }
0x114: {  	s29 =	rddreg [dreg:$0x8];
	[sflag:s28] =	ssyncadd.s32 $0xFFFF0000  }
0x115: {  	[hbm4b:s29+s3] =	stream.linear.scatter [tilespmem:s14], [sflag:$0x2], $0x10000, $0x38;
	[tilespmem:$0x10080] =	vst v63  }
0x116: {  	_ =	swait.ge [sflag:s13], $0x10000  }
0x117: {  	[sflag:s13] =	ssyncset.done $0x0  }
0x118: {  	s29 =	rddreg [dreg:$0x9];
	[sflag:s13] =	ssyncadd.s32 $0xFFFF0000  }
0x119: {  	[tilespmem:s3], [sflag:$0x2] =	stream.linear.gather [hbm4b:s29+s3], $0x80, $0x38;
	[tilespmem:$0x10080] =	vst v63  }
0x11a: {  	_ =	swait.ge [sflag:s13], $0x80  }
0x11b: {  	[sflag:s13] =	ssyncset.done $0x0  }
0x11c: {  	[sflag:s13] =	ssyncadd.s32 $0xFFFFFF80  }
0x11d: {  	v3 =	vld [tilespmem:$0x0];
	_ =	sdelay $0x4  }
0x11e: {  	v54 =	vshll.u32 v3, $0x4  }
0x11f: {  	v3 =	vand.u32 $0x7, v3;
	v4 =	vand.u32 $0xFFFFFF80, v54  }
0x120: {  	v3 =	vor.u32 v3, v4  }
0x121: {  	v4 =	vperm.xlane v3, v0;
	_ =	sdelay $0x1  }
0x122: {  	v4 =	vadd.s32 v1, v4;
	_ =	sdelay $0x4  }
0x123: {  	[tilespmem:s14], [sflag:$0x1] =	stream.indirect_vreg.gather [hbm4b:s1+s3], $0x80, v4, vm0, $0xb8;
	[tilespmem:$0x10080] =	vst v63  }
0x124: {  	s29 =	simm.s32 $0x880  }
0x125: {  	[tilespmem:s29], [sflag:$0x1] =	stream.indirect_vreg.gather [hbm4b:s5+s3], $0x80, v4, vm0, $0xb8;
	[tilespmem:$0x10080] =	vst v63  }
0x126: {  	s29 =	simm.s32 $0x1080  }
0x127: {  	[tilespmem:s29], [sflag:$0x1] =	stream.indirect_vreg.gather [hbm4b:s6+s3], $0x80, v4, vm0, $0xb8;
	[tilespmem:$0x10080] =	vst v63  }
0x128: {  	s0 =	simm.s32 $0x1880  }
0x129: {  	[tilespmem:s0], [sflag:$0x1] =	stream.indirect_vreg.gather [hbm4b:s7+s3], $0x80, v4, vm0, $0xb8;
	[tilespmem:$0x10080] =	vst v63  }
0x12a: {  	s29 =	simm.s32 $0x2080  }
0x12b: {  	[tilespmem:s29], [sflag:$0x1] =	stream.indirect_vreg.gather [hbm4b:s8+s3], $0x80, v4, vm0, $0xb8;
	[tilespmem:$0x10080] =	vst v63  }
0x12c: {  	v3 =	vperm.xlane v3, v2;
	s29 =	simm.s32 $0x2880  }
0x12d: {  	[tilespmem:s29], [sflag:$0x1] =	stream.indirect_vreg.gather [hbm4b:s9+s3], $0x80, v4, vm0, $0xb8;
	[tilespmem:$0x10080] =	vst v63  }
0x12e: {  	s2 =	simm.s32 $0x3080;
	v3 =	vadd.s32 v1, v3  }
0x12f: {  	[tilespmem:s2], [sflag:$0x1] =	stream.indirect_vreg.gather [hbm4b:s10+s3], $0x80, v4, vm0, $0xb8;
	[tilespmem:$0x10080] =	vst v63  }
0x130: {  	s4 =	simm.s32 $0x3880  }
0x131: {  	[tilespmem:s4], [sflag:$0x1] =	stream.indirect_vreg.gather [hbm4b:s11+s3], $0x80, v4, vm0, $0xb8;
	[tilespmem:$0x10080] =	vst v63  }
0x132: {  	s12 =	simm.s32 $0x4080  }
0x133: {  	[tilespmem:s12], [sflag:$0x1] =	stream.indirect_vreg.gather [hbm4b:s1+s3], $0x80, v3, vm0, $0xb8;
	[tilespmem:$0x10080] =	vst v63  }
0x134: {  	s26 =	simm.s32 $0x4880  }
0x135: {  	[tilespmem:s26], [sflag:$0x1] =	stream.indirect_vreg.gather [hbm4b:s5+s3], $0x80, v3, vm0, $0xb8;
	[tilespmem:$0x10080] =	vst v63  }
0x136: {  	s30 =	simm.s32 $0x5080  }
0x137: {  	[tilespmem:s30], [sflag:$0x1] =	stream.indirect_vreg.gather [hbm4b:s6+s3], $0x80, v3, vm0, $0xb8;
	[tilespmem:$0x10080] =	vst v63  }
0x138: {  	s31 =	simm.s32 $0x5880  }
0x139: {  	[tilespmem:s31], [sflag:$0x1] =	stream.indirect_vreg.gather [hbm4b:s7+s3], $0x80, v3, vm0, $0xb8;
	[tilespmem:$0x10080] =	vst v63  }
0x13a: {  	s15 =	simm.s32 $0x6080  }
0x13b: {  	[tilespmem:s15], [sflag:$0x1] =	stream.indirect_vreg.gather [hbm4b:s8+s3], $0x80, v3, vm0, $0xb8;
	[tilespmem:$0x10080] =	vst v63  }
0x13c: {  	s16 =	simm.s32 $0x6880  }
0x13d: {  	[tilespmem:s16], [sflag:$0x1] =	stream.indirect_vreg.gather [hbm4b:s9+s3], $0x80, v3, vm0, $0xb8;
	[tilespmem:$0x10080] =	vst v63  }
0x13e: {  	s17 =	simm.s32 $0x7080  }
0x13f: {  	[tilespmem:s17], [sflag:$0x1] =	stream.indirect_vreg.gather [hbm4b:s10+s3], $0x80, v3, vm0, $0xb8;
	[tilespmem:$0x10080] =	vst v63  }
0x140: {  	s29 =	simm.s32 $0x7880  }
0x141: {  	[tilespmem:s29], [sflag:$0x1] =	stream.indirect_vreg.gather [hbm4b:s11+s3], $0x80, v3, vm0, $0xb8;
	[tilespmem:$0x10080] =	vst v63  }
0x142: {  	v3 =	vld [tilespmem:$0x10];
	_ =	sdelay $0x4  }
0x143: {  	v55 =	vshll.u32 v3, $0x4  }
0x144: {  	v3 =	vand.u32 $0x7, v3;
	v4 =	vand.u32 $0xFFFFFF80, v55  }
0x145: {  	v3 =	vor.u32 v3, v4  }
0x146: {  	v4 =	vperm.xlane v3, v0;
	_ =	sdelay $0x1  }
0x147: {  	v4 =	vadd.s32 v1, v4;
	_ =	sdelay $0x3  }
0x148: {  	s18 =	simm.s32 $0x8080  }
0x149: {  	[tilespmem:s18], [sflag:$0x1] =	stream.indirect_vreg.gather [hbm4b:s1+s3], $0x80, v4, vm0, $0xb8;
	[tilespmem:$0x10080] =	vst v63  }
0x14a: {  	s29 =	simm.s32 $0x8880  }
0x14b: {  	[tilespmem:s29], [sflag:$0x1] =	stream.indirect_vreg.gather [hbm4b:s5+s3], $0x80, v4, vm0, $0xb8;
	[tilespmem:$0x10080] =	vst v63  }
0x14c: {  	s23 =	simm.s32 $0x9080  }
0x14d: {  	[tilespmem:s23], [sflag:$0x1] =	stream.indirect_vreg.gather [hbm4b:s6+s3], $0x80, v4, vm0, $0xb8;
	[tilespmem:$0x10080] =	vst v63  }
0x14e: {  	s24 =	simm.s32 $0x9880  }
0x14f: {  	[tilespmem:s24], [sflag:$0x1] =	stream.indirect_vreg.gather [hbm4b:s7+s3], $0x80, v4, vm0, $0xb8;
	[tilespmem:$0x10080] =	vst v63  }
0x150: {  	s29 =	simm.s32 $0xA080  }
0x151: {  	[tilespmem:s29], [sflag:$0x1] =	stream.indirect_vreg.gather [hbm4b:s8+s3], $0x80, v4, vm0, $0xb8;
	[tilespmem:$0x10080] =	vst v63  }
0x152: {  	v3 =	vperm.xlane v3, v2;
	s29 =	simm.s32 $0xA880  }
0x153: {  	[tilespmem:s29], [sflag:$0x1] =	stream.indirect_vreg.gather [hbm4b:s9+s3], $0x80, v4, vm0, $0xb8;
	[tilespmem:$0x10080] =	vst v63  }
0x154: {  	s20 =	simm.s32 $0xB080;
	v3 =	vadd.s32 v1, v3  }
0x155: {  	[tilespmem:s20], [sflag:$0x1] =	stream.indirect_vreg.gather [hbm4b:s10+s3], $0x80, v4, vm0, $0xb8;
	[tilespmem:$0x10080] =	vst v63  }
0x156: {  	s21 =	simm.s32 $0xB880  }
0x157: {  	[tilespmem:s21], [sflag:$0x1] =	stream.indirect_vreg.gather [hbm4b:s11+s3], $0x80, v4, vm0, $0xb8;
	[tilespmem:$0x10080] =	vst v63  }
0x158: {  	s25 =	simm.s32 $0xC080  }
0x159: {  	[tilespmem:s25], [sflag:$0x1] =	stream.indirect_vreg.gather [hbm4b:s1+s3], $0x80, v3, vm0, $0xb8;
	[tilespmem:$0x10080] =	vst v63  }
0x15a: {  	s29 =	simm.s32 $0xC880  }
0x15b: {  	[tilespmem:s29], [sflag:$0x1] =	stream.indirect_vreg.gather [hbm4b:s5+s3], $0x80, v3, vm0, $0xb8;
	[tilespmem:$0x10080] =	vst v63  }
0x15c: {  	s29 =	simm.s32 $0xD080  }
0x15d: {  	[tilespmem:s29], [sflag:$0x1] =	stream.indirect_vreg.gather [hbm4b:s6+s3], $0x80, v3, vm0, $0xb8;
	[tilespmem:$0x10080] =	vst v63  }
0x15e: {  	s29 =	simm.s32 $0xD880  }
0x15f: {  	[tilespmem:s29], [sflag:$0x1] =	stream.indirect_vreg.gather [hbm4b:s7+s3], $0x80, v3, vm0, $0xb8;
	[tilespmem:$0x10080] =	vst v63  }
0x160: {  	s29 =	simm.s32 $0xE080  }
0x161: {  	[tilespmem:s29], [sflag:$0x1] =	stream.indirect_vreg.gather [hbm4b:s8+s3], $0x80, v3, vm0, $0xb8;
	[tilespmem:$0x10080] =	vst v63  }
0x162: {  	s29 =	simm.s32 $0xE880  }
0x163: {  	[tilespmem:s29], [sflag:$0x1] =	stream.indirect_vreg.gather [hbm4b:s9+s3], $0x80, v3, vm0, $0xb8;
	[tilespmem:$0x10080] =	vst v63  }
0x164: {  	s29 =	simm.s32 $0xF080  }
0x165: {  	[tilespmem:s29], [sflag:$0x1] =	stream.indirect_vreg.gather [hbm4b:s10+s3], $0x80, v3, vm0, $0xb8;
	[tilespmem:$0x10080] =	vst v63  }
0x166: {  	s22 =	simm.s32 $0xF880  }
0x167: {  	[tilespmem:s22], [sflag:$0x1] =	stream.indirect_vreg.gather [hbm4b:s11+s3], $0x80, v3, vm0, $0xb8;
	[tilespmem:$0x10080] =	vst v63  }
0x168: {  	_ =	swait.ge [sflag:s28], $0x10000  }
0x169: {  	[sflag:s28] =	ssyncset.done $0x0  }
0x16a: {  	s29 =	rddreg [dreg:$0xa];
	[sflag:s28] =	ssyncadd.s32 $0xFFFF0000  }
0x16b: {  	[hbm4b:s29+s3] =	stream.linear.scatter [tilespmem:s14], [sflag:$0x2], $0x10000, $0x38;
	[tilespmem:$0x10080] =	vst v63  }
0x16c: {  	_ =	swait.ge [sflag:s13], $0x10000  }
0x16d: {  	[sflag:s13] =	ssyncset.done $0x0  }
0x16e: {  	s29 =	rddreg [dreg:$0xb];
	[sflag:s13] =	ssyncadd.s32 $0xFFFF0000  }
0x16f: {  	[tilespmem:s3], [sflag:$0x2] =	stream.linear.gather [hbm4b:s29+s3], $0x80, $0x38;
	[tilespmem:$0x10080] =	vst v63  }
0x170: {  	_ =	swait.ge [sflag:s13], $0x80  }
0x171: {  	[sflag:s13] =	ssyncset.done $0x0  }
0x172: {  	[sflag:s13] =	ssyncadd.s32 $0xFFFFFF80  }
0x173: {  	v3 =	vld [tilespmem:$0x0];
	_ =	sdelay $0x4  }
0x174: {  	v56 =	vshll.u32 v3, $0x4  }
0x175: {  	v3 =	vand.u32 $0x7, v3;
	v4 =	vand.u32 $0xFFFFFF80, v56  }
0x176: {  	v3 =	vor.u32 v3, v4  }
0x177: {  	v4 =	vperm.xlane v3, v0;
	_ =	sdelay $0x1  }
0x178: {  	v4 =	vadd.s32 v1, v4;
	_ =	sdelay $0x4  }
0x179: {  	[tilespmem:s14], [sflag:$0x1] =	stream.indirect_vreg.gather [hbm4b:s1+s3], $0x80, v4, vm0, $0xb8;
	[tilespmem:$0x10080] =	vst v63  }
0x17a: {  	s29 =	simm.s32 $0x880  }
0x17b: {  	[tilespmem:s29], [sflag:$0x1] =	stream.indirect_vreg.gather [hbm4b:s5+s3], $0x80, v4, vm0, $0xb8;
	[tilespmem:$0x10080] =	vst v63  }
0x17c: {  	s29 =	simm.s32 $0x1080  }
0x17d: {  	[tilespmem:s29], [sflag:$0x1] =	stream.indirect_vreg.gather [hbm4b:s6+s3], $0x80, v4, vm0, $0xb8;
	[tilespmem:$0x10080] =	vst v63  }
0x17e: {  	s0 =	simm.s32 $0x1880  }
0x17f: {  	[tilespmem:s0], [sflag:$0x1] =	stream.indirect_vreg.gather [hbm4b:s7+s3], $0x80, v4, vm0, $0xb8;
	[tilespmem:$0x10080] =	vst v63  }
0x180: {  	s29 =	simm.s32 $0x2080  }
0x181: {  	[tilespmem:s29], [sflag:$0x1] =	stream.indirect_vreg.gather [hbm4b:s8+s3], $0x80, v4, vm0, $0xb8;
	[tilespmem:$0x10080] =	vst v63  }
0x182: {  	v3 =	vperm.xlane v3, v2;
	s29 =	simm.s32 $0x2880  }
0x183: {  	[tilespmem:s29], [sflag:$0x1] =	stream.indirect_vreg.gather [hbm4b:s9+s3], $0x80, v4, vm0, $0xb8;
	[tilespmem:$0x10080] =	vst v63  }
0x184: {  	s2 =	simm.s32 $0x3080;
	v3 =	vadd.s32 v1, v3  }
0x185: {  	[tilespmem:s2], [sflag:$0x1] =	stream.indirect_vreg.gather [hbm4b:s10+s3], $0x80, v4, vm0, $0xb8;
	[tilespmem:$0x10080] =	vst v63  }
0x186: {  	s4 =	simm.s32 $0x3880  }
0x187: {  	[tilespmem:s4], [sflag:$0x1] =	stream.indirect_vreg.gather [hbm4b:s11+s3], $0x80, v4, vm0, $0xb8;
	[tilespmem:$0x10080] =	vst v63  }
0x188: {  	s12 =	simm.s32 $0x4080  }
0x189: {  	[tilespmem:s12], [sflag:$0x1] =	stream.indirect_vreg.gather [hbm4b:s1+s3], $0x80, v3, vm0, $0xb8;
	[tilespmem:$0x10080] =	vst v63  }
0x18a: {  	s26 =	simm.s32 $0x4880  }
0x18b: {  	[tilespmem:s26], [sflag:$0x1] =	stream.indirect_vreg.gather [hbm4b:s5+s3], $0x80, v3, vm0, $0xb8;
	[tilespmem:$0x10080] =	vst v63  }
0x18c: {  	s30 =	simm.s32 $0x5080  }
0x18d: {  	[tilespmem:s30], [sflag:$0x1] =	stream.indirect_vreg.gather [hbm4b:s6+s3], $0x80, v3, vm0, $0xb8;
	[tilespmem:$0x10080] =	vst v63  }
0x18e: {  	s31 =	simm.s32 $0x5880  }
0x18f: {  	[tilespmem:s31], [sflag:$0x1] =	stream.indirect_vreg.gather [hbm4b:s7+s3], $0x80, v3, vm0, $0xb8;
	[tilespmem:$0x10080] =	vst v63  }
0x190: {  	s15 =	simm.s32 $0x6080  }
0x191: {  	[tilespmem:s15], [sflag:$0x1] =	stream.indirect_vreg.gather [hbm4b:s8+s3], $0x80, v3, vm0, $0xb8;
	[tilespmem:$0x10080] =	vst v63  }
0x192: {  	s16 =	simm.s32 $0x6880  }
0x193: {  	[tilespmem:s16], [sflag:$0x1] =	stream.indirect_vreg.gather [hbm4b:s9+s3], $0x80, v3, vm0, $0xb8;
	[tilespmem:$0x10080] =	vst v63  }
0x194: {  	s17 =	simm.s32 $0x7080  }
0x195: {  	[tilespmem:s17], [sflag:$0x1] =	stream.indirect_vreg.gather [hbm4b:s10+s3], $0x80, v3, vm0, $0xb8;
	[tilespmem:$0x10080] =	vst v63  }
0x196: {  	s29 =	simm.s32 $0x7880  }
0x197: {  	[tilespmem:s29], [sflag:$0x1] =	stream.indirect_vreg.gather [hbm4b:s11+s3], $0x80, v3, vm0, $0xb8;
	[tilespmem:$0x10080] =	vst v63  }
0x198: {  	v3 =	vld [tilespmem:$0x10];
	_ =	sdelay $0x4  }
0x199: {  	v57 =	vshll.u32 v3, $0x4  }
0x19a: {  	v3 =	vand.u32 $0x7, v3;
	v4 =	vand.u32 $0xFFFFFF80, v57  }
0x19b: {  	v3 =	vor.u32 v3, v4  }
0x19c: {  	v4 =	vperm.xlane v3, v0;
	_ =	sdelay $0x1  }
0x19d: {  	v4 =	vadd.s32 v1, v4;
	_ =	sdelay $0x3  }
0x19e: {  	s18 =	simm.s32 $0x8080  }
0x19f: {  	[tilespmem:s18], [sflag:$0x1] =	stream.indirect_vreg.gather [hbm4b:s1+s3], $0x80, v4, vm0, $0xb8;
	[tilespmem:$0x10080] =	vst v63  }
0x1a0: {  	s29 =	simm.s32 $0x8880  }
0x1a1: {  	[tilespmem:s29], [sflag:$0x1] =	stream.indirect_vreg.gather [hbm4b:s5+s3], $0x80, v4, vm0, $0xb8;
	[tilespmem:$0x10080] =	vst v63  }
0x1a2: {  	s23 =	simm.s32 $0x9080  }
0x1a3: {  	[tilespmem:s23], [sflag:$0x1] =	stream.indirect_vreg.gather [hbm4b:s6+s3], $0x80, v4, vm0, $0xb8;
	[tilespmem:$0x10080] =	vst v63  }
0x1a4: {  	s24 =	simm.s32 $0x9880  }
0x1a5: {  	[tilespmem:s24], [sflag:$0x1] =	stream.indirect_vreg.gather [hbm4b:s7+s3], $0x80, v4, vm0, $0xb8;
	[tilespmem:$0x10080] =	vst v63  }
0x1a6: {  	s29 =	simm.s32 $0xA080  }
0x1a7: {  	[tilespmem:s29], [sflag:$0x1] =	stream.indirect_vreg.gather [hbm4b:s8+s3], $0x80, v4, vm0, $0xb8;
	[tilespmem:$0x10080] =	vst v63  }
0x1a8: {  	v3 =	vperm.xlane v3, v2;
	s29 =	simm.s32 $0xA880  }
0x1a9: {  	[tilespmem:s29], [sflag:$0x1] =	stream.indirect_vreg.gather [hbm4b:s9+s3], $0x80, v4, vm0, $0xb8;
	[tilespmem:$0x10080] =	vst v63  }
0x1aa: {  	s20 =	simm.s32 $0xB080;
	v3 =	vadd.s32 v1, v3  }
0x1ab: {  	[tilespmem:s20], [sflag:$0x1] =	stream.indirect_vreg.gather [hbm4b:s10+s3], $0x80, v4, vm0, $0xb8;
	[tilespmem:$0x10080] =	vst v63  }
0x1ac: {  	s21 =	simm.s32 $0xB880  }
0x1ad: {  	[tilespmem:s21], [sflag:$0x1] =	stream.indirect_vreg.gather [hbm4b:s11+s3], $0x80, v4, vm0, $0xb8;
	[tilespmem:$0x10080] =	vst v63  }
0x1ae: {  	s25 =	simm.s32 $0xC080  }
0x1af: {  	[tilespmem:s25], [sflag:$0x1] =	stream.indirect_vreg.gather [hbm4b:s1+s3], $0x80, v3, vm0, $0xb8;
	[tilespmem:$0x10080] =	vst v63  }
0x1b0: {  	s29 =	simm.s32 $0xC880  }
0x1b1: {  	[tilespmem:s29], [sflag:$0x1] =	stream.indirect_vreg.gather [hbm4b:s5+s3], $0x80, v3, vm0, $0xb8;
	[tilespmem:$0x10080] =	vst v63  }
0x1b2: {  	s29 =	simm.s32 $0xD080  }
0x1b3: {  	[tilespmem:s29], [sflag:$0x1] =	stream.indirect_vreg.gather [hbm4b:s6+s3], $0x80, v3, vm0, $0xb8;
	[tilespmem:$0x10080] =	vst v63  }
0x1b4: {  	s29 =	simm.s32 $0xD880  }
0x1b5: {  	[tilespmem:s29], [sflag:$0x1] =	stream.indirect_vreg.gather [hbm4b:s7+s3], $0x80, v3, vm0, $0xb8;
	[tilespmem:$0x10080] =	vst v63  }
0x1b6: {  	s29 =	simm.s32 $0xE080  }
0x1b7: {  	[tilespmem:s29], [sflag:$0x1] =	stream.indirect_vreg.gather [hbm4b:s8+s3], $0x80, v3, vm0, $0xb8;
	[tilespmem:$0x10080] =	vst v63  }
0x1b8: {  	s29 =	simm.s32 $0xE880  }
0x1b9: {  	[tilespmem:s29], [sflag:$0x1] =	stream.indirect_vreg.gather [hbm4b:s9+s3], $0x80, v3, vm0, $0xb8;
	[tilespmem:$0x10080] =	vst v63  }
0x1ba: {  	s29 =	simm.s32 $0xF080  }
0x1bb: {  	[tilespmem:s29], [sflag:$0x1] =	stream.indirect_vreg.gather [hbm4b:s10+s3], $0x80, v3, vm0, $0xb8;
	[tilespmem:$0x10080] =	vst v63  }
0x1bc: {  	s22 =	simm.s32 $0xF880  }
0x1bd: {  	[tilespmem:s22], [sflag:$0x1] =	stream.indirect_vreg.gather [hbm4b:s11+s3], $0x80, v3, vm0, $0xb8;
	[tilespmem:$0x10080] =	vst v63  }
0x1be: {  	_ =	swait.ge [sflag:s28], $0x10000  }
0x1bf: {  	[sflag:s28] =	ssyncset.done $0x0  }
0x1c0: {  	s29 =	rddreg [dreg:$0xc];
	[sflag:s28] =	ssyncadd.s32 $0xFFFF0000  }
0x1c1: {  	[hbm4b:s29+s3] =	stream.linear.scatter [tilespmem:s14], [sflag:$0x2], $0x10000, $0x38;
	[tilespmem:$0x10080] =	vst v63  }
0x1c2: {  	_ =	swait.ge [sflag:s13], $0x10000  }
0x1c3: {  	[sflag:s13] =	ssyncset.done $0x0  }
0x1c4: {  	s29 =	rddreg [dreg:$0xd];
	[sflag:s13] =	ssyncadd.s32 $0xFFFF0000  }
0x1c5: {  	[tilespmem:s3], [sflag:$0x2] =	stream.linear.gather [hbm4b:s29+s3], $0x80, $0x38;
	[tilespmem:$0x10080] =	vst v63  }
0x1c6: {  	_ =	swait.ge [sflag:s13], $0x80  }
0x1c7: {  	[sflag:s13] =	ssyncset.done $0x0  }
0x1c8: {  	[sflag:s13] =	ssyncadd.s32 $0xFFFFFF80  }
0x1c9: {  	v3 =	vld [tilespmem:$0x0];
	_ =	sdelay $0x4  }
0x1ca: {  	v58 =	vshll.u32 v3, $0x4  }
0x1cb: {  	v3 =	vand.u32 $0x7, v3;
	v4 =	vand.u32 $0xFFFFFF80, v58  }
0x1cc: {  	v3 =	vor.u32 v3, v4  }
0x1cd: {  	v4 =	vperm.xlane v3, v0;
	_ =	sdelay $0x1  }
0x1ce: {  	v4 =	vadd.s32 v1, v4;
	_ =	sdelay $0x4  }
0x1cf: {  	[tilespmem:s14], [sflag:$0x1] =	stream.indirect_vreg.gather [hbm4b:s1+s3], $0x80, v4, vm0, $0xb8;
	[tilespmem:$0x10080] =	vst v63  }
0x1d0: {  	s29 =	simm.s32 $0x880  }
0x1d1: {  	[tilespmem:s29], [sflag:$0x1] =	stream.indirect_vreg.gather [hbm4b:s5+s3], $0x80, v4, vm0, $0xb8;
	[tilespmem:$0x10080] =	vst v63  }
0x1d2: {  	s29 =	simm.s32 $0x1080  }
0x1d3: {  	[tilespmem:s29], [sflag:$0x1] =	stream.indirect_vreg.gather [hbm4b:s6+s3], $0x80, v4, vm0, $0xb8;
	[tilespmem:$0x10080] =	vst v63  }
0x1d4: {  	s0 =	simm.s32 $0x1880  }
0x1d5: {  	[tilespmem:s0], [sflag:$0x1] =	stream.indirect_vreg.gather [hbm4b:s7+s3], $0x80, v4, vm0, $0xb8;
	[tilespmem:$0x10080] =	vst v63  }
0x1d6: {  	s29 =	simm.s32 $0x2080  }
0x1d7: {  	[tilespmem:s29], [sflag:$0x1] =	stream.indirect_vreg.gather [hbm4b:s8+s3], $0x80, v4, vm0, $0xb8;
	[tilespmem:$0x10080] =	vst v63  }
0x1d8: {  	v3 =	vperm.xlane v3, v2;
	s29 =	simm.s32 $0x2880  }
0x1d9: {  	[tilespmem:s29], [sflag:$0x1] =	stream.indirect_vreg.gather [hbm4b:s9+s3], $0x80, v4, vm0, $0xb8;
	[tilespmem:$0x10080] =	vst v63  }
0x1da: {  	s2 =	simm.s32 $0x3080;
	v3 =	vadd.s32 v1, v3  }
0x1db: {  	[tilespmem:s2], [sflag:$0x1] =	stream.indirect_vreg.gather [hbm4b:s10+s3], $0x80, v4, vm0, $0xb8;
	[tilespmem:$0x10080] =	vst v63  }
0x1dc: {  	s4 =	simm.s32 $0x3880  }
0x1dd: {  	[tilespmem:s4], [sflag:$0x1] =	stream.indirect_vreg.gather [hbm4b:s11+s3], $0x80, v4, vm0, $0xb8;
	[tilespmem:$0x10080] =	vst v63  }
0x1de: {  	s12 =	simm.s32 $0x4080  }
0x1df: {  	[tilespmem:s12], [sflag:$0x1] =	stream.indirect_vreg.gather [hbm4b:s1+s3], $0x80, v3, vm0, $0xb8;
	[tilespmem:$0x10080] =	vst v63  }
0x1e0: {  	s26 =	simm.s32 $0x4880  }
0x1e1: {  	[tilespmem:s26], [sflag:$0x1] =	stream.indirect_vreg.gather [hbm4b:s5+s3], $0x80, v3, vm0, $0xb8;
	[tilespmem:$0x10080] =	vst v63  }
0x1e2: {  	s30 =	simm.s32 $0x5080  }
0x1e3: {  	[tilespmem:s30], [sflag:$0x1] =	stream.indirect_vreg.gather [hbm4b:s6+s3], $0x80, v3, vm0, $0xb8;
	[tilespmem:$0x10080] =	vst v63  }
0x1e4: {  	s31 =	simm.s32 $0x5880  }
0x1e5: {  	[tilespmem:s31], [sflag:$0x1] =	stream.indirect_vreg.gather [hbm4b:s7+s3], $0x80, v3, vm0, $0xb8;
	[tilespmem:$0x10080] =	vst v63  }
0x1e6: {  	s15 =	simm.s32 $0x6080  }
0x1e7: {  	[tilespmem:s15], [sflag:$0x1] =	stream.indirect_vreg.gather [hbm4b:s8+s3], $0x80, v3, vm0, $0xb8;
	[tilespmem:$0x10080] =	vst v63  }
0x1e8: {  	s16 =	simm.s32 $0x6880  }
0x1e9: {  	[tilespmem:s16], [sflag:$0x1] =	stream.indirect_vreg.gather [hbm4b:s9+s3], $0x80, v3, vm0, $0xb8;
	[tilespmem:$0x10080] =	vst v63  }
0x1ea: {  	s17 =	simm.s32 $0x7080  }
0x1eb: {  	[tilespmem:s17], [sflag:$0x1] =	stream.indirect_vreg.gather [hbm4b:s10+s3], $0x80, v3, vm0, $0xb8;
	[tilespmem:$0x10080] =	vst v63  }
0x1ec: {  	s29 =	simm.s32 $0x7880  }
0x1ed: {  	[tilespmem:s29], [sflag:$0x1] =	stream.indirect_vreg.gather [hbm4b:s11+s3], $0x80, v3, vm0, $0xb8;
	[tilespmem:$0x10080] =	vst v63  }
0x1ee: {  	v3 =	vld [tilespmem:$0x10];
	_ =	sdelay $0x4  }
0x1ef: {  	v59 =	vshll.u32 v3, $0x4  }
0x1f0: {  	v3 =	vand.u32 $0x7, v3;
	v4 =	vand.u32 $0xFFFFFF80, v59  }
0x1f1: {  	v3 =	vor.u32 v3, v4  }
0x1f2: {  	v4 =	vperm.xlane v3, v0;
	_ =	sdelay $0x1  }
0x1f3: {  	v4 =	vadd.s32 v1, v4;
	_ =	sdelay $0x3  }
0x1f4: {  	s18 =	simm.s32 $0x8080  }
0x1f5: {  	[tilespmem:s18], [sflag:$0x1] =	stream.indirect_vreg.gather [hbm4b:s1+s3], $0x80, v4, vm0, $0xb8;
	[tilespmem:$0x10080] =	vst v63  }
0x1f6: {  	s29 =	simm.s32 $0x8880  }
0x1f7: {  	[tilespmem:s29], [sflag:$0x1] =	stream.indirect_vreg.gather [hbm4b:s5+s3], $0x80, v4, vm0, $0xb8;
	[tilespmem:$0x10080] =	vst v63  }
0x1f8: {  	s23 =	simm.s32 $0x9080  }
0x1f9: {  	[tilespmem:s23], [sflag:$0x1] =	stream.indirect_vreg.gather [hbm4b:s6+s3], $0x80, v4, vm0, $0xb8;
	[tilespmem:$0x10080] =	vst v63  }
0x1fa: {  	s24 =	simm.s32 $0x9880  }
0x1fb: {  	[tilespmem:s24], [sflag:$0x1] =	stream.indirect_vreg.gather [hbm4b:s7+s3], $0x80, v4, vm0, $0xb8;
	[tilespmem:$0x10080] =	vst v63  }
0x1fc: {  	s29 =	simm.s32 $0xA080  }
0x1fd: {  	[tilespmem:s29], [sflag:$0x1] =	stream.indirect_vreg.gather [hbm4b:s8+s3], $0x80, v4, vm0, $0xb8;
	[tilespmem:$0x10080] =	vst v63  }
0x1fe: {  	v3 =	vperm.xlane v3, v2;
	s29 =	simm.s32 $0xA880  }
0x1ff: {  	[tilespmem:s29], [sflag:$0x1] =	stream.indirect_vreg.gather [hbm4b:s9+s3], $0x80, v4, vm0, $0xb8;
	[tilespmem:$0x10080] =	vst v63  }
0x200: {  	s20 =	simm.s32 $0xB080;
	v3 =	vadd.s32 v1, v3  }
0x201: {  	[tilespmem:s20], [sflag:$0x1] =	stream.indirect_vreg.gather [hbm4b:s10+s3], $0x80, v4, vm0, $0xb8;
	[tilespmem:$0x10080] =	vst v63  }
0x202: {  	s21 =	simm.s32 $0xB880  }
0x203: {  	[tilespmem:s21], [sflag:$0x1] =	stream.indirect_vreg.gather [hbm4b:s11+s3], $0x80, v4, vm0, $0xb8;
	[tilespmem:$0x10080] =	vst v63  }
0x204: {  	s25 =	simm.s32 $0xC080  }
0x205: {  	[tilespmem:s25], [sflag:$0x1] =	stream.indirect_vreg.gather [hbm4b:s1+s3], $0x80, v3, vm0, $0xb8;
	[tilespmem:$0x10080] =	vst v63  }
0x206: {  	s29 =	simm.s32 $0xC880  }
0x207: {  	[tilespmem:s29], [sflag:$0x1] =	stream.indirect_vreg.gather [hbm4b:s5+s3], $0x80, v3, vm0, $0xb8;
	[tilespmem:$0x10080] =	vst v63  }
0x208: {  	s29 =	simm.s32 $0xD080  }
0x209: {  	[tilespmem:s29], [sflag:$0x1] =	stream.indirect_vreg.gather [hbm4b:s6+s3], $0x80, v3, vm0, $0xb8;
	[tilespmem:$0x10080] =	vst v63  }
0x20a: {  	s29 =	simm.s32 $0xD880  }
0x20b: {  	[tilespmem:s29], [sflag:$0x1] =	stream.indirect_vreg.gather [hbm4b:s7+s3], $0x80, v3, vm0, $0xb8;
	[tilespmem:$0x10080] =	vst v63  }
0x20c: {  	s29 =	simm.s32 $0xE080  }
0x20d: {  	[tilespmem:s29], [sflag:$0x1] =	stream.indirect_vreg.gather [hbm4b:s8+s3], $0x80, v3, vm0, $0xb8;
	[tilespmem:$0x10080] =	vst v63  }
0x20e: {  	s29 =	simm.s32 $0xE880  }
0x20f: {  	[tilespmem:s29], [sflag:$0x1] =	stream.indirect_vreg.gather [hbm4b:s9+s3], $0x80, v3, vm0, $0xb8;
	[tilespmem:$0x10080] =	vst v63  }
0x210: {  	s29 =	simm.s32 $0xF080  }
0x211: {  	[tilespmem:s29], [sflag:$0x1] =	stream.indirect_vreg.gather [hbm4b:s10+s3], $0x80, v3, vm0, $0xb8;
	[tilespmem:$0x10080] =	vst v63  }
0x212: {  	s22 =	simm.s32 $0xF880  }
0x213: {  	[tilespmem:s22], [sflag:$0x1] =	stream.indirect_vreg.gather [hbm4b:s11+s3], $0x80, v3, vm0, $0xb8;
	[tilespmem:$0x10080] =	vst v63  }
0x214: {  	_ =	swait.ge [sflag:s28], $0x10000  }
0x215: {  	[sflag:s28] =	ssyncset.done $0x0  }
0x216: {  	s20 =	rddreg [dreg:$0xe];
	[sflag:s28] =	ssyncadd.s32 $0xFFFF0000  }
0x217: {  	[hbm4b:s20+s3] =	stream.linear.scatter [tilespmem:s14], [sflag:$0x2], $0x10000, $0x38;
	[tilespmem:$0x10080] =	vst v63  }
0x218: {  	_ =	swait.ge [sflag:s13], $0x10000  }
0x219: {  	[sflag:s13] =	ssyncset.done $0x0  }
0x21a: {  	s22 =	rddreg [dreg:$0xf];
	[sflag:s13] =	ssyncadd.s32 $0xFFFF0000  }
0x21b: {  	[tilespmem:s3], [sflag:$0x2] =	stream.linear.gather [hbm4b:s22+s3], $0x80, $0x38;
	[tilespmem:$0x10080] =	vst v63  }
0x21c: {  	_ =	swait.ge [sflag:s13], $0x80  }
0x21d: {  	[sflag:s13] =	ssyncset.done $0x0  }
0x21e: {  	[sflag:s13] =	ssyncadd.s32 $0xFFFFFF80  }
0x21f: {  	v3 =	vld [tilespmem:$0x0];
	_ =	sdelay $0x4  }
0x220: {  	v60 =	vshll.u32 v3, $0x4  }
0x221: {  	v3 =	vand.u32 $0x7, v3;
	v4 =	vand.u32 $0xFFFFFF80, v60  }
0x222: {  	v3 =	vor.u32 v3, v4  }
0x223: {  	v4 =	vperm.xlane v3, v0;
	_ =	sdelay $0x1  }
0x224: {  	v4 =	vadd.s32 v1, v4;
	_ =	sdelay $0x4  }
0x225: {  	[tilespmem:s14], [sflag:$0x1] =	stream.indirect_vreg.gather [hbm4b:s1+s3], $0x80, v4, vm0, $0xb8;
	[tilespmem:$0x10080] =	vst v63  }
0x226: {  	s29 =	simm.s32 $0x880  }
0x227: {  	[tilespmem:s29], [sflag:$0x1] =	stream.indirect_vreg.gather [hbm4b:s5+s3], $0x80, v4, vm0, $0xb8;
	[tilespmem:$0x10080] =	vst v63  }
0x228: {  	s20 =	simm.s32 $0x1080  }
0x229: {  	[tilespmem:s20], [sflag:$0x1] =	stream.indirect_vreg.gather [hbm4b:s6+s3], $0x80, v4, vm0, $0xb8;
	[tilespmem:$0x10080] =	vst v63  }
0x22a: {  	s0 =	simm.s32 $0x1880  }
0x22b: {  	[tilespmem:s0], [sflag:$0x1] =	stream.indirect_vreg.gather [hbm4b:s7+s3], $0x80, v4, vm0, $0xb8;
	[tilespmem:$0x10080] =	vst v63  }
0x22c: {  	s29 =	simm.s32 $0x2080  }
0x22d: {  	[tilespmem:s29], [sflag:$0x1] =	stream.indirect_vreg.gather [hbm4b:s8+s3], $0x80, v4, vm0, $0xb8;
	[tilespmem:$0x10080] =	vst v63  }
0x22e: {  	v3 =	vperm.xlane v3, v2;
	s29 =	simm.s32 $0x2880  }
0x22f: {  	[tilespmem:s29], [sflag:$0x1] =	stream.indirect_vreg.gather [hbm4b:s9+s3], $0x80, v4, vm0, $0xb8;
	[tilespmem:$0x10080] =	vst v63  }
0x230: {  	s2 =	simm.s32 $0x3080;
	v3 =	vadd.s32 v1, v3  }
0x231: {  	[tilespmem:s2], [sflag:$0x1] =	stream.indirect_vreg.gather [hbm4b:s10+s3], $0x80, v4, vm0, $0xb8;
	[tilespmem:$0x10080] =	vst v63  }
0x232: {  	s4 =	simm.s32 $0x3880  }
0x233: {  	[tilespmem:s4], [sflag:$0x1] =	stream.indirect_vreg.gather [hbm4b:s11+s3], $0x80, v4, vm0, $0xb8;
	[tilespmem:$0x10080] =	vst v63  }
0x234: {  	s12 =	simm.s32 $0x4080  }
0x235: {  	[tilespmem:s12], [sflag:$0x1] =	stream.indirect_vreg.gather [hbm4b:s1+s3], $0x80, v3, vm0, $0xb8;
	[tilespmem:$0x10080] =	vst v63  }
0x236: {  	s26 =	simm.s32 $0x4880  }
0x237: {  	[tilespmem:s26], [sflag:$0x1] =	stream.indirect_vreg.gather [hbm4b:s5+s3], $0x80, v3, vm0, $0xb8;
	[tilespmem:$0x10080] =	vst v63  }
0x238: {  	s30 =	simm.s32 $0x5080  }
0x239: {  	[tilespmem:s30], [sflag:$0x1] =	stream.indirect_vreg.gather [hbm4b:s6+s3], $0x80, v3, vm0, $0xb8;
	[tilespmem:$0x10080] =	vst v63  }
0x23a: {  	s31 =	simm.s32 $0x5880  }
0x23b: {  	[tilespmem:s31], [sflag:$0x1] =	stream.indirect_vreg.gather [hbm4b:s7+s3], $0x80, v3, vm0, $0xb8;
	[tilespmem:$0x10080] =	vst v63  }
0x23c: {  	s15 =	simm.s32 $0x6080  }
0x23d: {  	[tilespmem:s15], [sflag:$0x1] =	stream.indirect_vreg.gather [hbm4b:s8+s3], $0x80, v3, vm0, $0xb8;
	[tilespmem:$0x10080] =	vst v63  }
0x23e: {  	s16 =	simm.s32 $0x6880  }
0x23f: {  	[tilespmem:s16], [sflag:$0x1] =	stream.indirect_vreg.gather [hbm4b:s9+s3], $0x80, v3, vm0, $0xb8;
	[tilespmem:$0x10080] =	vst v63  }
0x240: {  	s17 =	simm.s32 $0x7080  }
0x241: {  	[tilespmem:s17], [sflag:$0x1] =	stream.indirect_vreg.gather [hbm4b:s10+s3], $0x80, v3, vm0, $0xb8;
	[tilespmem:$0x10080] =	vst v63  }
0x242: {  	s31 =	simm.s32 $0x7880  }
0x243: {  	[tilespmem:s31], [sflag:$0x1] =	stream.indirect_vreg.gather [hbm4b:s11+s3], $0x80, v3, vm0, $0xb8;
	[tilespmem:$0x10080] =	vst v63  }
0x244: {  	v3 =	vld [tilespmem:$0x10];
	_ =	sdelay $0x4  }
0x245: {  	v61 =	vshll.u32 v3, $0x4  }
0x246: {  	v3 =	vand.u32 $0x7, v3;
	v4 =	vand.u32 $0xFFFFFF80, v61  }
0x247: {  	v3 =	vor.u32 v3, v4  }
0x248: {  	v4 =	vperm.xlane v3, v0;
	_ =	sdelay $0x1  }
0x249: {  	v4 =	vadd.s32 v1, v4;
	_ =	sdelay $0x3  }
0x24a: {  	s18 =	simm.s32 $0x8080  }
0x24b: {  	[tilespmem:s18], [sflag:$0x1] =	stream.indirect_vreg.gather [hbm4b:s1+s3], $0x80, v4, vm0, $0xb8;
	[tilespmem:$0x10080] =	vst v63  }
0x24c: {  	s31 =	simm.s32 $0x8880  }
0x24d: {  	[tilespmem:s31], [sflag:$0x1] =	stream.indirect_vreg.gather [hbm4b:s5+s3], $0x80, v4, vm0, $0xb8;
	[tilespmem:$0x10080] =	vst v63  }
0x24e: {  	s23 =	simm.s32 $0x9080  }
0x24f: {  	[tilespmem:s23], [sflag:$0x1] =	stream.indirect_vreg.gather [hbm4b:s6+s3], $0x80, v4, vm0, $0xb8;
	[tilespmem:$0x10080] =	vst v63  }
0x250: {  	s24 =	simm.s32 $0x9880  }
0x251: {  	[tilespmem:s24], [sflag:$0x1] =	stream.indirect_vreg.gather [hbm4b:s7+s3], $0x80, v4, vm0, $0xb8;
	[tilespmem:$0x10080] =	vst v63  }
0x252: {  	s31 =	simm.s32 $0xA080  }
0x253: {  	[tilespmem:s31], [sflag:$0x1] =	stream.indirect_vreg.gather [hbm4b:s8+s3], $0x80, v4, vm0, $0xb8;
	[tilespmem:$0x10080] =	vst v63  }
0x254: {  	v3 =	vperm.xlane v3, v2;
	s31 =	simm.s32 $0xA880  }
0x255: {  	[tilespmem:s31], [sflag:$0x1] =	stream.indirect_vreg.gather [hbm4b:s9+s3], $0x80, v4, vm0, $0xb8;
	[tilespmem:$0x10080] =	vst v63  }
0x256: {  	v3 =	vadd.s32 v1, v3;
	s31 =	simm.s32 $0xB080  }
0x257: {  	[tilespmem:s31], [sflag:$0x1] =	stream.indirect_vreg.gather [hbm4b:s10+s3], $0x80, v4, vm0, $0xb8;
	[tilespmem:$0x10080] =	vst v63  }
0x258: {  	s21 =	simm.s32 $0xB880  }
0x259: {  	[tilespmem:s21], [sflag:$0x1] =	stream.indirect_vreg.gather [hbm4b:s11+s3], $0x80, v4, vm0, $0xb8;
	[tilespmem:$0x10080] =	vst v63  }
0x25a: {  	s25 =	simm.s32 $0xC080  }
0x25b: {  	[tilespmem:s25], [sflag:$0x1] =	stream.indirect_vreg.gather [hbm4b:s1+s3], $0x80, v3, vm0, $0xb8;
	[tilespmem:$0x10080] =	vst v63  }
0x25c: {  	s29 =	simm.s32 $0xC880  }
0x25d: {  	[tilespmem:s29], [sflag:$0x1] =	stream.indirect_vreg.gather [hbm4b:s5+s3], $0x80, v3, vm0, $0xb8;
	[tilespmem:$0x10080] =	vst v63  }
0x25e: {  	s29 =	simm.s32 $0xD080  }
0x25f: {  	[tilespmem:s29], [sflag:$0x1] =	stream.indirect_vreg.gather [hbm4b:s6+s3], $0x80, v3, vm0, $0xb8;
	[tilespmem:$0x10080] =	vst v63  }
0x260: {  	s29 =	simm.s32 $0xD880  }
0x261: {  	[tilespmem:s29], [sflag:$0x1] =	stream.indirect_vreg.gather [hbm4b:s7+s3], $0x80, v3, vm0, $0xb8;
	[tilespmem:$0x10080] =	vst v63  }
0x262: {  	s29 =	simm.s32 $0xE080  }
0x263: {  	[tilespmem:s29], [sflag:$0x1] =	stream.indirect_vreg.gather [hbm4b:s8+s3], $0x80, v3, vm0, $0xb8;
	[tilespmem:$0x10080] =	vst v63  }
0x264: {  	s29 =	simm.s32 $0xE880  }
0x265: {  	[tilespmem:s29], [sflag:$0x1] =	stream.indirect_vreg.gather [hbm4b:s9+s3], $0x80, v3, vm0, $0xb8;
	[tilespmem:$0x10080] =	vst v63  }
0x266: {  	s29 =	simm.s32 $0xF080  }
0x267: {  	[tilespmem:s29], [sflag:$0x1] =	stream.indirect_vreg.gather [hbm4b:s10+s3], $0x80, v3, vm0, $0xb8;
	[tilespmem:$0x10080] =	vst v63  }
0x268: {  	s29 =	simm.s32 $0xF880  }
0x269: {  	[tilespmem:s29], [sflag:$0x1] =	stream.indirect_vreg.gather [hbm4b:s11+s3], $0x80, v3, vm0, $0xb8;
	[tilespmem:$0x10080] =	vst v63  }
0x26a: {  	_ =	swait.ge [sflag:s28], $0x10000  }
0x26b: {  	[sflag:s28] =	ssyncset.done $0x0  }
0x26c: {  	s29 =	rddreg [dreg:$0x10];
	[sflag:s28] =	ssyncadd.s32 $0xFFFF0000  }
0x26d: {  	[hbm4b:s29+s3] =	stream.linear.scatter [tilespmem:s14], [sflag:$0x2], $0x10000, $0x38;
	[tilespmem:$0x10080] =	vst v63  }
0x26e: {  	_ =	swait.ge [sflag:s13], $0x10000  }
0x26f: {  	[sflag:s13] =	ssyncset.done $0x0  }
0x270: {  	s29 =	rddreg [dreg:$0x11];
	[sflag:s13] =	ssyncadd.s32 $0xFFFF0000  }
0x271: {  	[tilespmem:s3], [sflag:$0x2] =	stream.linear.gather [hbm4b:s29+s3], $0x80, $0x38;
	[tilespmem:$0x10080] =	vst v63  }
0x272: {  	_ =	swait.ge [sflag:s13], $0x80  }
0x273: {  	[sflag:s13] =	ssyncset.done $0x0  }
0x274: {  	[sflag:s13] =	ssyncadd.s32 $0xFFFFFF80  }
0x275: {  	v3 =	vld [tilespmem:$0x0];
	_ =	sdelay $0x4  }
0x276: {  	v62 =	vshll.u32 v3, $0x4  }
0x277: {  	v3 =	vand.u32 $0x7, v3;
	v4 =	vand.u32 $0xFFFFFF80, v62  }
0x278: {  	v3 =	vor.u32 v3, v4  }
0x279: {  	v4 =	vperm.xlane v3, v0;
	_ =	sdelay $0x1  }
0x27a: {  	v4 =	vadd.s32 v1, v4;
	_ =	sdelay $0x4  }
0x27b: {  	[tilespmem:s14], [sflag:$0x1] =	stream.indirect_vreg.gather [hbm4b:s1+s3], $0x80, v4, vm0, $0xb8;
	[tilespmem:$0x10080] =	vst v63  }
0x27c: {  	s29 =	simm.s32 $0x880  }
0x27d: {  	[tilespmem:s29], [sflag:$0x1] =	stream.indirect_vreg.gather [hbm4b:s5+s3], $0x80, v4, vm0, $0xb8;
	[tilespmem:$0x10080] =	vst v63  }
0x27e: {  	s20 =	simm.s32 $0x1080  }
0x27f: {  	[tilespmem:s20], [sflag:$0x1] =	stream.indirect_vreg.gather [hbm4b:s6+s3], $0x80, v4, vm0, $0xb8;
	[tilespmem:$0x10080] =	vst v63  }
0x280: {  	s0 =	simm.s32 $0x1880  }
0x281: {  	[tilespmem:s0], [sflag:$0x1] =	stream.indirect_vreg.gather [hbm4b:s7+s3], $0x80, v4, vm0, $0xb8;
	[tilespmem:$0x10080] =	vst v63  }
0x282: {  	s20 =	simm.s32 $0x2080  }
0x283: {  	[tilespmem:s20], [sflag:$0x1] =	stream.indirect_vreg.gather [hbm4b:s8+s3], $0x80, v4, vm0, $0xb8;
	[tilespmem:$0x10080] =	vst v63  }
0x284: {  	v3 =	vperm.xlane v3, v2;
	s29 =	simm.s32 $0x2880  }
0x285: {  	[tilespmem:s29], [sflag:$0x1] =	stream.indirect_vreg.gather [hbm4b:s9+s3], $0x80, v4, vm0, $0xb8;
	[tilespmem:$0x10080] =	vst v63  }
0x286: {  	s2 =	simm.s32 $0x3080;
	v3 =	vadd.s32 v1, v3  }
0x287: {  	[tilespmem:s2], [sflag:$0x1] =	stream.indirect_vreg.gather [hbm4b:s10+s3], $0x80, v4, vm0, $0xb8;
	[tilespmem:$0x10080] =	vst v63  }
0x288: {  	s4 =	simm.s32 $0x3880  }
0x289: {  	[tilespmem:s4], [sflag:$0x1] =	stream.indirect_vreg.gather [hbm4b:s11+s3], $0x80, v4, vm0, $0xb8;
	[tilespmem:$0x10080] =	vst v63  }
0x28a: {  	s12 =	simm.s32 $0x4080  }
0x28b: {  	[tilespmem:s12], [sflag:$0x1] =	stream.indirect_vreg.gather [hbm4b:s1+s3], $0x80, v3, vm0, $0xb8;
	[tilespmem:$0x10080] =	vst v63  }
0x28c: {  	s22 =	simm.s32 $0x4880  }
0x28d: {  	[tilespmem:s22], [sflag:$0x1] =	stream.indirect_vreg.gather [hbm4b:s5+s3], $0x80, v3, vm0, $0xb8;
	[tilespmem:$0x10080] =	vst v63  }
0x28e: {  	s26 =	simm.s32 $0x5080  }
0x28f: {  	[tilespmem:s26], [sflag:$0x1] =	stream.indirect_vreg.gather [hbm4b:s6+s3], $0x80, v3, vm0, $0xb8;
	[tilespmem:$0x10080] =	vst v63  }
0x290: {  	s30 =	simm.s32 $0x5880  }
0x291: {  	[tilespmem:s30], [sflag:$0x1] =	stream.indirect_vreg.gather [hbm4b:s7+s3], $0x80, v3, vm0, $0xb8;
	[tilespmem:$0x10080] =	vst v63  }
0x292: {  	s15 =	simm.s32 $0x6080  }
0x293: {  	[tilespmem:s15], [sflag:$0x1] =	stream.indirect_vreg.gather [hbm4b:s8+s3], $0x80, v3, vm0, $0xb8;
	[tilespmem:$0x10080] =	vst v63  }
0x294: {  	s16 =	simm.s32 $0x6880  }
0x295: {  	[tilespmem:s16], [sflag:$0x1] =	stream.indirect_vreg.gather [hbm4b:s9+s3], $0x80, v3, vm0, $0xb8;
	[tilespmem:$0x10080] =	vst v63  }
0x296: {  	s17 =	simm.s32 $0x7080  }
0x297: {  	[tilespmem:s17], [sflag:$0x1] =	stream.indirect_vreg.gather [hbm4b:s10+s3], $0x80, v3, vm0, $0xb8;
	[tilespmem:$0x10080] =	vst v63  }
0x298: {  	s16 =	simm.s32 $0x7880  }
0x299: {  	[tilespmem:s16], [sflag:$0x1] =	stream.indirect_vreg.gather [hbm4b:s11+s3], $0x80, v3, vm0, $0xb8;
	[tilespmem:$0x10080] =	vst v63  }
0x29a: {  	v3 =	vld [tilespmem:$0x10];
	_ =	sdelay $0x4  }
0x29b: {  	v63 =	vshll.u32 v3, $0x4  }
0x29c: {  	v3 =	vand.u32 $0x7, v3;
	v4 =	vand.u32 $0xFFFFFF80, v63  }
0x29d: {  	v3 =	vor.u32 v3, v4  }
0x29e: {  	v4 =	vperm.xlane v3, v0;
	_ =	sdelay $0x1  }
0x29f: {  	v4 =	vadd.s32 v1, v4;
	_ =	sdelay $0x3  }
0x2a0: {  	s18 =	simm.s32 $0x8080  }
0x2a1: {  	[tilespmem:s18], [sflag:$0x1] =	stream.indirect_vreg.gather [hbm4b:s1+s3], $0x80, v4, vm0, $0xb8;
	[tilespmem:$0x10080] =	vst v63  }
0x2a2: {  	s17 =	simm.s32 $0x8880  }
0x2a3: {  	[tilespmem:s17], [sflag:$0x1] =	stream.indirect_vreg.gather [hbm4b:s5+s3], $0x80, v4, vm0, $0xb8;
	[tilespmem:$0x10080] =	vst v63  }
0x2a4: {  	s23 =	simm.s32 $0x9080  }
0x2a5: {  	[tilespmem:s23], [sflag:$0x1] =	stream.indirect_vreg.gather [hbm4b:s6+s3], $0x80, v4, vm0, $0xb8;
	[tilespmem:$0x10080] =	vst v63  }
0x2a6: {  	s24 =	simm.s32 $0x9880  }
0x2a7: {  	[tilespmem:s24], [sflag:$0x1] =	stream.indirect_vreg.gather [hbm4b:s7+s3], $0x80, v4, vm0, $0xb8;
	[tilespmem:$0x10080] =	vst v63  }
0x2a8: {  	s18 =	simm.s32 $0xA080  }
0x2a9: {  	[tilespmem:s18], [sflag:$0x1] =	stream.indirect_vreg.gather [hbm4b:s8+s3], $0x80, v4, vm0, $0xb8;
	[tilespmem:$0x10080] =	vst v63  }
0x2aa: {  	s20 =	simm.s32 $0xA880;
	v3 =	vperm.xlane v3, v2  }
0x2ab: {  	[tilespmem:s20], [sflag:$0x1] =	stream.indirect_vreg.gather [hbm4b:s9+s3], $0x80, v4, vm0, $0xb8;
	[tilespmem:$0x10080] =	vst v63  }
0x2ac: {  	s31 =	simm.s32 $0xB080;
	v3 =	vadd.s32 v1, v3  }
0x2ad: {  	[tilespmem:s31], [sflag:$0x1] =	stream.indirect_vreg.gather [hbm4b:s10+s3], $0x80, v4, vm0, $0xb8;
	[tilespmem:$0x10080] =	vst v63  }
0x2ae: {  	s21 =	simm.s32 $0xB880  }
0x2af: {  	[tilespmem:s21], [sflag:$0x1] =	stream.indirect_vreg.gather [hbm4b:s11+s3], $0x80, v4, vm0, $0xb8;
	[tilespmem:$0x10080] =	vst v63  }
0x2b0: {  	s25 =	simm.s32 $0xC080  }
0x2b1: {  	[tilespmem:s25], [sflag:$0x1] =	stream.indirect_vreg.gather [hbm4b:s1+s3], $0x80, v3, vm0, $0xb8;
	[tilespmem:$0x10080] =	vst v63  }
0x2b2: {  	s22 =	simm.s32 $0xC880  }
0x2b3: {  	[tilespmem:s22], [sflag:$0x1] =	stream.indirect_vreg.gather [hbm4b:s5+s3], $0x80, v3, vm0, $0xb8;
	[tilespmem:$0x10080] =	vst v63  }
0x2b4: {  	s23 =	simm.s32 $0xD080  }
0x2b5: {  	[tilespmem:s23], [sflag:$0x1] =	stream.indirect_vreg.gather [hbm4b:s6+s3], $0x80, v3, vm0, $0xb8;
	[tilespmem:$0x10080] =	vst v63  }
0x2b6: {  	s24 =	simm.s32 $0xD880  }
0x2b7: {  	[tilespmem:s24], [sflag:$0x1] =	stream.indirect_vreg.gather [hbm4b:s7+s3], $0x80, v3, vm0, $0xb8;
	[tilespmem:$0x10080] =	vst v63  }
0x2b8: {  	s25 =	simm.s32 $0xE080  }
0x2b9: {  	[tilespmem:s25], [sflag:$0x1] =	stream.indirect_vreg.gather [hbm4b:s8+s3], $0x80, v3, vm0, $0xb8;
	[tilespmem:$0x10080] =	vst v63  }
0x2ba: {  	s26 =	simm.s32 $0xE880  }
0x2bb: {  	[tilespmem:s26], [sflag:$0x1] =	stream.indirect_vreg.gather [hbm4b:s9+s3], $0x80, v3, vm0, $0xb8;
	[tilespmem:$0x10080] =	vst v63  }
0x2bc: {  	s29 =	simm.s32 $0xF080  }
0x2bd: {  	[tilespmem:s29], [sflag:$0x1] =	stream.indirect_vreg.gather [hbm4b:s10+s3], $0x80, v3, vm0, $0xb8;
	[tilespmem:$0x10080] =	vst v63  }
0x2be: {  	s30 =	simm.s32 $0xF880  }
0x2bf: {  	[tilespmem:s30], [sflag:$0x1] =	stream.indirect_vreg.gather [hbm4b:s11+s3], $0x80, v3, vm0, $0xb8;
	[tilespmem:$0x10080] =	vst v63  }
0x2c0: {  	_ =	swait.ge [sflag:s28], $0x10000  }
0x2c1: {  	p0 =	sne.s32 s19, $0x1;
	[sflag:s28] =	ssyncset.done $0x0  }
.Ltmp0:
0x2c2: {  	s31 =	rddreg [dreg:$0x12];
	[sflag:s28] =	ssyncadd.s32 $0xFFFF0000;
	(pc) =	sbr.rel @p0 .LBB2_1-.Ltmp0, $4  }
0x2c3: {  	[hbm4b:s31+s3] =	stream.linear.scatter [tilespmem:s14], [sflag:$0x2], $0x10000, $0x38;
	[tilespmem:$0x10080] =	vst v63  }
0x2c4: {  	_ =	swait.ge [sflag:s13], $0x10000  }
0x2c5: {  	[sflag:s13] =	ssyncset.done $0x0  }
0x2c6: {  	s19 =	sadd.s32 $0xFFFFFFFF, s19;
	[sflag:s13] =	ssyncadd.s32 $0xFFFF0000  }
0x2c7: {  	_ =	sfence.sel $0x180000  }
0x2c8: {  	[bflag:$0x0] =	sbarrier.arrive $0xFFFF  }
0x2c9: {  	_ =	strace $0x9000004A  }
0x2ca: {  	s0 =	stileid.u32;
	[bflag:$0x2] =	sbarrier.arrive $0xFFFF  }
0x2cb: {  	p0 =	sne.s32 s0, $0x0;
	s0 =	rddreg [dreg:$0x3]  }
0x2cc: {  	s0 =	sadd.s32 @!p0 $0x100000, s0  }
0x2cd: {  	[sflag:s0] =	ssyncadd.tile.s32 @!p0 $0x1;
	_ =	shalt  }
.Lfunc_end2:
_tile_overlayer_lowered:
.L_overlay_start_2:
0x2ce: {  	(tag) =	ssettag $0x2  }
0x2cf: {  	s0 =	rddreg [dreg:$0x0];
	s2 =	stileid.u32  }
0x2d0: {  	s1 =	rddreg [dreg:$0x1];
	p0 =	sne.s32 s2, $0x0  }
0x2d1: {  	s3 =	rddreg [dreg:$0x2];
	[bflag:$0x3] =	sbarrier.arrive $0xFFFF;
	s2 =	simm.s32 @!p0 $0x1C02  }
0x2d2: {  	[timem:s3], [sflag:s2] =	dma.local @!p0 [hbm:s0], s1  }
0x2d3: {  	s0 =	simm.s32 @!p0 $0x2  }
0x2d4: {  	_ =	swait.ge @!p0 [sflag:s0], s1  }
0x2d5: {  	s1 =	ssub.s32 @!p0 $0x0, s1;
	[sflag:s0] =	ssyncset.done @!p0 $0x0  }
0x2d6: {  	[sflag:s0] =	ssyncadd.s32 @!p0 s1  }
0x2d7: {  	[bflag:$0x3] =	sbarrier.arrive $0xFFFF  }
0x2d8: {  	_ =	shalt  }

// kernel: kernel.8.cloned.1.call-start
scs
__scs_entry_jumppad:
0x0: {  	(pc) =	sbr.rel $0x88, $3  }
0x1: {  	(tag) =	ssettag $0x0;
	lr =	simm.s32 $0x1  }
0x2: {  	[smem:$0x3F9E] =	sst lr;
	_ =	strace $0xD0000000  }
0x3: {  	_ = 	snop  }
0x4: {  	_ = 	snop  }
0x5: {  	_ = 	snop  }
0x6: {  	_ = 	snop  }
0x7: {  	_ = 	snop  }
__scs_overlays_trampoline_lowered:
0x8: {  	[smem:$0x3FAD] =	sst s0  }
0x9: {  	[smem:$0x3FAE] =	sst s1  }
0xa: {  	[smem:$0x3FAF] =	sst s2  }
0xb: {  	[smem:$0x3FB0] =	sst s3  }
0xc: {  	[smem:$0x3FB1] =	sst s4  }
0xd: {  	[smem:$0x3FB2] =	sst s5  }
0xe: {  	[smem:$0x3FB3] =	sst s6  }
0xf: {  	[smem:$0x3FB4] =	sst s7  }
0x10: {  	[smem:$0x3FB5] =	sst s8  }
0x11: {  	[smem:$0x3FB6] =	sst s9;
	s0 =	simm.s32 @!p0 $0x0  }
0x12: {  	s1 =	sld [smem:$0x3F9C];
	s0 =	simm.s32 @p0 $0x1  }
0x13: {  	[smem:$0x3FB7] =	sst s0;
	s0 =	simm.s32 @!p1 $0x0  }
0x14: {  	s2 =	sld [smem:$0x3F9B];
	s0 =	simm.s32 @p1 $0x1  }
0x15: {  	[smem:$0x3FB8] =	sst s0;
	s0 =	simm.s32 @!p2 $0x0  }
0x16: {  	s3 =	sld [smem:$0x3FDB];
	s0 =	simm.s32 @p2 $0x1  }
0x17: {  	s4 =	simm.s32 $0x1BF5;
	[smem:$0x3FBA] =	sst s0  }
0x18: {  	s0 =	sld [smem:$0x3F9D];
	_ =	swait.ge [sflag:s4], $0x0  }
0x19: {  	s7 =	sld [smem:$0x3F9E]  }
0x1a: {  	s8 =	sadd.s32 $0xFFFFE003, lr  }
0x1b: {  	s9 =	sadd.s32 $0xFFFFFEF7, lr;
	s5 =	simm.s32 $0xFFFFFFFF;
	p2 =	slt.u32 s8, $0xFFFFF086  }
0x1c: {  	p1 =	slt.u32 s9, $0xF7A;
	s5 =	simm.s32 @!p2 $0x0  }
0x1d: {  	s5 =	simm.s32 @p1 $0x1;
	p0 =	seq.s32 s7, s2  }
0x1e: {  	s7 =	smul.u32 @!p0 $0xF7A, s2;
	p2 =	seq.s32 @!p0 s5, $0x0  }
0x1f: {  	s9 =	smul.u32 $0xF7A, s1;
	s8 =	simm.s32 @!p0 $0x1BF5;
	p2 =	por !p2, p0  }
0x20: {  	[sflag:s8] =	ssyncset.s32 @!p0 $0xFFFFF086;
	s6 =	sadd.s32 @!p0 s3, s7;
	s7 =	simm.s32 @!p0 $0x108  }
0x21: {  	s3 =	sadd.s32 s3, s9;
	s6 =	sadd.s32 @!p0 $0x88, s6;
	s7 =	simm.s32 @p2 $0x1082  }
0x22: {  	[simem:s7], [sflag:s8] =	dma.local @!p0 [hbm:s6], $0xF7A  }
0x23: {  	s9 =	sor.u32 $0xD0000000, s2;
	s6 =	simm.s32 $0x108;
	_ =	swait.ge @!p0 [sflag:s8], $0x0  }
0x24: {  	s3 =	sadd.s32 $0x88, s3;
	s6 =	simm.s32 @!p1 $0x1082;
	[sflag:s4] =	ssyncset.s32 $0xFFFFF086  }
0x25: {  	[simem:s6], [sflag:s4] =	dma.local [hbm:s3], $0xF7A  }
0x26: {  	[smem:$0x3F9E] =	sst s1;
	(tag) =	ssettag s2;
	_ =	strace s9  }
0x27: {  	s1 =	sld [smem:$0x3FAE]  }
0x28: {  	s2 =	sld [smem:$0x3FAF]  }
0x29: {  	s4 =	sld [smem:$0x3FB1]  }
0x2a: {  	p0 =	seq.s32 s5, $0x0;
	s5 =	sld [smem:$0x3FB2]  }
0x2b: {  	s6 =	sld [smem:$0x3FB3]  }
0x2c: {  	s7 =	sld [smem:$0x3FB4]  }
0x2d: {  	s3 =	simm.s32 $0x108;
	s8 =	sld [smem:$0x3FB5]  }
0x2e: {  	s3 =	simm.s32 @!p0 $0x1082;
	s9 =	sld [smem:$0x3FB6]  }
0x2f: {  	lr =	sadd.s32 s0, s3;
	s0 =	sld [smem:$0x3FAD]  }
0x30: {  	s3 =	sld [smem:$0x3FB0]  }
0x31: {  	[smem:$0x3FB9] =	sst s10  }
0x32: {  	s10 =	sld [smem:$0x3FB7];
	_ =	sdelay $0x3  }
0x33: {  	p0 =	seq.s32 s10, $0x1;
	s10 =	sld [smem:$0x3FB9];
	_ =	sdelay $0x3  }
0x34: {  	[smem:$0x3FB9] =	sst s10  }
0x35: {  	s10 =	sld [smem:$0x3FB8];
	_ =	sdelay $0x3  }
0x36: {  	p1 =	seq.s32 s10, $0x1;
	s10 =	sld [smem:$0x3FB9];
	_ =	sdelay $0x3  }
0x37: {  	[smem:$0x3FB9] =	sst s10  }
0x38: {  	s10 =	sld [smem:$0x3FBA]  }
0x39: {  	_ = 	snop;
	(pc) =	sbr.ind lr, $3  }
0x3a: {  	_ = 	snop  }
0x3b: {  	_ = 	snop  }
0x3c: {  	p2 =	seq.s32 s10, $0x1;
	s10 =	sld [smem:$0x3FB9]  }
0x3d: {  	_ =	shalt  }
0x3e: {  	_ =	shalt  }
0x3f: {  	_ =	shalt  }
0x40: {  	_ =	shalt  }
0x41: {  	_ =	shalt  }
0x42: {  	_ =	shalt  }
0x43: {  	_ =	shalt  }
0x44: {  	_ =	shalt  }
0x45: {  	_ =	shalt  }
0x46: {  	_ =	shalt  }
0x47: {  	_ =	shalt  }
0x48: {  	_ =	shalt  }
0x49: {  	_ =	shalt  }
0x4a: {  	_ =	shalt  }
0x4b: {  	_ =	shalt  }
0x4c: {  	_ =	shalt  }
0x4d: {  	_ =	shalt  }
0x4e: {  	_ =	shalt  }
0x4f: {  	_ =	shalt  }
0x50: {  	_ =	shalt  }
0x51: {  	_ =	shalt  }
0x52: {  	_ =	shalt  }
0x53: {  	_ =	shalt  }
0x54: {  	_ =	shalt  }
0x55: {  	_ =	shalt  }
0x56: {  	_ =	shalt  }
0x57: {  	_ =	shalt  }
0x58: {  	_ =	shalt  }
0x59: {  	_ =	shalt  }
0x5a: {  	_ =	shalt  }
0x5b: {  	_ =	shalt  }
0x5c: {  	_ =	shalt  }
0x5d: {  	_ =	shalt  }
0x5e: {  	_ =	shalt  }
0x5f: {  	_ =	shalt  }
0x60: {  	_ =	shalt  }
0x61: {  	_ =	shalt  }
0x62: {  	_ =	shalt  }
0x63: {  	_ =	shalt  }
0x64: {  	_ =	shalt  }
0x65: {  	_ =	shalt  }
0x66: {  	_ =	shalt  }
0x67: {  	_ =	shalt  }
0x68: {  	_ =	shalt  }
0x69: {  	_ =	shalt  }
0x6a: {  	_ =	shalt  }
0x6b: {  	_ =	shalt  }
0x6c: {  	_ =	shalt  }
0x6d: {  	_ =	shalt  }
0x6e: {  	_ =	shalt  }
0x6f: {  	_ =	shalt  }
0x70: {  	_ =	shalt  }
0x71: {  	_ =	shalt  }
0x72: {  	_ =	shalt  }
0x73: {  	_ =	shalt  }
0x74: {  	_ =	shalt  }
0x75: {  	_ =	shalt  }
0x76: {  	_ =	shalt  }
0x77: {  	_ =	shalt  }
0x78: {  	_ =	shalt  }
0x79: {  	_ =	shalt  }
0x7a: {  	_ =	shalt  }
0x7b: {  	_ =	shalt  }
0x7c: {  	_ =	shalt  }
0x7d: {  	_ =	shalt  }
0x7e: {  	_ =	shalt  }
0x7f: {  	_ =	shalt  }
0x80: {  	_ =	shalt  }
0x81: {  	_ =	shalt  }
0x82: {  	_ =	shalt  }
0x83: {  	_ =	shalt  }
0x84: {  	_ =	shalt  }
0x85: {  	_ =	shalt  }
0x86: {  	_ =	shalt  }
0x87: {  	_ =	shalt  }
.Lfunc_end0:
.L_simem_size_0:
called_computation.2_lowered:
.L_overlay_start_0:
0x88: {  	s2 =	sld [smem:$0x3FD9]  }
0x89: {  	s3 =	sld [smem:$0x3FFE];
	_ =	sdelay $0x1  }
0x8a: {  	s1 =	srdreg.scid  }
0x8b: {  	s0 =	sand.u32 $0x1, s1  }
0x8c: {  	s17 =	sshll.u32 s0, $0xA;
	s2 =	sadd.s32 s3, s2  }
0x8d: {  	s2 =	sadd.s32 s2, s17  }
0x8e: {  	[smem:$0x3FC5] =	sst s2  }
0x8f: {  	_ = 	snop  }
0x90: {  	s2 =	sld [smem:$0x3FC9]  }
0x91: {  	s18 =	sld [smem:$0x3FD0];
	(tm) =	ssettm $0x1  }
0x92: {  	s4 =	sld [smem:$0x3FFB];
	_ =	sdelay $0x3  }
0x93: {  	_ =	strace s4  }
0x94: {  	s4 =	sld [smem:$0x3FFC];
	_ =	sdelay $0x3  }
0x95: {  	_ =	strace s4  }
0x96: {  	s4 =	sld [smem:$0x3FFD];
	_ =	sdelay $0x3  }
0x97: {  	_ =	strace s4  }
0x98: {  	_ =	strace $0x8FFFFFFF  }
0x99: {  	s19 =	sld [smem:$0x3FDB];
	_ =	sdelay $0x1  }
0x9a: {  	s5 =	simm.s32 $_scs_section_size  }
0x9b: {  	s6 =	simm.s32 $_size__tile_overlayer_lowered;
	s7 =	simm.s32 $_tile_overlayer_lowered  }
0x9c: {  	s22 =	simm.s32 $0x1BFF;
	s21 =	sshll.u32 s7, $0x1;
	s4 =	sadd.s32 s5, s19  }
0x9d: {  	s8 =	simm.s32 $0x0;
	s20 =	sshll.u32 s6, $0x1;
	s6 =	sadd.s32 s21, s4  }
0x9e: {  	[timem:s8], [sflag:s22] =	dma.local [hbm:s6], s20  }
0x9f: {  	_ =	swait.ge [sflag:s22], s20  }
0xa0: {  	s5 =	ssub.s32 $0x0, s20;
	[sflag:s22] =	ssyncset.done $0x0  }
0xa1: {  	[sflag:s22] =	ssyncadd.s32 s5;
	_ =	sdelay $0x1  }
0xa2: {  	s23 =	simm.s32 $0x1B8B  }
0xa3: {  	_ =	swait.ge [sflag:s23], $0x1  }
0xa4: {  	[sflag:s23] =	ssyncset.done $0x0  }
0xa5: {  	s25 =	simm.s32 $0x1B8E;
	s24 =	sld [smem:$0x3FFE];
	[sflag:s23] =	ssyncadd.s32 $0xFFFFFFFF  }
0xa6: {  	s26 =	simm.s32 $execute0_lowered;
	[smem:$0x3FD2] =	sst s25  }
0xa7: {  	s6 =	sshll.u32 s26, $0x1;
	_ =	strace $0x8000004C;
	[dreg:$0x1] =	wrdreg $0xFFFFFFFF  }
0xa8: {  	s28 =	simm.s32 $_size_execute0_lowered;
	s4 =	sadd.s32 s4, s6;
	[dreg:$0x0] =	wrdreg $0x0  }
0xa9: {  	s6 =	sshll.u32 s28, $0x1;
	[dreg:$0x2] =	wrdreg s4  }
0xaa: {  	[dreg:$0x3] =	wrdreg s6  }
0xab: {  	[dreg:$0x4] =	wrdreg $0xC0  }
0xac: {  	_ =	task [dreg:s8], $0x5FFFF  }
0xad: {  	[dreg:$0x1] =	wrdreg $0xFFFFFFFF  }
0xae: {  	[dreg:$0x0] =	wrdreg $0x60  }
0xaf: {  	[dreg:$0x2] =	wrdreg s2  }
0xb0: {  	[dreg:$0x3] =	wrdreg s24  }
0xb1: {  	[dreg:$0x4] =	wrdreg s18  }
0xb2: {  	[dreg:$0x5] =	wrdreg $0x9  }
0xb3: {  	_ =	task.clear_ibuf [dreg:s8], $0x6FFFF;
	_ =	strace $0x9000004C  }
0xb4: {  	s29 =	simm.s32 $0x9;
	_ =	strace $0x8000004E  }
0xb5: {  	_ =	swait.ge [sflag:s29], $0x1  }
0xb6: {  	[sflag:s29] =	ssyncadd.s32 $0xFFFFFFFF  }
0xb7: {  	_ =	strace $0x9000004E  }
0xb8: {  	_ =	sfence  }
0xb9: {  	s30 =	sld [smem:$0x0];
	_ =	sdelay $0x2  }
0xba: {  	s31 =	sshll.u32 s1, $0xD;
	s1 =	sshrl.u32 s1, $0x2  }
0xbb: {  	s3 =	sand.u32 $0x4000, s31;
	s1 =	sadd.s32 s1, s30  }
0xbc: {  	s0 =	sor.u32 s3, s0;
	s1 =	sshll.u32 s1, $0x11  }
0xbd: {  	s0 =	sor.u32 s1, s0  }
0xbe: {  	s0 =	sadd.s32 $0x8F2B, s0  }
0xbf: {  	[sflag:s0] =	ssyncadd.remote.s32 $0x1  }
0xc0: {  	_ =	sfence.sel $0xFFFF  }
0xc1: {  	[dreg:$0x0] =	wrdreg $0xFFFFFFFF;
	(pc) =	sbr.abs _section_cstart, $3  }
0xc2: {  	[dreg:$0x1] =	wrdreg $0xFFFFFFFF  }
0xc3: {  	_ =	task.clear_ibuf [dreg:s8], $0x2FFFF;
	_ =	strace $0x9FFFFFFF  }
0xc4: {  	(tm) =	ssettm $0x7FFFFFFF  }
0xc5: {  	_ =	shalt  }
tec
execute0_lowered:
.L_overlay_start_1:
0x0: {  	(tag) =	ssettag $0x1  }
0x1: {  	s0 =	rddreg [dreg:$0x0]  }
0x2: {  	s1 =	rddreg [dreg:$0x1]  }
0x3: {  	s2 =	rddreg [dreg:$0x2];
	s4 =	srdreg.scid  }
0x4: {  	s8 =	stileid.u32;
	s3 =	simm.s32 $0x0;
	s29 =	simm.s32 $0x1  }
0x5: {  	s5 =	sand.u32 $0x1, s4;
	s20 =	sshll.u32 s8, $0x1;
	[smem:$0x7FF] =	sst s3  }
0x6: {  	s4 =	sadd.s32 $0x4200, s1;
	s16 =	sadd.s32 $0x3200, s1;
	s17 =	sadd.s32 $0x2200, s1  }
0x7: {  	s22 =	sshll.u32 s8, $0x6;
	s8 =	sadd.s32 $0x4600, s1;
	s9 =	sadd.s32 $0x4700, s1  }
0x8: {  	s6 =	sor.u32 s5, s20;
	_ =	strace $0x8000004D;
	s23 =	sor.u32 $0x1C02, s22  }
0x9: {  	s5 =	ssub.s32 $0x2, s5;
	s7 =	sshll.u32 s6, $0x10;
	s15 =	sshll.u32 s6, $0x7  }
0xa: {  	[dreg:$0x6] =	wrdreg s23;
	s25 =	sshrl.u32 s5, $0x1;
	s6 =	sadd.s32 $0x4400, s1  }
0xb: {  	s0 =	sadd.s32 s0, s7;
	s21 =	sadd.s32 s2, s7;
	s24 =	sadd.s32 s16, s15  }
0xc: {  	s26 =	sadd.s32 s17, s15;
	s19 =	ssub.s32 s5, s25;
	[dreg:$0x4] =	wrdreg s0  }
0xd: {  	s5 =	sadd.s32 $0x4300, s1;
	s7 =	sadd.s32 $0x4500, s1;
	[dreg:$0x5] =	wrdreg s21  }
0xe: {  	s28 =	sor.u32 $0x10, s15;
	s11 =	sor.u32 $0x20, s15;
	[dreg:$0x7] =	wrdreg s24  }
0xf: {  	s12 =	sor.u32 $0x30, s15;
	[dreg:$0x8] =	wrdreg s26;
	s10 =	sadd.s32 s16, s28  }
0x10: {  	s14 =	sor.u32 $0x40, s15;
	s0 =	sadd.s32 s17, s28;
	[dreg:$0x9] =	wrdreg s10  }
0x11: {  	s30 =	sadd.s32 s16, s11;
	s31 =	sadd.s32 s17, s11;
	[dreg:$0xa] =	wrdreg s0  }
0x12: {  	s11 =	sadd.s32 $0x4900, s1;
	s13 =	sadd.s32 s17, s12;
	[dreg:$0xb] =	wrdreg s30  }
0x13: {  	s18 =	sadd.s32 s16, s14;
	s20 =	sadd.s32 s17, s14;
	[dreg:$0xc] =	wrdreg s31  }
0x14: {  	s21 =	sor.u32 $0x50, s15;
	s24 =	sor.u32 $0x60, s15;
	[dreg:$0xe] =	wrdreg s13  }
0x15: {  	s14 =	sadd.s32 $0x300, s2;
	s28 =	sor.u32 $0x70, s15;
	[dreg:$0xf] =	wrdreg s18  }
0x16: {  	s10 =	sadd.s32 $0x4800, s1;
	s1 =	sadd.s32 s16, s12;
	[dreg:$0x10] =	wrdreg s20  }
0x17: {  	s15 =	sadd.s32 $0x400, s2;
	s22 =	sadd.s32 s16, s21;
	[dreg:$0xd] =	wrdreg s1  }
0x18: {  	s12 =	sadd.s32 $0x100, s2;
	s23 =	sadd.s32 s17, s21;
	[dreg:$0x11] =	wrdreg s22  }
0x19: {  	s13 =	sadd.s32 $0x200, s2;
	s25 =	sadd.s32 s16, s24;
	[dreg:$0x12] =	wrdreg s23  }
0x1a: {  	s26 =	sadd.s32 s17, s24;
	s30 =	sadd.s32 s16, s28;
	[dreg:$0x13] =	wrdreg s25  }
0x1b: {  	v2 =	vlaneseq.u32;
	s16 =	sadd.s32 $0x500, s2;
	s31 =	sadd.s32 s17, s28;
	[dreg:$0x14] =	wrdreg s26  }
0x1c: {  	vm0 =	vmmov $0xffff;
	v1 =	vshrl.u32 v2, $0x3;
	s17 =	sadd.s32 $0x600, s2;
	s18 =	sadd.s32 $0x700, s2;
	[dreg:$0x15] =	wrdreg s30  }
0x1d: {  	v0 =	vand.u32 $0x7, v2;
	v2 =	vor.u32 $0x8, v2;
	v1 =	vmul.u32 $0x8, v1;
	s0 =	smax.u32 s19, $0x1;
	s20 =	simm.s32 $0x2;
	[dreg:$0x16] =	wrdreg s31  }
.LBB2_1:
0x1e: {  	[dreg:$0x17] =	wrdreg s0  }
0x1f: {  	s30 =	rddreg [dreg:$0x4]  }
0x20: {  	s31 =	rddreg [dreg:$0x5]  }
0x21: {  	s28 =	rddreg [dreg:$0x6]  }
0x22: {  	[hbm:s31], [sflag:s28] =	dma.local [hbm:s30], $0x10000  }
0x23: {  	_ =	swait.ge [sflag:s20], $0x10000  }
0x24: {  	[sflag:s20] =	ssyncset.done $0x0  }
0x25: {  	s30 =	rddreg [dreg:$0x7];
	[sflag:s20] =	ssyncadd.s32 $0xFFFF0000  }
0x26: {  	[tilespmem:s3], [sflag:$0x2] =	stream.linear.gather [hbm4b:s30+s3], $0x80, $0x38;
	[tilespmem:$0x10100] =	vst v63  }
0x27: {  	_ =	swait.ge [sflag:s20], $0x80  }
0x28: {  	[sflag:s20] =	ssyncset.done $0x0  }
0x29: {  	s1 =	simm.s32 $0x80;
	s31 =	rddreg [dreg:$0x8];
	[sflag:s20] =	ssyncadd.s32 $0xFFFFFF80  }
0x2a: {  	[tilespmem:s1], [sflag:$0x2] =	stream.linear.gather [hbm4b:s31+s3], $0x80, $0x38;
	[tilespmem:$0x10100] =	vst v63  }
0x2b: {  	_ =	swait.ge [sflag:s20], $0x80  }
0x2c: {  	[sflag:s20] =	ssyncset.done $0x0  }
0x2d: {  	[sflag:s20] =	ssyncadd.s32 $0xFFFFFF80  }
0x2e: {  	v3 =	vld [tilespmem:$0x0];
	_ =	sdelay $0x4  }
0x2f: {  	v4 =	vshll.u32 v3, $0x4  }
0x30: {  	v3 =	vand.u32 $0x7, v3;
	v4 =	vand.u32 $0xFFFFFF80, v4  }
0x31: {  	v3 =	vor.u32 v3, v4  }
0x32: {  	v4 =	vperm.xlane v3, v0;
	_ =	sdelay $0x1  }
0x33: {  	v4 =	vadd.s32 v1, v4;
	_ =	sdelay $0x3  }
0x34: {  	s1 =	simm.s32 $0x100  }
0x35: {  	[tilespmem:s1], [sflag:$0x1] =	stream.indirect_vreg.gather [hbm4b:s4+s3], $0x80, v4, vm0, $0xb8;
	[tilespmem:$0x10100] =	vst v63  }
0x36: {  	s2 =	simm.s32 $0x900  }
0x37: {  	[tilespmem:s2], [sflag:$0x1] =	stream.indirect_vreg.gather [hbm4b:s5+s3], $0x80, v4, vm0, $0xb8;
	[tilespmem:$0x10100] =	vst v63  }
0x38: {  	s19 =	simm.s32 $0x1100  }
0x39: {  	[tilespmem:s19], [sflag:$0x1] =	stream.indirect_vreg.gather [hbm4b:s6+s3], $0x80, v4, vm0, $0xb8;
	[tilespmem:$0x10100] =	vst v63  }
0x3a: {  	s21 =	simm.s32 $0x1900  }
0x3b: {  	[tilespmem:s21], [sflag:$0x1] =	stream.indirect_vreg.gather [hbm4b:s7+s3], $0x80, v4, vm0, $0xb8;
	[tilespmem:$0x10100] =	vst v63  }
0x3c: {  	s22 =	simm.s32 $0x2100  }
0x3d: {  	[tilespmem:s22], [sflag:$0x1] =	stream.indirect_vreg.gather [hbm4b:s8+s3], $0x80, v4, vm0, $0xb8;
	[tilespmem:$0x10100] =	vst v63  }
0x3e: {  	s23 =	simm.s32 $0x2900;
	v3 =	vperm.xlane v3, v2  }
0x3f: {  	[tilespmem:s23], [sflag:$0x1] =	stream.indirect_vreg.gather [hbm4b:s9+s3], $0x80, v4, vm0, $0xb8;
	[tilespmem:$0x10100] =	vst v63  }
0x40: {  	s24 =	simm.s32 $0x3100;
	v3 =	vadd.s32 v1, v3  }
0x41: {  	[tilespmem:s24], [sflag:$0x1] =	stream.indirect_vreg.gather [hbm4b:s10+s3], $0x80, v4, vm0, $0xb8;
	[tilespmem:$0x10100] =	vst v63  }
0x42: {  	s25 =	simm.s32 $0x3900  }
0x43: {  	[tilespmem:s25], [sflag:$0x1] =	stream.indirect_vreg.gather [hbm4b:s11+s3], $0x80, v4, vm0, $0xb8;
	[tilespmem:$0x10100] =	vst v63  }
0x44: {  	s30 =	simm.s32 $0x4100  }
0x45: {  	[tilespmem:s30], [sflag:$0x1] =	stream.indirect_vreg.gather [hbm4b:s4+s3], $0x80, v3, vm0, $0xb8;
	[tilespmem:$0x10100] =	vst v63  }
0x46: {  	s31 =	simm.s32 $0x4900  }
0x47: {  	[tilespmem:s31], [sflag:$0x1] =	stream.indirect_vreg.gather [hbm4b:s5+s3], $0x80, v3, vm0, $0xb8;
	[tilespmem:$0x10100] =	vst v63  }
0x48: {  	s2 =	simm.s32 $0x5100  }
0x49: {  	[tilespmem:s2], [sflag:$0x1] =	stream.indirect_vreg.gather [hbm4b:s6+s3], $0x80, v3, vm0, $0xb8;
	[tilespmem:$0x10100] =	vst v63  }
0x4a: {  	s19 =	simm.s32 $0x5900  }
0x4b: {  	[tilespmem:s19], [sflag:$0x1] =	stream.indirect_vreg.gather [hbm4b:s7+s3], $0x80, v3, vm0, $0xb8;
	[tilespmem:$0x10100] =	vst v63  }
0x4c: {  	s21 =	simm.s32 $0x6100  }
0x4d: {  	[tilespmem:s21], [sflag:$0x1] =	stream.indirect_vreg.gather [hbm4b:s8+s3], $0x80, v3, vm0, $0xb8;
	[tilespmem:$0x10100] =	vst v63  }
0x4e: {  	s24 =	simm.s32 $0x6900  }
0x4f: {  	[tilespmem:s24], [sflag:$0x1] =	stream.indirect_vreg.gather [hbm4b:s9+s3], $0x80, v3, vm0, $0xb8;
	[tilespmem:$0x10100] =	vst v63  }
0x50: {  	s25 =	simm.s32 $0x7100  }
0x51: {  	[tilespmem:s25], [sflag:$0x1] =	stream.indirect_vreg.gather [hbm4b:s10+s3], $0x80, v3, vm0, $0xb8;
	[tilespmem:$0x10100] =	vst v63  }
0x52: {  	s2 =	simm.s32 $0x7900  }
0x53: {  	[tilespmem:s2], [sflag:$0x1] =	stream.indirect_vreg.gather [hbm4b:s11+s3], $0x80, v3, vm0, $0xb8;
	[tilespmem:$0x10100] =	vst v63  }
0x54: {  	v3 =	vld [tilespmem:$0x10];
	_ =	sdelay $0x4  }
0x55: {  	v33 =	vshll.u32 v3, $0x4  }
0x56: {  	v3 =	vand.u32 $0x7, v3;
	v4 =	vand.u32 $0xFFFFFF80, v33  }
0x57: {  	v3 =	vor.u32 v3, v4  }
0x58: {  	v4 =	vperm.xlane v3, v0;
	_ =	sdelay $0x1  }
0x59: {  	v4 =	vadd.s32 v1, v4;
	_ =	sdelay $0x3  }
0x5a: {  	s19 =	simm.s32 $0x8100  }
0x5b: {  	[tilespmem:s19], [sflag:$0x1] =	stream.indirect_vreg.gather [hbm4b:s4+s3], $0x80, v4, vm0, $0xb8;
	[tilespmem:$0x10100] =	vst v63  }
0x5c: {  	s21 =	simm.s32 $0x8900  }
0x5d: {  	[tilespmem:s21], [sflag:$0x1] =	stream.indirect_vreg.gather [hbm4b:s5+s3], $0x80, v4, vm0, $0xb8;
	[tilespmem:$0x10100] =	vst v63  }
0x5e: {  	s24 =	simm.s32 $0x9100  }
0x5f: {  	[tilespmem:s24], [sflag:$0x1] =	stream.indirect_vreg.gather [hbm4b:s6+s3], $0x80, v4, vm0, $0xb8;
	[tilespmem:$0x10100] =	vst v63  }
0x60: {  	s2 =	simm.s32 $0x9900  }
0x61: {  	[tilespmem:s2], [sflag:$0x1] =	stream.indirect_vreg.gather [hbm4b:s7+s3], $0x80, v4, vm0, $0xb8;
	[tilespmem:$0x10100] =	vst v63  }
0x62: {  	s19 =	simm.s32 $0xA100  }
0x63: {  	[tilespmem:s19], [sflag:$0x1] =	stream.indirect_vreg.gather [hbm4b:s8+s3], $0x80, v4, vm0, $0xb8;
	[tilespmem:$0x10100] =	vst v63  }
0x64: {  	v3 =	vperm.xlane v3, v2;
	s21 =	simm.s32 $0xA900  }
0x65: {  	[tilespmem:s21], [sflag:$0x1] =	stream.indirect_vreg.gather [hbm4b:s9+s3], $0x80, v4, vm0, $0xb8;
	[tilespmem:$0x10100] =	vst v63  }
0x66: {  	v3 =	vadd.s32 v1, v3;
	s24 =	simm.s32 $0xB100  }
0x67: {  	[tilespmem:s24], [sflag:$0x1] =	stream.indirect_vreg.gather [hbm4b:s10+s3], $0x80, v4, vm0, $0xb8;
	[tilespmem:$0x10100] =	vst v63  }
0x68: {  	s21 =	simm.s32 $0xB900  }
0x69: {  	[tilespmem:s21], [sflag:$0x1] =	stream.indirect_vreg.gather [hbm4b:s11+s3], $0x80, v4, vm0, $0xb8;
	[tilespmem:$0x10100] =	vst v63  }
0x6a: {  	s24 =	simm.s32 $0xC100  }
0x6b: {  	[tilespmem:s24], [sflag:$0x1] =	stream.indirect_vreg.gather [hbm4b:s4+s3], $0x80, v3, vm0, $0xb8;
	[tilespmem:$0x10100] =	vst v63  }
0x6c: {  	s21 =	simm.s32 $0xC900  }
0x6d: {  	[tilespmem:s21], [sflag:$0x1] =	stream.indirect_vreg.gather [hbm4b:s5+s3], $0x80, v3, vm0, $0xb8;
	[tilespmem:$0x10100] =	vst v63  }
0x6e: {  	s24 =	simm.s32 $0xD100  }
0x6f: {  	[tilespmem:s24], [sflag:$0x1] =	stream.indirect_vreg.gather [hbm4b:s6+s3], $0x80, v3, vm0, $0xb8;
	[tilespmem:$0x10100] =	vst v63  }
0x70: {  	s21 =	simm.s32 $0xD900  }
0x71: {  	[tilespmem:s21], [sflag:$0x1] =	stream.indirect_vreg.gather [hbm4b:s7+s3], $0x80, v3, vm0, $0xb8;
	[tilespmem:$0x10100] =	vst v63  }
0x72: {  	s24 =	simm.s32 $0xE100  }
0x73: {  	[tilespmem:s24], [sflag:$0x1] =	stream.indirect_vreg.gather [hbm4b:s8+s3], $0x80, v3, vm0, $0xb8;
	[tilespmem:$0x10100] =	vst v63  }
0x74: {  	s21 =	simm.s32 $0xE900  }
0x75: {  	[tilespmem:s21], [sflag:$0x1] =	stream.indirect_vreg.gather [hbm4b:s9+s3], $0x80, v3, vm0, $0xb8;
	[tilespmem:$0x10100] =	vst v63  }
0x76: {  	s21 =	simm.s32 $0xF100  }
0x77: {  	[tilespmem:s21], [sflag:$0x1] =	stream.indirect_vreg.gather [hbm4b:s10+s3], $0x80, v3, vm0, $0xb8;
	[tilespmem:$0x10100] =	vst v63  }
0x78: {  	s21 =	simm.s32 $0xF900  }
0x79: {  	[tilespmem:s21], [sflag:$0x1] =	stream.indirect_vreg.gather [hbm4b:s11+s3], $0x80, v3, vm0, $0xb8;
	[tilespmem:$0x10100] =	vst v63  }
0x7a: {  	_ =	swait.ge [sflag:s29], $0x10000  }
0x7b: {  	[sflag:s29] =	ssyncset.done $0x0  }
0x7c: {  	[sflag:s29] =	ssyncadd.s32 $0xFFFF0000  }
0x7d: {  	v3 =	vld [tilespmem:$0x80];
	_ =	sdelay $0x4  }
0x7e: {  	v34 =	vshll.u32 v3, $0x4  }
0x7f: {  	v3 =	vand.u32 $0x7, v3;
	v4 =	vand.u32 $0xFFFFFF80, v34  }
0x80: {  	v3 =	vor.u32 v3, v4  }
0x81: {  	v4 =	vperm.xlane v3, v0;
	_ =	sdelay $0x1  }
0x82: {  	v4 =	vadd.s32 v1, v4;
	_ =	sdelay $0x3  }
0x83: {  	s1 =	simm.s32 $0x100;
	s0 =	rddreg [dreg:$0x2]  }
0x84: {  	[hbm4b:s0+s3] =	stream.indirect_vreg.scatter [tilespmem:s1], [sflag:$0x1], $0x80, v4, vm0, $0xb8;
	[tilespmem:$0x10100] =	vst v63  }
0x85: {  	s1 =	smov.u32 s0;
	s0 =	simm.s32 $0x900  }
0x86: {  	[hbm4b:s12+s3] =	stream.indirect_vreg.scatter [tilespmem:s0], [sflag:$0x1], $0x80, v4, vm0, $0xb8;
	[tilespmem:$0x10100] =	vst v63  }
0x87: {  	s0 =	simm.s32 $0x1100  }
0x88: {  	[hbm4b:s13+s3] =	stream.indirect_vreg.scatter [tilespmem:s0], [sflag:$0x1], $0x80, v4, vm0, $0xb8;
	[tilespmem:$0x10100] =	vst v63  }
0x89: {  	s28 =	simm.s32 $0x1900  }
0x8a: {  	[hbm4b:s14+s3] =	stream.indirect_vreg.scatter [tilespmem:s28], [sflag:$0x1], $0x80, v4, vm0, $0xb8;
	[tilespmem:$0x10100] =	vst v63  }
0x8b: {  	s22 =	simm.s32 $0x2100  }
0x8c: {  	[hbm4b:s15+s3] =	stream.indirect_vreg.scatter [tilespmem:s22], [sflag:$0x1], $0x80, v4, vm0, $0xb8;
	[tilespmem:$0x10100] =	vst v63  }
0x8d: {  	s23 =	simm.s32 $0x2900;
	v3 =	vperm.xlane v3, v2  }
0x8e: {  	[hbm4b:s16+s3] =	stream.indirect_vreg.scatter [tilespmem:s23], [sflag:$0x1], $0x80, v4, vm0, $0xb8;
	[tilespmem:$0x10100] =	vst v63  }
0x8f: {  	s26 =	simm.s32 $0x3100;
	v3 =	vadd.s32 v1, v3  }
0x90: {  	[hbm4b:s17+s3] =	stream.indirect_vreg.scatter [tilespmem:s26], [sflag:$0x1], $0x80, v4, vm0, $0xb8;
	[tilespmem:$0x10100] =	vst v63  }
0x91: {  	s22 =	simm.s32 $0x3900  }
0x92: {  	[hbm4b:s18+s3] =	stream.indirect_vreg.scatter [tilespmem:s22], [sflag:$0x1], $0x80, v4, vm0, $0xb8;
	[tilespmem:$0x10100] =	vst v63  }
0x93: {  	s30 =	simm.s32 $0x4100  }
0x94: {  	[hbm4b:s1+s3] =	stream.indirect_vreg.scatter [tilespmem:s30], [sflag:$0x1], $0x80, v3, vm0, $0xb8;
	[tilespmem:$0x10100] =	vst v63  }
0x95: {  	s23 =	simm.s32 $0x4900  }
0x96: {  	[hbm4b:s12+s3] =	stream.indirect_vreg.scatter [tilespmem:s23], [sflag:$0x1], $0x80, v3, vm0, $0xb8;
	[tilespmem:$0x10100] =	vst v63  }
0x97: {  	s31 =	simm.s32 $0x5100  }
0x98: {  	[hbm4b:s13+s3] =	stream.indirect_vreg.scatter [tilespmem:s31], [sflag:$0x1], $0x80, v3, vm0, $0xb8;
	[tilespmem:$0x10100] =	vst v63  }
0x99: {  	s31 =	simm.s32 $0x5900  }
0x9a: {  	[hbm4b:s14+s3] =	stream.indirect_vreg.scatter [tilespmem:s31], [sflag:$0x1], $0x80, v3, vm0, $0xb8;
	[tilespmem:$0x10100] =	vst v63  }
0x9b: {  	s31 =	simm.s32 $0x6100  }
0x9c: {  	[hbm4b:s15+s3] =	stream.indirect_vreg.scatter [tilespmem:s31], [sflag:$0x1], $0x80, v3, vm0, $0xb8;
	[tilespmem:$0x10100] =	vst v63  }
0x9d: {  	s31 =	simm.s32 $0x6900  }
0x9e: {  	[hbm4b:s16+s3] =	stream.indirect_vreg.scatter [tilespmem:s31], [sflag:$0x1], $0x80, v3, vm0, $0xb8;
	[tilespmem:$0x10100] =	vst v63  }
0x9f: {  	s31 =	simm.s32 $0x7100  }
0xa0: {  	[hbm4b:s17+s3] =	stream.indirect_vreg.scatter [tilespmem:s31], [sflag:$0x1], $0x80, v3, vm0, $0xb8;
	[tilespmem:$0x10100] =	vst v63  }
0xa1: {  	s25 =	simm.s32 $0x7900  }
0xa2: {  	[hbm4b:s18+s3] =	stream.indirect_vreg.scatter [tilespmem:s25], [sflag:$0x1], $0x80, v3, vm0, $0xb8;
	[tilespmem:$0x10100] =	vst v63  }
0xa3: {  	v3 =	vld [tilespmem:$0x90];
	_ =	sdelay $0x4  }
0xa4: {  	v35 =	vshll.u32 v3, $0x4  }
0xa5: {  	v3 =	vand.u32 $0x7, v3;
	v4 =	vand.u32 $0xFFFFFF80, v35  }
0xa6: {  	v3 =	vor.u32 v3, v4  }
0xa7: {  	v4 =	vperm.xlane v3, v0;
	_ =	sdelay $0x1  }
0xa8: {  	v4 =	vadd.s32 v1, v4;
	_ =	sdelay $0x3  }
0xa9: {  	s31 =	simm.s32 $0x8100  }
0xaa: {  	[hbm4b:s1+s3] =	stream.indirect_vreg.scatter [tilespmem:s31], [sflag:$0x1], $0x80, v4, vm0, $0xb8;
	[tilespmem:$0x10100] =	vst v63  }
0xab: {  	s31 =	simm.s32 $0x8900  }
0xac: {  	[hbm4b:s12+s3] =	stream.indirect_vreg.scatter [tilespmem:s31], [sflag:$0x1], $0x80, v4, vm0, $0xb8;
	[tilespmem:$0x10100] =	vst v63  }
0xad: {  	s31 =	simm.s32 $0x9100  }
0xae: {  	[hbm4b:s13+s3] =	stream.indirect_vreg.scatter [tilespmem:s31], [sflag:$0x1], $0x80, v4, vm0, $0xb8;
	[tilespmem:$0x10100] =	vst v63  }
0xaf: {  	s31 =	simm.s32 $0x9900  }
0xb0: {  	[hbm4b:s14+s3] =	stream.indirect_vreg.scatter [tilespmem:s31], [sflag:$0x1], $0x80, v4, vm0, $0xb8;
	[tilespmem:$0x10100] =	vst v63  }
0xb1: {  	s2 =	simm.s32 $0xA100  }
0xb2: {  	[hbm4b:s15+s3] =	stream.indirect_vreg.scatter [tilespmem:s2], [sflag:$0x1], $0x80, v4, vm0, $0xb8;
	[tilespmem:$0x10100] =	vst v63  }
0xb3: {  	s19 =	simm.s32 $0xA900;
	v3 =	vperm.xlane v3, v2  }
0xb4: {  	[hbm4b:s16+s3] =	stream.indirect_vreg.scatter [tilespmem:s19], [sflag:$0x1], $0x80, v4, vm0, $0xb8;
	[tilespmem:$0x10100] =	vst v63  }
0xb5: {  	v3 =	vadd.s32 v1, v3;
	s19 =	simm.s32 $0xB100  }
0xb6: {  	[hbm4b:s17+s3] =	stream.indirect_vreg.scatter [tilespmem:s19], [sflag:$0x1], $0x80, v4, vm0, $0xb8;
	[tilespmem:$0x10100] =	vst v63  }
0xb7: {  	s31 =	simm.s32 $0xB900  }
0xb8: {  	[hbm4b:s18+s3] =	stream.indirect_vreg.scatter [tilespmem:s31], [sflag:$0x1], $0x80, v4, vm0, $0xb8;
	[tilespmem:$0x10100] =	vst v63  }
0xb9: {  	s19 =	simm.s32 $0xC100  }
0xba: {  	[hbm4b:s1+s3] =	stream.indirect_vreg.scatter [tilespmem:s19], [sflag:$0x1], $0x80, v3, vm0, $0xb8;
	[tilespmem:$0x10100] =	vst v63  }
0xbb: {  	s31 =	simm.s32 $0xC900  }
0xbc: {  	[hbm4b:s12+s3] =	stream.indirect_vreg.scatter [tilespmem:s31], [sflag:$0x1], $0x80, v3, vm0, $0xb8;
	[tilespmem:$0x10100] =	vst v63  }
0xbd: {  	s19 =	simm.s32 $0xD100  }
0xbe: {  	[hbm4b:s13+s3] =	stream.indirect_vreg.scatter [tilespmem:s19], [sflag:$0x1], $0x80, v3, vm0, $0xb8;
	[tilespmem:$0x10100] =	vst v63  }
0xbf: {  	s31 =	simm.s32 $0xD900  }
0xc0: {  	[hbm4b:s14+s3] =	stream.indirect_vreg.scatter [tilespmem:s31], [sflag:$0x1], $0x80, v3, vm0, $0xb8;
	[tilespmem:$0x10100] =	vst v63  }
0xc1: {  	s24 =	simm.s32 $0xE100  }
0xc2: {  	[hbm4b:s15+s3] =	stream.indirect_vreg.scatter [tilespmem:s24], [sflag:$0x1], $0x80, v3, vm0, $0xb8;
	[tilespmem:$0x10100] =	vst v63  }
0xc3: {  	s19 =	simm.s32 $0xE900  }
0xc4: {  	[hbm4b:s16+s3] =	stream.indirect_vreg.scatter [tilespmem:s19], [sflag:$0x1], $0x80, v3, vm0, $0xb8;
	[tilespmem:$0x10100] =	vst v63  }
0xc5: {  	s24 =	simm.s32 $0xF100  }
0xc6: {  	[hbm4b:s17+s3] =	stream.indirect_vreg.scatter [tilespmem:s24], [sflag:$0x1], $0x80, v3, vm0, $0xb8;
	[tilespmem:$0x10100] =	vst v63  }
0xc7: {  	s21 =	simm.s32 $0xF900  }
0xc8: {  	[hbm4b:s18+s3] =	stream.indirect_vreg.scatter [tilespmem:s21], [sflag:$0x1], $0x80, v3, vm0, $0xb8;
	[tilespmem:$0x10100] =	vst v63  }
0xc9: {  	_ =	swait.ge [sflag:s29], $0x10000  }
0xca: {  	[sflag:s29] =	ssyncset.done $0x0  }
0xcb: {  	s31 =	rddreg [dreg:$0x9];
	[sflag:s29] =	ssyncadd.s32 $0xFFFF0000  }
0xcc: {  	[tilespmem:s3], [sflag:$0x2] =	stream.linear.gather [hbm4b:s31+s3], $0x80, $0x38;
	[tilespmem:$0x10100] =	vst v63  }
0xcd: {  	_ =	swait.ge [sflag:s20], $0x80  }
0xce: {  	[sflag:s20] =	ssyncset.done $0x0  }
0xcf: {  	s21 =	simm.s32 $0x80;
	s19 =	rddreg [dreg:$0xa];
	[sflag:s20] =	ssyncadd.s32 $0xFFFFFF80  }
0xd0: {  	[tilespmem:s21], [sflag:$0x2] =	stream.linear.gather [hbm4b:s19+s3], $0x80, $0x38;
	[tilespmem:$0x10100] =	vst v63  }
0xd1: {  	_ =	swait.ge [sflag:s20], $0x80  }
0xd2: {  	[sflag:s20] =	ssyncset.done $0x0  }
0xd3: {  	[sflag:s20] =	ssyncadd.s32 $0xFFFFFF80  }
0xd4: {  	v3 =	vld [tilespmem:$0x0];
	_ =	sdelay $0x4  }
0xd5: {  	v36 =	vshll.u32 v3, $0x4  }
0xd6: {  	v3 =	vand.u32 $0x7, v3;
	v4 =	vand.u32 $0xFFFFFF80, v36  }
0xd7: {  	v3 =	vor.u32 v3, v4  }
0xd8: {  	v4 =	vperm.xlane v3, v0;
	_ =	sdelay $0x1  }
0xd9: {  	v4 =	vadd.s32 v1, v4;
	_ =	sdelay $0x3  }
0xda: {  	s24 =	simm.s32 $0x100  }
0xdb: {  	[tilespmem:s24], [sflag:$0x1] =	stream.indirect_vreg.gather [hbm4b:s4+s3], $0x80, v4, vm0, $0xb8;
	[tilespmem:$0x10100] =	vst v63  }
0xdc: {  	s31 =	simm.s32 $0x900  }
0xdd: {  	[tilespmem:s31], [sflag:$0x1] =	stream.indirect_vreg.gather [hbm4b:s5+s3], $0x80, v4, vm0, $0xb8;
	[tilespmem:$0x10100] =	vst v63  }
0xde: {  	s19 =	simm.s32 $0x1100  }
0xdf: {  	[tilespmem:s19], [sflag:$0x1] =	stream.indirect_vreg.gather [hbm4b:s6+s3], $0x80, v4, vm0, $0xb8;
	[tilespmem:$0x10100] =	vst v63  }
0xe0: {  	s28 =	simm.s32 $0x1900  }
0xe1: {  	[tilespmem:s28], [sflag:$0x1] =	stream.indirect_vreg.gather [hbm4b:s7+s3], $0x80, v4, vm0, $0xb8;
	[tilespmem:$0x10100] =	vst v63  }
0xe2: {  	s21 =	simm.s32 $0x2100  }
0xe3: {  	[tilespmem:s21], [sflag:$0x1] =	stream.indirect_vreg.gather [hbm4b:s8+s3], $0x80, v4, vm0, $0xb8;
	[tilespmem:$0x10100] =	vst v63  }
0xe4: {  	v3 =	vperm.xlane v3, v2;
	s24 =	simm.s32 $0x2900  }
0xe5: {  	[tilespmem:s24], [sflag:$0x1] =	stream.indirect_vreg.gather [hbm4b:s9+s3], $0x80, v4, vm0, $0xb8;
	[tilespmem:$0x10100] =	vst v63  }
0xe6: {  	s26 =	simm.s32 $0x3100;
	v3 =	vadd.s32 v1, v3  }
0xe7: {  	[tilespmem:s26], [sflag:$0x1] =	stream.indirect_vreg.gather [hbm4b:s10+s3], $0x80, v4, vm0, $0xb8;
	[tilespmem:$0x10100] =	vst v63  }
0xe8: {  	s22 =	simm.s32 $0x3900  }
0xe9: {  	[tilespmem:s22], [sflag:$0x1] =	stream.indirect_vreg.gather [hbm4b:s11+s3], $0x80, v4, vm0, $0xb8;
	[tilespmem:$0x10100] =	vst v63  }
0xea: {  	s30 =	simm.s32 $0x4100  }
0xeb: {  	[tilespmem:s30], [sflag:$0x1] =	stream.indirect_vreg.gather [hbm4b:s4+s3], $0x80, v3, vm0, $0xb8;
	[tilespmem:$0x10100] =	vst v63  }
0xec: {  	s23 =	simm.s32 $0x4900  }
0xed: {  	[tilespmem:s23], [sflag:$0x1] =	stream.indirect_vreg.gather [hbm4b:s5+s3], $0x80, v3, vm0, $0xb8;
	[tilespmem:$0x10100] =	vst v63  }
0xee: {  	s31 =	simm.s32 $0x5100  }
0xef: {  	[tilespmem:s31], [sflag:$0x1] =	stream.indirect_vreg.gather [hbm4b:s6+s3], $0x80, v3, vm0, $0xb8;
	[tilespmem:$0x10100] =	vst v63  }
0xf0: {  	s26 =	simm.s32 $0x5900  }
0xf1: {  	[tilespmem:s26], [sflag:$0x1] =	stream.indirect_vreg.gather [hbm4b:s7+s3], $0x80, v3, vm0, $0xb8;
	[tilespmem:$0x10100] =	vst v63  }
0xf2: {  	s23 =	simm.s32 $0x6100  }
0xf3: {  	[tilespmem:s23], [sflag:$0x1] =	stream.indirect_vreg.gather [hbm4b:s8+s3], $0x80, v3, vm0, $0xb8;
	[tilespmem:$0x10100] =	vst v63  }
0xf4: {  	s19 =	simm.s32 $0x6900  }
0xf5: {  	[tilespmem:s19], [sflag:$0x1] =	stream.indirect_vreg.gather [hbm4b:s9+s3], $0x80, v3, vm0, $0xb8;
	[tilespmem:$0x10100] =	vst v63  }
0xf6: {  	s21 =	simm.s32 $0x7100  }
0xf7: {  	[tilespmem:s21], [sflag:$0x1] =	stream.indirect_vreg.gather [hbm4b:s10+s3], $0x80, v3, vm0, $0xb8;
	[tilespmem:$0x10100] =	vst v63  }
0xf8: {  	s25 =	simm.s32 $0x7900  }
0xf9: {  	[tilespmem:s25], [sflag:$0x1] =	stream.indirect_vreg.gather [hbm4b:s11+s3], $0x80, v3, vm0, $0xb8;
	[tilespmem:$0x10100] =	vst v63  }
0xfa: {  	v3 =	vld [tilespmem:$0x10];
	_ =	sdelay $0x4  }
0xfb: {  	v37 =	vshll.u32 v3, $0x4  }
0xfc: {  	v3 =	vand.u32 $0x7, v3;
	v4 =	vand.u32 $0xFFFFFF80, v37  }
0xfd: {  	v3 =	vor.u32 v3, v4  }
0xfe: {  	v4 =	vperm.xlane v3, v0;
	_ =	sdelay $0x1  }
0xff: {  	v4 =	vadd.s32 v1, v4;
	_ =	sdelay $0x3  }
0x100: {  	s24 =	simm.s32 $0x8100  }
0x101: {  	[tilespmem:s24], [sflag:$0x1] =	stream.indirect_vreg.gather [hbm4b:s4+s3], $0x80, v4, vm0, $0xb8;
	[tilespmem:$0x10100] =	vst v63  }
0x102: {  	s26 =	simm.s32 $0x8900  }
0x103: {  	[tilespmem:s26], [sflag:$0x1] =	stream.indirect_vreg.gather [hbm4b:s5+s3], $0x80, v4, vm0, $0xb8;
	[tilespmem:$0x10100] =	vst v63  }
0x104: {  	s22 =	simm.s32 $0x9100  }
0x105: {  	[tilespmem:s22], [sflag:$0x1] =	stream.indirect_vreg.gather [hbm4b:s6+s3], $0x80, v4, vm0, $0xb8;
	[tilespmem:$0x10100] =	vst v63  }
0x106: {  	s0 =	simm.s32 $0x9900  }
0x107: {  	[tilespmem:s0], [sflag:$0x1] =	stream.indirect_vreg.gather [hbm4b:s7+s3], $0x80, v4, vm0, $0xb8;
	[tilespmem:$0x10100] =	vst v63  }
0x108: {  	s2 =	simm.s32 $0xA100  }
0x109: {  	[tilespmem:s2], [sflag:$0x1] =	stream.indirect_vreg.gather [hbm4b:s8+s3], $0x80, v4, vm0, $0xb8;
	[tilespmem:$0x10100] =	vst v63  }
0x10a: {  	s25 =	simm.s32 $0xA900;
	v3 =	vperm.xlane v3, v2  }
0x10b: {  	[tilespmem:s25], [sflag:$0x1] =	stream.indirect_vreg.gather [hbm4b:s9+s3], $0x80, v4, vm0, $0xb8;
	[tilespmem:$0x10100] =	vst v63  }
0x10c: {  	s19 =	simm.s32 $0xB100;
	v3 =	vadd.s32 v1, v3  }
0x10d: {  	[tilespmem:s19], [sflag:$0x1] =	stream.indirect_vreg.gather [hbm4b:s10+s3], $0x80, v4, vm0, $0xb8;
	[tilespmem:$0x10100] =	vst v63  }
0x10e: {  	s2 =	simm.s32 $0xB900  }
0x10f: {  	[tilespmem:s2], [sflag:$0x1] =	stream.indirect_vreg.gather [hbm4b:s11+s3], $0x80, v4, vm0, $0xb8;
	[tilespmem:$0x10100] =	vst v63  }
0x110: {  	s21 =	simm.s32 $0xC100  }
0x111: {  	[tilespmem:s21], [sflag:$0x1] =	stream.indirect_vreg.gather [hbm4b:s4+s3], $0x80, v3, vm0, $0xb8;
	[tilespmem:$0x10100] =	vst v63  }
0x112: {  	s19 =	simm.s32 $0xC900  }
0x113: {  	[tilespmem:s19], [sflag:$0x1] =	stream.indirect_vreg.gather [hbm4b:s5+s3], $0x80, v3, vm0, $0xb8;
	[tilespmem:$0x10100] =	vst v63  }
0x114: {  	s22 =	simm.s32 $0xD100  }
0x115: {  	[tilespmem:s22], [sflag:$0x1] =	stream.indirect_vreg.gather [hbm4b:s6+s3], $0x80, v3, vm0, $0xb8;
	[tilespmem:$0x10100] =	vst v63  }
0x116: {  	s21 =	simm.s32 $0xD900  }
0x117: {  	[tilespmem:s21], [sflag:$0x1] =	stream.indirect_vreg.gather [hbm4b:s7+s3], $0x80, v3, vm0, $0xb8;
	[tilespmem:$0x10100] =	vst v63  }
0x118: {  	s25 =	simm.s32 $0xE100  }
0x119: {  	[tilespmem:s25], [sflag:$0x1] =	stream.indirect_vreg.gather [hbm4b:s8+s3], $0x80, v3, vm0, $0xb8;
	[tilespmem:$0x10100] =	vst v63  }
0x11a: {  	s22 =	simm.s32 $0xE900  }
0x11b: {  	[tilespmem:s22], [sflag:$0x1] =	stream.indirect_vreg.gather [hbm4b:s9+s3], $0x80, v3, vm0, $0xb8;
	[tilespmem:$0x10100] =	vst v63  }
0x11c: {  	s25 =	simm.s32 $0xF100  }
0x11d: {  	[tilespmem:s25], [sflag:$0x1] =	stream.indirect_vreg.gather [hbm4b:s10+s3], $0x80, v3, vm0, $0xb8;
	[tilespmem:$0x10100] =	vst v63  }
0x11e: {  	s22 =	simm.s32 $0xF900  }
0x11f: {  	[tilespmem:s22], [sflag:$0x1] =	stream.indirect_vreg.gather [hbm4b:s11+s3], $0x80, v3, vm0, $0xb8;
	[tilespmem:$0x10100] =	vst v63  }
0x120: {  	_ =	swait.ge [sflag:s29], $0x10000  }
0x121: {  	[sflag:s29] =	ssyncset.done $0x0  }
0x122: {  	[sflag:s29] =	ssyncadd.s32 $0xFFFF0000  }
0x123: {  	v3 =	vld [tilespmem:$0x80];
	_ =	sdelay $0x4  }
0x124: {  	v38 =	vshll.u32 v3, $0x4  }
0x125: {  	v3 =	vand.u32 $0x7, v3;
	v4 =	vand.u32 $0xFFFFFF80, v38  }
0x126: {  	v3 =	vor.u32 v3, v4  }
0x127: {  	v4 =	vperm.xlane v3, v0;
	_ =	sdelay $0x1  }
0x128: {  	v4 =	vadd.s32 v1, v4;
	_ =	sdelay $0x3  }
0x129: {  	s25 =	simm.s32 $0x100  }
0x12a: {  	[hbm4b:s1+s3] =	stream.indirect_vreg.scatter [tilespmem:s25], [sflag:$0x1], $0x80, v4, vm0, $0xb8;
	[tilespmem:$0x10100] =	vst v63  }
0x12b: {  	s25 =	simm.s32 $0x900  }
0x12c: {  	[hbm4b:s12+s3] =	stream.indirect_vreg.scatter [tilespmem:s25], [sflag:$0x1], $0x80, v4, vm0, $0xb8;
	[tilespmem:$0x10100] =	vst v63  }
0x12d: {  	s25 =	simm.s32 $0x1100  }
0x12e: {  	[hbm4b:s13+s3] =	stream.indirect_vreg.scatter [tilespmem:s25], [sflag:$0x1], $0x80, v4, vm0, $0xb8;
	[tilespmem:$0x10100] =	vst v63  }
0x12f: {  	s28 =	simm.s32 $0x1900  }
0x130: {  	[hbm4b:s14+s3] =	stream.indirect_vreg.scatter [tilespmem:s28], [sflag:$0x1], $0x80, v4, vm0, $0xb8;
	[tilespmem:$0x10100] =	vst v63  }
0x131: {  	s28 =	simm.s32 $0x2100  }
0x132: {  	[hbm4b:s15+s3] =	stream.indirect_vreg.scatter [tilespmem:s28], [sflag:$0x1], $0x80, v4, vm0, $0xb8;
	[tilespmem:$0x10100] =	vst v63  }
0x133: {  	v3 =	vperm.xlane v3, v2;
	s28 =	simm.s32 $0x2900  }
0x134: {  	[hbm4b:s16+s3] =	stream.indirect_vreg.scatter [tilespmem:s28], [sflag:$0x1], $0x80, v4, vm0, $0xb8;
	[tilespmem:$0x10100] =	vst v63  }
0x135: {  	v3 =	vadd.s32 v1, v3;
	s25 =	simm.s32 $0x3100  }
0x136: {  	[hbm4b:s17+s3] =	stream.indirect_vreg.scatter [tilespmem:s25], [sflag:$0x1], $0x80, v4, vm0, $0xb8;
	[tilespmem:$0x10100] =	vst v63  }
0x137: {  	s28 =	simm.s32 $0x3900  }
0x138: {  	[hbm4b:s18+s3] =	stream.indirect_vreg.scatter [tilespmem:s28], [sflag:$0x1], $0x80, v4, vm0, $0xb8;
	[tilespmem:$0x10100] =	vst v63  }
0x139: {  	s30 =	simm.s32 $0x4100  }
0x13a: {  	[hbm4b:s1+s3] =	stream.indirect_vreg.scatter [tilespmem:s30], [sflag:$0x1], $0x80, v3, vm0, $0xb8;
	[tilespmem:$0x10100] =	vst v63  }
0x13b: {  	s25 =	simm.s32 $0x4900  }
0x13c: {  	[hbm4b:s12+s3] =	stream.indirect_vreg.scatter [tilespmem:s25], [sflag:$0x1], $0x80, v3, vm0, $0xb8;
	[tilespmem:$0x10100] =	vst v63  }
0x13d: {  	_ = 	snop  }
0x13e: {  	[hbm4b:s13+s3] =	stream.indirect_vreg.scatter [tilespmem:s31], [sflag:$0x1], $0x80, v3, vm0, $0xb8;
	[tilespmem:$0x10100] =	vst v63  }
0x13f: {  	s25 =	simm.s32 $0x5900  }
0x140: {  	[hbm4b:s14+s3] =	stream.indirect_vreg.scatter [tilespmem:s25], [sflag:$0x1], $0x80, v3, vm0, $0xb8;
	[tilespmem:$0x10100] =	vst v63  }
0x141: {  	_ = 	snop  }
0x142: {  	[hbm4b:s15+s3] =	stream.indirect_vreg.scatter [tilespmem:s23], [sflag:$0x1], $0x80, v3, vm0, $0xb8;
	[tilespmem:$0x10100] =	vst v63  }
0x143: {  	s23 =	simm.s32 $0x6900  }
0x144: {  	[hbm4b:s16+s3] =	stream.indirect_vreg.scatter [tilespmem:s23], [sflag:$0x1], $0x80, v3, vm0, $0xb8;
	[tilespmem:$0x10100] =	vst v63  }
0x145: {  	s28 =	smov.u32 s1;
	s1 =	simm.s32 $0x7100  }
0x146: {  	[hbm4b:s17+s3] =	stream.indirect_vreg.scatter [tilespmem:s1], [sflag:$0x1], $0x80, v3, vm0, $0xb8;
	[tilespmem:$0x10100] =	vst v63  }
0x147: {  	s25 =	simm.s32 $0x7900  }
0x148: {  	[hbm4b:s18+s3] =	stream.indirect_vreg.scatter [tilespmem:s25], [sflag:$0x1], $0x80, v3, vm0, $0xb8;
	[tilespmem:$0x10100] =	vst v63  }
0x149: {  	v3 =	vld [tilespmem:$0x90];
	_ =	sdelay $0x4  }
0x14a: {  	v39 =	vshll.u32 v3, $0x4  }
0x14b: {  	v3 =	vand.u32 $0x7, v3;
	v4 =	vand.u32 $0xFFFFFF80, v39  }
0x14c: {  	v3 =	vor.u32 v3, v4  }
0x14d: {  	v4 =	vperm.xlane v3, v0;
	_ =	sdelay $0x1  }
0x14e: {  	v4 =	vadd.s32 v1, v4;
	_ =	sdelay $0x4  }
0x14f: {  	[hbm4b:s28+s3] =	stream.indirect_vreg.scatter [tilespmem:s24], [sflag:$0x1], $0x80, v4, vm0, $0xb8;
	[tilespmem:$0x10100] =	vst v63  }
0x150: {  	_ = 	snop  }
0x151: {  	[hbm4b:s12+s3] =	stream.indirect_vreg.scatter [tilespmem:s26], [sflag:$0x1], $0x80, v4, vm0, $0xb8;
	[tilespmem:$0x10100] =	vst v63  }
0x152: {  	s24 =	simm.s32 $0x9100  }
0x153: {  	[hbm4b:s13+s3] =	stream.indirect_vreg.scatter [tilespmem:s24], [sflag:$0x1], $0x80, v4, vm0, $0xb8;
	[tilespmem:$0x10100] =	vst v63  }
0x154: {  	_ = 	snop  }
0x155: {  	[hbm4b:s14+s3] =	stream.indirect_vreg.scatter [tilespmem:s0], [sflag:$0x1], $0x80, v4, vm0, $0xb8;
	[tilespmem:$0x10100] =	vst v63  }
0x156: {  	s25 =	simm.s32 $0xA100  }
0x157: {  	[hbm4b:s15+s3] =	stream.indirect_vreg.scatter [tilespmem:s25], [sflag:$0x1], $0x80, v4, vm0, $0xb8;
	[tilespmem:$0x10100] =	vst v63  }
0x158: {  	v3 =	vperm.xlane v3, v2;
	s26 =	simm.s32 $0xA900  }
0x159: {  	[hbm4b:s16+s3] =	stream.indirect_vreg.scatter [tilespmem:s26], [sflag:$0x1], $0x80, v4, vm0, $0xb8;
	[tilespmem:$0x10100] =	vst v63  }
0x15a: {  	s23 =	simm.s32 $0xB100;
	v3 =	vadd.s32 v1, v3  }
0x15b: {  	[hbm4b:s17+s3] =	stream.indirect_vreg.scatter [tilespmem:s23], [sflag:$0x1], $0x80, v4, vm0, $0xb8;
	[tilespmem:$0x10100] =	vst v63  }
0x15c: {  	_ = 	snop  }
0x15d: {  	[hbm4b:s18+s3] =	stream.indirect_vreg.scatter [tilespmem:s2], [sflag:$0x1], $0x80, v4, vm0, $0xb8;
	[tilespmem:$0x10100] =	vst v63  }
0x15e: {  	s24 =	simm.s32 $0xC100  }
0x15f: {  	[hbm4b:s28+s3] =	stream.indirect_vreg.scatter [tilespmem:s24], [sflag:$0x1], $0x80, v3, vm0, $0xb8;
	[tilespmem:$0x10100] =	vst v63  }
0x160: {  	_ = 	snop  }
0x161: {  	[hbm4b:s12+s3] =	stream.indirect_vreg.scatter [tilespmem:s19], [sflag:$0x1], $0x80, v3, vm0, $0xb8;
	[tilespmem:$0x10100] =	vst v63  }
0x162: {  	s25 =	simm.s32 $0xD100  }
0x163: {  	[hbm4b:s13+s3] =	stream.indirect_vreg.scatter [tilespmem:s25], [sflag:$0x1], $0x80, v3, vm0, $0xb8;
	[tilespmem:$0x10100] =	vst v63  }
0x164: {  	_ = 	snop  }
0x165: {  	[hbm4b:s14+s3] =	stream.indirect_vreg.scatter [tilespmem:s21], [sflag:$0x1], $0x80, v3, vm0, $0xb8;
	[tilespmem:$0x10100] =	vst v63  }
0x166: {  	s26 =	simm.s32 $0xE100  }
0x167: {  	[hbm4b:s15+s3] =	stream.indirect_vreg.scatter [tilespmem:s26], [sflag:$0x1], $0x80, v3, vm0, $0xb8;
	[tilespmem:$0x10100] =	vst v63  }
0x168: {  	s28 =	simm.s32 $0xE900  }
0x169: {  	[hbm4b:s16+s3] =	stream.indirect_vreg.scatter [tilespmem:s28], [sflag:$0x1], $0x80, v3, vm0, $0xb8;
	[tilespmem:$0x10100] =	vst v63  }
0x16a: {  	s2 =	simm.s32 $0xF100  }
0x16b: {  	[hbm4b:s17+s3] =	stream.indirect_vreg.scatter [tilespmem:s2], [sflag:$0x1], $0x80, v3, vm0, $0xb8;
	[tilespmem:$0x10100] =	vst v63  }
0x16c: {  	_ = 	snop  }
0x16d: {  	[hbm4b:s18+s3] =	stream.indirect_vreg.scatter [tilespmem:s22], [sflag:$0x1], $0x80, v3, vm0, $0xb8;
	[tilespmem:$0x10100] =	vst v63  }
0x16e: {  	_ =	swait.ge [sflag:s29], $0x10000  }
0x16f: {  	[sflag:s29] =	ssyncset.done $0x0  }
0x170: {  	s23 =	rddreg [dreg:$0xb];
	[sflag:s29] =	ssyncadd.s32 $0xFFFF0000  }
0x171: {  	[tilespmem:s3], [sflag:$0x2] =	stream.linear.gather [hbm4b:s23+s3], $0x80, $0x38;
	[tilespmem:$0x10100] =	vst v63  }
0x172: {  	_ =	swait.ge [sflag:s20], $0x80  }
0x173: {  	[sflag:s20] =	ssyncset.done $0x0  }
0x174: {  	s26 =	simm.s32 $0x80;
	s24 =	rddreg [dreg:$0xc];
	[sflag:s20] =	ssyncadd.s32 $0xFFFFFF80  }
0x175: {  	[tilespmem:s26], [sflag:$0x2] =	stream.linear.gather [hbm4b:s24+s3], $0x80, $0x38;
	[tilespmem:$0x10100] =	vst v63  }
0x176: {  	_ =	swait.ge [sflag:s20], $0x80  }
0x177: {  	[sflag:s20] =	ssyncset.done $0x0  }
0x178: {  	[sflag:s20] =	ssyncadd.s32 $0xFFFFFF80  }
0x179: {  	v3 =	vld [tilespmem:$0x0];
	_ =	sdelay $0x4  }
0x17a: {  	v40 =	vshll.u32 v3, $0x4  }
0x17b: {  	v3 =	vand.u32 $0x7, v3;
	v4 =	vand.u32 $0xFFFFFF80, v40  }
0x17c: {  	v3 =	vor.u32 v3, v4  }
0x17d: {  	v4 =	vperm.xlane v3, v0;
	_ =	sdelay $0x1  }
0x17e: {  	v4 =	vadd.s32 v1, v4;
	_ =	sdelay $0x3  }
0x17f: {  	s28 =	simm.s32 $0x100  }
0x180: {  	[tilespmem:s28], [sflag:$0x1] =	stream.indirect_vreg.gather [hbm4b:s4+s3], $0x80, v4, vm0, $0xb8;
	[tilespmem:$0x10100] =	vst v63  }
0x181: {  	s28 =	simm.s32 $0x900  }
0x182: {  	[tilespmem:s28], [sflag:$0x1] =	stream.indirect_vreg.gather [hbm4b:s5+s3], $0x80, v4, vm0, $0xb8;
	[tilespmem:$0x10100] =	vst v63  }
0x183: {  	s2 =	simm.s32 $0x1100  }
0x184: {  	[tilespmem:s2], [sflag:$0x1] =	stream.indirect_vreg.gather [hbm4b:s6+s3], $0x80, v4, vm0, $0xb8;
	[tilespmem:$0x10100] =	vst v63  }
0x185: {  	s22 =	simm.s32 $0x1900  }
0x186: {  	[tilespmem:s22], [sflag:$0x1] =	stream.indirect_vreg.gather [hbm4b:s7+s3], $0x80, v4, vm0, $0xb8;
	[tilespmem:$0x10100] =	vst v63  }
0x187: {  	s26 =	simm.s32 $0x2100  }
0x188: {  	[tilespmem:s26], [sflag:$0x1] =	stream.indirect_vreg.gather [hbm4b:s8+s3], $0x80, v4, vm0, $0xb8;
	[tilespmem:$0x10100] =	vst v63  }
0x189: {  	s23 =	simm.s32 $0x2900;
	v3 =	vperm.xlane v3, v2  }
0x18a: {  	[tilespmem:s23], [sflag:$0x1] =	stream.indirect_vreg.gather [hbm4b:s9+s3], $0x80, v4, vm0, $0xb8;
	[tilespmem:$0x10100] =	vst v63  }
0x18b: {  	s24 =	simm.s32 $0x3100;
	v3 =	vadd.s32 v1, v3  }
0x18c: {  	[tilespmem:s24], [sflag:$0x1] =	stream.indirect_vreg.gather [hbm4b:s10+s3], $0x80, v4, vm0, $0xb8;
	[tilespmem:$0x10100] =	vst v63  }
0x18d: {  	s23 =	simm.s32 $0x3900  }
0x18e: {  	[tilespmem:s23], [sflag:$0x1] =	stream.indirect_vreg.gather [hbm4b:s11+s3], $0x80, v4, vm0, $0xb8;
	[tilespmem:$0x10100] =	vst v63  }
0x18f: {  	s30 =	simm.s32 $0x4100  }
0x190: {  	[tilespmem:s30], [sflag:$0x1] =	stream.indirect_vreg.gather [hbm4b:s4+s3], $0x80, v3, vm0, $0xb8;
	[tilespmem:$0x10100] =	vst v63  }
0x191: {  	s24 =	simm.s32 $0x4900  }
0x192: {  	[tilespmem:s24], [sflag:$0x1] =	stream.indirect_vreg.gather [hbm4b:s5+s3], $0x80, v3, vm0, $0xb8;
	[tilespmem:$0x10100] =	vst v63  }
0x193: {  	s31 =	simm.s32 $0x5100  }
0x194: {  	[tilespmem:s31], [sflag:$0x1] =	stream.indirect_vreg.gather [hbm4b:s6+s3], $0x80, v3, vm0, $0xb8;
	[tilespmem:$0x10100] =	vst v63  }
0x195: {  	s2 =	simm.s32 $0x5900  }
0x196: {  	[tilespmem:s2], [sflag:$0x1] =	stream.indirect_vreg.gather [hbm4b:s7+s3], $0x80, v3, vm0, $0xb8;
	[tilespmem:$0x10100] =	vst v63  }
0x197: {  	s22 =	simm.s32 $0x6100  }
0x198: {  	[tilespmem:s22], [sflag:$0x1] =	stream.indirect_vreg.gather [hbm4b:s8+s3], $0x80, v3, vm0, $0xb8;
	[tilespmem:$0x10100] =	vst v63  }
0x199: {  	s30 =	simm.s32 $0x6900  }
0x19a: {  	[tilespmem:s30], [sflag:$0x1] =	stream.indirect_vreg.gather [hbm4b:s9+s3], $0x80, v3, vm0, $0xb8;
	[tilespmem:$0x10100] =	vst v63  }
0x19b: {  	_ = 	snop  }
0x19c: {  	[tilespmem:s1], [sflag:$0x1] =	stream.indirect_vreg.gather [hbm4b:s10+s3], $0x80, v3, vm0, $0xb8;
	[tilespmem:$0x10100] =	vst v63  }
0x19d: {  	s31 =	simm.s32 $0x7900  }
0x19e: {  	[tilespmem:s31], [sflag:$0x1] =	stream.indirect_vreg.gather [hbm4b:s11+s3], $0x80, v3, vm0, $0xb8;
	[tilespmem:$0x10100] =	vst v63  }
0x19f: {  	v3 =	vld [tilespmem:$0x10];
	_ =	sdelay $0x4  }
0x1a0: {  	v41 =	vshll.u32 v3, $0x4  }
0x1a1: {  	v3 =	vand.u32 $0x7, v3;
	v4 =	vand.u32 $0xFFFFFF80, v41  }
0x1a2: {  	v3 =	vor.u32 v3, v4  }
0x1a3: {  	v4 =	vperm.xlane v3, v0;
	_ =	sdelay $0x1  }
0x1a4: {  	v4 =	vadd.s32 v1, v4;
	_ =	sdelay $0x3  }
0x1a5: {  	s31 =	simm.s32 $0x8100  }
0x1a6: {  	[tilespmem:s31], [sflag:$0x1] =	stream.indirect_vreg.gather [hbm4b:s4+s3], $0x80, v4, vm0, $0xb8;
	[tilespmem:$0x10100] =	vst v63  }
0x1a7: {  	s1 =	simm.s32 $0x8900  }
0x1a8: {  	[tilespmem:s1], [sflag:$0x1] =	stream.indirect_vreg.gather [hbm4b:s5+s3], $0x80, v4, vm0, $0xb8;
	[tilespmem:$0x10100] =	vst v63  }
0x1a9: {  	s0 =	simm.s32 $0x9100  }
0x1aa: {  	[tilespmem:s0], [sflag:$0x1] =	stream.indirect_vreg.gather [hbm4b:s6+s3], $0x80, v4, vm0, $0xb8;
	[tilespmem:$0x10100] =	vst v63  }
0x1ab: {  	s2 =	simm.s32 $0x9900  }
0x1ac: {  	[tilespmem:s2], [sflag:$0x1] =	stream.indirect_vreg.gather [hbm4b:s7+s3], $0x80, v4, vm0, $0xb8;
	[tilespmem:$0x10100] =	vst v63  }
0x1ad: {  	s22 =	simm.s32 $0xA100  }
0x1ae: {  	[tilespmem:s22], [sflag:$0x1] =	stream.indirect_vreg.gather [hbm4b:s8+s3], $0x80, v4, vm0, $0xb8;
	[tilespmem:$0x10100] =	vst v63  }
0x1af: {  	s30 =	simm.s32 $0xA900;
	v3 =	vperm.xlane v3, v2  }
0x1b0: {  	[tilespmem:s30], [sflag:$0x1] =	stream.indirect_vreg.gather [hbm4b:s9+s3], $0x80, v4, vm0, $0xb8;
	[tilespmem:$0x10100] =	vst v63  }
0x1b1: {  	v3 =	vadd.s32 v1, v3;
	s2 =	simm.s32 $0xB100  }
0x1b2: {  	[tilespmem:s2], [sflag:$0x1] =	stream.indirect_vreg.gather [hbm4b:s10+s3], $0x80, v4, vm0, $0xb8;
	[tilespmem:$0x10100] =	vst v63  }
0x1b3: {  	s1 =	simm.s32 $0xB900  }
0x1b4: {  	[tilespmem:s1], [sflag:$0x1] =	stream.indirect_vreg.gather [hbm4b:s11+s3], $0x80, v4, vm0, $0xb8;
	[tilespmem:$0x10100] =	vst v63  }
0x1b5: {  	s22 =	simm.s32 $0xC100  }
0x1b6: {  	[tilespmem:s22], [sflag:$0x1] =	stream.indirect_vreg.gather [hbm4b:s4+s3], $0x80, v3, vm0, $0xb8;
	[tilespmem:$0x10100] =	vst v63  }
0x1b7: {  	s2 =	simm.s32 $0xC900  }
0x1b8: {  	[tilespmem:s2], [sflag:$0x1] =	stream.indirect_vreg.gather [hbm4b:s5+s3], $0x80, v3, vm0, $0xb8;
	[tilespmem:$0x10100] =	vst v63  }
0x1b9: {  	s19 =	simm.s32 $0xD100  }
0x1ba: {  	[tilespmem:s19], [sflag:$0x1] =	stream.indirect_vreg.gather [hbm4b:s6+s3], $0x80, v3, vm0, $0xb8;
	[tilespmem:$0x10100] =	vst v63  }
0x1bb: {  	s19 =	simm.s32 $0xD900  }
0x1bc: {  	[tilespmem:s19], [sflag:$0x1] =	stream.indirect_vreg.gather [hbm4b:s7+s3], $0x80, v3, vm0, $0xb8;
	[tilespmem:$0x10100] =	vst v63  }
0x1bd: {  	s21 =	simm.s32 $0xE100  }
0x1be: {  	[tilespmem:s21], [sflag:$0x1] =	stream.indirect_vreg.gather [hbm4b:s8+s3], $0x80, v3, vm0, $0xb8;
	[tilespmem:$0x10100] =	vst v63  }
0x1bf: {  	s21 =	simm.s32 $0xE900  }
0x1c0: {  	[tilespmem:s21], [sflag:$0x1] =	stream.indirect_vreg.gather [hbm4b:s9+s3], $0x80, v3, vm0, $0xb8;
	[tilespmem:$0x10100] =	vst v63  }
0x1c1: {  	s25 =	simm.s32 $0xF100  }
0x1c2: {  	[tilespmem:s25], [sflag:$0x1] =	stream.indirect_vreg.gather [hbm4b:s10+s3], $0x80, v3, vm0, $0xb8;
	[tilespmem:$0x10100] =	vst v63  }
0x1c3: {  	s25 =	simm.s32 $0xF900  }
0x1c4: {  	[tilespmem:s25], [sflag:$0x1] =	stream.indirect_vreg.gather [hbm4b:s11+s3], $0x80, v3, vm0, $0xb8;
	[tilespmem:$0x10100] =	vst v63  }
0x1c5: {  	_ =	swait.ge [sflag:s29], $0x10000  }
0x1c6: {  	[sflag:s29] =	ssyncset.done $0x0  }
0x1c7: {  	[sflag:s29] =	ssyncadd.s32 $0xFFFF0000  }
0x1c8: {  	v3 =	vld [tilespmem:$0x80];
	_ =	sdelay $0x4  }
0x1c9: {  	v42 =	vshll.u32 v3, $0x4  }
0x1ca: {  	v3 =	vand.u32 $0x7, v3;
	v4 =	vand.u32 $0xFFFFFF80, v42  }
0x1cb: {  	v3 =	vor.u32 v3, v4  }
0x1cc: {  	v4 =	vperm.xlane v3, v0;
	_ =	sdelay $0x1  }
0x1cd: {  	v4 =	vadd.s32 v1, v4;
	_ =	sdelay $0x3  }
0x1ce: {  	s30 =	simm.s32 $0x100;
	s22 =	rddreg [dreg:$0x2]  }
0x1cf: {  	[hbm4b:s22+s3] =	stream.indirect_vreg.scatter [tilespmem:s30], [sflag:$0x1], $0x80, v4, vm0, $0xb8;
	[tilespmem:$0x10100] =	vst v63  }
0x1d0: {  	_ = 	snop  }
0x1d1: {  	[hbm4b:s12+s3] =	stream.indirect_vreg.scatter [tilespmem:s28], [sflag:$0x1], $0x80, v4, vm0, $0xb8;
	[tilespmem:$0x10100] =	vst v63  }
0x1d2: {  	s30 =	simm.s32 $0x1100  }
0x1d3: {  	[hbm4b:s13+s3] =	stream.indirect_vreg.scatter [tilespmem:s30], [sflag:$0x1], $0x80, v4, vm0, $0xb8;
	[tilespmem:$0x10100] =	vst v63  }
0x1d4: {  	s30 =	simm.s32 $0x1900  }
0x1d5: {  	[hbm4b:s14+s3] =	stream.indirect_vreg.scatter [tilespmem:s30], [sflag:$0x1], $0x80, v4, vm0, $0xb8;
	[tilespmem:$0x10100] =	vst v63  }
0x1d6: {  	_ = 	snop  }
0x1d7: {  	[hbm4b:s15+s3] =	stream.indirect_vreg.scatter [tilespmem:s26], [sflag:$0x1], $0x80, v4, vm0, $0xb8;
	[tilespmem:$0x10100] =	vst v63  }
0x1d8: {  	v3 =	vperm.xlane v3, v2;
	s30 =	simm.s32 $0x2900  }
0x1d9: {  	[hbm4b:s16+s3] =	stream.indirect_vreg.scatter [tilespmem:s30], [sflag:$0x1], $0x80, v4, vm0, $0xb8;
	[tilespmem:$0x10100] =	vst v63  }
0x1da: {  	v3 =	vadd.s32 v1, v3;
	s30 =	simm.s32 $0x3100  }
0x1db: {  	[hbm4b:s17+s3] =	stream.indirect_vreg.scatter [tilespmem:s30], [sflag:$0x1], $0x80, v4, vm0, $0xb8;
	[tilespmem:$0x10100] =	vst v63  }
0x1dc: {  	_ = 	snop  }
0x1dd: {  	[hbm4b:s18+s3] =	stream.indirect_vreg.scatter [tilespmem:s23], [sflag:$0x1], $0x80, v4, vm0, $0xb8;
	[tilespmem:$0x10100] =	vst v63  }
0x1de: {  	s26 =	simm.s32 $0x4100  }
0x1df: {  	[hbm4b:s22+s3] =	stream.indirect_vreg.scatter [tilespmem:s26], [sflag:$0x1], $0x80, v3, vm0, $0xb8;
	[tilespmem:$0x10100] =	vst v63  }
0x1e0: {  	_ = 	snop  }
0x1e1: {  	[hbm4b:s12+s3] =	stream.indirect_vreg.scatter [tilespmem:s24], [sflag:$0x1], $0x80, v3, vm0, $0xb8;
	[tilespmem:$0x10100] =	vst v63  }
0x1e2: {  	s23 =	simm.s32 $0x5100  }
0x1e3: {  	[hbm4b:s13+s3] =	stream.indirect_vreg.scatter [tilespmem:s23], [sflag:$0x1], $0x80, v3, vm0, $0xb8;
	[tilespmem:$0x10100] =	vst v63  }
0x1e4: {  	s30 =	simm.s32 $0x5900  }
0x1e5: {  	[hbm4b:s14+s3] =	stream.indirect_vreg.scatter [tilespmem:s30], [sflag:$0x1], $0x80, v3, vm0, $0xb8;
	[tilespmem:$0x10100] =	vst v63  }
0x1e6: {  	s24 =	simm.s32 $0x6100  }
0x1e7: {  	[hbm4b:s15+s3] =	stream.indirect_vreg.scatter [tilespmem:s24], [sflag:$0x1], $0x80, v3, vm0, $0xb8;
	[tilespmem:$0x10100] =	vst v63  }
0x1e8: {  	s30 =	simm.s32 $0x6900  }
0x1e9: {  	[hbm4b:s16+s3] =	stream.indirect_vreg.scatter [tilespmem:s30], [sflag:$0x1], $0x80, v3, vm0, $0xb8;
	[tilespmem:$0x10100] =	vst v63  }
0x1ea: {  	s24 =	simm.s32 $0x7100  }
0x1eb: {  	[hbm4b:s17+s3] =	stream.indirect_vreg.scatter [tilespmem:s24], [sflag:$0x1], $0x80, v3, vm0, $0xb8;
	[tilespmem:$0x10100] =	vst v63  }
0x1ec: {  	s24 =	simm.s32 $0x7900  }
0x1ed: {  	[hbm4b:s18+s3] =	stream.indirect_vreg.scatter [tilespmem:s24], [sflag:$0x1], $0x80, v3, vm0, $0xb8;
	[tilespmem:$0x10100] =	vst v63  }
0x1ee: {  	v3 =	vld [tilespmem:$0x90];
	_ =	sdelay $0x4  }
0x1ef: {  	v43 =	vshll.u32 v3, $0x4  }
0x1f0: {  	v3 =	vand.u32 $0x7, v3;
	v4 =	vand.u32 $0xFFFFFF80, v43  }
0x1f1: {  	v3 =	vor.u32 v3, v4  }
0x1f2: {  	v4 =	vperm.xlane v3, v0;
	_ =	sdelay $0x1  }
0x1f3: {  	v4 =	vadd.s32 v1, v4;
	_ =	sdelay $0x3  }
0x1f4: {  	s26 =	smov.u32 s22  }
0x1f5: {  	[hbm4b:s26+s3] =	stream.indirect_vreg.scatter [tilespmem:s31], [sflag:$0x1], $0x80, v4, vm0, $0xb8;
	[tilespmem:$0x10100] =	vst v63  }
0x1f6: {  	s31 =	simm.s32 $0x8900  }
0x1f7: {  	[hbm4b:s12+s3] =	stream.indirect_vreg.scatter [tilespmem:s31], [sflag:$0x1], $0x80, v4, vm0, $0xb8;
	[tilespmem:$0x10100] =	vst v63  }
0x1f8: {  	_ = 	snop  }
0x1f9: {  	[hbm4b:s13+s3] =	stream.indirect_vreg.scatter [tilespmem:s0], [sflag:$0x1], $0x80, v4, vm0, $0xb8;
	[tilespmem:$0x10100] =	vst v63  }
0x1fa: {  	s24 =	simm.s32 $0x9900  }
0x1fb: {  	[hbm4b:s14+s3] =	stream.indirect_vreg.scatter [tilespmem:s24], [sflag:$0x1], $0x80, v4, vm0, $0xb8;
	[tilespmem:$0x10100] =	vst v63  }
0x1fc: {  	s31 =	simm.s32 $0xA100  }
0x1fd: {  	[hbm4b:s15+s3] =	stream.indirect_vreg.scatter [tilespmem:s31], [sflag:$0x1], $0x80, v4, vm0, $0xb8;
	[tilespmem:$0x10100] =	vst v63  }
0x1fe: {  	v3 =	vperm.xlane v3, v2;
	s24 =	simm.s32 $0xA900  }
0x1ff: {  	[hbm4b:s16+s3] =	stream.indirect_vreg.scatter [tilespmem:s24], [sflag:$0x1], $0x80, v4, vm0, $0xb8;
	[tilespmem:$0x10100] =	vst v63  }
0x200: {  	v3 =	vadd.s32 v1, v3;
	s31 =	simm.s32 $0xB100  }
0x201: {  	[hbm4b:s17+s3] =	stream.indirect_vreg.scatter [tilespmem:s31], [sflag:$0x1], $0x80, v4, vm0, $0xb8;
	[tilespmem:$0x10100] =	vst v63  }
0x202: {  	_ = 	snop  }
0x203: {  	[hbm4b:s18+s3] =	stream.indirect_vreg.scatter [tilespmem:s1], [sflag:$0x1], $0x80, v4, vm0, $0xb8;
	[tilespmem:$0x10100] =	vst v63  }
0x204: {  	s1 =	simm.s32 $0xC100  }
0x205: {  	[hbm4b:s26+s3] =	stream.indirect_vreg.scatter [tilespmem:s1], [sflag:$0x1], $0x80, v3, vm0, $0xb8;
	[tilespmem:$0x10100] =	vst v63  }
0x206: {  	_ = 	snop  }
0x207: {  	[hbm4b:s12+s3] =	stream.indirect_vreg.scatter [tilespmem:s2], [sflag:$0x1], $0x80, v3, vm0, $0xb8;
	[tilespmem:$0x10100] =	vst v63  }
0x208: {  	s2 =	simm.s32 $0xD100  }
0x209: {  	[hbm4b:s13+s3] =	stream.indirect_vreg.scatter [tilespmem:s2], [sflag:$0x1], $0x80, v3, vm0, $0xb8;
	[tilespmem:$0x10100] =	vst v63  }
0x20a: {  	_ = 	snop  }
0x20b: {  	[hbm4b:s14+s3] =	stream.indirect_vreg.scatter [tilespmem:s19], [sflag:$0x1], $0x80, v3, vm0, $0xb8;
	[tilespmem:$0x10100] =	vst v63  }
0x20c: {  	s19 =	simm.s32 $0xE100  }
0x20d: {  	[hbm4b:s15+s3] =	stream.indirect_vreg.scatter [tilespmem:s19], [sflag:$0x1], $0x80, v3, vm0, $0xb8;
	[tilespmem:$0x10100] =	vst v63  }
0x20e: {  	_ = 	snop  }
0x20f: {  	[hbm4b:s16+s3] =	stream.indirect_vreg.scatter [tilespmem:s21], [sflag:$0x1], $0x80, v3, vm0, $0xb8;
	[tilespmem:$0x10100] =	vst v63  }
0x210: {  	s24 =	simm.s32 $0xF100  }
0x211: {  	[hbm4b:s17+s3] =	stream.indirect_vreg.scatter [tilespmem:s24], [sflag:$0x1], $0x80, v3, vm0, $0xb8;
	[tilespmem:$0x10100] =	vst v63  }
0x212: {  	_ = 	snop  }
0x213: {  	[hbm4b:s18+s3] =	stream.indirect_vreg.scatter [tilespmem:s25], [sflag:$0x1], $0x80, v3, vm0, $0xb8;
	[tilespmem:$0x10100] =	vst v63  }
0x214: {  	_ =	swait.ge [sflag:s29], $0x10000  }
0x215: {  	[sflag:s29] =	ssyncset.done $0x0  }
0x216: {  	s31 =	rddreg [dreg:$0xd];
	[sflag:s29] =	ssyncadd.s32 $0xFFFF0000  }
0x217: {  	[tilespmem:s3], [sflag:$0x2] =	stream.linear.gather [hbm4b:s31+s3], $0x80, $0x38;
	[tilespmem:$0x10100] =	vst v63  }
0x218: {  	_ =	swait.ge [sflag:s20], $0x80  }
0x219: {  	[sflag:s20] =	ssyncset.done $0x0  }
0x21a: {  	s19 =	simm.s32 $0x80;
	s2 =	rddreg [dreg:$0xe];
	[sflag:s20] =	ssyncadd.s32 $0xFFFFFF80  }
0x21b: {  	[tilespmem:s19], [sflag:$0x2] =	stream.linear.gather [hbm4b:s2+s3], $0x80, $0x38;
	[tilespmem:$0x10100] =	vst v63  }
0x21c: {  	_ =	swait.ge [sflag:s20], $0x80  }
0x21d: {  	[sflag:s20] =	ssyncset.done $0x0  }
0x21e: {  	[sflag:s20] =	ssyncadd.s32 $0xFFFFFF80  }
0x21f: {  	v3 =	vld [tilespmem:$0x0];
	_ =	sdelay $0x4  }
0x220: {  	v44 =	vshll.u32 v3, $0x4  }
0x221: {  	v3 =	vand.u32 $0x7, v3;
	v4 =	vand.u32 $0xFFFFFF80, v44  }
0x222: {  	v3 =	vor.u32 v3, v4  }
0x223: {  	v4 =	vperm.xlane v3, v0;
	_ =	sdelay $0x1  }
0x224: {  	v4 =	vadd.s32 v1, v4;
	_ =	sdelay $0x3  }
0x225: {  	s24 =	simm.s32 $0x100  }
0x226: {  	[tilespmem:s24], [sflag:$0x1] =	stream.indirect_vreg.gather [hbm4b:s4+s3], $0x80, v4, vm0, $0xb8;
	[tilespmem:$0x10100] =	vst v63  }
0x227: {  	s21 =	simm.s32 $0x900  }
0x228: {  	[tilespmem:s21], [sflag:$0x1] =	stream.indirect_vreg.gather [hbm4b:s5+s3], $0x80, v4, vm0, $0xb8;
	[tilespmem:$0x10100] =	vst v63  }
0x229: {  	s25 =	simm.s32 $0x1100  }
0x22a: {  	[tilespmem:s25], [sflag:$0x1] =	stream.indirect_vreg.gather [hbm4b:s6+s3], $0x80, v4, vm0, $0xb8;
	[tilespmem:$0x10100] =	vst v63  }
0x22b: {  	s28 =	simm.s32 $0x1900  }
0x22c: {  	[tilespmem:s28], [sflag:$0x1] =	stream.indirect_vreg.gather [hbm4b:s7+s3], $0x80, v4, vm0, $0xb8;
	[tilespmem:$0x10100] =	vst v63  }
0x22d: {  	s28 =	simm.s32 $0x2100  }
0x22e: {  	[tilespmem:s28], [sflag:$0x1] =	stream.indirect_vreg.gather [hbm4b:s8+s3], $0x80, v4, vm0, $0xb8;
	[tilespmem:$0x10100] =	vst v63  }
0x22f: {  	s2 =	simm.s32 $0x2900;
	v3 =	vperm.xlane v3, v2  }
0x230: {  	[tilespmem:s2], [sflag:$0x1] =	stream.indirect_vreg.gather [hbm4b:s9+s3], $0x80, v4, vm0, $0xb8;
	[tilespmem:$0x10100] =	vst v63  }
0x231: {  	s19 =	simm.s32 $0x3100;
	v3 =	vadd.s32 v1, v3  }
0x232: {  	[tilespmem:s19], [sflag:$0x1] =	stream.indirect_vreg.gather [hbm4b:s10+s3], $0x80, v4, vm0, $0xb8;
	[tilespmem:$0x10100] =	vst v63  }
0x233: {  	s21 =	simm.s32 $0x3900  }
0x234: {  	[tilespmem:s21], [sflag:$0x1] =	stream.indirect_vreg.gather [hbm4b:s11+s3], $0x80, v4, vm0, $0xb8;
	[tilespmem:$0x10100] =	vst v63  }
0x235: {  	s25 =	simm.s32 $0x4100  }
0x236: {  	[tilespmem:s25], [sflag:$0x1] =	stream.indirect_vreg.gather [hbm4b:s4+s3], $0x80, v3, vm0, $0xb8;
	[tilespmem:$0x10100] =	vst v63  }
0x237: {  	s28 =	simm.s32 $0x4900  }
0x238: {  	[tilespmem:s28], [sflag:$0x1] =	stream.indirect_vreg.gather [hbm4b:s5+s3], $0x80, v3, vm0, $0xb8;
	[tilespmem:$0x10100] =	vst v63  }
0x239: {  	_ = 	snop  }
0x23a: {  	[tilespmem:s23], [sflag:$0x1] =	stream.indirect_vreg.gather [hbm4b:s6+s3], $0x80, v3, vm0, $0xb8;
	[tilespmem:$0x10100] =	vst v63  }
0x23b: {  	s2 =	simm.s32 $0x5900  }
0x23c: {  	[tilespmem:s2], [sflag:$0x1] =	stream.indirect_vreg.gather [hbm4b:s7+s3], $0x80, v3, vm0, $0xb8;
	[tilespmem:$0x10100] =	vst v63  }
0x23d: {  	s28 =	simm.s32 $0x6100  }
0x23e: {  	[tilespmem:s28], [sflag:$0x1] =	stream.indirect_vreg.gather [hbm4b:s8+s3], $0x80, v3, vm0, $0xb8;
	[tilespmem:$0x10100] =	vst v63  }
0x23f: {  	s30 =	simm.s32 $0x6900  }
0x240: {  	[tilespmem:s30], [sflag:$0x1] =	stream.indirect_vreg.gather [hbm4b:s9+s3], $0x80, v3, vm0, $0xb8;
	[tilespmem:$0x10100] =	vst v63  }
0x241: {  	s23 =	simm.s32 $0x7100  }
0x242: {  	[tilespmem:s23], [sflag:$0x1] =	stream.indirect_vreg.gather [hbm4b:s10+s3], $0x80, v3, vm0, $0xb8;
	[tilespmem:$0x10100] =	vst v63  }
0x243: {  	s19 =	simm.s32 $0x7900  }
0x244: {  	[tilespmem:s19], [sflag:$0x1] =	stream.indirect_vreg.gather [hbm4b:s11+s3], $0x80, v3, vm0, $0xb8;
	[tilespmem:$0x10100] =	vst v63  }
0x245: {  	v3 =	vld [tilespmem:$0x10];
	_ =	sdelay $0x4  }
0x246: {  	v45 =	vshll.u32 v3, $0x4  }
0x247: {  	v3 =	vand.u32 $0x7, v3;
	v4 =	vand.u32 $0xFFFFFF80, v45  }
0x248: {  	v3 =	vor.u32 v3, v4  }
0x249: {  	v4 =	vperm.xlane v3, v0;
	_ =	sdelay $0x1  }
0x24a: {  	v4 =	vadd.s32 v1, v4;
	_ =	sdelay $0x3  }
0x24b: {  	s22 =	simm.s32 $0x8100  }
0x24c: {  	[tilespmem:s22], [sflag:$0x1] =	stream.indirect_vreg.gather [hbm4b:s4+s3], $0x80, v4, vm0, $0xb8;
	[tilespmem:$0x10100] =	vst v63  }
0x24d: {  	s21 =	simm.s32 $0x8900  }
0x24e: {  	[tilespmem:s21], [sflag:$0x1] =	stream.indirect_vreg.gather [hbm4b:s5+s3], $0x80, v4, vm0, $0xb8;
	[tilespmem:$0x10100] =	vst v63  }
0x24f: {  	s22 =	simm.s32 $0x9100  }
0x250: {  	[tilespmem:s22], [sflag:$0x1] =	stream.indirect_vreg.gather [hbm4b:s6+s3], $0x80, v4, vm0, $0xb8;
	[tilespmem:$0x10100] =	vst v63  }
0x251: {  	s0 =	simm.s32 $0x9900  }
0x252: {  	[tilespmem:s0], [sflag:$0x1] =	stream.indirect_vreg.gather [hbm4b:s7+s3], $0x80, v4, vm0, $0xb8;
	[tilespmem:$0x10100] =	vst v63  }
0x253: {  	s25 =	simm.s32 $0xA100  }
0x254: {  	[tilespmem:s25], [sflag:$0x1] =	stream.indirect_vreg.gather [hbm4b:s8+s3], $0x80, v4, vm0, $0xb8;
	[tilespmem:$0x10100] =	vst v63  }
0x255: {  	s19 =	simm.s32 $0xA900;
	v3 =	vperm.xlane v3, v2  }
0x256: {  	[tilespmem:s19], [sflag:$0x1] =	stream.indirect_vreg.gather [hbm4b:s9+s3], $0x80, v4, vm0, $0xb8;
	[tilespmem:$0x10100] =	vst v63  }
0x257: {  	v3 =	vadd.s32 v1, v3;
	s21 =	simm.s32 $0xB100  }
0x258: {  	[tilespmem:s21], [sflag:$0x1] =	stream.indirect_vreg.gather [hbm4b:s10+s3], $0x80, v4, vm0, $0xb8;
	[tilespmem:$0x10100] =	vst v63  }
0x259: {  	s2 =	simm.s32 $0xB900  }
0x25a: {  	[tilespmem:s2], [sflag:$0x1] =	stream.indirect_vreg.gather [hbm4b:s11+s3], $0x80, v4, vm0, $0xb8;
	[tilespmem:$0x10100] =	vst v63  }
0x25b: {  	s22 =	simm.s32 $0xC100  }
0x25c: {  	[tilespmem:s22], [sflag:$0x1] =	stream.indirect_vreg.gather [hbm4b:s4+s3], $0x80, v3, vm0, $0xb8;
	[tilespmem:$0x10100] =	vst v63  }
0x25d: {  	s19 =	simm.s32 $0xC900  }
0x25e: {  	[tilespmem:s19], [sflag:$0x1] =	stream.indirect_vreg.gather [hbm4b:s5+s3], $0x80, v3, vm0, $0xb8;
	[tilespmem:$0x10100] =	vst v63  }
0x25f: {  	s25 =	simm.s32 $0xD100  }
0x260: {  	[tilespmem:s25], [sflag:$0x1] =	stream.indirect_vreg.gather [hbm4b:s6+s3], $0x80, v3, vm0, $0xb8;
	[tilespmem:$0x10100] =	vst v63  }
0x261: {  	s21 =	simm.s32 $0xD900  }
0x262: {  	[tilespmem:s21], [sflag:$0x1] =	stream.indirect_vreg.gather [hbm4b:s7+s3], $0x80, v3, vm0, $0xb8;
	[tilespmem:$0x10100] =	vst v63  }
0x263: {  	s1 =	simm.s32 $0xE100  }
0x264: {  	[tilespmem:s1], [sflag:$0x1] =	stream.indirect_vreg.gather [hbm4b:s8+s3], $0x80, v3, vm0, $0xb8;
	[tilespmem:$0x10100] =	vst v63  }
0x265: {  	s21 =	simm.s32 $0xE900  }
0x266: {  	[tilespmem:s21], [sflag:$0x1] =	stream.indirect_vreg.gather [hbm4b:s9+s3], $0x80, v3, vm0, $0xb8;
	[tilespmem:$0x10100] =	vst v63  }
0x267: {  	s22 =	simm.s32 $0xF100  }
0x268: {  	[tilespmem:s22], [sflag:$0x1] =	stream.indirect_vreg.gather [hbm4b:s10+s3], $0x80, v3, vm0, $0xb8;
	[tilespmem:$0x10100] =	vst v63  }
0x269: {  	s22 =	simm.s32 $0xF900  }
0x26a: {  	[tilespmem:s22], [sflag:$0x1] =	stream.indirect_vreg.gather [hbm4b:s11+s3], $0x80, v3, vm0, $0xb8;
	[tilespmem:$0x10100] =	vst v63  }
0x26b: {  	_ =	swait.ge [sflag:s29], $0x10000  }
0x26c: {  	[sflag:s29] =	ssyncset.done $0x0  }
0x26d: {  	[sflag:s29] =	ssyncadd.s32 $0xFFFF0000  }
0x26e: {  	v3 =	vld [tilespmem:$0x80];
	_ =	sdelay $0x4  }
0x26f: {  	v46 =	vshll.u32 v3, $0x4  }
0x270: {  	v3 =	vand.u32 $0x7, v3;
	v4 =	vand.u32 $0xFFFFFF80, v46  }
0x271: {  	v3 =	vor.u32 v3, v4  }
0x272: {  	v4 =	vperm.xlane v3, v0;
	_ =	sdelay $0x1  }
0x273: {  	v4 =	vadd.s32 v1, v4;
	_ =	sdelay $0x4  }
0x274: {  	[hbm4b:s26+s3] =	stream.indirect_vreg.scatter [tilespmem:s24], [sflag:$0x1], $0x80, v4, vm0, $0xb8;
	[tilespmem:$0x10100] =	vst v63  }
0x275: {  	s1 =	simm.s32 $0x900  }
0x276: {  	[hbm4b:s12+s3] =	stream.indirect_vreg.scatter [tilespmem:s1], [sflag:$0x1], $0x80, v4, vm0, $0xb8;
	[tilespmem:$0x10100] =	vst v63  }
0x277: {  	s1 =	simm.s32 $0x1100  }
0x278: {  	[hbm4b:s13+s3] =	stream.indirect_vreg.scatter [tilespmem:s1], [sflag:$0x1], $0x80, v4, vm0, $0xb8;
	[tilespmem:$0x10100] =	vst v63  }
0x279: {  	s31 =	simm.s32 $0x1900  }
0x27a: {  	[hbm4b:s14+s3] =	stream.indirect_vreg.scatter [tilespmem:s31], [sflag:$0x1], $0x80, v4, vm0, $0xb8;
	[tilespmem:$0x10100] =	vst v63  }
0x27b: {  	s1 =	simm.s32 $0x2100  }
0x27c: {  	[hbm4b:s15+s3] =	stream.indirect_vreg.scatter [tilespmem:s1], [sflag:$0x1], $0x80, v4, vm0, $0xb8;
	[tilespmem:$0x10100] =	vst v63  }
0x27d: {  	v3 =	vperm.xlane v3, v2;
	s31 =	simm.s32 $0x2900  }
0x27e: {  	[hbm4b:s16+s3] =	stream.indirect_vreg.scatter [tilespmem:s31], [sflag:$0x1], $0x80, v4, vm0, $0xb8;
	[tilespmem:$0x10100] =	vst v63  }
0x27f: {  	v3 =	vadd.s32 v1, v3;
	s1 =	simm.s32 $0x3100  }
0x280: {  	[hbm4b:s17+s3] =	stream.indirect_vreg.scatter [tilespmem:s1], [sflag:$0x1], $0x80, v4, vm0, $0xb8;
	[tilespmem:$0x10100] =	vst v63  }
0x281: {  	s31 =	simm.s32 $0x3900  }
0x282: {  	[hbm4b:s18+s3] =	stream.indirect_vreg.scatter [tilespmem:s31], [sflag:$0x1], $0x80, v4, vm0, $0xb8;
	[tilespmem:$0x10100] =	vst v63  }
0x283: {  	s1 =	simm.s32 $0x4100  }
0x284: {  	[hbm4b:s26+s3] =	stream.indirect_vreg.scatter [tilespmem:s1], [sflag:$0x1], $0x80, v3, vm0, $0xb8;
	[tilespmem:$0x10100] =	vst v63  }
0x285: {  	s24 =	simm.s32 $0x4900  }
0x286: {  	[hbm4b:s12+s3] =	stream.indirect_vreg.scatter [tilespmem:s24], [sflag:$0x1], $0x80, v3, vm0, $0xb8;
	[tilespmem:$0x10100] =	vst v63  }
0x287: {  	s24 =	simm.s32 $0x5100  }
0x288: {  	[hbm4b:s13+s3] =	stream.indirect_vreg.scatter [tilespmem:s24], [sflag:$0x1], $0x80, v3, vm0, $0xb8;
	[tilespmem:$0x10100] =	vst v63  }
0x289: {  	s24 =	simm.s32 $0x5900  }
0x28a: {  	[hbm4b:s14+s3] =	stream.indirect_vreg.scatter [tilespmem:s24], [sflag:$0x1], $0x80, v3, vm0, $0xb8;
	[tilespmem:$0x10100] =	vst v63  }
0x28b: {  	_ = 	snop  }
0x28c: {  	[hbm4b:s15+s3] =	stream.indirect_vreg.scatter [tilespmem:s28], [sflag:$0x1], $0x80, v3, vm0, $0xb8;
	[tilespmem:$0x10100] =	vst v63  }
0x28d: {  	s28 =	simm.s32 $0x6900  }
0x28e: {  	[hbm4b:s16+s3] =	stream.indirect_vreg.scatter [tilespmem:s28], [sflag:$0x1], $0x80, v3, vm0, $0xb8;
	[tilespmem:$0x10100] =	vst v63  }
0x28f: {  	_ = 	snop  }
0x290: {  	[hbm4b:s17+s3] =	stream.indirect_vreg.scatter [tilespmem:s23], [sflag:$0x1], $0x80, v3, vm0, $0xb8;
	[tilespmem:$0x10100] =	vst v63  }
0x291: {  	s30 =	simm.s32 $0x7900  }
0x292: {  	[hbm4b:s18+s3] =	stream.indirect_vreg.scatter [tilespmem:s30], [sflag:$0x1], $0x80, v3, vm0, $0xb8;
	[tilespmem:$0x10100] =	vst v63  }
0x293: {  	v3 =	vld [tilespmem:$0x90];
	_ =	sdelay $0x4  }
0x294: {  	v47 =	vshll.u32 v3, $0x4  }
0x295: {  	v3 =	vand.u32 $0x7, v3;
	v4 =	vand.u32 $0xFFFFFF80, v47  }
0x296: {  	v3 =	vor.u32 v3, v4  }
0x297: {  	v4 =	vperm.xlane v3, v0;
	_ =	sdelay $0x1  }
0x298: {  	v4 =	vadd.s32 v1, v4;
	_ =	sdelay $0x3  }
0x299: {  	s24 =	simm.s32 $0x8100  }
0x29a: {  	[hbm4b:s26+s3] =	stream.indirect_vreg.scatter [tilespmem:s24], [sflag:$0x1], $0x80, v4, vm0, $0xb8;
	[tilespmem:$0x10100] =	vst v63  }
0x29b: {  	s28 =	simm.s32 $0x8900  }
0x29c: {  	[hbm4b:s12+s3] =	stream.indirect_vreg.scatter [tilespmem:s28], [sflag:$0x1], $0x80, v4, vm0, $0xb8;
	[tilespmem:$0x10100] =	vst v63  }
0x29d: {  	s30 =	simm.s32 $0x9100  }
0x29e: {  	[hbm4b:s13+s3] =	stream.indirect_vreg.scatter [tilespmem:s30], [sflag:$0x1], $0x80, v4, vm0, $0xb8;
	[tilespmem:$0x10100] =	vst v63  }
0x29f: {  	_ = 	snop  }
0x2a0: {  	[hbm4b:s14+s3] =	stream.indirect_vreg.scatter [tilespmem:s0], [sflag:$0x1], $0x80, v4, vm0, $0xb8;
	[tilespmem:$0x10100] =	vst v63  }
0x2a1: {  	s23 =	simm.s32 $0xA100  }
0x2a2: {  	[hbm4b:s15+s3] =	stream.indirect_vreg.scatter [tilespmem:s23], [sflag:$0x1], $0x80, v4, vm0, $0xb8;
	[tilespmem:$0x10100] =	vst v63  }
0x2a3: {  	v3 =	vperm.xlane v3, v2;
	s28 =	simm.s32 $0xA900  }
0x2a4: {  	[hbm4b:s16+s3] =	stream.indirect_vreg.scatter [tilespmem:s28], [sflag:$0x1], $0x80, v4, vm0, $0xb8;
	[tilespmem:$0x10100] =	vst v63  }
0x2a5: {  	v3 =	vadd.s32 v1, v3;
	s30 =	simm.s32 $0xB100  }
0x2a6: {  	[hbm4b:s17+s3] =	stream.indirect_vreg.scatter [tilespmem:s30], [sflag:$0x1], $0x80, v4, vm0, $0xb8;
	[tilespmem:$0x10100] =	vst v63  }
0x2a7: {  	_ = 	snop  }
0x2a8: {  	[hbm4b:s18+s3] =	stream.indirect_vreg.scatter [tilespmem:s2], [sflag:$0x1], $0x80, v4, vm0, $0xb8;
	[tilespmem:$0x10100] =	vst v63  }
0x2a9: {  	s1 =	simm.s32 $0xC100  }
0x2aa: {  	[hbm4b:s26+s3] =	stream.indirect_vreg.scatter [tilespmem:s1], [sflag:$0x1], $0x80, v3, vm0, $0xb8;
	[tilespmem:$0x10100] =	vst v63  }
0x2ab: {  	_ = 	snop  }
0x2ac: {  	[hbm4b:s12+s3] =	stream.indirect_vreg.scatter [tilespmem:s19], [sflag:$0x1], $0x80, v3, vm0, $0xb8;
	[tilespmem:$0x10100] =	vst v63  }
0x2ad: {  	s2 =	simm.s32 $0xD100  }
0x2ae: {  	[hbm4b:s13+s3] =	stream.indirect_vreg.scatter [tilespmem:s2], [sflag:$0x1], $0x80, v3, vm0, $0xb8;
	[tilespmem:$0x10100] =	vst v63  }
0x2af: {  	s19 =	simm.s32 $0xD900  }
0x2b0: {  	[hbm4b:s14+s3] =	stream.indirect_vreg.scatter [tilespmem:s19], [sflag:$0x1], $0x80, v3, vm0, $0xb8;
	[tilespmem:$0x10100] =	vst v63  }
0x2b1: {  	s25 =	simm.s32 $0xE100  }
0x2b2: {  	[hbm4b:s15+s3] =	stream.indirect_vreg.scatter [tilespmem:s25], [sflag:$0x1], $0x80, v3, vm0, $0xb8;
	[tilespmem:$0x10100] =	vst v63  }
0x2b3: {  	_ = 	snop  }
0x2b4: {  	[hbm4b:s16+s3] =	stream.indirect_vreg.scatter [tilespmem:s21], [sflag:$0x1], $0x80, v3, vm0, $0xb8;
	[tilespmem:$0x10100] =	vst v63  }
0x2b5: {  	s21 =	simm.s32 $0xF100  }
0x2b6: {  	[hbm4b:s17+s3] =	stream.indirect_vreg.scatter [tilespmem:s21], [sflag:$0x1], $0x80, v3, vm0, $0xb8;
	[tilespmem:$0x10100] =	vst v63  }
0x2b7: {  	_ = 	snop  }
0x2b8: {  	[hbm4b:s18+s3] =	stream.indirect_vreg.scatter [tilespmem:s22], [sflag:$0x1], $0x80, v3, vm0, $0xb8;
	[tilespmem:$0x10100] =	vst v63  }
0x2b9: {  	_ =	swait.ge [sflag:s29], $0x10000  }
0x2ba: {  	[sflag:s29] =	ssyncset.done $0x0  }
0x2bb: {  	s22 =	rddreg [dreg:$0xf];
	[sflag:s29] =	ssyncadd.s32 $0xFFFF0000  }
0x2bc: {  	[tilespmem:s3], [sflag:$0x2] =	stream.linear.gather [hbm4b:s22+s3], $0x80, $0x38;
	[tilespmem:$0x10100] =	vst v63  }
0x2bd: {  	_ =	swait.ge [sflag:s20], $0x80  }
0x2be: {  	[sflag:s20] =	ssyncset.done $0x0  }
0x2bf: {  	s28 =	simm.s32 $0x80;
	s25 =	rddreg [dreg:$0x10];
	[sflag:s20] =	ssyncadd.s32 $0xFFFFFF80  }
0x2c0: {  	[tilespmem:s28], [sflag:$0x2] =	stream.linear.gather [hbm4b:s25+s3], $0x80, $0x38;
	[tilespmem:$0x10100] =	vst v63  }
0x2c1: {  	_ =	swait.ge [sflag:s20], $0x80  }
0x2c2: {  	[sflag:s20] =	ssyncset.done $0x0  }
0x2c3: {  	[sflag:s20] =	ssyncadd.s32 $0xFFFFFF80  }
0x2c4: {  	v3 =	vld [tilespmem:$0x0];
	_ =	sdelay $0x4  }
0x2c5: {  	v48 =	vshll.u32 v3, $0x4  }
0x2c6: {  	v3 =	vand.u32 $0x7, v3;
	v4 =	vand.u32 $0xFFFFFF80, v48  }
0x2c7: {  	v3 =	vor.u32 v3, v4  }
0x2c8: {  	v4 =	vperm.xlane v3, v0;
	_ =	sdelay $0x1  }
0x2c9: {  	v4 =	vadd.s32 v1, v4;
	_ =	sdelay $0x3  }
0x2ca: {  	s30 =	simm.s32 $0x100  }
0x2cb: {  	[tilespmem:s30], [sflag:$0x1] =	stream.indirect_vreg.gather [hbm4b:s4+s3], $0x80, v4, vm0, $0xb8;
	[tilespmem:$0x10100] =	vst v63  }
0x2cc: {  	s1 =	simm.s32 $0x900  }
0x2cd: {  	[tilespmem:s1], [sflag:$0x1] =	stream.indirect_vreg.gather [hbm4b:s5+s3], $0x80, v4, vm0, $0xb8;
	[tilespmem:$0x10100] =	vst v63  }
0x2ce: {  	s28 =	simm.s32 $0x1100  }
0x2cf: {  	[tilespmem:s28], [sflag:$0x1] =	stream.indirect_vreg.gather [hbm4b:s6+s3], $0x80, v4, vm0, $0xb8;
	[tilespmem:$0x10100] =	vst v63  }
0x2d0: {  	s2 =	simm.s32 $0x1900  }
0x2d1: {  	[tilespmem:s2], [sflag:$0x1] =	stream.indirect_vreg.gather [hbm4b:s7+s3], $0x80, v4, vm0, $0xb8;
	[tilespmem:$0x10100] =	vst v63  }
0x2d2: {  	s19 =	simm.s32 $0x2100  }
0x2d3: {  	[tilespmem:s19], [sflag:$0x1] =	stream.indirect_vreg.gather [hbm4b:s8+s3], $0x80, v4, vm0, $0xb8;
	[tilespmem:$0x10100] =	vst v63  }
0x2d4: {  	s21 =	simm.s32 $0x2900;
	v3 =	vperm.xlane v3, v2  }
0x2d5: {  	[tilespmem:s21], [sflag:$0x1] =	stream.indirect_vreg.gather [hbm4b:s9+s3], $0x80, v4, vm0, $0xb8;
	[tilespmem:$0x10100] =	vst v63  }
0x2d6: {  	s22 =	simm.s32 $0x3100;
	v3 =	vadd.s32 v1, v3  }
0x2d7: {  	[tilespmem:s22], [sflag:$0x1] =	stream.indirect_vreg.gather [hbm4b:s10+s3], $0x80, v4, vm0, $0xb8;
	[tilespmem:$0x10100] =	vst v63  }
0x2d8: {  	s30 =	simm.s32 $0x3900  }
0x2d9: {  	[tilespmem:s30], [sflag:$0x1] =	stream.indirect_vreg.gather [hbm4b:s11+s3], $0x80, v4, vm0, $0xb8;
	[tilespmem:$0x10100] =	vst v63  }
0x2da: {  	s31 =	simm.s32 $0x4100  }
0x2db: {  	[tilespmem:s31], [sflag:$0x1] =	stream.indirect_vreg.gather [hbm4b:s4+s3], $0x80, v3, vm0, $0xb8;
	[tilespmem:$0x10100] =	vst v63  }
0x2dc: {  	s31 =	simm.s32 $0x4900  }
0x2dd: {  	[tilespmem:s31], [sflag:$0x1] =	stream.indirect_vreg.gather [hbm4b:s5+s3], $0x80, v3, vm0, $0xb8;
	[tilespmem:$0x10100] =	vst v63  }
0x2de: {  	s1 =	simm.s32 $0x5100  }
0x2df: {  	[tilespmem:s1], [sflag:$0x1] =	stream.indirect_vreg.gather [hbm4b:s6+s3], $0x80, v3, vm0, $0xb8;
	[tilespmem:$0x10100] =	vst v63  }
0x2e0: {  	s2 =	simm.s32 $0x5900  }
0x2e1: {  	[tilespmem:s2], [sflag:$0x1] =	stream.indirect_vreg.gather [hbm4b:s7+s3], $0x80, v3, vm0, $0xb8;
	[tilespmem:$0x10100] =	vst v63  }
0x2e2: {  	s25 =	simm.s32 $0x6100  }
0x2e3: {  	[tilespmem:s25], [sflag:$0x1] =	stream.indirect_vreg.gather [hbm4b:s8+s3], $0x80, v3, vm0, $0xb8;
	[tilespmem:$0x10100] =	vst v63  }
0x2e4: {  	s19 =	simm.s32 $0x6900  }
0x2e5: {  	[tilespmem:s19], [sflag:$0x1] =	stream.indirect_vreg.gather [hbm4b:s9+s3], $0x80, v3, vm0, $0xb8;
	[tilespmem:$0x10100] =	vst v63  }
0x2e6: {  	s21 =	simm.s32 $0x7100  }
0x2e7: {  	[tilespmem:s21], [sflag:$0x1] =	stream.indirect_vreg.gather [hbm4b:s10+s3], $0x80, v3, vm0, $0xb8;
	[tilespmem:$0x10100] =	vst v63  }
0x2e8: {  	s22 =	simm.s32 $0x7900  }
0x2e9: {  	[tilespmem:s22], [sflag:$0x1] =	stream.indirect_vreg.gather [hbm4b:s11+s3], $0x80, v3, vm0, $0xb8;
	[tilespmem:$0x10100] =	vst v63  }
0x2ea: {  	v3 =	vld [tilespmem:$0x10];
	_ =	sdelay $0x4  }
0x2eb: {  	v49 =	vshll.u32 v3, $0x4  }
0x2ec: {  	v3 =	vand.u32 $0x7, v3;
	v4 =	vand.u32 $0xFFFFFF80, v49  }
0x2ed: {  	v3 =	vor.u32 v3, v4  }
0x2ee: {  	v4 =	vperm.xlane v3, v0;
	_ =	sdelay $0x1  }
0x2ef: {  	v4 =	vadd.s32 v1, v4;
	_ =	sdelay $0x3  }
0x2f0: {  	s24 =	simm.s32 $0x8100  }
0x2f1: {  	[tilespmem:s24], [sflag:$0x1] =	stream.indirect_vreg.gather [hbm4b:s4+s3], $0x80, v4, vm0, $0xb8;
	[tilespmem:$0x10100] =	vst v63  }
0x2f2: {  	s24 =	simm.s32 $0x8900  }
0x2f3: {  	[tilespmem:s24], [sflag:$0x1] =	stream.indirect_vreg.gather [hbm4b:s5+s3], $0x80, v4, vm0, $0xb8;
	[tilespmem:$0x10100] =	vst v63  }
0x2f4: {  	s19 =	simm.s32 $0x9100  }
0x2f5: {  	[tilespmem:s19], [sflag:$0x1] =	stream.indirect_vreg.gather [hbm4b:s6+s3], $0x80, v4, vm0, $0xb8;
	[tilespmem:$0x10100] =	vst v63  }
0x2f6: {  	s21 =	simm.s32 $0x9900  }
0x2f7: {  	[tilespmem:s21], [sflag:$0x1] =	stream.indirect_vreg.gather [hbm4b:s7+s3], $0x80, v4, vm0, $0xb8;
	[tilespmem:$0x10100] =	vst v63  }
0x2f8: {  	s25 =	simm.s32 $0xA100  }
0x2f9: {  	[tilespmem:s25], [sflag:$0x1] =	stream.indirect_vreg.gather [hbm4b:s8+s3], $0x80, v4, vm0, $0xb8;
	[tilespmem:$0x10100] =	vst v63  }
0x2fa: {  	s0 =	simm.s32 $0xA900;
	v3 =	vperm.xlane v3, v2  }
0x2fb: {  	[tilespmem:s0], [sflag:$0x1] =	stream.indirect_vreg.gather [hbm4b:s9+s3], $0x80, v4, vm0, $0xb8;
	[tilespmem:$0x10100] =	vst v63  }
0x2fc: {  	s23 =	simm.s32 $0xB100;
	v3 =	vadd.s32 v1, v3  }
0x2fd: {  	[tilespmem:s23], [sflag:$0x1] =	stream.indirect_vreg.gather [hbm4b:s10+s3], $0x80, v4, vm0, $0xb8;
	[tilespmem:$0x10100] =	vst v63  }
0x2fe: {  	s22 =	simm.s32 $0xB900  }
0x2ff: {  	[tilespmem:s22], [sflag:$0x1] =	stream.indirect_vreg.gather [hbm4b:s11+s3], $0x80, v4, vm0, $0xb8;
	[tilespmem:$0x10100] =	vst v63  }
0x300: {  	s23 =	simm.s32 $0xC100  }
0x301: {  	[tilespmem:s23], [sflag:$0x1] =	stream.indirect_vreg.gather [hbm4b:s4+s3], $0x80, v3, vm0, $0xb8;
	[tilespmem:$0x10100] =	vst v63  }
0x302: {  	s23 =	simm.s32 $0xC900  }
0x303: {  	[tilespmem:s23], [sflag:$0x1] =	stream.indirect_vreg.gather [hbm4b:s5+s3], $0x80, v3, vm0, $0xb8;
	[tilespmem:$0x10100] =	vst v63  }
0x304: {  	s24 =	simm.s32 $0xD100  }
0x305: {  	[tilespmem:s24], [sflag:$0x1] =	stream.indirect_vreg.gather [hbm4b:s6+s3], $0x80, v3, vm0, $0xb8;
	[tilespmem:$0x10100] =	vst v63  }
0x306: {  	s24 =	simm.s32 $0xD900  }
0x307: {  	[tilespmem:s24], [sflag:$0x1] =	stream.indirect_vreg.gather [hbm4b:s7+s3], $0x80, v3, vm0, $0xb8;
	[tilespmem:$0x10100] =	vst v63  }
0x308: {  	s25 =	simm.s32 $0xE100  }
0x309: {  	[tilespmem:s25], [sflag:$0x1] =	stream.indirect_vreg.gather [hbm4b:s8+s3], $0x80, v3, vm0, $0xb8;
	[tilespmem:$0x10100] =	vst v63  }
0x30a: {  	s25 =	simm.s32 $0xE900  }
0x30b: {  	[tilespmem:s25], [sflag:$0x1] =	stream.indirect_vreg.gather [hbm4b:s9+s3], $0x80, v3, vm0, $0xb8;
	[tilespmem:$0x10100] =	vst v63  }
0x30c: {  	s0 =	simm.s32 $0xF100  }
0x30d: {  	[tilespmem:s0], [sflag:$0x1] =	stream.indirect_vreg.gather [hbm4b:s10+s3], $0x80, v3, vm0, $0xb8;
	[tilespmem:$0x10100] =	vst v63  }
0x30e: {  	s0 =	simm.s32 $0xF900  }
0x30f: {  	[tilespmem:s0], [sflag:$0x1] =	stream.indirect_vreg.gather [hbm4b:s11+s3], $0x80, v3, vm0, $0xb8;
	[tilespmem:$0x10100] =	vst v63  }
0x310: {  	_ =	swait.ge [sflag:s29], $0x10000  }
0x311: {  	[sflag:s29] =	ssyncset.done $0x0  }
0x312: {  	[sflag:s29] =	ssyncadd.s32 $0xFFFF0000  }
0x313: {  	v3 =	vld [tilespmem:$0x80];
	_ =	sdelay $0x4  }
0x314: {  	v50 =	vshll.u32 v3, $0x4  }
0x315: {  	v3 =	vand.u32 $0x7, v3;
	v4 =	vand.u32 $0xFFFFFF80, v50  }
0x316: {  	v3 =	vor.u32 v3, v4  }
0x317: {  	v4 =	vperm.xlane v3, v0;
	_ =	sdelay $0x1  }
0x318: {  	v4 =	vadd.s32 v1, v4;
	_ =	sdelay $0x3  }
0x319: {  	s0 =	simm.s32 $0x100  }
0x31a: {  	[hbm4b:s26+s3] =	stream.indirect_vreg.scatter [tilespmem:s0], [sflag:$0x1], $0x80, v4, vm0, $0xb8;
	[tilespmem:$0x10100] =	vst v63  }
0x31b: {  	s0 =	simm.s32 $0x900  }
0x31c: {  	[hbm4b:s12+s3] =	stream.indirect_vreg.scatter [tilespmem:s0], [sflag:$0x1], $0x80, v4, vm0, $0xb8;
	[tilespmem:$0x10100] =	vst v63  }
0x31d: {  	_ = 	snop  }
0x31e: {  	[hbm4b:s13+s3] =	stream.indirect_vreg.scatter [tilespmem:s28], [sflag:$0x1], $0x80, v4, vm0, $0xb8;
	[tilespmem:$0x10100] =	vst v63  }
0x31f: {  	s28 =	simm.s32 $0x1900  }
0x320: {  	[hbm4b:s14+s3] =	stream.indirect_vreg.scatter [tilespmem:s28], [sflag:$0x1], $0x80, v4, vm0, $0xb8;
	[tilespmem:$0x10100] =	vst v63  }
0x321: {  	s28 =	simm.s32 $0x2100  }
0x322: {  	[hbm4b:s15+s3] =	stream.indirect_vreg.scatter [tilespmem:s28], [sflag:$0x1], $0x80, v4, vm0, $0xb8;
	[tilespmem:$0x10100] =	vst v63  }
0x323: {  	v3 =	vperm.xlane v3, v2;
	s28 =	simm.s32 $0x2900  }
0x324: {  	[hbm4b:s16+s3] =	stream.indirect_vreg.scatter [tilespmem:s28], [sflag:$0x1], $0x80, v4, vm0, $0xb8;
	[tilespmem:$0x10100] =	vst v63  }
0x325: {  	v3 =	vadd.s32 v1, v3;
	s28 =	simm.s32 $0x3100  }
0x326: {  	[hbm4b:s17+s3] =	stream.indirect_vreg.scatter [tilespmem:s28], [sflag:$0x1], $0x80, v4, vm0, $0xb8;
	[tilespmem:$0x10100] =	vst v63  }
0x327: {  	_ = 	snop  }
0x328: {  	[hbm4b:s18+s3] =	stream.indirect_vreg.scatter [tilespmem:s30], [sflag:$0x1], $0x80, v4, vm0, $0xb8;
	[tilespmem:$0x10100] =	vst v63  }
0x329: {  	s30 =	simm.s32 $0x4100  }
0x32a: {  	[hbm4b:s26+s3] =	stream.indirect_vreg.scatter [tilespmem:s30], [sflag:$0x1], $0x80, v3, vm0, $0xb8;
	[tilespmem:$0x10100] =	vst v63  }
0x32b: {  	_ = 	snop  }
0x32c: {  	[hbm4b:s12+s3] =	stream.indirect_vreg.scatter [tilespmem:s31], [sflag:$0x1], $0x80, v3, vm0, $0xb8;
	[tilespmem:$0x10100] =	vst v63  }
0x32d: {  	_ = 	snop  }
0x32e: {  	[hbm4b:s13+s3] =	stream.indirect_vreg.scatter [tilespmem:s1], [sflag:$0x1], $0x80, v3, vm0, $0xb8;
	[tilespmem:$0x10100] =	vst v63  }
0x32f: {  	_ = 	snop  }
0x330: {  	[hbm4b:s14+s3] =	stream.indirect_vreg.scatter [tilespmem:s2], [sflag:$0x1], $0x80, v3, vm0, $0xb8;
	[tilespmem:$0x10100] =	vst v63  }
0x331: {  	s31 =	simm.s32 $0x6100  }
0x332: {  	[hbm4b:s15+s3] =	stream.indirect_vreg.scatter [tilespmem:s31], [sflag:$0x1], $0x80, v3, vm0, $0xb8;
	[tilespmem:$0x10100] =	vst v63  }
0x333: {  	s1 =	simm.s32 $0x6900  }
0x334: {  	[hbm4b:s16+s3] =	stream.indirect_vreg.scatter [tilespmem:s1], [sflag:$0x1], $0x80, v3, vm0, $0xb8;
	[tilespmem:$0x10100] =	vst v63  }
0x335: {  	s2 =	simm.s32 $0x7100  }
0x336: {  	[hbm4b:s17+s3] =	stream.indirect_vreg.scatter [tilespmem:s2], [sflag:$0x1], $0x80, v3, vm0, $0xb8;
	[tilespmem:$0x10100] =	vst v63  }
0x337: {  	s28 =	simm.s32 $0x7900  }
0x338: {  	[hbm4b:s18+s3] =	stream.indirect_vreg.scatter [tilespmem:s28], [sflag:$0x1], $0x80, v3, vm0, $0xb8;
	[tilespmem:$0x10100] =	vst v63  }
0x339: {  	v3 =	vld [tilespmem:$0x90];
	_ =	sdelay $0x4  }
0x33a: {  	v51 =	vshll.u32 v3, $0x4  }
0x33b: {  	v3 =	vand.u32 $0x7, v3;
	v4 =	vand.u32 $0xFFFFFF80, v51  }
0x33c: {  	v3 =	vor.u32 v3, v4  }
0x33d: {  	v4 =	vperm.xlane v3, v0;
	_ =	sdelay $0x1  }
0x33e: {  	v4 =	vadd.s32 v1, v4;
	_ =	sdelay $0x3  }
0x33f: {  	s30 =	simm.s32 $0x8100  }
0x340: {  	[hbm4b:s26+s3] =	stream.indirect_vreg.scatter [tilespmem:s30], [sflag:$0x1], $0x80, v4, vm0, $0xb8;
	[tilespmem:$0x10100] =	vst v63  }
0x341: {  	s1 =	simm.s32 $0x8900  }
0x342: {  	[hbm4b:s12+s3] =	stream.indirect_vreg.scatter [tilespmem:s1], [sflag:$0x1], $0x80, v4, vm0, $0xb8;
	[tilespmem:$0x10100] =	vst v63  }
0x343: {  	_ = 	snop  }
0x344: {  	[hbm4b:s13+s3] =	stream.indirect_vreg.scatter [tilespmem:s19], [sflag:$0x1], $0x80, v4, vm0, $0xb8;
	[tilespmem:$0x10100] =	vst v63  }
0x345: {  	_ = 	snop  }
0x346: {  	[hbm4b:s14+s3] =	stream.indirect_vreg.scatter [tilespmem:s21], [sflag:$0x1], $0x80, v4, vm0, $0xb8;
	[tilespmem:$0x10100] =	vst v63  }
0x347: {  	s31 =	simm.s32 $0xA100  }
0x348: {  	[hbm4b:s15+s3] =	stream.indirect_vreg.scatter [tilespmem:s31], [sflag:$0x1], $0x80, v4, vm0, $0xb8;
	[tilespmem:$0x10100] =	vst v63  }
0x349: {  	s2 =	simm.s32 $0xA900;
	v3 =	vperm.xlane v3, v2  }
0x34a: {  	[hbm4b:s16+s3] =	stream.indirect_vreg.scatter [tilespmem:s2], [sflag:$0x1], $0x80, v4, vm0, $0xb8;
	[tilespmem:$0x10100] =	vst v63  }
0x34b: {  	v3 =	vadd.s32 v1, v3;
	s19 =	simm.s32 $0xB100  }
0x34c: {  	[hbm4b:s17+s3] =	stream.indirect_vreg.scatter [tilespmem:s19], [sflag:$0x1], $0x80, v4, vm0, $0xb8;
	[tilespmem:$0x10100] =	vst v63  }
0x34d: {  	_ = 	snop  }
0x34e: {  	[hbm4b:s18+s3] =	stream.indirect_vreg.scatter [tilespmem:s22], [sflag:$0x1], $0x80, v4, vm0, $0xb8;
	[tilespmem:$0x10100] =	vst v63  }
0x34f: {  	s21 =	simm.s32 $0xC100  }
0x350: {  	[hbm4b:s26+s3] =	stream.indirect_vreg.scatter [tilespmem:s21], [sflag:$0x1], $0x80, v3, vm0, $0xb8;
	[tilespmem:$0x10100] =	vst v63  }
0x351: {  	_ = 	snop  }
0x352: {  	[hbm4b:s12+s3] =	stream.indirect_vreg.scatter [tilespmem:s23], [sflag:$0x1], $0x80, v3, vm0, $0xb8;
	[tilespmem:$0x10100] =	vst v63  }
0x353: {  	s22 =	simm.s32 $0xD100  }
0x354: {  	[hbm4b:s13+s3] =	stream.indirect_vreg.scatter [tilespmem:s22], [sflag:$0x1], $0x80, v3, vm0, $0xb8;
	[tilespmem:$0x10100] =	vst v63  }
0x355: {  	_ = 	snop  }
0x356: {  	[hbm4b:s14+s3] =	stream.indirect_vreg.scatter [tilespmem:s24], [sflag:$0x1], $0x80, v3, vm0, $0xb8;
	[tilespmem:$0x10100] =	vst v63  }
0x357: {  	s23 =	simm.s32 $0xE100  }
0x358: {  	[hbm4b:s15+s3] =	stream.indirect_vreg.scatter [tilespmem:s23], [sflag:$0x1], $0x80, v3, vm0, $0xb8;
	[tilespmem:$0x10100] =	vst v63  }
0x359: {  	_ = 	snop  }
0x35a: {  	[hbm4b:s16+s3] =	stream.indirect_vreg.scatter [tilespmem:s25], [sflag:$0x1], $0x80, v3, vm0, $0xb8;
	[tilespmem:$0x10100] =	vst v63  }
0x35b: {  	s24 =	simm.s32 $0xF100  }
0x35c: {  	[hbm4b:s17+s3] =	stream.indirect_vreg.scatter [tilespmem:s24], [sflag:$0x1], $0x80, v3, vm0, $0xb8;
	[tilespmem:$0x10100] =	vst v63  }
0x35d: {  	s25 =	simm.s32 $0xF900  }
0x35e: {  	[hbm4b:s18+s3] =	stream.indirect_vreg.scatter [tilespmem:s25], [sflag:$0x1], $0x80, v3, vm0, $0xb8;
	[tilespmem:$0x10100] =	vst v63  }
0x35f: {  	_ =	swait.ge [sflag:s29], $0x10000  }
0x360: {  	[sflag:s29] =	ssyncset.done $0x0  }
0x361: {  	s26 =	rddreg [dreg:$0x11];
	[sflag:s29] =	ssyncadd.s32 $0xFFFF0000  }
0x362: {  	[tilespmem:s3], [sflag:$0x2] =	stream.linear.gather [hbm4b:s26+s3], $0x80, $0x38;
	[tilespmem:$0x10100] =	vst v63  }
0x363: {  	_ =	swait.ge [sflag:s20], $0x80  }
0x364: {  	[sflag:s20] =	ssyncset.done $0x0  }
0x365: {  	s30 =	simm.s32 $0x80;
	s28 =	rddreg [dreg:$0x12];
	[sflag:s20] =	ssyncadd.s32 $0xFFFFFF80  }
0x366: {  	[tilespmem:s30], [sflag:$0x2] =	stream.linear.gather [hbm4b:s28+s3], $0x80, $0x38;
	[tilespmem:$0x10100] =	vst v63  }
0x367: {  	_ =	swait.ge [sflag:s20], $0x80  }
0x368: {  	[sflag:s20] =	ssyncset.done $0x0  }
0x369: {  	[sflag:s20] =	ssyncadd.s32 $0xFFFFFF80  }
0x36a: {  	v3 =	vld [tilespmem:$0x0];
	_ =	sdelay $0x4  }
0x36b: {  	v52 =	vshll.u32 v3, $0x4  }
0x36c: {  	v3 =	vand.u32 $0x7, v3;
	v4 =	vand.u32 $0xFFFFFF80, v52  }
0x36d: {  	v3 =	vor.u32 v3, v4  }
0x36e: {  	v4 =	vperm.xlane v3, v0;
	_ =	sdelay $0x1  }
0x36f: {  	v4 =	vadd.s32 v1, v4;
	_ =	sdelay $0x3  }
0x370: {  	s28 =	simm.s32 $0x100  }
0x371: {  	[tilespmem:s28], [sflag:$0x1] =	stream.indirect_vreg.gather [hbm4b:s4+s3], $0x80, v4, vm0, $0xb8;
	[tilespmem:$0x10100] =	vst v63  }
0x372: {  	s31 =	simm.s32 $0x900  }
0x373: {  	[tilespmem:s31], [sflag:$0x1] =	stream.indirect_vreg.gather [hbm4b:s5+s3], $0x80, v4, vm0, $0xb8;
	[tilespmem:$0x10100] =	vst v63  }
0x374: {  	s23 =	simm.s32 $0x1100  }
0x375: {  	[tilespmem:s23], [sflag:$0x1] =	stream.indirect_vreg.gather [hbm4b:s6+s3], $0x80, v4, vm0, $0xb8;
	[tilespmem:$0x10100] =	vst v63  }
0x376: {  	s31 =	simm.s32 $0x1900  }
0x377: {  	[tilespmem:s31], [sflag:$0x1] =	stream.indirect_vreg.gather [hbm4b:s7+s3], $0x80, v4, vm0, $0xb8;
	[tilespmem:$0x10100] =	vst v63  }
0x378: {  	s25 =	simm.s32 $0x2100  }
0x379: {  	[tilespmem:s25], [sflag:$0x1] =	stream.indirect_vreg.gather [hbm4b:s8+s3], $0x80, v4, vm0, $0xb8;
	[tilespmem:$0x10100] =	vst v63  }
0x37a: {  	s26 =	simm.s32 $0x2900;
	v3 =	vperm.xlane v3, v2  }
0x37b: {  	[tilespmem:s26], [sflag:$0x1] =	stream.indirect_vreg.gather [hbm4b:s9+s3], $0x80, v4, vm0, $0xb8;
	[tilespmem:$0x10100] =	vst v63  }
0x37c: {  	s2 =	simm.s32 $0x3100;
	v3 =	vadd.s32 v1, v3  }
0x37d: {  	[tilespmem:s2], [sflag:$0x1] =	stream.indirect_vreg.gather [hbm4b:s10+s3], $0x80, v4, vm0, $0xb8;
	[tilespmem:$0x10100] =	vst v63  }
0x37e: {  	s24 =	simm.s32 $0x3900  }
0x37f: {  	[tilespmem:s24], [sflag:$0x1] =	stream.indirect_vreg.gather [hbm4b:s11+s3], $0x80, v4, vm0, $0xb8;
	[tilespmem:$0x10100] =	vst v63  }
0x380: {  	s19 =	simm.s32 $0x4100  }
0x381: {  	[tilespmem:s19], [sflag:$0x1] =	stream.indirect_vreg.gather [hbm4b:s4+s3], $0x80, v3, vm0, $0xb8;
	[tilespmem:$0x10100] =	vst v63  }
0x382: {  	s21 =	simm.s32 $0x4900  }
0x383: {  	[tilespmem:s21], [sflag:$0x1] =	stream.indirect_vreg.gather [hbm4b:s5+s3], $0x80, v3, vm0, $0xb8;
	[tilespmem:$0x10100] =	vst v63  }
0x384: {  	s22 =	simm.s32 $0x5100  }
0x385: {  	[tilespmem:s22], [sflag:$0x1] =	stream.indirect_vreg.gather [hbm4b:s6+s3], $0x80, v3, vm0, $0xb8;
	[tilespmem:$0x10100] =	vst v63  }
0x386: {  	s30 =	simm.s32 $0x5900  }
0x387: {  	[tilespmem:s30], [sflag:$0x1] =	stream.indirect_vreg.gather [hbm4b:s7+s3], $0x80, v3, vm0, $0xb8;
	[tilespmem:$0x10100] =	vst v63  }
0x388: {  	s30 =	simm.s32 $0x6100  }
0x389: {  	[tilespmem:s30], [sflag:$0x1] =	stream.indirect_vreg.gather [hbm4b:s8+s3], $0x80, v3, vm0, $0xb8;
	[tilespmem:$0x10100] =	vst v63  }
0x38a: {  	s2 =	simm.s32 $0x6900  }
0x38b: {  	[tilespmem:s2], [sflag:$0x1] =	stream.indirect_vreg.gather [hbm4b:s9+s3], $0x80, v3, vm0, $0xb8;
	[tilespmem:$0x10100] =	vst v63  }
0x38c: {  	s0 =	simm.s32 $0x7100  }
0x38d: {  	[tilespmem:s0], [sflag:$0x1] =	stream.indirect_vreg.gather [hbm4b:s10+s3], $0x80, v3, vm0, $0xb8;
	[tilespmem:$0x10100] =	vst v63  }
0x38e: {  	s19 =	simm.s32 $0x7900  }
0x38f: {  	[tilespmem:s19], [sflag:$0x1] =	stream.indirect_vreg.gather [hbm4b:s11+s3], $0x80, v3, vm0, $0xb8;
	[tilespmem:$0x10100] =	vst v63  }
0x390: {  	v3 =	vld [tilespmem:$0x10];
	_ =	sdelay $0x4  }
0x391: {  	v53 =	vshll.u32 v3, $0x4  }
0x392: {  	v3 =	vand.u32 $0x7, v3;
	v4 =	vand.u32 $0xFFFFFF80, v53  }
0x393: {  	v3 =	vor.u32 v3, v4  }
0x394: {  	v4 =	vperm.xlane v3, v0;
	_ =	sdelay $0x1  }
0x395: {  	v4 =	vadd.s32 v1, v4;
	_ =	sdelay $0x3  }
0x396: {  	s21 =	simm.s32 $0x8100  }
0x397: {  	[tilespmem:s21], [sflag:$0x1] =	stream.indirect_vreg.gather [hbm4b:s4+s3], $0x80, v4, vm0, $0xb8;
	[tilespmem:$0x10100] =	vst v63  }
0x398: {  	_ = 	snop  }
0x399: {  	[tilespmem:s1], [sflag:$0x1] =	stream.indirect_vreg.gather [hbm4b:s5+s3], $0x80, v4, vm0, $0xb8;
	[tilespmem:$0x10100] =	vst v63  }
0x39a: {  	s22 =	simm.s32 $0x9100  }
0x39b: {  	[tilespmem:s22], [sflag:$0x1] =	stream.indirect_vreg.gather [hbm4b:s6+s3], $0x80, v4, vm0, $0xb8;
	[tilespmem:$0x10100] =	vst v63  }
0x39c: {  	s2 =	simm.s32 $0x9900  }
0x39d: {  	[tilespmem:s2], [sflag:$0x1] =	stream.indirect_vreg.gather [hbm4b:s7+s3], $0x80, v4, vm0, $0xb8;
	[tilespmem:$0x10100] =	vst v63  }
0x39e: {  	s19 =	simm.s32 $0xA100  }
0x39f: {  	[tilespmem:s19], [sflag:$0x1] =	stream.indirect_vreg.gather [hbm4b:s8+s3], $0x80, v4, vm0, $0xb8;
	[tilespmem:$0x10100] =	vst v63  }
0x3a0: {  	v3 =	vperm.xlane v3, v2;
	s21 =	simm.s32 $0xA900  }
0x3a1: {  	[tilespmem:s21], [sflag:$0x1] =	stream.indirect_vreg.gather [hbm4b:s9+s3], $0x80, v4, vm0, $0xb8;
	[tilespmem:$0x10100] =	vst v63  }
0x3a2: {  	v3 =	vadd.s32 v1, v3;
	s22 =	simm.s32 $0xB100  }
0x3a3: {  	[tilespmem:s22], [sflag:$0x1] =	stream.indirect_vreg.gather [hbm4b:s10+s3], $0x80, v4, vm0, $0xb8;
	[tilespmem:$0x10100] =	vst v63  }
0x3a4: {  	s2 =	simm.s32 $0xB900  }
0x3a5: {  	[tilespmem:s2], [sflag:$0x1] =	stream.indirect_vreg.gather [hbm4b:s11+s3], $0x80, v4, vm0, $0xb8;
	[tilespmem:$0x10100] =	vst v63  }
0x3a6: {  	s2 =	simm.s32 $0xC100  }
0x3a7: {  	[tilespmem:s2], [sflag:$0x1] =	stream.indirect_vreg.gather [hbm4b:s4+s3], $0x80, v3, vm0, $0xb8;
	[tilespmem:$0x10100] =	vst v63  }
0x3a8: {  	s19 =	simm.s32 $0xC900  }
0x3a9: {  	[tilespmem:s19], [sflag:$0x1] =	stream.indirect_vreg.gather [hbm4b:s5+s3], $0x80, v3, vm0, $0xb8;
	[tilespmem:$0x10100] =	vst v63  }
0x3aa: {  	s19 =	simm.s32 $0xD100  }
0x3ab: {  	[tilespmem:s19], [sflag:$0x1] =	stream.indirect_vreg.gather [hbm4b:s6+s3], $0x80, v3, vm0, $0xb8;
	[tilespmem:$0x10100] =	vst v63  }
0x3ac: {  	s21 =	simm.s32 $0xD900  }
0x3ad: {  	[tilespmem:s21], [sflag:$0x1] =	stream.indirect_vreg.gather [hbm4b:s7+s3], $0x80, v3, vm0, $0xb8;
	[tilespmem:$0x10100] =	vst v63  }
0x3ae: {  	s21 =	simm.s32 $0xE100  }
0x3af: {  	[tilespmem:s21], [sflag:$0x1] =	stream.indirect_vreg.gather [hbm4b:s8+s3], $0x80, v3, vm0, $0xb8;
	[tilespmem:$0x10100] =	vst v63  }
0x3b0: {  	s22 =	simm.s32 $0xE900  }
0x3b1: {  	[tilespmem:s22], [sflag:$0x1] =	stream.indirect_vreg.gather [hbm4b:s9+s3], $0x80, v3, vm0, $0xb8;
	[tilespmem:$0x10100] =	vst v63  }
0x3b2: {  	s22 =	simm.s32 $0xF100  }
0x3b3: {  	[tilespmem:s22], [sflag:$0x1] =	stream.indirect_vreg.gather [hbm4b:s10+s3], $0x80, v3, vm0, $0xb8;
	[tilespmem:$0x10100] =	vst v63  }
0x3b4: {  	s1 =	simm.s32 $0xF900  }
0x3b5: {  	[tilespmem:s1], [sflag:$0x1] =	stream.indirect_vreg.gather [hbm4b:s11+s3], $0x80, v3, vm0, $0xb8;
	[tilespmem:$0x10100] =	vst v63  }
0x3b6: {  	_ =	swait.ge [sflag:s29], $0x10000  }
0x3b7: {  	[sflag:s29] =	ssyncset.done $0x0  }
0x3b8: {  	[sflag:s29] =	ssyncadd.s32 $0xFFFF0000  }
0x3b9: {  	v3 =	vld [tilespmem:$0x80];
	_ =	sdelay $0x4  }
0x3ba: {  	v54 =	vshll.u32 v3, $0x4  }
0x3bb: {  	v3 =	vand.u32 $0x7, v3;
	v4 =	vand.u32 $0xFFFFFF80, v54  }
0x3bc: {  	v3 =	vor.u32 v3, v4  }
0x3bd: {  	v4 =	vperm.xlane v3, v0;
	_ =	sdelay $0x1  }
0x3be: {  	v4 =	vadd.s32 v1, v4;
	_ =	sdelay $0x3  }
0x3bf: {  	s1 =	rddreg [dreg:$0x2]  }
0x3c0: {  	[hbm4b:s1+s3] =	stream.indirect_vreg.scatter [tilespmem:s28], [sflag:$0x1], $0x80, v4, vm0, $0xb8;
	[tilespmem:$0x10100] =	vst v63  }
0x3c1: {  	s28 =	simm.s32 $0x900  }
0x3c2: {  	[hbm4b:s12+s3] =	stream.indirect_vreg.scatter [tilespmem:s28], [sflag:$0x1], $0x80, v4, vm0, $0xb8;
	[tilespmem:$0x10100] =	vst v63  }
0x3c3: {  	_ = 	snop  }
0x3c4: {  	[hbm4b:s13+s3] =	stream.indirect_vreg.scatter [tilespmem:s23], [sflag:$0x1], $0x80, v4, vm0, $0xb8;
	[tilespmem:$0x10100] =	vst v63  }
0x3c5: {  	_ = 	snop  }
0x3c6: {  	[hbm4b:s14+s3] =	stream.indirect_vreg.scatter [tilespmem:s31], [sflag:$0x1], $0x80, v4, vm0, $0xb8;
	[tilespmem:$0x10100] =	vst v63  }
0x3c7: {  	_ = 	snop  }
0x3c8: {  	[hbm4b:s15+s3] =	stream.indirect_vreg.scatter [tilespmem:s25], [sflag:$0x1], $0x80, v4, vm0, $0xb8;
	[tilespmem:$0x10100] =	vst v63  }
0x3c9: {  	v3 =	vperm.xlane v3, v2  }
0x3ca: {  	[hbm4b:s16+s3] =	stream.indirect_vreg.scatter [tilespmem:s26], [sflag:$0x1], $0x80, v4, vm0, $0xb8;
	[tilespmem:$0x10100] =	vst v63  }
0x3cb: {  	v3 =	vadd.s32 v1, v3;
	s31 =	simm.s32 $0x3100  }
0x3cc: {  	[hbm4b:s17+s3] =	stream.indirect_vreg.scatter [tilespmem:s31], [sflag:$0x1], $0x80, v4, vm0, $0xb8;
	[tilespmem:$0x10100] =	vst v63  }
0x3cd: {  	_ = 	snop  }
0x3ce: {  	[hbm4b:s18+s3] =	stream.indirect_vreg.scatter [tilespmem:s24], [sflag:$0x1], $0x80, v4, vm0, $0xb8;
	[tilespmem:$0x10100] =	vst v63  }
0x3cf: {  	s24 =	simm.s32 $0x4100  }
0x3d0: {  	[hbm4b:s1+s3] =	stream.indirect_vreg.scatter [tilespmem:s24], [sflag:$0x1], $0x80, v3, vm0, $0xb8;
	[tilespmem:$0x10100] =	vst v63  }
0x3d1: {  	s25 =	simm.s32 $0x4900  }
0x3d2: {  	[hbm4b:s12+s3] =	stream.indirect_vreg.scatter [tilespmem:s25], [sflag:$0x1], $0x80, v3, vm0, $0xb8;
	[tilespmem:$0x10100] =	vst v63  }
0x3d3: {  	s26 =	simm.s32 $0x5100  }
0x3d4: {  	[hbm4b:s13+s3] =	stream.indirect_vreg.scatter [tilespmem:s26], [sflag:$0x1], $0x80, v3, vm0, $0xb8;
	[tilespmem:$0x10100] =	vst v63  }
0x3d5: {  	s28 =	simm.s32 $0x5900  }
0x3d6: {  	[hbm4b:s14+s3] =	stream.indirect_vreg.scatter [tilespmem:s28], [sflag:$0x1], $0x80, v3, vm0, $0xb8;
	[tilespmem:$0x10100] =	vst v63  }
0x3d7: {  	_ = 	snop  }
0x3d8: {  	[hbm4b:s15+s3] =	stream.indirect_vreg.scatter [tilespmem:s30], [sflag:$0x1], $0x80, v3, vm0, $0xb8;
	[tilespmem:$0x10100] =	vst v63  }
0x3d9: {  	s31 =	simm.s32 $0x6900  }
0x3da: {  	[hbm4b:s16+s3] =	stream.indirect_vreg.scatter [tilespmem:s31], [sflag:$0x1], $0x80, v3, vm0, $0xb8;
	[tilespmem:$0x10100] =	vst v63  }
0x3db: {  	_ = 	snop  }
0x3dc: {  	[hbm4b:s17+s3] =	stream.indirect_vreg.scatter [tilespmem:s0], [sflag:$0x1], $0x80, v3, vm0, $0xb8;
	[tilespmem:$0x10100] =	vst v63  }
0x3dd: {  	s26 =	simm.s32 $0x7900  }
0x3de: {  	[hbm4b:s18+s3] =	stream.indirect_vreg.scatter [tilespmem:s26], [sflag:$0x1], $0x80, v3, vm0, $0xb8;
	[tilespmem:$0x10100] =	vst v63  }
0x3df: {  	v3 =	vld [tilespmem:$0x90];
	_ =	sdelay $0x4  }
0x3e0: {  	v55 =	vshll.u32 v3, $0x4  }
0x3e1: {  	v3 =	vand.u32 $0x7, v3;
	v4 =	vand.u32 $0xFFFFFF80, v55  }
0x3e2: {  	v3 =	vor.u32 v3, v4  }
0x3e3: {  	v4 =	vperm.xlane v3, v0;
	_ =	sdelay $0x1  }
0x3e4: {  	v4 =	vadd.s32 v1, v4;
	_ =	sdelay $0x3  }
0x3e5: {  	s28 =	simm.s32 $0x8100  }
0x3e6: {  	[hbm4b:s1+s3] =	stream.indirect_vreg.scatter [tilespmem:s28], [sflag:$0x1], $0x80, v4, vm0, $0xb8;
	[tilespmem:$0x10100] =	vst v63  }
0x3e7: {  	s30 =	simm.s32 $0x8900  }
0x3e8: {  	[hbm4b:s12+s3] =	stream.indirect_vreg.scatter [tilespmem:s30], [sflag:$0x1], $0x80, v4, vm0, $0xb8;
	[tilespmem:$0x10100] =	vst v63  }
0x3e9: {  	s31 =	simm.s32 $0x9100  }
0x3ea: {  	[hbm4b:s13+s3] =	stream.indirect_vreg.scatter [tilespmem:s31], [sflag:$0x1], $0x80, v4, vm0, $0xb8;
	[tilespmem:$0x10100] =	vst v63  }
0x3eb: {  	s25 =	simm.s32 $0x9900  }
0x3ec: {  	[hbm4b:s14+s3] =	stream.indirect_vreg.scatter [tilespmem:s25], [sflag:$0x1], $0x80, v4, vm0, $0xb8;
	[tilespmem:$0x10100] =	vst v63  }
0x3ed: {  	s26 =	simm.s32 $0xA100  }
0x3ee: {  	[hbm4b:s15+s3] =	stream.indirect_vreg.scatter [tilespmem:s26], [sflag:$0x1], $0x80, v4, vm0, $0xb8;
	[tilespmem:$0x10100] =	vst v63  }
0x3ef: {  	v3 =	vperm.xlane v3, v2;
	s28 =	simm.s32 $0xA900  }
0x3f0: {  	[hbm4b:s16+s3] =	stream.indirect_vreg.scatter [tilespmem:s28], [sflag:$0x1], $0x80, v4, vm0, $0xb8;
	[tilespmem:$0x10100] =	vst v63  }
0x3f1: {  	v3 =	vadd.s32 v1, v3;
	s30 =	simm.s32 $0xB100  }
0x3f2: {  	[hbm4b:s17+s3] =	stream.indirect_vreg.scatter [tilespmem:s30], [sflag:$0x1], $0x80, v4, vm0, $0xb8;
	[tilespmem:$0x10100] =	vst v63  }
0x3f3: {  	s31 =	simm.s32 $0xB900  }
0x3f4: {  	[hbm4b:s18+s3] =	stream.indirect_vreg.scatter [tilespmem:s31], [sflag:$0x1], $0x80, v4, vm0, $0xb8;
	[tilespmem:$0x10100] =	vst v63  }
0x3f5: {  	_ = 	snop  }
0x3f6: {  	[hbm4b:s1+s3] =	stream.indirect_vreg.scatter [tilespmem:s2], [sflag:$0x1], $0x80, v3, vm0, $0xb8;
	[tilespmem:$0x10100] =	vst v63  }
0x3f7: {  	s2 =	simm.s32 $0xC900  }
0x3f8: {  	[hbm4b:s12+s3] =	stream.indirect_vreg.scatter [tilespmem:s2], [sflag:$0x1], $0x80, v3, vm0, $0xb8;
	[tilespmem:$0x10100] =	vst v63  }
0x3f9: {  	_ = 	snop  }
0x3fa: {  	[hbm4b:s13+s3] =	stream.indirect_vreg.scatter [tilespmem:s19], [sflag:$0x1], $0x80, v3, vm0, $0xb8;
	[tilespmem:$0x10100] =	vst v63  }
0x3fb: {  	s19 =	simm.s32 $0xD900  }
0x3fc: {  	[hbm4b:s14+s3] =	stream.indirect_vreg.scatter [tilespmem:s19], [sflag:$0x1], $0x80, v3, vm0, $0xb8;
	[tilespmem:$0x10100] =	vst v63  }
0x3fd: {  	_ = 	snop  }
0x3fe: {  	[hbm4b:s15+s3] =	stream.indirect_vreg.scatter [tilespmem:s21], [sflag:$0x1], $0x80, v3, vm0, $0xb8;
	[tilespmem:$0x10100] =	vst v63  }
0x3ff: {  	s21 =	simm.s32 $0xE900  }
0x400: {  	[hbm4b:s16+s3] =	stream.indirect_vreg.scatter [tilespmem:s21], [sflag:$0x1], $0x80, v3, vm0, $0xb8;
	[tilespmem:$0x10100] =	vst v63  }
0x401: {  	_ = 	snop  }
0x402: {  	[hbm4b:s17+s3] =	stream.indirect_vreg.scatter [tilespmem:s22], [sflag:$0x1], $0x80, v3, vm0, $0xb8;
	[tilespmem:$0x10100] =	vst v63  }
0x403: {  	s25 =	simm.s32 $0xF900  }
0x404: {  	[hbm4b:s18+s3] =	stream.indirect_vreg.scatter [tilespmem:s25], [sflag:$0x1], $0x80, v3, vm0, $0xb8;
	[tilespmem:$0x10100] =	vst v63  }
0x405: {  	_ =	swait.ge [sflag:s29], $0x10000  }
0x406: {  	[sflag:s29] =	ssyncset.done $0x0  }
0x407: {  	s26 =	rddreg [dreg:$0x13];
	[sflag:s29] =	ssyncadd.s32 $0xFFFF0000  }
0x408: {  	[tilespmem:s3], [sflag:$0x2] =	stream.linear.gather [hbm4b:s26+s3], $0x80, $0x38;
	[tilespmem:$0x10100] =	vst v63  }
0x409: {  	_ =	swait.ge [sflag:s20], $0x80  }
0x40a: {  	[sflag:s20] =	ssyncset.done $0x0  }
0x40b: {  	s30 =	simm.s32 $0x80;
	s28 =	rddreg [dreg:$0x14];
	[sflag:s20] =	ssyncadd.s32 $0xFFFFFF80  }
0x40c: {  	[tilespmem:s30], [sflag:$0x2] =	stream.linear.gather [hbm4b:s28+s3], $0x80, $0x38;
	[tilespmem:$0x10100] =	vst v63  }
0x40d: {  	_ =	swait.ge [sflag:s20], $0x80  }
0x40e: {  	[sflag:s20] =	ssyncset.done $0x0  }
0x40f: {  	[sflag:s20] =	ssyncadd.s32 $0xFFFFFF80  }
0x410: {  	v3 =	vld [tilespmem:$0x0];
	_ =	sdelay $0x4  }
0x411: {  	v56 =	vshll.u32 v3, $0x4  }
0x412: {  	v3 =	vand.u32 $0x7, v3;
	v4 =	vand.u32 $0xFFFFFF80, v56  }
0x413: {  	v3 =	vor.u32 v3, v4  }
0x414: {  	v4 =	vperm.xlane v3, v0;
	_ =	sdelay $0x1  }
0x415: {  	v4 =	vadd.s32 v1, v4;
	_ =	sdelay $0x3  }
0x416: {  	s26 =	simm.s32 $0x100  }
0x417: {  	[tilespmem:s26], [sflag:$0x1] =	stream.indirect_vreg.gather [hbm4b:s4+s3], $0x80, v4, vm0, $0xb8;
	[tilespmem:$0x10100] =	vst v63  }
0x418: {  	s31 =	simm.s32 $0x900  }
0x419: {  	[tilespmem:s31], [sflag:$0x1] =	stream.indirect_vreg.gather [hbm4b:s5+s3], $0x80, v4, vm0, $0xb8;
	[tilespmem:$0x10100] =	vst v63  }
0x41a: {  	s28 =	simm.s32 $0x1100  }
0x41b: {  	[tilespmem:s28], [sflag:$0x1] =	stream.indirect_vreg.gather [hbm4b:s6+s3], $0x80, v4, vm0, $0xb8;
	[tilespmem:$0x10100] =	vst v63  }
0x41c: {  	s2 =	simm.s32 $0x1900  }
0x41d: {  	[tilespmem:s2], [sflag:$0x1] =	stream.indirect_vreg.gather [hbm4b:s7+s3], $0x80, v4, vm0, $0xb8;
	[tilespmem:$0x10100] =	vst v63  }
0x41e: {  	s19 =	simm.s32 $0x2100  }
0x41f: {  	[tilespmem:s19], [sflag:$0x1] =	stream.indirect_vreg.gather [hbm4b:s8+s3], $0x80, v4, vm0, $0xb8;
	[tilespmem:$0x10100] =	vst v63  }
0x420: {  	s21 =	simm.s32 $0x2900;
	v3 =	vperm.xlane v3, v2  }
0x421: {  	[tilespmem:s21], [sflag:$0x1] =	stream.indirect_vreg.gather [hbm4b:s9+s3], $0x80, v4, vm0, $0xb8;
	[tilespmem:$0x10100] =	vst v63  }
0x422: {  	s22 =	simm.s32 $0x3100;
	v3 =	vadd.s32 v1, v3  }
0x423: {  	[tilespmem:s22], [sflag:$0x1] =	stream.indirect_vreg.gather [hbm4b:s10+s3], $0x80, v4, vm0, $0xb8;
	[tilespmem:$0x10100] =	vst v63  }
0x424: {  	s30 =	simm.s32 $0x3900  }
0x425: {  	[tilespmem:s30], [sflag:$0x1] =	stream.indirect_vreg.gather [hbm4b:s11+s3], $0x80, v4, vm0, $0xb8;
	[tilespmem:$0x10100] =	vst v63  }
0x426: {  	s24 =	simm.s32 $0x4100  }
0x427: {  	[tilespmem:s24], [sflag:$0x1] =	stream.indirect_vreg.gather [hbm4b:s4+s3], $0x80, v3, vm0, $0xb8;
	[tilespmem:$0x10100] =	vst v63  }
0x428: {  	s31 =	simm.s32 $0x4900  }
0x429: {  	[tilespmem:s31], [sflag:$0x1] =	stream.indirect_vreg.gather [hbm4b:s5+s3], $0x80, v3, vm0, $0xb8;
	[tilespmem:$0x10100] =	vst v63  }
0x42a: {  	s2 =	simm.s32 $0x5100  }
0x42b: {  	[tilespmem:s2], [sflag:$0x1] =	stream.indirect_vreg.gather [hbm4b:s6+s3], $0x80, v3, vm0, $0xb8;
	[tilespmem:$0x10100] =	vst v63  }
0x42c: {  	s25 =	simm.s32 $0x5900  }
0x42d: {  	[tilespmem:s25], [sflag:$0x1] =	stream.indirect_vreg.gather [hbm4b:s7+s3], $0x80, v3, vm0, $0xb8;
	[tilespmem:$0x10100] =	vst v63  }
0x42e: {  	s23 =	simm.s32 $0x6100  }
0x42f: {  	[tilespmem:s23], [sflag:$0x1] =	stream.indirect_vreg.gather [hbm4b:s8+s3], $0x80, v3, vm0, $0xb8;
	[tilespmem:$0x10100] =	vst v63  }
0x430: {  	s19 =	simm.s32 $0x6900  }
0x431: {  	[tilespmem:s19], [sflag:$0x1] =	stream.indirect_vreg.gather [hbm4b:s9+s3], $0x80, v3, vm0, $0xb8;
	[tilespmem:$0x10100] =	vst v63  }
0x432: {  	s21 =	simm.s32 $0x7100  }
0x433: {  	[tilespmem:s21], [sflag:$0x1] =	stream.indirect_vreg.gather [hbm4b:s10+s3], $0x80, v3, vm0, $0xb8;
	[tilespmem:$0x10100] =	vst v63  }
0x434: {  	s22 =	simm.s32 $0x7900  }
0x435: {  	[tilespmem:s22], [sflag:$0x1] =	stream.indirect_vreg.gather [hbm4b:s11+s3], $0x80, v3, vm0, $0xb8;
	[tilespmem:$0x10100] =	vst v63  }
0x436: {  	v3 =	vld [tilespmem:$0x10];
	_ =	sdelay $0x4  }
0x437: {  	v57 =	vshll.u32 v3, $0x4  }
0x438: {  	v3 =	vand.u32 $0x7, v3;
	v4 =	vand.u32 $0xFFFFFF80, v57  }
0x439: {  	v3 =	vor.u32 v3, v4  }
0x43a: {  	v4 =	vperm.xlane v3, v0;
	_ =	sdelay $0x1  }
0x43b: {  	v4 =	vadd.s32 v1, v4;
	_ =	sdelay $0x3  }
0x43c: {  	s23 =	simm.s32 $0x8100  }
0x43d: {  	[tilespmem:s23], [sflag:$0x1] =	stream.indirect_vreg.gather [hbm4b:s4+s3], $0x80, v4, vm0, $0xb8;
	[tilespmem:$0x10100] =	vst v63  }
0x43e: {  	s24 =	simm.s32 $0x8900  }
0x43f: {  	[tilespmem:s24], [sflag:$0x1] =	stream.indirect_vreg.gather [hbm4b:s5+s3], $0x80, v4, vm0, $0xb8;
	[tilespmem:$0x10100] =	vst v63  }
0x440: {  	s21 =	simm.s32 $0x9100  }
0x441: {  	[tilespmem:s21], [sflag:$0x1] =	stream.indirect_vreg.gather [hbm4b:s6+s3], $0x80, v4, vm0, $0xb8;
	[tilespmem:$0x10100] =	vst v63  }
0x442: {  	s19 =	simm.s32 $0x9900  }
0x443: {  	[tilespmem:s19], [sflag:$0x1] =	stream.indirect_vreg.gather [hbm4b:s7+s3], $0x80, v4, vm0, $0xb8;
	[tilespmem:$0x10100] =	vst v63  }
0x444: {  	s25 =	simm.s32 $0xA100  }
0x445: {  	[tilespmem:s25], [sflag:$0x1] =	stream.indirect_vreg.gather [hbm4b:s8+s3], $0x80, v4, vm0, $0xb8;
	[tilespmem:$0x10100] =	vst v63  }
0x446: {  	s0 =	simm.s32 $0xA900;
	v3 =	vperm.xlane v3, v2  }
0x447: {  	[tilespmem:s0], [sflag:$0x1] =	stream.indirect_vreg.gather [hbm4b:s9+s3], $0x80, v4, vm0, $0xb8;
	[tilespmem:$0x10100] =	vst v63  }
0x448: {  	s22 =	simm.s32 $0xB100;
	v3 =	vadd.s32 v1, v3  }
0x449: {  	[tilespmem:s22], [sflag:$0x1] =	stream.indirect_vreg.gather [hbm4b:s10+s3], $0x80, v4, vm0, $0xb8;
	[tilespmem:$0x10100] =	vst v63  }
0x44a: {  	s22 =	simm.s32 $0xB900  }
0x44b: {  	[tilespmem:s22], [sflag:$0x1] =	stream.indirect_vreg.gather [hbm4b:s11+s3], $0x80, v4, vm0, $0xb8;
	[tilespmem:$0x10100] =	vst v63  }
0x44c: {  	s23 =	simm.s32 $0xC100  }
0x44d: {  	[tilespmem:s23], [sflag:$0x1] =	stream.indirect_vreg.gather [hbm4b:s4+s3], $0x80, v3, vm0, $0xb8;
	[tilespmem:$0x10100] =	vst v63  }
0x44e: {  	s23 =	simm.s32 $0xC900  }
0x44f: {  	[tilespmem:s23], [sflag:$0x1] =	stream.indirect_vreg.gather [hbm4b:s5+s3], $0x80, v3, vm0, $0xb8;
	[tilespmem:$0x10100] =	vst v63  }
0x450: {  	s24 =	simm.s32 $0xD100  }
0x451: {  	[tilespmem:s24], [sflag:$0x1] =	stream.indirect_vreg.gather [hbm4b:s6+s3], $0x80, v3, vm0, $0xb8;
	[tilespmem:$0x10100] =	vst v63  }
0x452: {  	s24 =	simm.s32 $0xD900  }
0x453: {  	[tilespmem:s24], [sflag:$0x1] =	stream.indirect_vreg.gather [hbm4b:s7+s3], $0x80, v3, vm0, $0xb8;
	[tilespmem:$0x10100] =	vst v63  }
0x454: {  	s25 =	simm.s32 $0xE100  }
0x455: {  	[tilespmem:s25], [sflag:$0x1] =	stream.indirect_vreg.gather [hbm4b:s8+s3], $0x80, v3, vm0, $0xb8;
	[tilespmem:$0x10100] =	vst v63  }
0x456: {  	s25 =	simm.s32 $0xE900  }
0x457: {  	[tilespmem:s25], [sflag:$0x1] =	stream.indirect_vreg.gather [hbm4b:s9+s3], $0x80, v3, vm0, $0xb8;
	[tilespmem:$0x10100] =	vst v63  }
0x458: {  	s0 =	simm.s32 $0xF100  }
0x459: {  	[tilespmem:s0], [sflag:$0x1] =	stream.indirect_vreg.gather [hbm4b:s10+s3], $0x80, v3, vm0, $0xb8;
	[tilespmem:$0x10100] =	vst v63  }
0x45a: {  	s0 =	simm.s32 $0xF900  }
0x45b: {  	[tilespmem:s0], [sflag:$0x1] =	stream.indirect_vreg.gather [hbm4b:s11+s3], $0x80, v3, vm0, $0xb8;
	[tilespmem:$0x10100] =	vst v63  }
0x45c: {  	_ =	swait.ge [sflag:s29], $0x10000  }
0x45d: {  	[sflag:s29] =	ssyncset.done $0x0  }
0x45e: {  	[sflag:s29] =	ssyncadd.s32 $0xFFFF0000  }
0x45f: {  	v3 =	vld [tilespmem:$0x80];
	_ =	sdelay $0x4  }
0x460: {  	v58 =	vshll.u32 v3, $0x4  }
0x461: {  	v3 =	vand.u32 $0x7, v3;
	v4 =	vand.u32 $0xFFFFFF80, v58  }
0x462: {  	v3 =	vor.u32 v3, v4  }
0x463: {  	v4 =	vperm.xlane v3, v0;
	_ =	sdelay $0x1  }
0x464: {  	v4 =	vadd.s32 v1, v4;
	_ =	sdelay $0x4  }
0x465: {  	[hbm4b:s1+s3] =	stream.indirect_vreg.scatter [tilespmem:s26], [sflag:$0x1], $0x80, v4, vm0, $0xb8;
	[tilespmem:$0x10100] =	vst v63  }
0x466: {  	s26 =	simm.s32 $0x900  }
0x467: {  	[hbm4b:s12+s3] =	stream.indirect_vreg.scatter [tilespmem:s26], [sflag:$0x1], $0x80, v4, vm0, $0xb8;
	[tilespmem:$0x10100] =	vst v63  }
0x468: {  	_ = 	snop  }
0x469: {  	[hbm4b:s13+s3] =	stream.indirect_vreg.scatter [tilespmem:s28], [sflag:$0x1], $0x80, v4, vm0, $0xb8;
	[tilespmem:$0x10100] =	vst v63  }
0x46a: {  	s28 =	simm.s32 $0x1900  }
0x46b: {  	[hbm4b:s14+s3] =	stream.indirect_vreg.scatter [tilespmem:s28], [sflag:$0x1], $0x80, v4, vm0, $0xb8;
	[tilespmem:$0x10100] =	vst v63  }
0x46c: {  	s28 =	simm.s32 $0x2100  }
0x46d: {  	[hbm4b:s15+s3] =	stream.indirect_vreg.scatter [tilespmem:s28], [sflag:$0x1], $0x80, v4, vm0, $0xb8;
	[tilespmem:$0x10100] =	vst v63  }
0x46e: {  	v3 =	vperm.xlane v3, v2;
	s28 =	simm.s32 $0x2900  }
0x46f: {  	[hbm4b:s16+s3] =	stream.indirect_vreg.scatter [tilespmem:s28], [sflag:$0x1], $0x80, v4, vm0, $0xb8;
	[tilespmem:$0x10100] =	vst v63  }
0x470: {  	v3 =	vadd.s32 v1, v3;
	s28 =	simm.s32 $0x3100  }
0x471: {  	[hbm4b:s17+s3] =	stream.indirect_vreg.scatter [tilespmem:s28], [sflag:$0x1], $0x80, v4, vm0, $0xb8;
	[tilespmem:$0x10100] =	vst v63  }
0x472: {  	_ = 	snop  }
0x473: {  	[hbm4b:s18+s3] =	stream.indirect_vreg.scatter [tilespmem:s30], [sflag:$0x1], $0x80, v4, vm0, $0xb8;
	[tilespmem:$0x10100] =	vst v63  }
0x474: {  	s30 =	simm.s32 $0x4100  }
0x475: {  	[hbm4b:s1+s3] =	stream.indirect_vreg.scatter [tilespmem:s30], [sflag:$0x1], $0x80, v3, vm0, $0xb8;
	[tilespmem:$0x10100] =	vst v63  }
0x476: {  	_ = 	snop  }
0x477: {  	[hbm4b:s12+s3] =	stream.indirect_vreg.scatter [tilespmem:s31], [sflag:$0x1], $0x80, v3, vm0, $0xb8;
	[tilespmem:$0x10100] =	vst v63  }
0x478: {  	_ = 	snop  }
0x479: {  	[hbm4b:s13+s3] =	stream.indirect_vreg.scatter [tilespmem:s2], [sflag:$0x1], $0x80, v3, vm0, $0xb8;
	[tilespmem:$0x10100] =	vst v63  }
0x47a: {  	s30 =	simm.s32 $0x5900  }
0x47b: {  	[hbm4b:s14+s3] =	stream.indirect_vreg.scatter [tilespmem:s30], [sflag:$0x1], $0x80, v3, vm0, $0xb8;
	[tilespmem:$0x10100] =	vst v63  }
0x47c: {  	s28 =	simm.s32 $0x6100  }
0x47d: {  	[hbm4b:s15+s3] =	stream.indirect_vreg.scatter [tilespmem:s28], [sflag:$0x1], $0x80, v3, vm0, $0xb8;
	[tilespmem:$0x10100] =	vst v63  }
0x47e: {  	s31 =	simm.s32 $0x6900  }
0x47f: {  	[hbm4b:s16+s3] =	stream.indirect_vreg.scatter [tilespmem:s31], [sflag:$0x1], $0x80, v3, vm0, $0xb8;
	[tilespmem:$0x10100] =	vst v63  }
0x480: {  	s30 =	simm.s32 $0x7100  }
0x481: {  	[hbm4b:s17+s3] =	stream.indirect_vreg.scatter [tilespmem:s30], [sflag:$0x1], $0x80, v3, vm0, $0xb8;
	[tilespmem:$0x10100] =	vst v63  }
0x482: {  	s31 =	simm.s32 $0x7900  }
0x483: {  	[hbm4b:s18+s3] =	stream.indirect_vreg.scatter [tilespmem:s31], [sflag:$0x1], $0x80, v3, vm0, $0xb8;
	[tilespmem:$0x10100] =	vst v63  }
0x484: {  	v3 =	vld [tilespmem:$0x90];
	_ =	sdelay $0x4  }
0x485: {  	v59 =	vshll.u32 v3, $0x4  }
0x486: {  	v3 =	vand.u32 $0x7, v3;
	v4 =	vand.u32 $0xFFFFFF80, v59  }
0x487: {  	v3 =	vor.u32 v3, v4  }
0x488: {  	v4 =	vperm.xlane v3, v0;
	_ =	sdelay $0x1  }
0x489: {  	v4 =	vadd.s32 v1, v4;
	_ =	sdelay $0x3  }
0x48a: {  	s30 =	simm.s32 $0x8100  }
0x48b: {  	[hbm4b:s1+s3] =	stream.indirect_vreg.scatter [tilespmem:s30], [sflag:$0x1], $0x80, v4, vm0, $0xb8;
	[tilespmem:$0x10100] =	vst v63  }
0x48c: {  	s31 =	simm.s32 $0x8900  }
0x48d: {  	[hbm4b:s12+s3] =	stream.indirect_vreg.scatter [tilespmem:s31], [sflag:$0x1], $0x80, v4, vm0, $0xb8;
	[tilespmem:$0x10100] =	vst v63  }
0x48e: {  	_ = 	snop  }
0x48f: {  	[hbm4b:s13+s3] =	stream.indirect_vreg.scatter [tilespmem:s21], [sflag:$0x1], $0x80, v4, vm0, $0xb8;
	[tilespmem:$0x10100] =	vst v63  }
0x490: {  	_ = 	snop  }
0x491: {  	[hbm4b:s14+s3] =	stream.indirect_vreg.scatter [tilespmem:s19], [sflag:$0x1], $0x80, v4, vm0, $0xb8;
	[tilespmem:$0x10100] =	vst v63  }
0x492: {  	s30 =	simm.s32 $0xA100  }
0x493: {  	[hbm4b:s15+s3] =	stream.indirect_vreg.scatter [tilespmem:s30], [sflag:$0x1], $0x80, v4, vm0, $0xb8;
	[tilespmem:$0x10100] =	vst v63  }
0x494: {  	v3 =	vperm.xlane v3, v2;
	s31 =	simm.s32 $0xA900  }
0x495: {  	[hbm4b:s16+s3] =	stream.indirect_vreg.scatter [tilespmem:s31], [sflag:$0x1], $0x80, v4, vm0, $0xb8;
	[tilespmem:$0x10100] =	vst v63  }
0x496: {  	v3 =	vadd.s32 v1, v3;
	s19 =	simm.s32 $0xB100  }
0x497: {  	[hbm4b:s17+s3] =	stream.indirect_vreg.scatter [tilespmem:s19], [sflag:$0x1], $0x80, v4, vm0, $0xb8;
	[tilespmem:$0x10100] =	vst v63  }
0x498: {  	_ = 	snop  }
0x499: {  	[hbm4b:s18+s3] =	stream.indirect_vreg.scatter [tilespmem:s22], [sflag:$0x1], $0x80, v4, vm0, $0xb8;
	[tilespmem:$0x10100] =	vst v63  }
0x49a: {  	s30 =	simm.s32 $0xC100  }
0x49b: {  	[hbm4b:s1+s3] =	stream.indirect_vreg.scatter [tilespmem:s30], [sflag:$0x1], $0x80, v3, vm0, $0xb8;
	[tilespmem:$0x10100] =	vst v63  }
0x49c: {  	_ = 	snop  }
0x49d: {  	[hbm4b:s12+s3] =	stream.indirect_vreg.scatter [tilespmem:s23], [sflag:$0x1], $0x80, v3, vm0, $0xb8;
	[tilespmem:$0x10100] =	vst v63  }
0x49e: {  	s31 =	simm.s32 $0xD100  }
0x49f: {  	[hbm4b:s13+s3] =	stream.indirect_vreg.scatter [tilespmem:s31], [sflag:$0x1], $0x80, v3, vm0, $0xb8;
	[tilespmem:$0x10100] =	vst v63  }
0x4a0: {  	_ = 	snop  }
0x4a1: {  	[hbm4b:s14+s3] =	stream.indirect_vreg.scatter [tilespmem:s24], [sflag:$0x1], $0x80, v3, vm0, $0xb8;
	[tilespmem:$0x10100] =	vst v63  }
0x4a2: {  	s19 =	simm.s32 $0xE100  }
0x4a3: {  	[hbm4b:s15+s3] =	stream.indirect_vreg.scatter [tilespmem:s19], [sflag:$0x1], $0x80, v3, vm0, $0xb8;
	[tilespmem:$0x10100] =	vst v63  }
0x4a4: {  	_ = 	snop  }
0x4a5: {  	[hbm4b:s16+s3] =	stream.indirect_vreg.scatter [tilespmem:s25], [sflag:$0x1], $0x80, v3, vm0, $0xb8;
	[tilespmem:$0x10100] =	vst v63  }
0x4a6: {  	s23 =	simm.s32 $0xF100  }
0x4a7: {  	[hbm4b:s17+s3] =	stream.indirect_vreg.scatter [tilespmem:s23], [sflag:$0x1], $0x80, v3, vm0, $0xb8;
	[tilespmem:$0x10100] =	vst v63  }
0x4a8: {  	s0 =	simm.s32 $0xF900  }
0x4a9: {  	[hbm4b:s18+s3] =	stream.indirect_vreg.scatter [tilespmem:s0], [sflag:$0x1], $0x80, v3, vm0, $0xb8;
	[tilespmem:$0x10100] =	vst v63  }
0x4aa: {  	_ =	swait.ge [sflag:s29], $0x10000  }
0x4ab: {  	[sflag:s29] =	ssyncset.done $0x0  }
0x4ac: {  	s24 =	rddreg [dreg:$0x15];
	[sflag:s29] =	ssyncadd.s32 $0xFFFF0000  }
0x4ad: {  	[tilespmem:s3], [sflag:$0x2] =	stream.linear.gather [hbm4b:s24+s3], $0x80, $0x38;
	[tilespmem:$0x10100] =	vst v63  }
0x4ae: {  	_ =	swait.ge [sflag:s20], $0x80  }
0x4af: {  	[sflag:s20] =	ssyncset.done $0x0  }
0x4b0: {  	s30 =	simm.s32 $0x80;
	s25 =	rddreg [dreg:$0x16];
	[sflag:s20] =	ssyncadd.s32 $0xFFFFFF80  }
0x4b1: {  	[tilespmem:s30], [sflag:$0x2] =	stream.linear.gather [hbm4b:s25+s3], $0x80, $0x38;
	[tilespmem:$0x10100] =	vst v63  }
0x4b2: {  	s0 =	rddreg [dreg:$0x17];
	_ =	swait.ge [sflag:s20], $0x80  }
0x4b3: {  	[sflag:s20] =	ssyncset.done $0x0  }
0x4b4: {  	[sflag:s20] =	ssyncadd.s32 $0xFFFFFF80  }
0x4b5: {  	v3 =	vld [tilespmem:$0x0];
	_ =	sdelay $0x4  }
0x4b6: {  	v60 =	vshll.u32 v3, $0x4  }
0x4b7: {  	v3 =	vand.u32 $0x7, v3;
	v4 =	vand.u32 $0xFFFFFF80, v60  }
0x4b8: {  	v3 =	vor.u32 v3, v4  }
0x4b9: {  	v4 =	vperm.xlane v3, v0;
	_ =	sdelay $0x1  }
0x4ba: {  	v4 =	vadd.s32 v1, v4;
	_ =	sdelay $0x3  }
0x4bb: {  	s31 =	simm.s32 $0x100  }
0x4bc: {  	[tilespmem:s31], [sflag:$0x1] =	stream.indirect_vreg.gather [hbm4b:s4+s3], $0x80, v4, vm0, $0xb8;
	[tilespmem:$0x10100] =	vst v63  }
0x4bd: {  	s26 =	simm.s32 $0x900  }
0x4be: {  	[tilespmem:s26], [sflag:$0x1] =	stream.indirect_vreg.gather [hbm4b:s5+s3], $0x80, v4, vm0, $0xb8;
	[tilespmem:$0x10100] =	vst v63  }
0x4bf: {  	s2 =	simm.s32 $0x1100  }
0x4c0: {  	[tilespmem:s2], [sflag:$0x1] =	stream.indirect_vreg.gather [hbm4b:s6+s3], $0x80, v4, vm0, $0xb8;
	[tilespmem:$0x10100] =	vst v63  }
0x4c1: {  	s24 =	simm.s32 $0x1900  }
0x4c2: {  	[tilespmem:s24], [sflag:$0x1] =	stream.indirect_vreg.gather [hbm4b:s7+s3], $0x80, v4, vm0, $0xb8;
	[tilespmem:$0x10100] =	vst v63  }
0x4c3: {  	s30 =	simm.s32 $0x2100  }
0x4c4: {  	[tilespmem:s30], [sflag:$0x1] =	stream.indirect_vreg.gather [hbm4b:s8+s3], $0x80, v4, vm0, $0xb8;
	[tilespmem:$0x10100] =	vst v63  }
0x4c5: {  	v3 =	vperm.xlane v3, v2;
	s31 =	simm.s32 $0x2900  }
0x4c6: {  	[tilespmem:s31], [sflag:$0x1] =	stream.indirect_vreg.gather [hbm4b:s9+s3], $0x80, v4, vm0, $0xb8;
	[tilespmem:$0x10100] =	vst v63  }
0x4c7: {  	s19 =	simm.s32 $0x3100;
	v3 =	vadd.s32 v1, v3  }
0x4c8: {  	[tilespmem:s19], [sflag:$0x1] =	stream.indirect_vreg.gather [hbm4b:s10+s3], $0x80, v4, vm0, $0xb8;
	[tilespmem:$0x10100] =	vst v63  }
0x4c9: {  	s23 =	simm.s32 $0x3900  }
0x4ca: {  	[tilespmem:s23], [sflag:$0x1] =	stream.indirect_vreg.gather [hbm4b:s11+s3], $0x80, v4, vm0, $0xb8;
	[tilespmem:$0x10100] =	vst v63  }
0x4cb: {  	s25 =	simm.s32 $0x4100  }
0x4cc: {  	[tilespmem:s25], [sflag:$0x1] =	stream.indirect_vreg.gather [hbm4b:s4+s3], $0x80, v3, vm0, $0xb8;
	[tilespmem:$0x10100] =	vst v63  }
0x4cd: {  	s2 =	simm.s32 $0x4900  }
0x4ce: {  	[tilespmem:s2], [sflag:$0x1] =	stream.indirect_vreg.gather [hbm4b:s5+s3], $0x80, v3, vm0, $0xb8;
	[tilespmem:$0x10100] =	vst v63  }
0x4cf: {  	s26 =	simm.s32 $0x5100  }
0x4d0: {  	[tilespmem:s26], [sflag:$0x1] =	stream.indirect_vreg.gather [hbm4b:s6+s3], $0x80, v3, vm0, $0xb8;
	[tilespmem:$0x10100] =	vst v63  }
0x4d1: {  	s23 =	simm.s32 $0x5900  }
0x4d2: {  	[tilespmem:s23], [sflag:$0x1] =	stream.indirect_vreg.gather [hbm4b:s7+s3], $0x80, v3, vm0, $0xb8;
	[tilespmem:$0x10100] =	vst v63  }
0x4d3: {  	_ = 	snop  }
0x4d4: {  	[tilespmem:s28], [sflag:$0x1] =	stream.indirect_vreg.gather [hbm4b:s8+s3], $0x80, v3, vm0, $0xb8;
	[tilespmem:$0x10100] =	vst v63  }
0x4d5: {  	s23 =	simm.s32 $0x6900  }
0x4d6: {  	[tilespmem:s23], [sflag:$0x1] =	stream.indirect_vreg.gather [hbm4b:s9+s3], $0x80, v3, vm0, $0xb8;
	[tilespmem:$0x10100] =	vst v63  }
0x4d7: {  	s25 =	simm.s32 $0x7100  }
0x4d8: {  	[tilespmem:s25], [sflag:$0x1] =	stream.indirect_vreg.gather [hbm4b:s10+s3], $0x80, v3, vm0, $0xb8;
	[tilespmem:$0x10100] =	vst v63  }
0x4d9: {  	s26 =	simm.s32 $0x7900  }
0x4da: {  	[tilespmem:s26], [sflag:$0x1] =	stream.indirect_vreg.gather [hbm4b:s11+s3], $0x80, v3, vm0, $0xb8;
	[tilespmem:$0x10100] =	vst v63  }
0x4db: {  	v3 =	vld [tilespmem:$0x10];
	_ =	sdelay $0x4  }
0x4dc: {  	v61 =	vshll.u32 v3, $0x4  }
0x4dd: {  	v3 =	vand.u32 $0x7, v3;
	v4 =	vand.u32 $0xFFFFFF80, v61  }
0x4de: {  	v3 =	vor.u32 v3, v4  }
0x4df: {  	v4 =	vperm.xlane v3, v0;
	_ =	sdelay $0x1  }
0x4e0: {  	v4 =	vadd.s32 v1, v4;
	_ =	sdelay $0x3  }
0x4e1: {  	s28 =	simm.s32 $0x8100  }
0x4e2: {  	[tilespmem:s28], [sflag:$0x1] =	stream.indirect_vreg.gather [hbm4b:s4+s3], $0x80, v4, vm0, $0xb8;
	[tilespmem:$0x10100] =	vst v63  }
0x4e3: {  	s25 =	simm.s32 $0x8900  }
0x4e4: {  	[tilespmem:s25], [sflag:$0x1] =	stream.indirect_vreg.gather [hbm4b:s5+s3], $0x80, v4, vm0, $0xb8;
	[tilespmem:$0x10100] =	vst v63  }
0x4e5: {  	s26 =	simm.s32 $0x9100  }
0x4e6: {  	[tilespmem:s26], [sflag:$0x1] =	stream.indirect_vreg.gather [hbm4b:s6+s3], $0x80, v4, vm0, $0xb8;
	[tilespmem:$0x10100] =	vst v63  }
0x4e7: {  	s21 =	simm.s32 $0x9900  }
0x4e8: {  	[tilespmem:s21], [sflag:$0x1] =	stream.indirect_vreg.gather [hbm4b:s7+s3], $0x80, v4, vm0, $0xb8;
	[tilespmem:$0x10100] =	vst v63  }
0x4e9: {  	s19 =	simm.s32 $0xA100  }
0x4ea: {  	[tilespmem:s19], [sflag:$0x1] =	stream.indirect_vreg.gather [hbm4b:s8+s3], $0x80, v4, vm0, $0xb8;
	[tilespmem:$0x10100] =	vst v63  }
0x4eb: {  	v3 =	vperm.xlane v3, v2;
	s25 =	simm.s32 $0xA900  }
0x4ec: {  	[tilespmem:s25], [sflag:$0x1] =	stream.indirect_vreg.gather [hbm4b:s9+s3], $0x80, v4, vm0, $0xb8;
	[tilespmem:$0x10100] =	vst v63  }
0x4ed: {  	v3 =	vadd.s32 v1, v3;
	s28 =	simm.s32 $0xB100  }
0x4ee: {  	[tilespmem:s28], [sflag:$0x1] =	stream.indirect_vreg.gather [hbm4b:s10+s3], $0x80, v4, vm0, $0xb8;
	[tilespmem:$0x10100] =	vst v63  }
0x4ef: {  	s28 =	simm.s32 $0xB900  }
0x4f0: {  	[tilespmem:s28], [sflag:$0x1] =	stream.indirect_vreg.gather [hbm4b:s11+s3], $0x80, v4, vm0, $0xb8;
	[tilespmem:$0x10100] =	vst v63  }
0x4f1: {  	s22 =	simm.s32 $0xC100  }
0x4f2: {  	[tilespmem:s22], [sflag:$0x1] =	stream.indirect_vreg.gather [hbm4b:s4+s3], $0x80, v3, vm0, $0xb8;
	[tilespmem:$0x10100] =	vst v63  }
0x4f3: {  	s22 =	simm.s32 $0xC900  }
0x4f4: {  	[tilespmem:s22], [sflag:$0x1] =	stream.indirect_vreg.gather [hbm4b:s5+s3], $0x80, v3, vm0, $0xb8;
	[tilespmem:$0x10100] =	vst v63  }
0x4f5: {  	s26 =	simm.s32 $0xD100  }
0x4f6: {  	[tilespmem:s26], [sflag:$0x1] =	stream.indirect_vreg.gather [hbm4b:s6+s3], $0x80, v3, vm0, $0xb8;
	[tilespmem:$0x10100] =	vst v63  }
0x4f7: {  	s22 =	simm.s32 $0xD900  }
0x4f8: {  	[tilespmem:s22], [sflag:$0x1] =	stream.indirect_vreg.gather [hbm4b:s7+s3], $0x80, v3, vm0, $0xb8;
	[tilespmem:$0x10100] =	vst v63  }
0x4f9: {  	s26 =	simm.s32 $0xE100  }
0x4fa: {  	[tilespmem:s26], [sflag:$0x1] =	stream.indirect_vreg.gather [hbm4b:s8+s3], $0x80, v3, vm0, $0xb8;
	[tilespmem:$0x10100] =	vst v63  }
0x4fb: {  	s22 =	simm.s32 $0xE900  }
0x4fc: {  	[tilespmem:s22], [sflag:$0x1] =	stream.indirect_vreg.gather [hbm4b:s9+s3], $0x80, v3, vm0, $0xb8;
	[tilespmem:$0x10100] =	vst v63  }
0x4fd: {  	s21 =	simm.s32 $0xF100  }
0x4fe: {  	[tilespmem:s21], [sflag:$0x1] =	stream.indirect_vreg.gather [hbm4b:s10+s3], $0x80, v3, vm0, $0xb8;
	[tilespmem:$0x10100] =	vst v63  }
0x4ff: {  	s26 =	simm.s32 $0xF900  }
0x500: {  	[tilespmem:s26], [sflag:$0x1] =	stream.indirect_vreg.gather [hbm4b:s11+s3], $0x80, v3, vm0, $0xb8;
	[tilespmem:$0x10100] =	vst v63  }
0x501: {  	_ =	swait.ge [sflag:s29], $0x10000  }
0x502: {  	[sflag:s29] =	ssyncset.done $0x0  }
0x503: {  	[sflag:s29] =	ssyncadd.s32 $0xFFFF0000  }
0x504: {  	v3 =	vld [tilespmem:$0x80];
	_ =	sdelay $0x4  }
0x505: {  	v62 =	vshll.u32 v3, $0x4  }
0x506: {  	v3 =	vand.u32 $0x7, v3;
	v4 =	vand.u32 $0xFFFFFF80, v62  }
0x507: {  	v3 =	vor.u32 v3, v4  }
0x508: {  	v4 =	vperm.xlane v3, v0;
	_ =	sdelay $0x1  }
0x509: {  	v4 =	vadd.s32 v1, v4;
	_ =	sdelay $0x3  }
0x50a: {  	s21 =	simm.s32 $0x100  }
0x50b: {  	[hbm4b:s1+s3] =	stream.indirect_vreg.scatter [tilespmem:s21], [sflag:$0x1], $0x80, v4, vm0, $0xb8;
	[tilespmem:$0x10100] =	vst v63  }
0x50c: {  	s21 =	simm.s32 $0x900  }
0x50d: {  	[hbm4b:s12+s3] =	stream.indirect_vreg.scatter [tilespmem:s21], [sflag:$0x1], $0x80, v4, vm0, $0xb8;
	[tilespmem:$0x10100] =	vst v63  }
0x50e: {  	s21 =	simm.s32 $0x1100  }
0x50f: {  	[hbm4b:s13+s3] =	stream.indirect_vreg.scatter [tilespmem:s21], [sflag:$0x1], $0x80, v4, vm0, $0xb8;
	[tilespmem:$0x10100] =	vst v63  }
0x510: {  	_ = 	snop  }
0x511: {  	[hbm4b:s14+s3] =	stream.indirect_vreg.scatter [tilespmem:s24], [sflag:$0x1], $0x80, v4, vm0, $0xb8;
	[tilespmem:$0x10100] =	vst v63  }
0x512: {  	_ = 	snop  }
0x513: {  	[hbm4b:s15+s3] =	stream.indirect_vreg.scatter [tilespmem:s30], [sflag:$0x1], $0x80, v4, vm0, $0xb8;
	[tilespmem:$0x10100] =	vst v63  }
0x514: {  	v3 =	vperm.xlane v3, v2  }
0x515: {  	[hbm4b:s16+s3] =	stream.indirect_vreg.scatter [tilespmem:s31], [sflag:$0x1], $0x80, v4, vm0, $0xb8;
	[tilespmem:$0x10100] =	vst v63  }
0x516: {  	v3 =	vadd.s32 v1, v3;
	s21 =	simm.s32 $0x3100  }
0x517: {  	[hbm4b:s17+s3] =	stream.indirect_vreg.scatter [tilespmem:s21], [sflag:$0x1], $0x80, v4, vm0, $0xb8;
	[tilespmem:$0x10100] =	vst v63  }
0x518: {  	s30 =	simm.s32 $0x3900  }
0x519: {  	[hbm4b:s18+s3] =	stream.indirect_vreg.scatter [tilespmem:s30], [sflag:$0x1], $0x80, v4, vm0, $0xb8;
	[tilespmem:$0x10100] =	vst v63  }
0x51a: {  	s31 =	simm.s32 $0x4100  }
0x51b: {  	[hbm4b:s1+s3] =	stream.indirect_vreg.scatter [tilespmem:s31], [sflag:$0x1], $0x80, v3, vm0, $0xb8;
	[tilespmem:$0x10100] =	vst v63  }
0x51c: {  	_ = 	snop  }
0x51d: {  	[hbm4b:s12+s3] =	stream.indirect_vreg.scatter [tilespmem:s2], [sflag:$0x1], $0x80, v3, vm0, $0xb8;
	[tilespmem:$0x10100] =	vst v63  }
0x51e: {  	s21 =	simm.s32 $0x5100  }
0x51f: {  	[hbm4b:s13+s3] =	stream.indirect_vreg.scatter [tilespmem:s21], [sflag:$0x1], $0x80, v3, vm0, $0xb8;
	[tilespmem:$0x10100] =	vst v63  }
0x520: {  	s24 =	simm.s32 $0x5900  }
0x521: {  	[hbm4b:s14+s3] =	stream.indirect_vreg.scatter [tilespmem:s24], [sflag:$0x1], $0x80, v3, vm0, $0xb8;
	[tilespmem:$0x10100] =	vst v63  }
0x522: {  	s30 =	simm.s32 $0x6100  }
0x523: {  	[hbm4b:s15+s3] =	stream.indirect_vreg.scatter [tilespmem:s30], [sflag:$0x1], $0x80, v3, vm0, $0xb8;
	[tilespmem:$0x10100] =	vst v63  }
0x524: {  	_ = 	snop  }
0x525: {  	[hbm4b:s16+s3] =	stream.indirect_vreg.scatter [tilespmem:s23], [sflag:$0x1], $0x80, v3, vm0, $0xb8;
	[tilespmem:$0x10100] =	vst v63  }
0x526: {  	s31 =	simm.s32 $0x7100  }
0x527: {  	[hbm4b:s17+s3] =	stream.indirect_vreg.scatter [tilespmem:s31], [sflag:$0x1], $0x80, v3, vm0, $0xb8;
	[tilespmem:$0x10100] =	vst v63  }
0x528: {  	s21 =	simm.s32 $0x7900  }
0x529: {  	[hbm4b:s18+s3] =	stream.indirect_vreg.scatter [tilespmem:s21], [sflag:$0x1], $0x80, v3, vm0, $0xb8;
	[tilespmem:$0x10100] =	vst v63  }
0x52a: {  	v3 =	vld [tilespmem:$0x90];
	_ =	sdelay $0x4  }
0x52b: {  	v63 =	vshll.u32 v3, $0x4  }
0x52c: {  	v3 =	vand.u32 $0x7, v3;
	v4 =	vand.u32 $0xFFFFFF80, v63  }
0x52d: {  	v3 =	vor.u32 v3, v4  }
0x52e: {  	v4 =	vperm.xlane v3, v0;
	_ =	sdelay $0x1  }
0x52f: {  	v4 =	vadd.s32 v1, v4;
	_ =	sdelay $0x3  }
0x530: {  	s23 =	simm.s32 $0x8100  }
0x531: {  	[hbm4b:s1+s3] =	stream.indirect_vreg.scatter [tilespmem:s23], [sflag:$0x1], $0x80, v4, vm0, $0xb8;
	[tilespmem:$0x10100] =	vst v63  }
0x532: {  	s24 =	simm.s32 $0x8900  }
0x533: {  	[hbm4b:s12+s3] =	stream.indirect_vreg.scatter [tilespmem:s24], [sflag:$0x1], $0x80, v4, vm0, $0xb8;
	[tilespmem:$0x10100] =	vst v63  }
0x534: {  	s30 =	simm.s32 $0x9100  }
0x535: {  	[hbm4b:s13+s3] =	stream.indirect_vreg.scatter [tilespmem:s30], [sflag:$0x1], $0x80, v4, vm0, $0xb8;
	[tilespmem:$0x10100] =	vst v63  }
0x536: {  	s31 =	simm.s32 $0x9900  }
0x537: {  	[hbm4b:s14+s3] =	stream.indirect_vreg.scatter [tilespmem:s31], [sflag:$0x1], $0x80, v4, vm0, $0xb8;
	[tilespmem:$0x10100] =	vst v63  }
0x538: {  	_ = 	snop  }
0x539: {  	[hbm4b:s15+s3] =	stream.indirect_vreg.scatter [tilespmem:s19], [sflag:$0x1], $0x80, v4, vm0, $0xb8;
	[tilespmem:$0x10100] =	vst v63  }
0x53a: {  	v3 =	vperm.xlane v3, v2  }
0x53b: {  	[hbm4b:s16+s3] =	stream.indirect_vreg.scatter [tilespmem:s25], [sflag:$0x1], $0x80, v4, vm0, $0xb8;
	[tilespmem:$0x10100] =	vst v63  }
0x53c: {  	s21 =	simm.s32 $0xB100;
	v3 =	vadd.s32 v1, v3  }
0x53d: {  	[hbm4b:s17+s3] =	stream.indirect_vreg.scatter [tilespmem:s21], [sflag:$0x1], $0x80, v4, vm0, $0xb8;
	[tilespmem:$0x10100] =	vst v63  }
0x53e: {  	_ = 	snop  }
0x53f: {  	[hbm4b:s18+s3] =	stream.indirect_vreg.scatter [tilespmem:s28], [sflag:$0x1], $0x80, v4, vm0, $0xb8;
	[tilespmem:$0x10100] =	vst v63  }
0x540: {  	s23 =	simm.s32 $0xC100  }
0x541: {  	[hbm4b:s1+s3] =	stream.indirect_vreg.scatter [tilespmem:s23], [sflag:$0x1], $0x80, v3, vm0, $0xb8;
	[tilespmem:$0x10100] =	vst v63  }
0x542: {  	s24 =	simm.s32 $0xC900  }
0x543: {  	[hbm4b:s12+s3] =	stream.indirect_vreg.scatter [tilespmem:s24], [sflag:$0x1], $0x80, v3, vm0, $0xb8;
	[tilespmem:$0x10100] =	vst v63  }
0x544: {  	s25 =	simm.s32 $0xD100  }
0x545: {  	[hbm4b:s13+s3] =	stream.indirect_vreg.scatter [tilespmem:s25], [sflag:$0x1], $0x80, v3, vm0, $0xb8;
	[tilespmem:$0x10100] =	vst v63  }
0x546: {  	s28 =	simm.s32 $0xD900  }
0x547: {  	[hbm4b:s14+s3] =	stream.indirect_vreg.scatter [tilespmem:s28], [sflag:$0x1], $0x80, v3, vm0, $0xb8;
	[tilespmem:$0x10100] =	vst v63  }
0x548: {  	s30 =	simm.s32 $0xE100  }
0x549: {  	[hbm4b:s15+s3] =	stream.indirect_vreg.scatter [tilespmem:s30], [sflag:$0x1], $0x80, v3, vm0, $0xb8;
	[tilespmem:$0x10100] =	vst v63  }
0x54a: {  	_ = 	snop  }
0x54b: {  	[hbm4b:s16+s3] =	stream.indirect_vreg.scatter [tilespmem:s22], [sflag:$0x1], $0x80, v3, vm0, $0xb8;
	[tilespmem:$0x10100] =	vst v63  }
0x54c: {  	p0 =	sne.s32 s0, $0x1;
	s31 =	simm.s32 $0xF100  }
0x54d: {  	[hbm4b:s17+s3] =	stream.indirect_vreg.scatter [tilespmem:s31], [sflag:$0x1], $0x80, v3, vm0, $0xb8;
	[tilespmem:$0x10100] =	vst v63  }
.Ltmp0:
0x54e: {  	_ = 	snop;
	(pc) =	sbr.rel @p0 .LBB2_1-.Ltmp0, $4  }
0x54f: {  	[hbm4b:s18+s3] =	stream.indirect_vreg.scatter [tilespmem:s26], [sflag:$0x1], $0x80, v3, vm0, $0xb8;
	[tilespmem:$0x10100] =	vst v63  }
0x550: {  	_ =	swait.ge [sflag:s29], $0x10000  }
0x551: {  	[sflag:s29] =	ssyncset.done $0x0  }
0x552: {  	s0 =	sadd.s32 $0xFFFFFFFF, s0;
	[sflag:s29] =	ssyncadd.s32 $0xFFFF0000  }
0x553: {  	_ =	sfence.sel $0x180000  }
0x554: {  	[bflag:$0x0] =	sbarrier.arrive $0xFFFF  }
0x555: {  	_ =	strace $0x9000004D  }
0x556: {  	s0 =	stileid.u32;
	[bflag:$0x2] =	sbarrier.arrive $0xFFFF  }
0x557: {  	p0 =	sne.s32 s0, $0x0;
	s0 =	rddreg [dreg:$0x3]  }
0x558: {  	s0 =	sadd.s32 @!p0 $0x100000, s0  }
0x559: {  	[sflag:s0] =	ssyncadd.tile.s32 @!p0 $0x1;
	_ =	shalt  }
.Lfunc_end2:
_tile_overlayer_lowered:
.L_overlay_start_2:
0x55a: {  	(tag) =	ssettag $0x2  }
0x55b: {  	s0 =	rddreg [dreg:$0x0];
	s2 =	stileid.u32  }
0x55c: {  	s1 =	rddreg [dreg:$0x1];
	p0 =	sne.s32 s2, $0x0  }
0x55d: {  	s3 =	rddreg [dreg:$0x2];
	[bflag:$0x3] =	sbarrier.arrive $0xFFFF;
	s2 =	simm.s32 @!p0 $0x1C02  }
0x55e: {  	[timem:s3], [sflag:s2] =	dma.local @!p0 [hbm:s0], s1  }
0x55f: {  	s0 =	simm.s32 @!p0 $0x2  }
0x560: {  	_ =	swait.ge @!p0 [sflag:s0], s1  }
0x561: {  	s1 =	ssub.s32 @!p0 $0x0, s1;
	[sflag:s0] =	ssyncset.done @!p0 $0x0  }
0x562: {  	[sflag:s0] =	ssyncadd.s32 @!p0 s1  }
0x563: {  	[bflag:$0x3] =	sbarrier.arrive $0xFFFF  }
0x564: {  	_ =	shalt  }

</sc_bundles>
